<compile_context>
chip_gen: v7x
topology: tpu7x:2x2x1
jax: 0.10.2.dev20260603
libtpu: 0.0.44.dev20260713+nightly
codegen_flags: <defaults>
</compile_context>

<pallas_src>
import jax
import jax.numpy as jnp
from jax import lax
from jax.experimental import pallas as pl
from jax.experimental.pallas import tpu as pltpu
from jax.experimental.pallas import tpu_sc as plsc

D = 1024
B = 4
T = 8192
NC = 2
NS = 16
NW = NC * NS
TPW = T // NW
P = 8
NCH = TPW // P
NBUF = 3
RPB = B * P


def _body(x_hbm, tok_hbm, pos_hbm, out_hbm, idx_v, tok_buf, pos_buf, *sems):
    sem_g = sems[0:3]
    sem_p = sems[3:6]
    sem_w = sems[6:9]
    wid = lax.axis_index("s") * NC + lax.axis_index("c")
    t0 = wid * TPW
    pltpu.sync_copy(x_hbm.at[wid], idx_v)

    def issue_round(r, p):
        pltpu.async_copy(tok_hbm.at[idx_v.at[r]], tok_buf.at[p], sem_g[p])
        pltpu.async_copy(pos_hbm.at[pl.ds(t0 + r * P, P)], pos_buf.at[p], sem_p[p])

    def wait_round(r, p):
        pltpu.make_async_copy(tok_hbm.at[idx_v.at[r]], tok_buf.at[p], sem_g[p]).wait()
        pltpu.make_async_copy(pos_hbm.at[pl.ds(t0 + r * P, P)], pos_buf.at[p], sem_p[p]).wait()

    def issue_writes(r, p):
        for b in range(B):
            pltpu.async_copy(tok_buf.at[p, pl.ds(b * P, P)],
                             out_hbm.at[pl.ds(b * T + t0 + r * P, P)], sem_w[p])

    def drain_writes(r, p):
        for b in range(B):
            pltpu.make_async_copy(tok_buf.at[p, pl.ds(b * P, P)],
                                  out_hbm.at[pl.ds(b * T + t0 + r * P, P)], sem_w[p]).wait()

    def do_round(r, p, pn):
        @pl.when(r >= 2)
        def _():
            drain_writes(r - 2, pn)

        @pl.when(r + 1 < NCH)
        def _():
            issue_round(r + 1, pn)

        wait_round(r, p)

        @plsc.parallel_loop(0, D // 16)
        def add_i(i):
            sl = pl.ds(i * 16, 16)
            for j in range(P):
                pv = pos_buf[p, j, sl]
                for b in range(B):
                    row = b * P + j
                    tok_buf[p, row, sl] = tok_buf[p, row, sl] + pv
        issue_writes(r, p)

    issue_round(0, 0)

    def outer(o, carry):
        for u in range(NBUF):
            r = NBUF * o + u
            do_round(r, u, (u + 1) % NBUF)
        return carry

    lax.fori_loop(0, (NCH - 2) // NBUF, outer, 0)
    do_round(NCH - 2, (NCH - 2) % NBUF, (NCH - 1) % NBUF)
    do_round(NCH - 1, (NCH - 1) % NBUF, NCH % NBUF)
    for r in range(NCH - 2, NCH):
        drain_writes(r, r % NBUF)


def kernel(x, token_table, pos_table):
    xf = (x.astype(jnp.int32)
          .reshape(B, NW, NCH, P)
          .transpose(1, 2, 0, 3)
          .reshape(NW, NCH, RPB))
    mesh = plsc.VectorSubcoreMesh(core_axis_name="c", subcore_axis_name="s")
    k = pl.kernel(
        _body,
        out_type=jax.ShapeDtypeStruct((B * T, D), jnp.float32),
        mesh=mesh,
        scratch_types=[
            pltpu.VMEM((NCH, RPB), jnp.int32),
            pltpu.VMEM((NBUF, RPB, D), jnp.float32),
            pltpu.VMEM((NBUF, P, D), jnp.float32),
        ] + [pltpu.SemaphoreType.DMA] * 9,
    )
    out = k(xf, token_table, pos_table)
    return out.reshape(B, T, D)

# --- scband reference (transcript-rebuilt; emitter-appended) ---
"""Pipeline reference for scband-token-positional-embedding-16724602650749 (READ-ONLY COPY).

The authoritative reference and input builder live on the scoring server;
editing this copy changes nothing except your own understanding.
"""

import jax, jax.numpy as jnp
import numpy as np

VOCAB = 100000
D_MODEL = 1024
MAX_LEN = 8192
B = 4
T = 8192


def setup_inputs(seed: int = 0) -> dict:
    key = jax.random.key(seed)
    k1, k2, k3 = jax.random.split(key, 3)
    x = jax.random.randint(k1, (B, T), 0, VOCAB, dtype=jnp.int64 if jax.config.jax_enable_x64 else jnp.int32)
    token_table = jax.random.normal(k2, (VOCAB, D_MODEL), dtype=jnp.float32) * 0.02
    pos_table = jax.random.normal(k3, (MAX_LEN, D_MODEL), dtype=jnp.float32) * 0.02
    return {"x": x, "token_table": token_table, "pos_table": pos_table}


def reference(x, token_table, pos_table):
    # token embedding lookup
    tok = jnp.take(token_table, x, axis=0)            # [B, T, D]
    # learned positional encoding: pos = arange(T) expanded over batch
    Tcur = x.shape[1]
    pos_ids = jnp.arange(Tcur)
    pos = jnp.take(pos_table, pos_ids, axis=0)        # [T, D]
    return tok + pos[None, :, :]

if __name__ == "__main__":
    import jax
    _d = setup_inputs()
    print(jax.jit(kernel)(*tuple(_d.values())))

</pallas_src>

<mosaic_0001>
#map = affine_map<(d0, d1) -> (0, 0, 0)>
#map1 = affine_map<(d0, d1) -> (0, 0)>
module attributes {stable_mosaic.version = 14 : i64} {
  func.func @_body(%arg0: i32, %arg1: i32, %arg2: memref<32x32x32xi32, #tpu.memory_space<hbm>>, %arg3: memref<100000x1024xf32, #tpu.memory_space<hbm>>, %arg4: memref<8192x1024xf32, #tpu.memory_space<hbm>>, %arg5: memref<32768x1024xf32, #tpu.memory_space<hbm>>, %arg6: memref<32x32xi32, #tpu.memory_space<vmem>>, %arg7: memref<3x32x1024xf32, #tpu.memory_space<vmem>>, %arg8: memref<3x8x1024xf32, #tpu.memory_space<vmem>>, %arg9: memref<!tpu.dma_semaphore, #tpu.memory_space<semaphore_mem>>, %arg10: memref<!tpu.dma_semaphore, #tpu.memory_space<semaphore_mem>>, %arg11: memref<!tpu.dma_semaphore, #tpu.memory_space<semaphore_mem>>, %arg12: memref<!tpu.dma_semaphore, #tpu.memory_space<semaphore_mem>>, %arg13: memref<!tpu.dma_semaphore, #tpu.memory_space<semaphore_mem>>, %arg14: memref<!tpu.dma_semaphore, #tpu.memory_space<semaphore_mem>>, %arg15: memref<!tpu.dma_semaphore, #tpu.memory_space<semaphore_mem>>, %arg16: memref<!tpu.dma_semaphore, #tpu.memory_space<semaphore_mem>>, %arg17: memref<!tpu.dma_semaphore, #tpu.memory_space<semaphore_mem>>) attributes {dimension_semantics = [#tpu.dimension_semantics<core_parallel>, #tpu.dimension_semantics<subcore_parallel>], iteration_bounds = array<i64: 2, 16>, scalar_prefetch = 0 : i64, scratch_operands = 12 : i64, tpu.core_type = #tpu.core_type<sc_vector_subcore>, window_params = [{transform_indices = #map}, {transform_indices = #map1}, {transform_indices = #map1}, {transform_indices = #map1}]} {
    %mul3A = arith.constant 2 : i32
    %mul3A_0 = arith.muli %arg1, %mul3A : i32
    %add3A = arith.addi %mul3A_0, %arg0 : i32
    %mul3A_1 = arith.constant 256 : i32
    %mul3A_2 = arith.muli %add3A, %mul3A_1 : i32
    "tpu.region"() ({
      %run_scoped3A = tpu.sem_alloc : memref<!tpu.dma_semaphore, #tpu.memory_space<semaphore_mem>>
      %dma_start3A_527 = arith.constant 0 : i32
      %dma_start3A_528 = arith.constant 0 : i32
      %dma_start3A_529 = tpu.memref_slice %arg2[%add3A, %dma_start3A_527, %dma_start3A_528] : memref<32x32x32xi32, #tpu.memory_space<hbm>> -> memref<1x32x32xi32, #tpu.memory_space<hbm>>
      %dma_start3A_530 = tpu.memref_squeeze %dma_start3A_529 : memref<1x32x32xi32, #tpu.memory_space<hbm>> -> memref<32x32xi32, #tpu.memory_space<hbm>>
      %dma_start3A_531 = arith.constant 0 : i32
      %dma_start3A_532 = arith.constant 0 : i32
      %dma_start3A_533 = tpu.memref_slice %arg2[%add3A, %dma_start3A_531, %dma_start3A_532] : memref<32x32x32xi32, #tpu.memory_space<hbm>> -> memref<1x32x32xi32, #tpu.memory_space<hbm>>
      %dma_start3A_534 = tpu.memref_squeeze %dma_start3A_533 : memref<1x32x32xi32, #tpu.memory_space<hbm>> -> memref<32x32xi32, #tpu.memory_space<hbm>>
      tpu.enqueue_dma source(%dma_start3A_534 : memref<32x32xi32, #tpu.memory_space<hbm>>) target(%arg6 : memref<32x32xi32, #tpu.memory_space<vmem>>) target_semaphore(%run_scoped3A : memref<!tpu.dma_semaphore, #tpu.memory_space<semaphore_mem>>)
      %dma_wait3A_535 = arith.constant 0 : i32
      %dma_wait3A_536 = arith.constant 0 : i32
      %dma_wait3A_537 = tpu.memref_slice %arg2[%add3A, %dma_wait3A_535, %dma_wait3A_536] : memref<32x32x32xi32, #tpu.memory_space<hbm>> -> memref<1x32x32xi32, #tpu.memory_space<hbm>>
      %dma_wait3A_538 = tpu.memref_squeeze %dma_wait3A_537 : memref<1x32x32xi32, #tpu.memory_space<hbm>> -> memref<32x32xi32, #tpu.memory_space<hbm>>
      %dma_wait3A_539 = arith.constant 0 : i32
      %dma_wait3A_540 = arith.constant 0 : i32
      %dma_wait3A_541 = tpu.memref_slice %arg2[%add3A, %dma_wait3A_539, %dma_wait3A_540] : memref<32x32x32xi32, #tpu.memory_space<hbm>> -> memref<1x32x32xi32, #tpu.memory_space<hbm>>
      %dma_wait3A_542 = tpu.memref_squeeze %dma_wait3A_541 : memref<1x32x32xi32, #tpu.memory_space<hbm>> -> memref<32x32xi32, #tpu.memory_space<hbm>>
      tpu.wait_dma2 semaphore(%run_scoped3A : memref<!tpu.dma_semaphore, #tpu.memory_space<semaphore_mem>>) src(%dma_wait3A_542 : memref<32x32xi32, #tpu.memory_space<hbm>>) dst(%arg6 : memref<32x32xi32, #tpu.memory_space<vmem>>)
      tpu.yield
    }) : () -> ()
    %dma_start3A = arith.constant 0 : i32
    %dma_start3A_3 = arith.constant 0 : i32
    %dma_start3A_4 = arith.constant 0 : i32
    %dma_start3A_5 = arith.constant 0 : i32
    %dma_start3A_6 = tpu.memref_slice %arg7[%dma_start3A_3, %dma_start3A_4, %dma_start3A_5] : memref<3x32x1024xf32, #tpu.memory_space<vmem>> -> memref<1x32x1024xf32, #tpu.memory_space<vmem>>
    %dma_start3A_7 = tpu.memref_squeeze %dma_start3A_6 : memref<1x32x1024xf32, #tpu.memory_space<vmem>> -> memref<32x1024xf32, #tpu.memory_space<vmem>>
    %dma_start3A_8 = arith.constant 0 : i32
    %dma_start3A_9 = tpu.memref_slice %arg6[%dma_start3A, %dma_start3A_8] : memref<32x32xi32, #tpu.memory_space<vmem>> -> memref<1x32xi32, #tpu.memory_space<vmem>>
    %dma_start3A_10 = tpu.memref_squeeze %dma_start3A_9 : memref<1x32xi32, #tpu.memory_space<vmem>> -> memref<32xi32, #tpu.memory_space<vmem>>
    %dma_start3A_11 = arith.constant 0 : i32
    %dma_start3A_12 = arith.constant 0 : i32
    %dma_start3A_13 = tpu.memref_slice %arg3[%dma_start3A_11, %dma_start3A_12] : memref<100000x1024xf32, #tpu.memory_space<hbm>> -> memref<100000x1024xf32, #tpu.memory_space<hbm>>
    tpu.enqueue_indirect_dma source(%dma_start3A_13 : memref<100000x1024xf32, #tpu.memory_space<hbm>>) target(%dma_start3A_7 : memref<32x1024xf32, #tpu.memory_space<vmem>>) offsets(%dma_start3A_10 : memref<32xi32, #tpu.memory_space<vmem>>) semaphore(%arg9 : memref<!tpu.dma_semaphore, #tpu.memory_space<semaphore_mem>>)
    %add3A_14 = arith.constant 0 : i32
    %add3A_15 = arith.addi %mul3A_2, %add3A_14 : i32
    %dma_start3A_16 = arith.constant 0 : i32
    %dma_start3A_17 = arith.constant 0 : i32
    %dma_start3A_18 = arith.constant 0 : i32
    %dma_start3A_19 = tpu.memref_slice %arg8[%dma_start3A_16, %dma_start3A_17, %dma_start3A_18] : memref<3x8x1024xf32, #tpu.memory_space<vmem>> -> memref<1x8x1024xf32, #tpu.memory_space<vmem>>
    %dma_start3A_20 = tpu.memref_squeeze %dma_start3A_19 : memref<1x8x1024xf32, #tpu.memory_space<vmem>> -> memref<8x1024xf32, #tpu.memory_space<vmem>>
    %dma_start3A_21 = arith.constant 0 : i32
    %dma_start3A_22 = tpu.memref_slice %arg4[%add3A_15, %dma_start3A_21] : memref<8192x1024xf32, #tpu.memory_space<hbm>> -> memref<8x1024xf32, #tpu.memory_space<hbm>>
    %dma_start3A_23 = arith.constant 0 : i32
    %dma_start3A_24 = arith.constant 0 : i32
    %dma_start3A_25 = tpu.memref_slice %arg8[%dma_start3A_16, %dma_start3A_23, %dma_start3A_24] : memref<3x8x1024xf32, #tpu.memory_space<vmem>> -> memref<1x8x1024xf32, #tpu.memory_space<vmem>>
    %dma_start3A_26 = tpu.memref_squeeze %dma_start3A_25 : memref<1x8x1024xf32, #tpu.memory_space<vmem>> -> memref<8x1024xf32, #tpu.memory_space<vmem>>
    %dma_start3A_27 = arith.constant 0 : i32
    %dma_start3A_28 = tpu.memref_slice %arg4[%add3A_15, %dma_start3A_27] : memref<8192x1024xf32, #tpu.memory_space<hbm>> -> memref<8x1024xf32, #tpu.memory_space<hbm>>
    tpu.enqueue_dma source(%dma_start3A_28 : memref<8x1024xf32, #tpu.memory_space<hbm>>) target(%dma_start3A_26 : memref<8x1024xf32, #tpu.memory_space<vmem>>) target_semaphore(%arg12 : memref<!tpu.dma_semaphore, #tpu.memory_space<semaphore_mem>>)
    %scan3A = arith.constant 0 : i32
    %scan3A_29 = arith.constant 0 : i32
    %scan3A_30 = arith.constant 10 : i32
    %scan3A_31 = arith.addi %scan3A_29, %scan3A_30 : i32
    %scan3A_32 = arith.constant 1 : i32
    scf.for %scan3A_527 = %scan3A_29 to %scan3A_31 step %scan3A_32  : i32 {
      %mul3A_528 = arith.constant 3 : i32
      %mul3A_529 = arith.muli %mul3A_528, %scan3A_527 : i32
      %add3A_530 = arith.constant 0 : i32
      %add3A_531 = arith.addi %mul3A_529, %add3A_530 : i32
      %ge3A = arith.constant 2 : i32
      %ge3A_532 = arith.cmpi sge, %add3A_531, %ge3A : i32
      %convert_element_type3A = arith.extui %ge3A_532 : i1 to i32
      %cond3A = arith.constant 0 : i32
      %cond3A_533 = arith.cmpi ne, %convert_element_type3A, %cond3A : i32
      scf.if %cond3A_533 {
        %sub3A = arith.constant 2 : i32
        %sub3A_878 = arith.subi %add3A_531, %sub3A : i32
        %add3A_879 = arith.constant 0 : i32
        %add3A_880 = arith.addi %add3A_879, %mul3A_2 : i32
        %mul3A_881 = arith.constant 8 : i32
        %mul3A_882 = arith.muli %sub3A_878, %mul3A_881 : i32
        %add3A_883 = arith.addi %add3A_880, %mul3A_882 : i32
        %dma_wait3A_884 = arith.constant 1 : i32
        %dma_wait3A_885 = arith.constant 0 : i32
        %dma_wait3A_886 = arith.constant 0 : i32
        %dma_wait3A_887 = tpu.memref_slice %arg7[%dma_wait3A_884, %dma_wait3A_885, %dma_wait3A_886] : memref<3x32x1024xf32, #tpu.memory_space<vmem>> -> memref<1x8x1024xf32, #tpu.memory_space<vmem>>
        %dma_wait3A_888 = tpu.memref_squeeze %dma_wait3A_887 : memref<1x8x1024xf32, #tpu.memory_space<vmem>> -> memref<8x1024xf32, #tpu.memory_space<vmem>>
        %dma_wait3A_889 = arith.constant 0 : i32
        %dma_wait3A_890 = tpu.memref_slice %arg5[%add3A_883, %dma_wait3A_889] : memref<32768x1024xf32, #tpu.memory_space<hbm>> -> memref<8x1024xf32, #tpu.memory_space<hbm>>
        %dma_wait3A_891 = arith.constant 0 : i32
        %dma_wait3A_892 = tpu.memref_slice %arg5[%add3A_883, %dma_wait3A_891] : memref<32768x1024xf32, #tpu.memory_space<hbm>> -> memref<8x1024xf32, #tpu.memory_space<hbm>>
        %dma_wait3A_893 = arith.constant 0 : i32
        %dma_wait3A_894 = arith.constant 0 : i32
        %dma_wait3A_895 = tpu.memref_slice %arg7[%dma_wait3A_884, %dma_wait3A_893, %dma_wait3A_894] : memref<3x32x1024xf32, #tpu.memory_space<vmem>> -> memref<1x8x1024xf32, #tpu.memory_space<vmem>>
        %dma_wait3A_896 = tpu.memref_squeeze %dma_wait3A_895 : memref<1x8x1024xf32, #tpu.memory_space<vmem>> -> memref<8x1024xf32, #tpu.memory_space<vmem>>
        tpu.wait_dma2 semaphore(%arg16 : memref<!tpu.dma_semaphore, #tpu.memory_space<semaphore_mem>>) src(%dma_wait3A_896 : memref<8x1024xf32, #tpu.memory_space<vmem>>) dst(%dma_wait3A_892 : memref<8x1024xf32, #tpu.memory_space<hbm>>)
        %add3A_897 = arith.constant 8192 : i32
        %add3A_898 = arith.addi %add3A_897, %mul3A_2 : i32
        %mul3A_899 = arith.constant 8 : i32
        %mul3A_900 = arith.muli %sub3A_878, %mul3A_899 : i32
        %add3A_901 = arith.addi %add3A_898, %mul3A_900 : i32
        %dma_wait3A_902 = arith.constant 1 : i32
        %dma_wait3A_903 = arith.constant 8 : i32
        %dma_wait3A_904 = arith.constant 0 : i32
        %dma_wait3A_905 = tpu.memref_slice %arg7[%dma_wait3A_902, %dma_wait3A_903, %dma_wait3A_904] : memref<3x32x1024xf32, #tpu.memory_space<vmem>> -> memref<1x8x1024xf32, #tpu.memory_space<vmem>>
        %dma_wait3A_906 = tpu.memref_squeeze %dma_wait3A_905 : memref<1x8x1024xf32, #tpu.memory_space<vmem>> -> memref<8x1024xf32, #tpu.memory_space<vmem>>
        %dma_wait3A_907 = arith.constant 0 : i32
        %dma_wait3A_908 = tpu.memref_slice %arg5[%add3A_901, %dma_wait3A_907] : memref<32768x1024xf32, #tpu.memory_space<hbm>> -> memref<8x1024xf32, #tpu.memory_space<hbm>>
        %dma_wait3A_909 = arith.constant 0 : i32
        %dma_wait3A_910 = tpu.memref_slice %arg5[%add3A_901, %dma_wait3A_909] : memref<32768x1024xf32, #tpu.memory_space<hbm>> -> memref<8x1024xf32, #tpu.memory_space<hbm>>
        %dma_wait3A_911 = arith.constant 8 : i32
        %dma_wait3A_912 = arith.constant 0 : i32
        %dma_wait3A_913 = tpu.memref_slice %arg7[%dma_wait3A_902, %dma_wait3A_911, %dma_wait3A_912] : memref<3x32x1024xf32, #tpu.memory_space<vmem>> -> memref<1x8x1024xf32, #tpu.memory_space<vmem>>
        %dma_wait3A_914 = tpu.memref_squeeze %dma_wait3A_913 : memref<1x8x1024xf32, #tpu.memory_space<vmem>> -> memref<8x1024xf32, #tpu.memory_space<vmem>>
        tpu.wait_dma2 semaphore(%arg16 : memref<!tpu.dma_semaphore, #tpu.memory_space<semaphore_mem>>) src(%dma_wait3A_914 : memref<8x1024xf32, #tpu.memory_space<vmem>>) dst(%dma_wait3A_910 : memref<8x1024xf32, #tpu.memory_space<hbm>>)
        %add3A_915 = arith.constant 16384 : i32
        %add3A_916 = arith.addi %add3A_915, %mul3A_2 : i32
        %mul3A_917 = arith.constant 8 : i32
        %mul3A_918 = arith.muli %sub3A_878, %mul3A_917 : i32
        %add3A_919 = arith.addi %add3A_916, %mul3A_918 : i32
        %dma_wait3A_920 = arith.constant 1 : i32
        %dma_wait3A_921 = arith.constant 16 : i32
        %dma_wait3A_922 = arith.constant 0 : i32
        %dma_wait3A_923 = tpu.memref_slice %arg7[%dma_wait3A_920, %dma_wait3A_921, %dma_wait3A_922] : memref<3x32x1024xf32, #tpu.memory_space<vmem>> -> memref<1x8x1024xf32, #tpu.memory_space<vmem>>
        %dma_wait3A_924 = tpu.memref_squeeze %dma_wait3A_923 : memref<1x8x1024xf32, #tpu.memory_space<vmem>> -> memref<8x1024xf32, #tpu.memory_space<vmem>>
        %dma_wait3A_925 = arith.constant 0 : i32
        %dma_wait3A_926 = tpu.memref_slice %arg5[%add3A_919, %dma_wait3A_925] : memref<32768x1024xf32, #tpu.memory_space<hbm>> -> memref<8x1024xf32, #tpu.memory_space<hbm>>
        %dma_wait3A_927 = arith.constant 0 : i32
        %dma_wait3A_928 = tpu.memref_slice %arg5[%add3A_919, %dma_wait3A_927] : memref<32768x1024xf32, #tpu.memory_space<hbm>> -> memref<8x1024xf32, #tpu.memory_space<hbm>>
        %dma_wait3A_929 = arith.constant 16 : i32
        %dma_wait3A_930 = arith.constant 0 : i32
        %dma_wait3A_931 = tpu.memref_slice %arg7[%dma_wait3A_920, %dma_wait3A_929, %dma_wait3A_930] : memref<3x32x1024xf32, #tpu.memory_space<vmem>> -> memref<1x8x1024xf32, #tpu.memory_space<vmem>>
        %dma_wait3A_932 = tpu.memref_squeeze %dma_wait3A_931 : memref<1x8x1024xf32, #tpu.memory_space<vmem>> -> memref<8x1024xf32, #tpu.memory_space<vmem>>
        tpu.wait_dma2 semaphore(%arg16 : memref<!tpu.dma_semaphore, #tpu.memory_space<semaphore_mem>>) src(%dma_wait3A_932 : memref<8x1024xf32, #tpu.memory_space<vmem>>) dst(%dma_wait3A_928 : memref<8x1024xf32, #tpu.memory_space<hbm>>)
        %add3A_933 = arith.constant 24576 : i32
        %add3A_934 = arith.addi %add3A_933, %mul3A_2 : i32
        %mul3A_935 = arith.constant 8 : i32
        %mul3A_936 = arith.muli %sub3A_878, %mul3A_935 : i32
        %add3A_937 = arith.addi %add3A_934, %mul3A_936 : i32
        %dma_wait3A_938 = arith.constant 1 : i32
        %dma_wait3A_939 = arith.constant 24 : i32
        %dma_wait3A_940 = arith.constant 0 : i32
        %dma_wait3A_941 = tpu.memref_slice %arg7[%dma_wait3A_938, %dma_wait3A_939, %dma_wait3A_940] : memref<3x32x1024xf32, #tpu.memory_space<vmem>> -> memref<1x8x1024xf32, #tpu.memory_space<vmem>>
        %dma_wait3A_942 = tpu.memref_squeeze %dma_wait3A_941 : memref<1x8x1024xf32, #tpu.memory_space<vmem>> -> memref<8x1024xf32, #tpu.memory_space<vmem>>
        %dma_wait3A_943 = arith.constant 0 : i32
        %dma_wait3A_944 = tpu.memref_slice %arg5[%add3A_937, %dma_wait3A_943] : memref<32768x1024xf32, #tpu.memory_space<hbm>> -> memref<8x1024xf32, #tpu.memory_space<hbm>>
        %dma_wait3A_945 = arith.constant 0 : i32
        %dma_wait3A_946 = tpu.memref_slice %arg5[%add3A_937, %dma_wait3A_945] : memref<32768x1024xf32, #tpu.memory_space<hbm>> -> memref<8x1024xf32, #tpu.memory_space<hbm>>
        %dma_wait3A_947 = arith.constant 24 : i32
        %dma_wait3A_948 = arith.constant 0 : i32
        %dma_wait3A_949 = tpu.memref_slice %arg7[%dma_wait3A_938, %dma_wait3A_947, %dma_wait3A_948] : memref<3x32x1024xf32, #tpu.memory_space<vmem>> -> memref<1x8x1024xf32, #tpu.memory_space<vmem>>
        %dma_wait3A_950 = tpu.memref_squeeze %dma_wait3A_949 : memref<1x8x1024xf32, #tpu.memory_space<vmem>> -> memref<8x1024xf32, #tpu.memory_space<vmem>>
        tpu.wait_dma2 semaphore(%arg16 : memref<!tpu.dma_semaphore, #tpu.memory_space<semaphore_mem>>) src(%dma_wait3A_950 : memref<8x1024xf32, #tpu.memory_space<vmem>>) dst(%dma_wait3A_946 : memref<8x1024xf32, #tpu.memory_space<hbm>>)
      } else {
      }
      %add3A_534 = arith.constant 1 : i32
      %add3A_535 = arith.addi %add3A_531, %add3A_534 : i32
      %lt3A = arith.constant 32 : i32
      %lt3A_536 = arith.cmpi slt, %add3A_535, %lt3A : i32
      %convert_element_type3A_537 = arith.extui %lt3A_536 : i1 to i32
      %cond3A_538 = arith.constant 0 : i32
      %cond3A_539 = arith.cmpi ne, %convert_element_type3A_537, %cond3A_538 : i32
      scf.if %cond3A_539 {
        %add3A_878 = arith.constant 1 : i32
        %add3A_879 = arith.addi %add3A_531, %add3A_878 : i32
        %dma_start3A_880 = arith.constant 1 : i32
        %dma_start3A_881 = arith.constant 0 : i32
        %dma_start3A_882 = arith.constant 0 : i32
        %dma_start3A_883 = tpu.memref_slice %arg7[%dma_start3A_880, %dma_start3A_881, %dma_start3A_882] : memref<3x32x1024xf32, #tpu.memory_space<vmem>> -> memref<1x32x1024xf32, #tpu.memory_space<vmem>>
        %dma_start3A_884 = tpu.memref_squeeze %dma_start3A_883 : memref<1x32x1024xf32, #tpu.memory_space<vmem>> -> memref<32x1024xf32, #tpu.memory_space<vmem>>
        %dma_start3A_885 = arith.constant 0 : i32
        %dma_start3A_886 = tpu.memref_slice %arg6[%add3A_879, %dma_start3A_885] : memref<32x32xi32, #tpu.memory_space<vmem>> -> memref<1x32xi32, #tpu.memory_space<vmem>>
        %dma_start3A_887 = tpu.memref_squeeze %dma_start3A_886 : memref<1x32xi32, #tpu.memory_space<vmem>> -> memref<32xi32, #tpu.memory_space<vmem>>
        %dma_start3A_888 = arith.constant 0 : i32
        %dma_start3A_889 = arith.constant 0 : i32
        %dma_start3A_890 = tpu.memref_slice %arg3[%dma_start3A_888, %dma_start3A_889] : memref<100000x1024xf32, #tpu.memory_space<hbm>> -> memref<100000x1024xf32, #tpu.memory_space<hbm>>
        tpu.enqueue_indirect_dma source(%dma_start3A_890 : memref<100000x1024xf32, #tpu.memory_space<hbm>>) target(%dma_start3A_884 : memref<32x1024xf32, #tpu.memory_space<vmem>>) offsets(%dma_start3A_887 : memref<32xi32, #tpu.memory_space<vmem>>) semaphore(%arg10 : memref<!tpu.dma_semaphore, #tpu.memory_space<semaphore_mem>>)
        %mul3A_891 = arith.constant 8 : i32
        %mul3A_892 = arith.muli %add3A_879, %mul3A_891 : i32
        %add3A_893 = arith.addi %mul3A_2, %mul3A_892 : i32
        %dma_start3A_894 = arith.constant 1 : i32
        %dma_start3A_895 = arith.constant 0 : i32
        %dma_start3A_896 = arith.constant 0 : i32
        %dma_start3A_897 = tpu.memref_slice %arg8[%dma_start3A_894, %dma_start3A_895, %dma_start3A_896] : memref<3x8x1024xf32, #tpu.memory_space<vmem>> -> memref<1x8x1024xf32, #tpu.memory_space<vmem>>
        %dma_start3A_898 = tpu.memref_squeeze %dma_start3A_897 : memref<1x8x1024xf32, #tpu.memory_space<vmem>> -> memref<8x1024xf32, #tpu.memory_space<vmem>>
        %dma_start3A_899 = arith.constant 0 : i32
        %dma_start3A_900 = tpu.memref_slice %arg4[%add3A_893, %dma_start3A_899] : memref<8192x1024xf32, #tpu.memory_space<hbm>> -> memref<8x1024xf32, #tpu.memory_space<hbm>>
        %dma_start3A_901 = arith.constant 0 : i32
        %dma_start3A_902 = arith.constant 0 : i32
        %dma_start3A_903 = tpu.memref_slice %arg8[%dma_start3A_894, %dma_start3A_901, %dma_start3A_902] : memref<3x8x1024xf32, #tpu.memory_space<vmem>> -> memref<1x8x1024xf32, #tpu.memory_space<vmem>>
        %dma_start3A_904 = tpu.memref_squeeze %dma_start3A_903 : memref<1x8x1024xf32, #tpu.memory_space<vmem>> -> memref<8x1024xf32, #tpu.memory_space<vmem>>
        %dma_start3A_905 = arith.constant 0 : i32
        %dma_start3A_906 = tpu.memref_slice %arg4[%add3A_893, %dma_start3A_905] : memref<8192x1024xf32, #tpu.memory_space<hbm>> -> memref<8x1024xf32, #tpu.memory_space<hbm>>
        tpu.enqueue_dma source(%dma_start3A_906 : memref<8x1024xf32, #tpu.memory_space<hbm>>) target(%dma_start3A_904 : memref<8x1024xf32, #tpu.memory_space<vmem>>) target_semaphore(%arg13 : memref<!tpu.dma_semaphore, #tpu.memory_space<semaphore_mem>>)
      } else {
      }
      %dma_wait3A_540 = arith.constant 0 : i32
      %dma_wait3A_541 = arith.constant 0 : i32
      %dma_wait3A_542 = arith.constant 0 : i32
      %dma_wait3A_543 = tpu.memref_slice %arg7[%dma_wait3A_540, %dma_wait3A_541, %dma_wait3A_542] : memref<3x32x1024xf32, #tpu.memory_space<vmem>> -> memref<1x32x1024xf32, #tpu.memory_space<vmem>>
      %dma_wait3A_544 = tpu.memref_squeeze %dma_wait3A_543 : memref<1x32x1024xf32, #tpu.memory_space<vmem>> -> memref<32x1024xf32, #tpu.memory_space<vmem>>
      %dma_wait3A_545 = arith.constant 0 : i32
      %dma_wait3A_546 = tpu.memref_slice %arg6[%add3A_531, %dma_wait3A_545] : memref<32x32xi32, #tpu.memory_space<vmem>> -> memref<1x32xi32, #tpu.memory_space<vmem>>
      %dma_wait3A_547 = tpu.memref_squeeze %dma_wait3A_546 : memref<1x32xi32, #tpu.memory_space<vmem>> -> memref<32xi32, #tpu.memory_space<vmem>>
      %dma_wait3A_548 = arith.constant 0 : i32
      %dma_wait3A_549 = arith.constant 0 : i32
      %dma_wait3A_550 = tpu.memref_slice %arg3[%dma_wait3A_548, %dma_wait3A_549] : memref<100000x1024xf32, #tpu.memory_space<hbm>> -> memref<100000x1024xf32, #tpu.memory_space<hbm>>
      tpu.wait_indirect_dma semaphore(%arg9 : memref<!tpu.dma_semaphore, #tpu.memory_space<semaphore_mem>>) src(%dma_wait3A_550 : memref<100000x1024xf32, #tpu.memory_space<hbm>>) dst(%dma_wait3A_544 : memref<32x1024xf32, #tpu.memory_space<vmem>>)
      %mul3A_551 = arith.constant 8 : i32
      %mul3A_552 = arith.muli %add3A_531, %mul3A_551 : i32
      %add3A_553 = arith.addi %mul3A_2, %mul3A_552 : i32
      %dma_wait3A_554 = arith.constant 0 : i32
      %dma_wait3A_555 = arith.constant 0 : i32
      %dma_wait3A_556 = arith.constant 0 : i32
      %dma_wait3A_557 = tpu.memref_slice %arg8[%dma_wait3A_554, %dma_wait3A_555, %dma_wait3A_556] : memref<3x8x1024xf32, #tpu.memory_space<vmem>> -> memref<1x8x1024xf32, #tpu.memory_space<vmem>>
      %dma_wait3A_558 = tpu.memref_squeeze %dma_wait3A_557 : memref<1x8x1024xf32, #tpu.memory_space<vmem>> -> memref<8x1024xf32, #tpu.memory_space<vmem>>
      %dma_wait3A_559 = arith.constant 0 : i32
      %dma_wait3A_560 = tpu.memref_slice %arg4[%add3A_553, %dma_wait3A_559] : memref<8192x1024xf32, #tpu.memory_space<hbm>> -> memref<8x1024xf32, #tpu.memory_space<hbm>>
      %dma_wait3A_561 = arith.constant 0 : i32
      %dma_wait3A_562 = arith.constant 0 : i32
      %dma_wait3A_563 = tpu.memref_slice %arg8[%dma_wait3A_554, %dma_wait3A_561, %dma_wait3A_562] : memref<3x8x1024xf32, #tpu.memory_space<vmem>> -> memref<1x8x1024xf32, #tpu.memory_space<vmem>>
      %dma_wait3A_564 = tpu.memref_squeeze %dma_wait3A_563 : memref<1x8x1024xf32, #tpu.memory_space<vmem>> -> memref<8x1024xf32, #tpu.memory_space<vmem>>
      %dma_wait3A_565 = arith.constant 0 : i32
      %dma_wait3A_566 = tpu.memref_slice %arg4[%add3A_553, %dma_wait3A_565] : memref<8192x1024xf32, #tpu.memory_space<hbm>> -> memref<8x1024xf32, #tpu.memory_space<hbm>>
      tpu.wait_dma2 semaphore(%arg12 : memref<!tpu.dma_semaphore, #tpu.memory_space<semaphore_mem>>) src(%dma_wait3A_566 : memref<8x1024xf32, #tpu.memory_space<hbm>>) dst(%dma_wait3A_564 : memref<8x1024xf32, #tpu.memory_space<vmem>>)
      %parallel_loop3A_567 = arith.constant 0 : i32
      %parallel_loop3A_568 = arith.constant 64 : i32
      %parallel_loop3A_569 = arith.constant 1 : i32
      scf.for %parallel_loop3A_878 = %parallel_loop3A_567 to %parallel_loop3A_568 step %parallel_loop3A_569  : i32 {
        %parallel_loop3A_879 = arith.constant 16 : i32
        %parallel_loop3A_880 = arith.muli %parallel_loop3A_878, %parallel_loop3A_879 : i32
        %parallel_loop3A_881 = arith.constant 0 : i32
        %parallel_loop3A_882 = arith.constant 0 : i32
        %parallel_loop3A_883 = arith.index_cast %parallel_loop3A_881 : i32 to index
        %parallel_loop3A_884 = arith.index_cast %parallel_loop3A_882 : i32 to index
        %parallel_loop3A_885 = arith.index_cast %parallel_loop3A_880 : i32 to index
        %parallel_loop3A_886 = tpu.vector_load %arg8[%parallel_loop3A_883, %parallel_loop3A_884, %parallel_loop3A_885] {strides = array<i32>} : memref<3x8x1024xf32, #tpu.memory_space<vmem>>, vector<1x1x16xf32>,
        %parallel_loop3A_887 = vector.shape_cast %parallel_loop3A_886 : vector<1x1x16xf32> to vector<16xf32>
        %parallel_loop3A_888 = arith.constant 0 : i32
        %parallel_loop3A_889 = arith.constant 0 : i32
        %parallel_loop3A_890 = arith.index_cast %parallel_loop3A_888 : i32 to index
        %parallel_loop3A_891 = arith.index_cast %parallel_loop3A_889 : i32 to index
        %parallel_loop3A_892 = arith.index_cast %parallel_loop3A_880 : i32 to index
        %parallel_loop3A_893 = tpu.vector_load %arg7[%parallel_loop3A_890, %parallel_loop3A_891, %parallel_loop3A_892] {strides = array<i32>} : memref<3x32x1024xf32, #tpu.memory_space<vmem>>, vector<1x1x16xf32>,
        %parallel_loop3A_894 = vector.shape_cast %parallel_loop3A_893 : vector<1x1x16xf32> to vector<16xf32>
        %parallel_loop3A_895 = arith.addf %parallel_loop3A_894, %parallel_loop3A_887 : vector<16xf32>
        %parallel_loop3A_896 = arith.constant 0 : i32
        %parallel_loop3A_897 = arith.constant 0 : i32
        %parallel_loop3A_898 = arith.index_cast %parallel_loop3A_896 : i32 to index
        %parallel_loop3A_899 = arith.index_cast %parallel_loop3A_897 : i32 to index
        %parallel_loop3A_900 = arith.index_cast %parallel_loop3A_880 : i32 to index
        %parallel_loop3A_901 = tpu.vector_load %arg7[%parallel_loop3A_898, %parallel_loop3A_899, %parallel_loop3A_900] {strides = array<i32>} : memref<3x32x1024xf32, #tpu.memory_space<vmem>>, vector<1x1x16xf32>,
        %parallel_loop3A_902 = vector.shape_cast %parallel_loop3A_901 : vector<1x1x16xf32> to vector<16xf32>
        %parallel_loop3A_903 = vector.shape_cast %parallel_loop3A_895 : vector<16xf32> to vector<1x1x16xf32>
        tpu.vector_store %arg7[%parallel_loop3A_898, %parallel_loop3A_899, %parallel_loop3A_900], %parallel_loop3A_903 {strides = array<i32>} : memref<3x32x1024xf32, #tpu.memory_space<vmem>>, vector<1x1x16xf32>,
        %parallel_loop3A_904 = arith.constant 0 : i32
        %parallel_loop3A_905 = arith.constant 8 : i32
        %parallel_loop3A_906 = arith.index_cast %parallel_loop3A_904 : i32 to index
        %parallel_loop3A_907 = arith.index_cast %parallel_loop3A_905 : i32 to index
        %parallel_loop3A_908 = arith.index_cast %parallel_loop3A_880 : i32 to index
        %parallel_loop3A_909 = tpu.vector_load %arg7[%parallel_loop3A_906, %parallel_loop3A_907, %parallel_loop3A_908] {strides = array<i32>} : memref<3x32x1024xf32, #tpu.memory_space<vmem>>, vector<1x1x16xf32>,
        %parallel_loop3A_910 = vector.shape_cast %parallel_loop3A_909 : vector<1x1x16xf32> to vector<16xf32>
        %parallel_loop3A_911 = arith.addf %parallel_loop3A_910, %parallel_loop3A_887 : vector<16xf32>
        %parallel_loop3A_912 = arith.constant 0 : i32
        %parallel_loop3A_913 = arith.constant 8 : i32
        %parallel_loop3A_914 = arith.index_cast %parallel_loop3A_912 : i32 to index
        %parallel_loop3A_915 = arith.index_cast %parallel_loop3A_913 : i32 to index
        %parallel_loop3A_916 = arith.index_cast %parallel_loop3A_880 : i32 to index
        %parallel_loop3A_917 = tpu.vector_load %arg7[%parallel_loop3A_914, %parallel_loop3A_915, %parallel_loop3A_916] {strides = array<i32>} : memref<3x32x1024xf32, #tpu.memory_space<vmem>>, vector<1x1x16xf32>,
        %parallel_loop3A_918 = vector.shape_cast %parallel_loop3A_917 : vector<1x1x16xf32> to vector<16xf32>
        %parallel_loop3A_919 = vector.shape_cast %parallel_loop3A_911 : vector<16xf32> to vector<1x1x16xf32>
        tpu.vector_store %arg7[%parallel_loop3A_914, %parallel_loop3A_915, %parallel_loop3A_916], %parallel_loop3A_919 {strides = array<i32>} : memref<3x32x1024xf32, #tpu.memory_space<vmem>>, vector<1x1x16xf32>,
        %parallel_loop3A_920 = arith.constant 0 : i32
        %parallel_loop3A_921 = arith.constant 16 : i32
        %parallel_loop3A_922 = arith.index_cast %parallel_loop3A_920 : i32 to index
        %parallel_loop3A_923 = arith.index_cast %parallel_loop3A_921 : i32 to index
        %parallel_loop3A_924 = arith.index_cast %parallel_loop3A_880 : i32 to index
        %parallel_loop3A_925 = tpu.vector_load %arg7[%parallel_loop3A_922, %parallel_loop3A_923, %parallel_loop3A_924] {strides = array<i32>} : memref<3x32x1024xf32, #tpu.memory_space<vmem>>, vector<1x1x16xf32>,
        %parallel_loop3A_926 = vector.shape_cast %parallel_loop3A_925 : vector<1x1x16xf32> to vector<16xf32>
        %parallel_loop3A_927 = arith.addf %parallel_loop3A_926, %parallel_loop3A_887 : vector<16xf32>
        %parallel_loop3A_928 = arith.constant 0 : i32
        %parallel_loop3A_929 = arith.constant 16 : i32
        %parallel_loop3A_930 = arith.index_cast %parallel_loop3A_928 : i32 to index
        %parallel_loop3A_931 = arith.index_cast %parallel_loop3A_929 : i32 to index
        %parallel_loop3A_932 = arith.index_cast %parallel_loop3A_880 : i32 to index
        %parallel_loop3A_933 = tpu.vector_load %arg7[%parallel_loop3A_930, %parallel_loop3A_931, %parallel_loop3A_932] {strides = array<i32>} : memref<3x32x1024xf32, #tpu.memory_space<vmem>>, vector<1x1x16xf32>,
        %parallel_loop3A_934 = vector.shape_cast %parallel_loop3A_933 : vector<1x1x16xf32> to vector<16xf32>
        %parallel_loop3A_935 = vector.shape_cast %parallel_loop3A_927 : vector<16xf32> to vector<1x1x16xf32>
        tpu.vector_store %arg7[%parallel_loop3A_930, %parallel_loop3A_931, %parallel_loop3A_932], %parallel_loop3A_935 {strides = array<i32>} : memref<3x32x1024xf32, #tpu.memory_space<vmem>>, vector<1x1x16xf32>,
        %parallel_loop3A_936 = arith.constant 0 : i32
        %parallel_loop3A_937 = arith.constant 24 : i32
        %parallel_loop3A_938 = arith.index_cast %parallel_loop3A_936 : i32 to index
        %parallel_loop3A_939 = arith.index_cast %parallel_loop3A_937 : i32 to index
        %parallel_loop3A_940 = arith.index_cast %parallel_loop3A_880 : i32 to index
        %parallel_loop3A_941 = tpu.vector_load %arg7[%parallel_loop3A_938, %parallel_loop3A_939, %parallel_loop3A_940] {strides = array<i32>} : memref<3x32x1024xf32, #tpu.memory_space<vmem>>, vector<1x1x16xf32>,
        %parallel_loop3A_942 = vector.shape_cast %parallel_loop3A_941 : vector<1x1x16xf32> to vector<16xf32>
        %parallel_loop3A_943 = arith.addf %parallel_loop3A_942, %parallel_loop3A_887 : vector<16xf32>
        %parallel_loop3A_944 = arith.constant 0 : i32
        %parallel_loop3A_945 = arith.constant 24 : i32
        %parallel_loop3A_946 = arith.index_cast %parallel_loop3A_944 : i32 to index
        %parallel_loop3A_947 = arith.index_cast %parallel_loop3A_945 : i32 to index
        %parallel_loop3A_948 = arith.index_cast %parallel_loop3A_880 : i32 to index
        %parallel_loop3A_949 = tpu.vector_load %arg7[%parallel_loop3A_946, %parallel_loop3A_947, %parallel_loop3A_948] {strides = array<i32>} : memref<3x32x1024xf32, #tpu.memory_space<vmem>>, vector<1x1x16xf32>,
        %parallel_loop3A_950 = vector.shape_cast %parallel_loop3A_949 : vector<1x1x16xf32> to vector<16xf32>
        %parallel_loop3A_951 = vector.shape_cast %parallel_loop3A_943 : vector<16xf32> to vector<1x1x16xf32>
        tpu.vector_store %arg7[%parallel_loop3A_946, %parallel_loop3A_947, %parallel_loop3A_948], %parallel_loop3A_951 {strides = array<i32>} : memref<3x32x1024xf32, #tpu.memory_space<vmem>>, vector<1x1x16xf32>,
        %parallel_loop3A_952 = arith.constant 0 : i32
        %parallel_loop3A_953 = arith.constant 1 : i32
        %parallel_loop3A_954 = arith.index_cast %parallel_loop3A_952 : i32 to index
        %parallel_loop3A_955 = arith.index_cast %parallel_loop3A_953 : i32 to index
        %parallel_loop3A_956 = arith.index_cast %parallel_loop3A_880 : i32 to index
        %parallel_loop3A_957 = tpu.vector_load %arg8[%parallel_loop3A_954, %parallel_loop3A_955, %parallel_loop3A_956] {strides = array<i32>} : memref<3x8x1024xf32, #tpu.memory_space<vmem>>, vector<1x1x16xf32>,
        %parallel_loop3A_958 = vector.shape_cast %parallel_loop3A_957 : vector<1x1x16xf32> to vector<16xf32>
        %parallel_loop3A_959 = arith.constant 0 : i32
        %parallel_loop3A_960 = arith.constant 1 : i32
        %parallel_loop3A_961 = arith.index_cast %parallel_loop3A_959 : i32 to index
        %parallel_loop3A_962 = arith.index_cast %parallel_loop3A_960 : i32 to index
        %parallel_loop3A_963 = arith.index_cast %parallel_loop3A_880 : i32 to index
        %parallel_loop3A_964 = tpu.vector_load %arg7[%parallel_loop3A_961, %parallel_loop3A_962, %parallel_loop3A_963] {strides = array<i32>} : memref<3x32x1024xf32, #tpu.memory_space<vmem>>, vector<1x1x16xf32>,
        %parallel_loop3A_965 = vector.shape_cast %parallel_loop3A_964 : vector<1x1x16xf32> to vector<16xf32>
        %parallel_loop3A_966 = arith.addf %parallel_loop3A_965, %parallel_loop3A_958 : vector<16xf32>
        %parallel_loop3A_967 = arith.constant 0 : i32
        %parallel_loop3A_968 = arith.constant 1 : i32
        %parallel_loop3A_969 = arith.index_cast %parallel_loop3A_967 : i32 to index
        %parallel_loop3A_970 = arith.index_cast %parallel_loop3A_968 : i32 to index
        %parallel_loop3A_971 = arith.index_cast %parallel_loop3A_880 : i32 to index
        %parallel_loop3A_972 = tpu.vector_load %arg7[%parallel_loop3A_969, %parallel_loop3A_970, %parallel_loop3A_971] {strides = array<i32>} : memref<3x32x1024xf32, #tpu.memory_space<vmem>>, vector<1x1x16xf32>,
        %parallel_loop3A_973 = vector.shape_cast %parallel_loop3A_972 : vector<1x1x16xf32> to vector<16xf32>
        %parallel_loop3A_974 = vector.shape_cast %parallel_loop3A_966 : vector<16xf32> to vector<1x1x16xf32>
        tpu.vector_store %arg7[%parallel_loop3A_969, %parallel_loop3A_970, %parallel_loop3A_971], %parallel_loop3A_974 {strides = array<i32>} : memref<3x32x1024xf32, #tpu.memory_space<vmem>>, vector<1x1x16xf32>,
        %parallel_loop3A_975 = arith.constant 0 : i32
        %parallel_loop3A_976 = arith.constant 9 : i32
        %parallel_loop3A_977 = arith.index_cast %parallel_loop3A_975 : i32 to index
        %parallel_loop3A_978 = arith.index_cast %parallel_loop3A_976 : i32 to index
        %parallel_loop3A_979 = arith.index_cast %parallel_loop3A_880 : i32 to index
        %parallel_loop3A_980 = tpu.vector_load %arg7[%parallel_loop3A_977, %parallel_loop3A_978, %parallel_loop3A_979] {strides = array<i32>} : memref<3x32x1024xf32, #tpu.memory_space<vmem>>, vector<1x1x16xf32>,
        %parallel_loop3A_981 = vector.shape_cast %parallel_loop3A_980 : vector<1x1x16xf32> to vector<16xf32>
        %parallel_loop3A_982 = arith.addf %parallel_loop3A_981, %parallel_loop3A_958 : vector<16xf32>
        %parallel_loop3A_983 = arith.constant 0 : i32
        %parallel_loop3A_984 = arith.constant 9 : i32
        %parallel_loop3A_985 = arith.index_cast %parallel_loop3A_983 : i32 to index
        %parallel_loop3A_986 = arith.index_cast %parallel_loop3A_984 : i32 to index
        %parallel_loop3A_987 = arith.index_cast %parallel_loop3A_880 : i32 to index
        %parallel_loop3A_988 = tpu.vector_load %arg7[%parallel_loop3A_985, %parallel_loop3A_986, %parallel_loop3A_987] {strides = array<i32>} : memref<3x32x1024xf32, #tpu.memory_space<vmem>>, vector<1x1x16xf32>,
        %parallel_loop3A_989 = vector.shape_cast %parallel_loop3A_988 : vector<1x1x16xf32> to vector<16xf32>
        %parallel_loop3A_990 = vector.shape_cast %parallel_loop3A_982 : vector<16xf32> to vector<1x1x16xf32>
        tpu.vector_store %arg7[%parallel_loop3A_985, %parallel_loop3A_986, %parallel_loop3A_987], %parallel_loop3A_990 {strides = array<i32>} : memref<3x32x1024xf32, #tpu.memory_space<vmem>>, vector<1x1x16xf32>,
        %parallel_loop3A_991 = arith.constant 0 : i32
        %parallel_loop3A_992 = arith.constant 17 : i32
        %parallel_loop3A_993 = arith.index_cast %parallel_loop3A_991 : i32 to index
        %parallel_loop3A_994 = arith.index_cast %parallel_loop3A_992 : i32 to index
        %parallel_loop3A_995 = arith.index_cast %parallel_loop3A_880 : i32 to index
        %parallel_loop3A_996 = tpu.vector_load %arg7[%parallel_loop3A_993, %parallel_loop3A_994, %parallel_loop3A_995] {strides = array<i32>} : memref<3x32x1024xf32, #tpu.memory_space<vmem>>, vector<1x1x16xf32>,
        %parallel_loop3A_997 = vector.shape_cast %parallel_loop3A_996 : vector<1x1x16xf32> to vector<16xf32>
        %parallel_loop3A_998 = arith.addf %parallel_loop3A_997, %parallel_loop3A_958 : vector<16xf32>
        %parallel_loop3A_999 = arith.constant 0 : i32
        %parallel_loop3A_1000 = arith.constant 17 : i32
        %parallel_loop3A_1001 = arith.index_cast %parallel_loop3A_999 : i32 to index
        %parallel_loop3A_1002 = arith.index_cast %parallel_loop3A_1000 : i32 to index
        %parallel_loop3A_1003 = arith.index_cast %parallel_loop3A_880 : i32 to index
        %parallel_loop3A_1004 = tpu.vector_load %arg7[%parallel_loop3A_1001, %parallel_loop3A_1002, %parallel_loop3A_1003] {strides = array<i32>} : memref<3x32x1024xf32, #tpu.memory_space<vmem>>, vector<1x1x16xf32>,
        %parallel_loop3A_1005 = vector.shape_cast %parallel_loop3A_1004 : vector<1x1x16xf32> to vector<16xf32>
        %parallel_loop3A_1006 = vector.shape_cast %parallel_loop3A_998 : vector<16xf32> to vector<1x1x16xf32>
        tpu.vector_store %arg7[%parallel_loop3A_1001, %parallel_loop3A_1002, %parallel_loop3A_1003], %parallel_loop3A_1006 {strides = array<i32>} : memref<3x32x1024xf32, #tpu.memory_space<vmem>>, vector<1x1x16xf32>,
        %parallel_loop3A_1007 = arith.constant 0 : i32
        %parallel_loop3A_1008 = arith.constant 25 : i32
        %parallel_loop3A_1009 = arith.index_cast %parallel_loop3A_1007 : i32 to index
        %parallel_loop3A_1010 = arith.index_cast %parallel_loop3A_1008 : i32 to index
        %parallel_loop3A_1011 = arith.index_cast %parallel_loop3A_880 : i32 to index
        %parallel_loop3A_1012 = tpu.vector_load %arg7[%parallel_loop3A_1009, %parallel_loop3A_1010, %parallel_loop3A_1011] {strides = array<i32>} : memref<3x32x1024xf32, #tpu.memory_space<vmem>>, vector<1x1x16xf32>,
        %parallel_loop3A_1013 = vector.shape_cast %parallel_loop3A_1012 : vector<1x1x16xf32> to vector<16xf32>
        %parallel_loop3A_1014 = arith.addf %parallel_loop3A_1013, %parallel_loop3A_958 : vector<16xf32>
        %parallel_loop3A_1015 = arith.constant 0 : i32
        %parallel_loop3A_1016 = arith.constant 25 : i32
        %parallel_loop3A_1017 = arith.index_cast %parallel_loop3A_1015 : i32 to index
        %parallel_loop3A_1018 = arith.index_cast %parallel_loop3A_1016 : i32 to index
        %parallel_loop3A_1019 = arith.index_cast %parallel_loop3A_880 : i32 to index
        %parallel_loop3A_1020 = tpu.vector_load %arg7[%parallel_loop3A_1017, %parallel_loop3A_1018, %parallel_loop3A_1019] {strides = array<i32>} : memref<3x32x1024xf32, #tpu.memory_space<vmem>>, vector<1x1x16xf32>,
        %parallel_loop3A_1021 = vector.shape_cast %parallel_loop3A_1020 : vector<1x1x16xf32> to vector<16xf32>
        %parallel_loop3A_1022 = vector.shape_cast %parallel_loop3A_1014 : vector<16xf32> to vector<1x1x16xf32>
        tpu.vector_store %arg7[%parallel_loop3A_1017, %parallel_loop3A_1018, %parallel_loop3A_1019], %parallel_loop3A_1022 {strides = array<i32>} : memref<3x32x1024xf32, #tpu.memory_space<vmem>>, vector<1x1x16xf32>,
        %parallel_loop3A_1023 = arith.constant 0 : i32
        %parallel_loop3A_1024 = arith.constant 2 : i32
        %parallel_loop3A_1025 = arith.index_cast %parallel_loop3A_1023 : i32 to index
        %parallel_loop3A_1026 = arith.index_cast %parallel_loop3A_1024 : i32 to index
        %parallel_loop3A_1027 = arith.index_cast %parallel_loop3A_880 : i32 to index
        %parallel_loop3A_1028 = tpu.vector_load %arg8[%parallel_loop3A_1025, %parallel_loop3A_1026, %parallel_loop3A_1027] {strides = array<i32>} : memref<3x8x1024xf32, #tpu.memory_space<vmem>>, vector<1x1x16xf32>,
        %parallel_loop3A_1029 = vector.shape_cast %parallel_loop3A_1028 : vector<1x1x16xf32> to vector<16xf32>
        %parallel_loop3A_1030 = arith.constant 0 : i32
        %parallel_loop3A_1031 = arith.constant 2 : i32
        %parallel_loop3A_1032 = arith.index_cast %parallel_loop3A_1030 : i32 to index
        %parallel_loop3A_1033 = arith.index_cast %parallel_loop3A_1031 : i32 to index
        %parallel_loop3A_1034 = arith.index_cast %parallel_loop3A_880 : i32 to index
        %parallel_loop3A_1035 = tpu.vector_load %arg7[%parallel_loop3A_1032, %parallel_loop3A_1033, %parallel_loop3A_1034] {strides = array<i32>} : memref<3x32x1024xf32, #tpu.memory_space<vmem>>, vector<1x1x16xf32>,
        %parallel_loop3A_1036 = vector.shape_cast %parallel_loop3A_1035 : vector<1x1x16xf32> to vector<16xf32>
        %parallel_loop3A_1037 = arith.addf %parallel_loop3A_1036, %parallel_loop3A_1029 : vector<16xf32>
        %parallel_loop3A_1038 = arith.constant 0 : i32
        %parallel_loop3A_1039 = arith.constant 2 : i32
        %parallel_loop3A_1040 = arith.index_cast %parallel_loop3A_1038 : i32 to index
        %parallel_loop3A_1041 = arith.index_cast %parallel_loop3A_1039 : i32 to index
        %parallel_loop3A_1042 = arith.index_cast %parallel_loop3A_880 : i32 to index
        %parallel_loop3A_1043 = tpu.vector_load %arg7[%parallel_loop3A_1040, %parallel_loop3A_1041, %parallel_loop3A_1042] {strides = array<i32>} : memref<3x32x1024xf32, #tpu.memory_space<vmem>>, vector<1x1x16xf32>,
        %parallel_loop3A_1044 = vector.shape_cast %parallel_loop3A_1043 : vector<1x1x16xf32> to vector<16xf32>
        %parallel_loop3A_1045 = vector.shape_cast %parallel_loop3A_1037 : vector<16xf32> to vector<1x1x16xf32>
        tpu.vector_store %arg7[%parallel_loop3A_1040, %parallel_loop3A_1041, %parallel_loop3A_1042], %parallel_loop3A_1045 {strides = array<i32>} : memref<3x32x1024xf32, #tpu.memory_space<vmem>>, vector<1x1x16xf32>,
        %parallel_loop3A_1046 = arith.constant 0 : i32
        %parallel_loop3A_1047 = arith.constant 10 : i32
        %parallel_loop3A_1048 = arith.index_cast %parallel_loop3A_1046 : i32 to index
        %parallel_loop3A_1049 = arith.index_cast %parallel_loop3A_1047 : i32 to index
        %parallel_loop3A_1050 = arith.index_cast %parallel_loop3A_880 : i32 to index
        %parallel_loop3A_1051 = tpu.vector_load %arg7[%parallel_loop3A_1048, %parallel_loop3A_1049, %parallel_loop3A_1050] {strides = array<i32>} : memref<3x32x1024xf32, #tpu.memory_space<vmem>>, vector<1x1x16xf32>,
        %parallel_loop3A_1052 = vector.shape_cast %parallel_loop3A_1051 : vector<1x1x16xf32> to vector<16xf32>
        %parallel_loop3A_1053 = arith.addf %parallel_loop3A_1052, %parallel_loop3A_1029 : vector<16xf32>
        %parallel_loop3A_1054 = arith.constant 0 : i32
        %parallel_loop3A_1055 = arith.constant 10 : i32
        %parallel_loop3A_1056 = arith.index_cast %parallel_loop3A_1054 : i32 to index
        %parallel_loop3A_1057 = arith.index_cast %parallel_loop3A_1055 : i32 to index
        %parallel_loop3A_1058 = arith.index_cast %parallel_loop3A_880 : i32 to index
        %parallel_loop3A_1059 = tpu.vector_load %arg7[%parallel_loop3A_1056, %parallel_loop3A_1057, %parallel_loop3A_1058] {strides = array<i32>} : memref<3x32x1024xf32, #tpu.memory_space<vmem>>, vector<1x1x16xf32>,
        %parallel_loop3A_1060 = vector.shape_cast %parallel_loop3A_1059 : vector<1x1x16xf32> to vector<16xf32>
        %parallel_loop3A_1061 = vector.shape_cast %parallel_loop3A_1053 : vector<16xf32> to vector<1x1x16xf32>
        tpu.vector_store %arg7[%parallel_loop3A_1056, %parallel_loop3A_1057, %parallel_loop3A_1058], %parallel_loop3A_1061 {strides = array<i32>} : memref<3x32x1024xf32, #tpu.memory_space<vmem>>, vector<1x1x16xf32>,
        %parallel_loop3A_1062 = arith.constant 0 : i32
        %parallel_loop3A_1063 = arith.constant 18 : i32
        %parallel_loop3A_1064 = arith.index_cast %parallel_loop3A_1062 : i32 to index
        %parallel_loop3A_1065 = arith.index_cast %parallel_loop3A_1063 : i32 to index
        %parallel_loop3A_1066 = arith.index_cast %parallel_loop3A_880 : i32 to index
        %parallel_loop3A_1067 = tpu.vector_load %arg7[%parallel_loop3A_1064, %parallel_loop3A_1065, %parallel_loop3A_1066] {strides = array<i32>} : memref<3x32x1024xf32, #tpu.memory_space<vmem>>, vector<1x1x16xf32>,
        %parallel_loop3A_1068 = vector.shape_cast %parallel_loop3A_1067 : vector<1x1x16xf32> to vector<16xf32>
        %parallel_loop3A_1069 = arith.addf %parallel_loop3A_1068, %parallel_loop3A_1029 : vector<16xf32>
        %parallel_loop3A_1070 = arith.constant 0 : i32
        %parallel_loop3A_1071 = arith.constant 18 : i32
        %parallel_loop3A_1072 = arith.index_cast %parallel_loop3A_1070 : i32 to index
        %parallel_loop3A_1073 = arith.index_cast %parallel_loop3A_1071 : i32 to index
        %parallel_loop3A_1074 = arith.index_cast %parallel_loop3A_880 : i32 to index
        %parallel_loop3A_1075 = tpu.vector_load %arg7[%parallel_loop3A_1072, %parallel_loop3A_1073, %parallel_loop3A_1074] {strides = array<i32>} : memref<3x32x1024xf32, #tpu.memory_space<vmem>>, vector<1x1x16xf32>,
        %parallel_loop3A_1076 = vector.shape_cast %parallel_loop3A_1075 : vector<1x1x16xf32> to vector<16xf32>
        %parallel_loop3A_1077 = vector.shape_cast %parallel_loop3A_1069 : vector<16xf32> to vector<1x1x16xf32>
        tpu.vector_store %arg7[%parallel_loop3A_1072, %parallel_loop3A_1073, %parallel_loop3A_1074], %parallel_loop3A_1077 {strides = array<i32>} : memref<3x32x1024xf32, #tpu.memory_space<vmem>>, vector<1x1x16xf32>,
        %parallel_loop3A_1078 = arith.constant 0 : i32
        %parallel_loop3A_1079 = arith.constant 26 : i32
        %parallel_loop3A_1080 = arith.index_cast %parallel_loop3A_1078 : i32 to index
        %parallel_loop3A_1081 = arith.index_cast %parallel_loop3A_1079 : i32 to index
        %parallel_loop3A_1082 = arith.index_cast %parallel_loop3A_880 : i32 to index
        %parallel_loop3A_1083 = tpu.vector_load %arg7[%parallel_loop3A_1080, %parallel_loop3A_1081, %parallel_loop3A_1082] {strides = array<i32>} : memref<3x32x1024xf32, #tpu.memory_space<vmem>>, vector<1x1x16xf32>,
        %parallel_loop3A_1084 = vector.shape_cast %parallel_loop3A_1083 : vector<1x1x16xf32> to vector<16xf32>
        %parallel_loop3A_1085 = arith.addf %parallel_loop3A_1084, %parallel_loop3A_1029 : vector<16xf32>
        %parallel_loop3A_1086 = arith.constant 0 : i32
        %parallel_loop3A_1087 = arith.constant 26 : i32
        %parallel_loop3A_1088 = arith.index_cast %parallel_loop3A_1086 : i32 to index
        %parallel_loop3A_1089 = arith.index_cast %parallel_loop3A_1087 : i32 to index
        %parallel_loop3A_1090 = arith.index_cast %parallel_loop3A_880 : i32 to index
        %parallel_loop3A_1091 = tpu.vector_load %arg7[%parallel_loop3A_1088, %parallel_loop3A_1089, %parallel_loop3A_1090] {strides = array<i32>} : memref<3x32x1024xf32, #tpu.memory_space<vmem>>, vector<1x1x16xf32>,
        %parallel_loop3A_1092 = vector.shape_cast %parallel_loop3A_1091 : vector<1x1x16xf32> to vector<16xf32>
        %parallel_loop3A_1093 = vector.shape_cast %parallel_loop3A_1085 : vector<16xf32> to vector<1x1x16xf32>
        tpu.vector_store %arg7[%parallel_loop3A_1088, %parallel_loop3A_1089, %parallel_loop3A_1090], %parallel_loop3A_1093 {strides = array<i32>} : memref<3x32x1024xf32, #tpu.memory_space<vmem>>, vector<1x1x16xf32>,
        %parallel_loop3A_1094 = arith.constant 0 : i32
        %parallel_loop3A_1095 = arith.constant 3 : i32
        %parallel_loop3A_1096 = arith.index_cast %parallel_loop3A_1094 : i32 to index
        %parallel_loop3A_1097 = arith.index_cast %parallel_loop3A_1095 : i32 to index
        %parallel_loop3A_1098 = arith.index_cast %parallel_loop3A_880 : i32 to index
        %parallel_loop3A_1099 = tpu.vector_load %arg8[%parallel_loop3A_1096, %parallel_loop3A_1097, %parallel_loop3A_1098] {strides = array<i32>} : memref<3x8x1024xf32, #tpu.memory_space<vmem>>, vector<1x1x16xf32>,
        %parallel_loop3A_1100 = vector.shape_cast %parallel_loop3A_1099 : vector<1x1x16xf32> to vector<16xf32>
        %parallel_loop3A_1101 = arith.constant 0 : i32
        %parallel_loop3A_1102 = arith.constant 3 : i32
        %parallel_loop3A_1103 = arith.index_cast %parallel_loop3A_1101 : i32 to index
        %parallel_loop3A_1104 = arith.index_cast %parallel_loop3A_1102 : i32 to index
        %parallel_loop3A_1105 = arith.index_cast %parallel_loop3A_880 : i32 to index
        %parallel_loop3A_1106 = tpu.vector_load %arg7[%parallel_loop3A_1103, %parallel_loop3A_1104, %parallel_loop3A_1105] {strides = array<i32>} : memref<3x32x1024xf32, #tpu.memory_space<vmem>>, vector<1x1x16xf32>,
        %parallel_loop3A_1107 = vector.shape_cast %parallel_loop3A_1106 : vector<1x1x16xf32> to vector<16xf32>
        %parallel_loop3A_1108 = arith.addf %parallel_loop3A_1107, %parallel_loop3A_1100 : vector<16xf32>
        %parallel_loop3A_1109 = arith.constant 0 : i32
        %parallel_loop3A_1110 = arith.constant 3 : i32
        %parallel_loop3A_1111 = arith.index_cast %parallel_loop3A_1109 : i32 to index
        %parallel_loop3A_1112 = arith.index_cast %parallel_loop3A_1110 : i32 to index
        %parallel_loop3A_1113 = arith.index_cast %parallel_loop3A_880 : i32 to index
        %parallel_loop3A_1114 = tpu.vector_load %arg7[%parallel_loop3A_1111, %parallel_loop3A_1112, %parallel_loop3A_1113] {strides = array<i32>} : memref<3x32x1024xf32, #tpu.memory_space<vmem>>, vector<1x1x16xf32>,
        %parallel_loop3A_1115 = vector.shape_cast %parallel_loop3A_1114 : vector<1x1x16xf32> to vector<16xf32>
        %parallel_loop3A_1116 = vector.shape_cast %parallel_loop3A_1108 : vector<16xf32> to vector<1x1x16xf32>
        tpu.vector_store %arg7[%parallel_loop3A_1111, %parallel_loop3A_1112, %parallel_loop3A_1113], %parallel_loop3A_1116 {strides = array<i32>} : memref<3x32x1024xf32, #tpu.memory_space<vmem>>, vector<1x1x16xf32>,
        %parallel_loop3A_1117 = arith.constant 0 : i32
        %parallel_loop3A_1118 = arith.constant 11 : i32
        %parallel_loop3A_1119 = arith.index_cast %parallel_loop3A_1117 : i32 to index
        %parallel_loop3A_1120 = arith.index_cast %parallel_loop3A_1118 : i32 to index
        %parallel_loop3A_1121 = arith.index_cast %parallel_loop3A_880 : i32 to index
        %parallel_loop3A_1122 = tpu.vector_load %arg7[%parallel_loop3A_1119, %parallel_loop3A_1120, %parallel_loop3A_1121] {strides = array<i32>} : memref<3x32x1024xf32, #tpu.memory_space<vmem>>, vector<1x1x16xf32>,
        %parallel_loop3A_1123 = vector.shape_cast %parallel_loop3A_1122 : vector<1x1x16xf32> to vector<16xf32>
        %parallel_loop3A_1124 = arith.addf %parallel_loop3A_1123, %parallel_loop3A_1100 : vector<16xf32>
        %parallel_loop3A_1125 = arith.constant 0 : i32
        %parallel_loop3A_1126 = arith.constant 11 : i32
        %parallel_loop3A_1127 = arith.index_cast %parallel_loop3A_1125 : i32 to index
        %parallel_loop3A_1128 = arith.index_cast %parallel_loop3A_1126 : i32 to index
        %parallel_loop3A_1129 = arith.index_cast %parallel_loop3A_880 : i32 to index
        %parallel_loop3A_1130 = tpu.vector_load %arg7[%parallel_loop3A_1127, %parallel_loop3A_1128, %parallel_loop3A_1129] {strides = array<i32>} : memref<3x32x1024xf32, #tpu.memory_space<vmem>>, vector<1x1x16xf32>,
        %parallel_loop3A_1131 = vector.shape_cast %parallel_loop3A_1130 : vector<1x1x16xf32> to vector<16xf32>
        %parallel_loop3A_1132 = vector.shape_cast %parallel_loop3A_1124 : vector<16xf32> to vector<1x1x16xf32>
        tpu.vector_store %arg7[%parallel_loop3A_1127, %parallel_loop3A_1128, %parallel_loop3A_1129], %parallel_loop3A_1132 {strides = array<i32>} : memref<3x32x1024xf32, #tpu.memory_space<vmem>>, vector<1x1x16xf32>,
        %parallel_loop3A_1133 = arith.constant 0 : i32
        %parallel_loop3A_1134 = arith.constant 19 : i32
        %parallel_loop3A_1135 = arith.index_cast %parallel_loop3A_1133 : i32 to index
        %parallel_loop3A_1136 = arith.index_cast %parallel_loop3A_1134 : i32 to index
        %parallel_loop3A_1137 = arith.index_cast %parallel_loop3A_880 : i32 to index
        %parallel_loop3A_1138 = tpu.vector_load %arg7[%parallel_loop3A_1135, %parallel_loop3A_1136, %parallel_loop3A_1137] {strides = array<i32>} : memref<3x32x1024xf32, #tpu.memory_space<vmem>>, vector<1x1x16xf32>,
        %parallel_loop3A_1139 = vector.shape_cast %parallel_loop3A_1138 : vector<1x1x16xf32> to vector<16xf32>
        %parallel_loop3A_1140 = arith.addf %parallel_loop3A_1139, %parallel_loop3A_1100 : vector<16xf32>
        %parallel_loop3A_1141 = arith.constant 0 : i32
        %parallel_loop3A_1142 = arith.constant 19 : i32
        %parallel_loop3A_1143 = arith.index_cast %parallel_loop3A_1141 : i32 to index
        %parallel_loop3A_1144 = arith.index_cast %parallel_loop3A_1142 : i32 to index
        %parallel_loop3A_1145 = arith.index_cast %parallel_loop3A_880 : i32 to index
        %parallel_loop3A_1146 = tpu.vector_load %arg7[%parallel_loop3A_1143, %parallel_loop3A_1144, %parallel_loop3A_1145] {strides = array<i32>} : memref<3x32x1024xf32, #tpu.memory_space<vmem>>, vector<1x1x16xf32>,
        %parallel_loop3A_1147 = vector.shape_cast %parallel_loop3A_1146 : vector<1x1x16xf32> to vector<16xf32>
        %parallel_loop3A_1148 = vector.shape_cast %parallel_loop3A_1140 : vector<16xf32> to vector<1x1x16xf32>
        tpu.vector_store %arg7[%parallel_loop3A_1143, %parallel_loop3A_1144, %parallel_loop3A_1145], %parallel_loop3A_1148 {strides = array<i32>} : memref<3x32x1024xf32, #tpu.memory_space<vmem>>, vector<1x1x16xf32>,
        %parallel_loop3A_1149 = arith.constant 0 : i32
        %parallel_loop3A_1150 = arith.constant 27 : i32
        %parallel_loop3A_1151 = arith.index_cast %parallel_loop3A_1149 : i32 to index
        %parallel_loop3A_1152 = arith.index_cast %parallel_loop3A_1150 : i32 to index
        %parallel_loop3A_1153 = arith.index_cast %parallel_loop3A_880 : i32 to index
        %parallel_loop3A_1154 = tpu.vector_load %arg7[%parallel_loop3A_1151, %parallel_loop3A_1152, %parallel_loop3A_1153] {strides = array<i32>} : memref<3x32x1024xf32, #tpu.memory_space<vmem>>, vector<1x1x16xf32>,
        %parallel_loop3A_1155 = vector.shape_cast %parallel_loop3A_1154 : vector<1x1x16xf32> to vector<16xf32>
        %parallel_loop3A_1156 = arith.addf %parallel_loop3A_1155, %parallel_loop3A_1100 : vector<16xf32>
        %parallel_loop3A_1157 = arith.constant 0 : i32
        %parallel_loop3A_1158 = arith.constant 27 : i32
        %parallel_loop3A_1159 = arith.index_cast %parallel_loop3A_1157 : i32 to index
        %parallel_loop3A_1160 = arith.index_cast %parallel_loop3A_1158 : i32 to index
        %parallel_loop3A_1161 = arith.index_cast %parallel_loop3A_880 : i32 to index
        %parallel_loop3A_1162 = tpu.vector_load %arg7[%parallel_loop3A_1159, %parallel_loop3A_1160, %parallel_loop3A_1161] {strides = array<i32>} : memref<3x32x1024xf32, #tpu.memory_space<vmem>>, vector<1x1x16xf32>,
        %parallel_loop3A_1163 = vector.shape_cast %parallel_loop3A_1162 : vector<1x1x16xf32> to vector<16xf32>
        %parallel_loop3A_1164 = vector.shape_cast %parallel_loop3A_1156 : vector<16xf32> to vector<1x1x16xf32>
        tpu.vector_store %arg7[%parallel_loop3A_1159, %parallel_loop3A_1160, %parallel_loop3A_1161], %parallel_loop3A_1164 {strides = array<i32>} : memref<3x32x1024xf32, #tpu.memory_space<vmem>>, vector<1x1x16xf32>,
        %parallel_loop3A_1165 = arith.constant 0 : i32
        %parallel_loop3A_1166 = arith.constant 4 : i32
        %parallel_loop3A_1167 = arith.index_cast %parallel_loop3A_1165 : i32 to index
        %parallel_loop3A_1168 = arith.index_cast %parallel_loop3A_1166 : i32 to index
        %parallel_loop3A_1169 = arith.index_cast %parallel_loop3A_880 : i32 to index
        %parallel_loop3A_1170 = tpu.vector_load %arg8[%parallel_loop3A_1167, %parallel_loop3A_1168, %parallel_loop3A_1169] {strides = array<i32>} : memref<3x8x1024xf32, #tpu.memory_space<vmem>>, vector<1x1x16xf32>,
        %parallel_loop3A_1171 = vector.shape_cast %parallel_loop3A_1170 : vector<1x1x16xf32> to vector<16xf32>
        %parallel_loop3A_1172 = arith.constant 0 : i32
        %parallel_loop3A_1173 = arith.constant 4 : i32
        %parallel_loop3A_1174 = arith.index_cast %parallel_loop3A_1172 : i32 to index
        %parallel_loop3A_1175 = arith.index_cast %parallel_loop3A_1173 : i32 to index
        %parallel_loop3A_1176 = arith.index_cast %parallel_loop3A_880 : i32 to index
        %parallel_loop3A_1177 = tpu.vector_load %arg7[%parallel_loop3A_1174, %parallel_loop3A_1175, %parallel_loop3A_1176] {strides = array<i32>} : memref<3x32x1024xf32, #tpu.memory_space<vmem>>, vector<1x1x16xf32>,
        %parallel_loop3A_1178 = vector.shape_cast %parallel_loop3A_1177 : vector<1x1x16xf32> to vector<16xf32>
        %parallel_loop3A_1179 = arith.addf %parallel_loop3A_1178, %parallel_loop3A_1171 : vector<16xf32>
        %parallel_loop3A_1180 = arith.constant 0 : i32
        %parallel_loop3A_1181 = arith.constant 4 : i32
        %parallel_loop3A_1182 = arith.index_cast %parallel_loop3A_1180 : i32 to index
        %parallel_loop3A_1183 = arith.index_cast %parallel_loop3A_1181 : i32 to index
        %parallel_loop3A_1184 = arith.index_cast %parallel_loop3A_880 : i32 to index
        %parallel_loop3A_1185 = tpu.vector_load %arg7[%parallel_loop3A_1182, %parallel_loop3A_1183, %parallel_loop3A_1184] {strides = array<i32>} : memref<3x32x1024xf32, #tpu.memory_space<vmem>>, vector<1x1x16xf32>,
        %parallel_loop3A_1186 = vector.shape_cast %parallel_loop3A_1185 : vector<1x1x16xf32> to vector<16xf32>
        %parallel_loop3A_1187 = vector.shape_cast %parallel_loop3A_1179 : vector<16xf32> to vector<1x1x16xf32>
        tpu.vector_store %arg7[%parallel_loop3A_1182, %parallel_loop3A_1183, %parallel_loop3A_1184], %parallel_loop3A_1187 {strides = array<i32>} : memref<3x32x1024xf32, #tpu.memory_space<vmem>>, vector<1x1x16xf32>,
        %parallel_loop3A_1188 = arith.constant 0 : i32
        %parallel_loop3A_1189 = arith.constant 12 : i32
        %parallel_loop3A_1190 = arith.index_cast %parallel_loop3A_1188 : i32 to index
        %parallel_loop3A_1191 = arith.index_cast %parallel_loop3A_1189 : i32 to index
        %parallel_loop3A_1192 = arith.index_cast %parallel_loop3A_880 : i32 to index
        %parallel_loop3A_1193 = tpu.vector_load %arg7[%parallel_loop3A_1190, %parallel_loop3A_1191, %parallel_loop3A_1192] {strides = array<i32>} : memref<3x32x1024xf32, #tpu.memory_space<vmem>>, vector<1x1x16xf32>,
        %parallel_loop3A_1194 = vector.shape_cast %parallel_loop3A_1193 : vector<1x1x16xf32> to vector<16xf32>
        %parallel_loop3A_1195 = arith.addf %parallel_loop3A_1194, %parallel_loop3A_1171 : vector<16xf32>
        %parallel_loop3A_1196 = arith.constant 0 : i32
        %parallel_loop3A_1197 = arith.constant 12 : i32
        %parallel_loop3A_1198 = arith.index_cast %parallel_loop3A_1196 : i32 to index
        %parallel_loop3A_1199 = arith.index_cast %parallel_loop3A_1197 : i32 to index
        %parallel_loop3A_1200 = arith.index_cast %parallel_loop3A_880 : i32 to index
        %parallel_loop3A_1201 = tpu.vector_load %arg7[%parallel_loop3A_1198, %parallel_loop3A_1199, %parallel_loop3A_1200] {strides = array<i32>} : memref<3x32x1024xf32, #tpu.memory_space<vmem>>, vector<1x1x16xf32>,
        %parallel_loop3A_1202 = vector.shape_cast %parallel_loop3A_1201 : vector<1x1x16xf32> to vector<16xf32>
        %parallel_loop3A_1203 = vector.shape_cast %parallel_loop3A_1195 : vector<16xf32> to vector<1x1x16xf32>
        tpu.vector_store %arg7[%parallel_loop3A_1198, %parallel_loop3A_1199, %parallel_loop3A_1200], %parallel_loop3A_1203 {strides = array<i32>} : memref<3x32x1024xf32, #tpu.memory_space<vmem>>, vector<1x1x16xf32>,
        %parallel_loop3A_1204 = arith.constant 0 : i32
        %parallel_loop3A_1205 = arith.constant 20 : i32
        %parallel_loop3A_1206 = arith.index_cast %parallel_loop3A_1204 : i32 to index
        %parallel_loop3A_1207 = arith.index_cast %parallel_loop3A_1205 : i32 to index
        %parallel_loop3A_1208 = arith.index_cast %parallel_loop3A_880 : i32 to index
        %parallel_loop3A_1209 = tpu.vector_load %arg7[%parallel_loop3A_1206, %parallel_loop3A_1207, %parallel_loop3A_1208] {strides = array<i32>} : memref<3x32x1024xf32, #tpu.memory_space<vmem>>, vector<1x1x16xf32>,
        %parallel_loop3A_1210 = vector.shape_cast %parallel_loop3A_1209 : vector<1x1x16xf32> to vector<16xf32>
        %parallel_loop3A_1211 = arith.addf %parallel_loop3A_1210, %parallel_loop3A_1171 : vector<16xf32>
        %parallel_loop3A_1212 = arith.constant 0 : i32
        %parallel_loop3A_1213 = arith.constant 20 : i32
        %parallel_loop3A_1214 = arith.index_cast %parallel_loop3A_1212 : i32 to index
        %parallel_loop3A_1215 = arith.index_cast %parallel_loop3A_1213 : i32 to index
        %parallel_loop3A_1216 = arith.index_cast %parallel_loop3A_880 : i32 to index
        %parallel_loop3A_1217 = tpu.vector_load %arg7[%parallel_loop3A_1214, %parallel_loop3A_1215, %parallel_loop3A_1216] {strides = array<i32>} : memref<3x32x1024xf32, #tpu.memory_space<vmem>>, vector<1x1x16xf32>,
        %parallel_loop3A_1218 = vector.shape_cast %parallel_loop3A_1217 : vector<1x1x16xf32> to vector<16xf32>
        %parallel_loop3A_1219 = vector.shape_cast %parallel_loop3A_1211 : vector<16xf32> to vector<1x1x16xf32>
        tpu.vector_store %arg7[%parallel_loop3A_1214, %parallel_loop3A_1215, %parallel_loop3A_1216], %parallel_loop3A_1219 {strides = array<i32>} : memref<3x32x1024xf32, #tpu.memory_space<vmem>>, vector<1x1x16xf32>,
        %parallel_loop3A_1220 = arith.constant 0 : i32
        %parallel_loop3A_1221 = arith.constant 28 : i32
        %parallel_loop3A_1222 = arith.index_cast %parallel_loop3A_1220 : i32 to index
        %parallel_loop3A_1223 = arith.index_cast %parallel_loop3A_1221 : i32 to index
        %parallel_loop3A_1224 = arith.index_cast %parallel_loop3A_880 : i32 to index
        %parallel_loop3A_1225 = tpu.vector_load %arg7[%parallel_loop3A_1222, %parallel_loop3A_1223, %parallel_loop3A_1224] {strides = array<i32>} : memref<3x32x1024xf32, #tpu.memory_space<vmem>>, vector<1x1x16xf32>,
        %parallel_loop3A_1226 = vector.shape_cast %parallel_loop3A_1225 : vector<1x1x16xf32> to vector<16xf32>
        %parallel_loop3A_1227 = arith.addf %parallel_loop3A_1226, %parallel_loop3A_1171 : vector<16xf32>
        %parallel_loop3A_1228 = arith.constant 0 : i32
        %parallel_loop3A_1229 = arith.constant 28 : i32
        %parallel_loop3A_1230 = arith.index_cast %parallel_loop3A_1228 : i32 to index
        %parallel_loop3A_1231 = arith.index_cast %parallel_loop3A_1229 : i32 to index
        %parallel_loop3A_1232 = arith.index_cast %parallel_loop3A_880 : i32 to index
        %parallel_loop3A_1233 = tpu.vector_load %arg7[%parallel_loop3A_1230, %parallel_loop3A_1231, %parallel_loop3A_1232] {strides = array<i32>} : memref<3x32x1024xf32, #tpu.memory_space<vmem>>, vector<1x1x16xf32>,
        %parallel_loop3A_1234 = vector.shape_cast %parallel_loop3A_1233 : vector<1x1x16xf32> to vector<16xf32>
        %parallel_loop3A_1235 = vector.shape_cast %parallel_loop3A_1227 : vector<16xf32> to vector<1x1x16xf32>
        tpu.vector_store %arg7[%parallel_loop3A_1230, %parallel_loop3A_1231, %parallel_loop3A_1232], %parallel_loop3A_1235 {strides = array<i32>} : memref<3x32x1024xf32, #tpu.memory_space<vmem>>, vector<1x1x16xf32>,
        %parallel_loop3A_1236 = arith.constant 0 : i32
        %parallel_loop3A_1237 = arith.constant 5 : i32
        %parallel_loop3A_1238 = arith.index_cast %parallel_loop3A_1236 : i32 to index
        %parallel_loop3A_1239 = arith.index_cast %parallel_loop3A_1237 : i32 to index
        %parallel_loop3A_1240 = arith.index_cast %parallel_loop3A_880 : i32 to index
        %parallel_loop3A_1241 = tpu.vector_load %arg8[%parallel_loop3A_1238, %parallel_loop3A_1239, %parallel_loop3A_1240] {strides = array<i32>} : memref<3x8x1024xf32, #tpu.memory_space<vmem>>, vector<1x1x16xf32>,
        %parallel_loop3A_1242 = vector.shape_cast %parallel_loop3A_1241 : vector<1x1x16xf32> to vector<16xf32>
        %parallel_loop3A_1243 = arith.constant 0 : i32
        %parallel_loop3A_1244 = arith.constant 5 : i32
        %parallel_loop3A_1245 = arith.index_cast %parallel_loop3A_1243 : i32 to index
        %parallel_loop3A_1246 = arith.index_cast %parallel_loop3A_1244 : i32 to index
        %parallel_loop3A_1247 = arith.index_cast %parallel_loop3A_880 : i32 to index
        %parallel_loop3A_1248 = tpu.vector_load %arg7[%parallel_loop3A_1245, %parallel_loop3A_1246, %parallel_loop3A_1247] {strides = array<i32>} : memref<3x32x1024xf32, #tpu.memory_space<vmem>>, vector<1x1x16xf32>,
        %parallel_loop3A_1249 = vector.shape_cast %parallel_loop3A_1248 : vector<1x1x16xf32> to vector<16xf32>
        %parallel_loop3A_1250 = arith.addf %parallel_loop3A_1249, %parallel_loop3A_1242 : vector<16xf32>
        %parallel_loop3A_1251 = arith.constant 0 : i32
        %parallel_loop3A_1252 = arith.constant 5 : i32
        %parallel_loop3A_1253 = arith.index_cast %parallel_loop3A_1251 : i32 to index
        %parallel_loop3A_1254 = arith.index_cast %parallel_loop3A_1252 : i32 to index
        %parallel_loop3A_1255 = arith.index_cast %parallel_loop3A_880 : i32 to index
        %parallel_loop3A_1256 = tpu.vector_load %arg7[%parallel_loop3A_1253, %parallel_loop3A_1254, %parallel_loop3A_1255] {strides = array<i32>} : memref<3x32x1024xf32, #tpu.memory_space<vmem>>, vector<1x1x16xf32>,
        %parallel_loop3A_1257 = vector.shape_cast %parallel_loop3A_1256 : vector<1x1x16xf32> to vector<16xf32>
        %parallel_loop3A_1258 = vector.shape_cast %parallel_loop3A_1250 : vector<16xf32> to vector<1x1x16xf32>
        tpu.vector_store %arg7[%parallel_loop3A_1253, %parallel_loop3A_1254, %parallel_loop3A_1255], %parallel_loop3A_1258 {strides = array<i32>} : memref<3x32x1024xf32, #tpu.memory_space<vmem>>, vector<1x1x16xf32>,
        %parallel_loop3A_1259 = arith.constant 0 : i32
        %parallel_loop3A_1260 = arith.constant 13 : i32
        %parallel_loop3A_1261 = arith.index_cast %parallel_loop3A_1259 : i32 to index
        %parallel_loop3A_1262 = arith.index_cast %parallel_loop3A_1260 : i32 to index
        %parallel_loop3A_1263 = arith.index_cast %parallel_loop3A_880 : i32 to index
        %parallel_loop3A_1264 = tpu.vector_load %arg7[%parallel_loop3A_1261, %parallel_loop3A_1262, %parallel_loop3A_1263] {strides = array<i32>} : memref<3x32x1024xf32, #tpu.memory_space<vmem>>, vector<1x1x16xf32>,
        %parallel_loop3A_1265 = vector.shape_cast %parallel_loop3A_1264 : vector<1x1x16xf32> to vector<16xf32>
        %parallel_loop3A_1266 = arith.addf %parallel_loop3A_1265, %parallel_loop3A_1242 : vector<16xf32>
        %parallel_loop3A_1267 = arith.constant 0 : i32
        %parallel_loop3A_1268 = arith.constant 13 : i32
        %parallel_loop3A_1269 = arith.index_cast %parallel_loop3A_1267 : i32 to index
        %parallel_loop3A_1270 = arith.index_cast %parallel_loop3A_1268 : i32 to index
        %parallel_loop3A_1271 = arith.index_cast %parallel_loop3A_880 : i32 to index
        %parallel_loop3A_1272 = tpu.vector_load %arg7[%parallel_loop3A_1269, %parallel_loop3A_1270, %parallel_loop3A_1271] {strides = array<i32>} : memref<3x32x1024xf32, #tpu.memory_space<vmem>>, vector<1x1x16xf32>,
        %parallel_loop3A_1273 = vector.shape_cast %parallel_loop3A_1272 : vector<1x1x16xf32> to vector<16xf32>
        %parallel_loop3A_1274 = vector.shape_cast %parallel_loop3A_1266 : vector<16xf32> to vector<1x1x16xf32>
        tpu.vector_store %arg7[%parallel_loop3A_1269, %parallel_loop3A_1270, %parallel_loop3A_1271], %parallel_loop3A_1274 {strides = array<i32>} : memref<3x32x1024xf32, #tpu.memory_space<vmem>>, vector<1x1x16xf32>,
        %parallel_loop3A_1275 = arith.constant 0 : i32
        %parallel_loop3A_1276 = arith.constant 21 : i32
        %parallel_loop3A_1277 = arith.index_cast %parallel_loop3A_1275 : i32 to index
        %parallel_loop3A_1278 = arith.index_cast %parallel_loop3A_1276 : i32 to index
        %parallel_loop3A_1279 = arith.index_cast %parallel_loop3A_880 : i32 to index
        %parallel_loop3A_1280 = tpu.vector_load %arg7[%parallel_loop3A_1277, %parallel_loop3A_1278, %parallel_loop3A_1279] {strides = array<i32>} : memref<3x32x1024xf32, #tpu.memory_space<vmem>>, vector<1x1x16xf32>,
        %parallel_loop3A_1281 = vector.shape_cast %parallel_loop3A_1280 : vector<1x1x16xf32> to vector<16xf32>
        %parallel_loop3A_1282 = arith.addf %parallel_loop3A_1281, %parallel_loop3A_1242 : vector<16xf32>
        %parallel_loop3A_1283 = arith.constant 0 : i32
        %parallel_loop3A_1284 = arith.constant 21 : i32
        %parallel_loop3A_1285 = arith.index_cast %parallel_loop3A_1283 : i32 to index
        %parallel_loop3A_1286 = arith.index_cast %parallel_loop3A_1284 : i32 to index
        %parallel_loop3A_1287 = arith.index_cast %parallel_loop3A_880 : i32 to index
        %parallel_loop3A_1288 = tpu.vector_load %arg7[%parallel_loop3A_1285, %parallel_loop3A_1286, %parallel_loop3A_1287] {strides = array<i32>} : memref<3x32x1024xf32, #tpu.memory_space<vmem>>, vector<1x1x16xf32>,
        %parallel_loop3A_1289 = vector.shape_cast %parallel_loop3A_1288 : vector<1x1x16xf32> to vector<16xf32>
        %parallel_loop3A_1290 = vector.shape_cast %parallel_loop3A_1282 : vector<16xf32> to vector<1x1x16xf32>
        tpu.vector_store %arg7[%parallel_loop3A_1285, %parallel_loop3A_1286, %parallel_loop3A_1287], %parallel_loop3A_1290 {strides = array<i32>} : memref<3x32x1024xf32, #tpu.memory_space<vmem>>, vector<1x1x16xf32>,
        %parallel_loop3A_1291 = arith.constant 0 : i32
        %parallel_loop3A_1292 = arith.constant 29 : i32
        %parallel_loop3A_1293 = arith.index_cast %parallel_loop3A_1291 : i32 to index
        %parallel_loop3A_1294 = arith.index_cast %parallel_loop3A_1292 : i32 to index
        %parallel_loop3A_1295 = arith.index_cast %parallel_loop3A_880 : i32 to index
        %parallel_loop3A_1296 = tpu.vector_load %arg7[%parallel_loop3A_1293, %parallel_loop3A_1294, %parallel_loop3A_1295] {strides = array<i32>} : memref<3x32x1024xf32, #tpu.memory_space<vmem>>, vector<1x1x16xf32>,
        %parallel_loop3A_1297 = vector.shape_cast %parallel_loop3A_1296 : vector<1x1x16xf32> to vector<16xf32>
        %parallel_loop3A_1298 = arith.addf %parallel_loop3A_1297, %parallel_loop3A_1242 : vector<16xf32>
        %parallel_loop3A_1299 = arith.constant 0 : i32
        %parallel_loop3A_1300 = arith.constant 29 : i32
        %parallel_loop3A_1301 = arith.index_cast %parallel_loop3A_1299 : i32 to index
        %parallel_loop3A_1302 = arith.index_cast %parallel_loop3A_1300 : i32 to index
        %parallel_loop3A_1303 = arith.index_cast %parallel_loop3A_880 : i32 to index
        %parallel_loop3A_1304 = tpu.vector_load %arg7[%parallel_loop3A_1301, %parallel_loop3A_1302, %parallel_loop3A_1303] {strides = array<i32>} : memref<3x32x1024xf32, #tpu.memory_space<vmem>>, vector<1x1x16xf32>,
        %parallel_loop3A_1305 = vector.shape_cast %parallel_loop3A_1304 : vector<1x1x16xf32> to vector<16xf32>
        %parallel_loop3A_1306 = vector.shape_cast %parallel_loop3A_1298 : vector<16xf32> to vector<1x1x16xf32>
        tpu.vector_store %arg7[%parallel_loop3A_1301, %parallel_loop3A_1302, %parallel_loop3A_1303], %parallel_loop3A_1306 {strides = array<i32>} : memref<3x32x1024xf32, #tpu.memory_space<vmem>>, vector<1x1x16xf32>,
        %parallel_loop3A_1307 = arith.constant 0 : i32
        %parallel_loop3A_1308 = arith.constant 6 : i32
        %parallel_loop3A_1309 = arith.index_cast %parallel_loop3A_1307 : i32 to index
        %parallel_loop3A_1310 = arith.index_cast %parallel_loop3A_1308 : i32 to index
        %parallel_loop3A_1311 = arith.index_cast %parallel_loop3A_880 : i32 to index
        %parallel_loop3A_1312 = tpu.vector_load %arg8[%parallel_loop3A_1309, %parallel_loop3A_1310, %parallel_loop3A_1311] {strides = array<i32>} : memref<3x8x1024xf32, #tpu.memory_space<vmem>>, vector<1x1x16xf32>,
        %parallel_loop3A_1313 = vector.shape_cast %parallel_loop3A_1312 : vector<1x1x16xf32> to vector<16xf32>
        %parallel_loop3A_1314 = arith.constant 0 : i32
        %parallel_loop3A_1315 = arith.constant 6 : i32
        %parallel_loop3A_1316 = arith.index_cast %parallel_loop3A_1314 : i32 to index
        %parallel_loop3A_1317 = arith.index_cast %parallel_loop3A_1315 : i32 to index
        %parallel_loop3A_1318 = arith.index_cast %parallel_loop3A_880 : i32 to index
        %parallel_loop3A_1319 = tpu.vector_load %arg7[%parallel_loop3A_1316, %parallel_loop3A_1317, %parallel_loop3A_1318] {strides = array<i32>} : memref<3x32x1024xf32, #tpu.memory_space<vmem>>, vector<1x1x16xf32>,
        %parallel_loop3A_1320 = vector.shape_cast %parallel_loop3A_1319 : vector<1x1x16xf32> to vector<16xf32>
        %parallel_loop3A_1321 = arith.addf %parallel_loop3A_1320, %parallel_loop3A_1313 : vector<16xf32>
        %parallel_loop3A_1322 = arith.constant 0 : i32
        %parallel_loop3A_1323 = arith.constant 6 : i32
        %parallel_loop3A_1324 = arith.index_cast %parallel_loop3A_1322 : i32 to index
        %parallel_loop3A_1325 = arith.index_cast %parallel_loop3A_1323 : i32 to index
        %parallel_loop3A_1326 = arith.index_cast %parallel_loop3A_880 : i32 to index
        %parallel_loop3A_1327 = tpu.vector_load %arg7[%parallel_loop3A_1324, %parallel_loop3A_1325, %parallel_loop3A_1326] {strides = array<i32>} : memref<3x32x1024xf32, #tpu.memory_space<vmem>>, vector<1x1x16xf32>,
        %parallel_loop3A_1328 = vector.shape_cast %parallel_loop3A_1327 : vector<1x1x16xf32> to vector<16xf32>
        %parallel_loop3A_1329 = vector.shape_cast %parallel_loop3A_1321 : vector<16xf32> to vector<1x1x16xf32>
        tpu.vector_store %arg7[%parallel_loop3A_1324, %parallel_loop3A_1325, %parallel_loop3A_1326], %parallel_loop3A_1329 {strides = array<i32>} : memref<3x32x1024xf32, #tpu.memory_space<vmem>>, vector<1x1x16xf32>,
        %parallel_loop3A_1330 = arith.constant 0 : i32
        %parallel_loop3A_1331 = arith.constant 14 : i32
        %parallel_loop3A_1332 = arith.index_cast %parallel_loop3A_1330 : i32 to index
        %parallel_loop3A_1333 = arith.index_cast %parallel_loop3A_1331 : i32 to index
        %parallel_loop3A_1334 = arith.index_cast %parallel_loop3A_880 : i32 to index
        %parallel_loop3A_1335 = tpu.vector_load %arg7[%parallel_loop3A_1332, %parallel_loop3A_1333, %parallel_loop3A_1334] {strides = array<i32>} : memref<3x32x1024xf32, #tpu.memory_space<vmem>>, vector<1x1x16xf32>,
        %parallel_loop3A_1336 = vector.shape_cast %parallel_loop3A_1335 : vector<1x1x16xf32> to vector<16xf32>
        %parallel_loop3A_1337 = arith.addf %parallel_loop3A_1336, %parallel_loop3A_1313 : vector<16xf32>
        %parallel_loop3A_1338 = arith.constant 0 : i32
        %parallel_loop3A_1339 = arith.constant 14 : i32
        %parallel_loop3A_1340 = arith.index_cast %parallel_loop3A_1338 : i32 to index
        %parallel_loop3A_1341 = arith.index_cast %parallel_loop3A_1339 : i32 to index
        %parallel_loop3A_1342 = arith.index_cast %parallel_loop3A_880 : i32 to index
        %parallel_loop3A_1343 = tpu.vector_load %arg7[%parallel_loop3A_1340, %parallel_loop3A_1341, %parallel_loop3A_1342] {strides = array<i32>} : memref<3x32x1024xf32, #tpu.memory_space<vmem>>, vector<1x1x16xf32>,
        %parallel_loop3A_1344 = vector.shape_cast %parallel_loop3A_1343 : vector<1x1x16xf32> to vector<16xf32>
        %parallel_loop3A_1345 = vector.shape_cast %parallel_loop3A_1337 : vector<16xf32> to vector<1x1x16xf32>
        tpu.vector_store %arg7[%parallel_loop3A_1340, %parallel_loop3A_1341, %parallel_loop3A_1342], %parallel_loop3A_1345 {strides = array<i32>} : memref<3x32x1024xf32, #tpu.memory_space<vmem>>, vector<1x1x16xf32>,
        %parallel_loop3A_1346 = arith.constant 0 : i32
        %parallel_loop3A_1347 = arith.constant 22 : i32
        %parallel_loop3A_1348 = arith.index_cast %parallel_loop3A_1346 : i32 to index
        %parallel_loop3A_1349 = arith.index_cast %parallel_loop3A_1347 : i32 to index
        %parallel_loop3A_1350 = arith.index_cast %parallel_loop3A_880 : i32 to index
        %parallel_loop3A_1351 = tpu.vector_load %arg7[%parallel_loop3A_1348, %parallel_loop3A_1349, %parallel_loop3A_1350] {strides = array<i32>} : memref<3x32x1024xf32, #tpu.memory_space<vmem>>, vector<1x1x16xf32>,
        %parallel_loop3A_1352 = vector.shape_cast %parallel_loop3A_1351 : vector<1x1x16xf32> to vector<16xf32>
        %parallel_loop3A_1353 = arith.addf %parallel_loop3A_1352, %parallel_loop3A_1313 : vector<16xf32>
        %parallel_loop3A_1354 = arith.constant 0 : i32
        %parallel_loop3A_1355 = arith.constant 22 : i32
        %parallel_loop3A_1356 = arith.index_cast %parallel_loop3A_1354 : i32 to index
        %parallel_loop3A_1357 = arith.index_cast %parallel_loop3A_1355 : i32 to index
        %parallel_loop3A_1358 = arith.index_cast %parallel_loop3A_880 : i32 to index
        %parallel_loop3A_1359 = tpu.vector_load %arg7[%parallel_loop3A_1356, %parallel_loop3A_1357, %parallel_loop3A_1358] {strides = array<i32>} : memref<3x32x1024xf32, #tpu.memory_space<vmem>>, vector<1x1x16xf32>,
        %parallel_loop3A_1360 = vector.shape_cast %parallel_loop3A_1359 : vector<1x1x16xf32> to vector<16xf32>
        %parallel_loop3A_1361 = vector.shape_cast %parallel_loop3A_1353 : vector<16xf32> to vector<1x1x16xf32>
        tpu.vector_store %arg7[%parallel_loop3A_1356, %parallel_loop3A_1357, %parallel_loop3A_1358], %parallel_loop3A_1361 {strides = array<i32>} : memref<3x32x1024xf32, #tpu.memory_space<vmem>>, vector<1x1x16xf32>,
        %parallel_loop3A_1362 = arith.constant 0 : i32
        %parallel_loop3A_1363 = arith.constant 30 : i32
        %parallel_loop3A_1364 = arith.index_cast %parallel_loop3A_1362 : i32 to index
        %parallel_loop3A_1365 = arith.index_cast %parallel_loop3A_1363 : i32 to index
        %parallel_loop3A_1366 = arith.index_cast %parallel_loop3A_880 : i32 to index
        %parallel_loop3A_1367 = tpu.vector_load %arg7[%parallel_loop3A_1364, %parallel_loop3A_1365, %parallel_loop3A_1366] {strides = array<i32>} : memref<3x32x1024xf32, #tpu.memory_space<vmem>>, vector<1x1x16xf32>,
        %parallel_loop3A_1368 = vector.shape_cast %parallel_loop3A_1367 : vector<1x1x16xf32> to vector<16xf32>
        %parallel_loop3A_1369 = arith.addf %parallel_loop3A_1368, %parallel_loop3A_1313 : vector<16xf32>
        %parallel_loop3A_1370 = arith.constant 0 : i32
        %parallel_loop3A_1371 = arith.constant 30 : i32
        %parallel_loop3A_1372 = arith.index_cast %parallel_loop3A_1370 : i32 to index
        %parallel_loop3A_1373 = arith.index_cast %parallel_loop3A_1371 : i32 to index
        %parallel_loop3A_1374 = arith.index_cast %parallel_loop3A_880 : i32 to index
        %parallel_loop3A_1375 = tpu.vector_load %arg7[%parallel_loop3A_1372, %parallel_loop3A_1373, %parallel_loop3A_1374] {strides = array<i32>} : memref<3x32x1024xf32, #tpu.memory_space<vmem>>, vector<1x1x16xf32>,
        %parallel_loop3A_1376 = vector.shape_cast %parallel_loop3A_1375 : vector<1x1x16xf32> to vector<16xf32>
        %parallel_loop3A_1377 = vector.shape_cast %parallel_loop3A_1369 : vector<16xf32> to vector<1x1x16xf32>
        tpu.vector_store %arg7[%parallel_loop3A_1372, %parallel_loop3A_1373, %parallel_loop3A_1374], %parallel_loop3A_1377 {strides = array<i32>} : memref<3x32x1024xf32, #tpu.memory_space<vmem>>, vector<1x1x16xf32>,
        %parallel_loop3A_1378 = arith.constant 0 : i32
        %parallel_loop3A_1379 = arith.constant 7 : i32
        %parallel_loop3A_1380 = arith.index_cast %parallel_loop3A_1378 : i32 to index
        %parallel_loop3A_1381 = arith.index_cast %parallel_loop3A_1379 : i32 to index
        %parallel_loop3A_1382 = arith.index_cast %parallel_loop3A_880 : i32 to index
        %parallel_loop3A_1383 = tpu.vector_load %arg8[%parallel_loop3A_1380, %parallel_loop3A_1381, %parallel_loop3A_1382] {strides = array<i32>} : memref<3x8x1024xf32, #tpu.memory_space<vmem>>, vector<1x1x16xf32>,
        %parallel_loop3A_1384 = vector.shape_cast %parallel_loop3A_1383 : vector<1x1x16xf32> to vector<16xf32>
        %parallel_loop3A_1385 = arith.constant 0 : i32
        %parallel_loop3A_1386 = arith.constant 7 : i32
        %parallel_loop3A_1387 = arith.index_cast %parallel_loop3A_1385 : i32 to index
        %parallel_loop3A_1388 = arith.index_cast %parallel_loop3A_1386 : i32 to index
        %parallel_loop3A_1389 = arith.index_cast %parallel_loop3A_880 : i32 to index
        %parallel_loop3A_1390 = tpu.vector_load %arg7[%parallel_loop3A_1387, %parallel_loop3A_1388, %parallel_loop3A_1389] {strides = array<i32>} : memref<3x32x1024xf32, #tpu.memory_space<vmem>>, vector<1x1x16xf32>,
        %parallel_loop3A_1391 = vector.shape_cast %parallel_loop3A_1390 : vector<1x1x16xf32> to vector<16xf32>
        %parallel_loop3A_1392 = arith.addf %parallel_loop3A_1391, %parallel_loop3A_1384 : vector<16xf32>
        %parallel_loop3A_1393 = arith.constant 0 : i32
        %parallel_loop3A_1394 = arith.constant 7 : i32
        %parallel_loop3A_1395 = arith.index_cast %parallel_loop3A_1393 : i32 to index
        %parallel_loop3A_1396 = arith.index_cast %parallel_loop3A_1394 : i32 to index
        %parallel_loop3A_1397 = arith.index_cast %parallel_loop3A_880 : i32 to index
        %parallel_loop3A_1398 = tpu.vector_load %arg7[%parallel_loop3A_1395, %parallel_loop3A_1396, %parallel_loop3A_1397] {strides = array<i32>} : memref<3x32x1024xf32, #tpu.memory_space<vmem>>, vector<1x1x16xf32>,
        %parallel_loop3A_1399 = vector.shape_cast %parallel_loop3A_1398 : vector<1x1x16xf32> to vector<16xf32>
        %parallel_loop3A_1400 = vector.shape_cast %parallel_loop3A_1392 : vector<16xf32> to vector<1x1x16xf32>
        tpu.vector_store %arg7[%parallel_loop3A_1395, %parallel_loop3A_1396, %parallel_loop3A_1397], %parallel_loop3A_1400 {strides = array<i32>} : memref<3x32x1024xf32, #tpu.memory_space<vmem>>, vector<1x1x16xf32>,
        %parallel_loop3A_1401 = arith.constant 0 : i32
        %parallel_loop3A_1402 = arith.constant 15 : i32
        %parallel_loop3A_1403 = arith.index_cast %parallel_loop3A_1401 : i32 to index
        %parallel_loop3A_1404 = arith.index_cast %parallel_loop3A_1402 : i32 to index
        %parallel_loop3A_1405 = arith.index_cast %parallel_loop3A_880 : i32 to index
        %parallel_loop3A_1406 = tpu.vector_load %arg7[%parallel_loop3A_1403, %parallel_loop3A_1404, %parallel_loop3A_1405] {strides = array<i32>} : memref<3x32x1024xf32, #tpu.memory_space<vmem>>, vector<1x1x16xf32>,
        %parallel_loop3A_1407 = vector.shape_cast %parallel_loop3A_1406 : vector<1x1x16xf32> to vector<16xf32>
        %parallel_loop3A_1408 = arith.addf %parallel_loop3A_1407, %parallel_loop3A_1384 : vector<16xf32>
        %parallel_loop3A_1409 = arith.constant 0 : i32
        %parallel_loop3A_1410 = arith.constant 15 : i32
        %parallel_loop3A_1411 = arith.index_cast %parallel_loop3A_1409 : i32 to index
        %parallel_loop3A_1412 = arith.index_cast %parallel_loop3A_1410 : i32 to index
        %parallel_loop3A_1413 = arith.index_cast %parallel_loop3A_880 : i32 to index
        %parallel_loop3A_1414 = tpu.vector_load %arg7[%parallel_loop3A_1411, %parallel_loop3A_1412, %parallel_loop3A_1413] {strides = array<i32>} : memref<3x32x1024xf32, #tpu.memory_space<vmem>>, vector<1x1x16xf32>,
        %parallel_loop3A_1415 = vector.shape_cast %parallel_loop3A_1414 : vector<1x1x16xf32> to vector<16xf32>
        %parallel_loop3A_1416 = vector.shape_cast %parallel_loop3A_1408 : vector<16xf32> to vector<1x1x16xf32>
        tpu.vector_store %arg7[%parallel_loop3A_1411, %parallel_loop3A_1412, %parallel_loop3A_1413], %parallel_loop3A_1416 {strides = array<i32>} : memref<3x32x1024xf32, #tpu.memory_space<vmem>>, vector<1x1x16xf32>,
        %parallel_loop3A_1417 = arith.constant 0 : i32
        %parallel_loop3A_1418 = arith.constant 23 : i32
        %parallel_loop3A_1419 = arith.index_cast %parallel_loop3A_1417 : i32 to index
        %parallel_loop3A_1420 = arith.index_cast %parallel_loop3A_1418 : i32 to index
        %parallel_loop3A_1421 = arith.index_cast %parallel_loop3A_880 : i32 to index
        %parallel_loop3A_1422 = tpu.vector_load %arg7[%parallel_loop3A_1419, %parallel_loop3A_1420, %parallel_loop3A_1421] {strides = array<i32>} : memref<3x32x1024xf32, #tpu.memory_space<vmem>>, vector<1x1x16xf32>,
        %parallel_loop3A_1423 = vector.shape_cast %parallel_loop3A_1422 : vector<1x1x16xf32> to vector<16xf32>
        %parallel_loop3A_1424 = arith.addf %parallel_loop3A_1423, %parallel_loop3A_1384 : vector<16xf32>
        %parallel_loop3A_1425 = arith.constant 0 : i32
        %parallel_loop3A_1426 = arith.constant 23 : i32
        %parallel_loop3A_1427 = arith.index_cast %parallel_loop3A_1425 : i32 to index
        %parallel_loop3A_1428 = arith.index_cast %parallel_loop3A_1426 : i32 to index
        %parallel_loop3A_1429 = arith.index_cast %parallel_loop3A_880 : i32 to index
        %parallel_loop3A_1430 = tpu.vector_load %arg7[%parallel_loop3A_1427, %parallel_loop3A_1428, %parallel_loop3A_1429] {strides = array<i32>} : memref<3x32x1024xf32, #tpu.memory_space<vmem>>, vector<1x1x16xf32>,
        %parallel_loop3A_1431 = vector.shape_cast %parallel_loop3A_1430 : vector<1x1x16xf32> to vector<16xf32>
        %parallel_loop3A_1432 = vector.shape_cast %parallel_loop3A_1424 : vector<16xf32> to vector<1x1x16xf32>
        tpu.vector_store %arg7[%parallel_loop3A_1427, %parallel_loop3A_1428, %parallel_loop3A_1429], %parallel_loop3A_1432 {strides = array<i32>} : memref<3x32x1024xf32, #tpu.memory_space<vmem>>, vector<1x1x16xf32>,
        %parallel_loop3A_1433 = arith.constant 0 : i32
        %parallel_loop3A_1434 = arith.constant 31 : i32
        %parallel_loop3A_1435 = arith.index_cast %parallel_loop3A_1433 : i32 to index
        %parallel_loop3A_1436 = arith.index_cast %parallel_loop3A_1434 : i32 to index
        %parallel_loop3A_1437 = arith.index_cast %parallel_loop3A_880 : i32 to index
        %parallel_loop3A_1438 = tpu.vector_load %arg7[%parallel_loop3A_1435, %parallel_loop3A_1436, %parallel_loop3A_1437] {strides = array<i32>} : memref<3x32x1024xf32, #tpu.memory_space<vmem>>, vector<1x1x16xf32>,
        %parallel_loop3A_1439 = vector.shape_cast %parallel_loop3A_1438 : vector<1x1x16xf32> to vector<16xf32>
        %parallel_loop3A_1440 = arith.addf %parallel_loop3A_1439, %parallel_loop3A_1384 : vector<16xf32>
        %parallel_loop3A_1441 = arith.constant 0 : i32
        %parallel_loop3A_1442 = arith.constant 31 : i32
        %parallel_loop3A_1443 = arith.index_cast %parallel_loop3A_1441 : i32 to index
        %parallel_loop3A_1444 = arith.index_cast %parallel_loop3A_1442 : i32 to index
        %parallel_loop3A_1445 = arith.index_cast %parallel_loop3A_880 : i32 to index
        %parallel_loop3A_1446 = tpu.vector_load %arg7[%parallel_loop3A_1443, %parallel_loop3A_1444, %parallel_loop3A_1445] {strides = array<i32>} : memref<3x32x1024xf32, #tpu.memory_space<vmem>>, vector<1x1x16xf32>,
        %parallel_loop3A_1447 = vector.shape_cast %parallel_loop3A_1446 : vector<1x1x16xf32> to vector<16xf32>
        %parallel_loop3A_1448 = vector.shape_cast %parallel_loop3A_1440 : vector<16xf32> to vector<1x1x16xf32>
        tpu.vector_store %arg7[%parallel_loop3A_1443, %parallel_loop3A_1444, %parallel_loop3A_1445], %parallel_loop3A_1448 {strides = array<i32>} : memref<3x32x1024xf32, #tpu.memory_space<vmem>>, vector<1x1x16xf32>,
      } {sc.loop_unroll_factor = 1 : i64, sc.parallel_access}
      %add3A_570 = arith.constant 0 : i32
      %add3A_571 = arith.addi %add3A_570, %mul3A_2 : i32
      %mul3A_572 = arith.constant 8 : i32
      %mul3A_573 = arith.muli %add3A_531, %mul3A_572 : i32
      %add3A_574 = arith.addi %add3A_571, %mul3A_573 : i32
      %dma_start3A_575 = arith.constant 0 : i32
      %dma_start3A_576 = arith.constant 0 : i32
      %dma_start3A_577 = arith.constant 0 : i32
      %dma_start3A_578 = tpu.memref_slice %arg7[%dma_start3A_575, %dma_start3A_576, %dma_start3A_577] : memref<3x32x1024xf32, #tpu.memory_space<vmem>> -> memref<1x8x1024xf32, #tpu.memory_space<vmem>>
      %dma_start3A_579 = tpu.memref_squeeze %dma_start3A_578 : memref<1x8x1024xf32, #tpu.memory_space<vmem>> -> memref<8x1024xf32, #tpu.memory_space<vmem>>
      %dma_start3A_580 = arith.constant 0 : i32
      %dma_start3A_581 = tpu.memref_slice %arg5[%add3A_574, %dma_start3A_580] : memref<32768x1024xf32, #tpu.memory_space<hbm>> -> memref<8x1024xf32, #tpu.memory_space<hbm>>
      %dma_start3A_582 = arith.constant 0 : i32
      %dma_start3A_583 = tpu.memref_slice %arg5[%add3A_574, %dma_start3A_582] : memref<32768x1024xf32, #tpu.memory_space<hbm>> -> memref<8x1024xf32, #tpu.memory_space<hbm>>
      %dma_start3A_584 = arith.constant 0 : i32
      %dma_start3A_585 = arith.constant 0 : i32
      %dma_start3A_586 = tpu.memref_slice %arg7[%dma_start3A_575, %dma_start3A_584, %dma_start3A_585] : memref<3x32x1024xf32, #tpu.memory_space<vmem>> -> memref<1x8x1024xf32, #tpu.memory_space<vmem>>
      %dma_start3A_587 = tpu.memref_squeeze %dma_start3A_586 : memref<1x8x1024xf32, #tpu.memory_space<vmem>> -> memref<8x1024xf32, #tpu.memory_space<vmem>>
      tpu.enqueue_dma source(%dma_start3A_587 : memref<8x1024xf32, #tpu.memory_space<vmem>>) target(%dma_start3A_583 : memref<8x1024xf32, #tpu.memory_space<hbm>>) target_semaphore(%arg15 : memref<!tpu.dma_semaphore, #tpu.memory_space<semaphore_mem>>)
      %add3A_588 = arith.constant 8192 : i32
      %add3A_589 = arith.addi %add3A_588, %mul3A_2 : i32
      %mul3A_590 = arith.constant 8 : i32
      %mul3A_591 = arith.muli %add3A_531, %mul3A_590 : i32
      %add3A_592 = arith.addi %add3A_589, %mul3A_591 : i32
      %dma_start3A_593 = arith.constant 0 : i32
      %dma_start3A_594 = arith.constant 8 : i32
      %dma_start3A_595 = arith.constant 0 : i32
      %dma_start3A_596 = tpu.memref_slice %arg7[%dma_start3A_593, %dma_start3A_594, %dma_start3A_595] : memref<3x32x1024xf32, #tpu.memory_space<vmem>> -> memref<1x8x1024xf32, #tpu.memory_space<vmem>>
      %dma_start3A_597 = tpu.memref_squeeze %dma_start3A_596 : memref<1x8x1024xf32, #tpu.memory_space<vmem>> -> memref<8x1024xf32, #tpu.memory_space<vmem>>
      %dma_start3A_598 = arith.constant 0 : i32
      %dma_start3A_599 = tpu.memref_slice %arg5[%add3A_592, %dma_start3A_598] : memref<32768x1024xf32, #tpu.memory_space<hbm>> -> memref<8x1024xf32, #tpu.memory_space<hbm>>
      %dma_start3A_600 = arith.constant 0 : i32
      %dma_start3A_601 = tpu.memref_slice %arg5[%add3A_592, %dma_start3A_600] : memref<32768x1024xf32, #tpu.memory_space<hbm>> -> memref<8x1024xf32, #tpu.memory_space<hbm>>
      %dma_start3A_602 = arith.constant 8 : i32
      %dma_start3A_603 = arith.constant 0 : i32
      %dma_start3A_604 = tpu.memref_slice %arg7[%dma_start3A_593, %dma_start3A_602, %dma_start3A_603] : memref<3x32x1024xf32, #tpu.memory_space<vmem>> -> memref<1x8x1024xf32, #tpu.memory_space<vmem>>
      %dma_start3A_605 = tpu.memref_squeeze %dma_start3A_604 : memref<1x8x1024xf32, #tpu.memory_space<vmem>> -> memref<8x1024xf32, #tpu.memory_space<vmem>>
      tpu.enqueue_dma source(%dma_start3A_605 : memref<8x1024xf32, #tpu.memory_space<vmem>>) target(%dma_start3A_601 : memref<8x1024xf32, #tpu.memory_space<hbm>>) target_semaphore(%arg15 : memref<!tpu.dma_semaphore, #tpu.memory_space<semaphore_mem>>)
      %add3A_606 = arith.constant 16384 : i32
      %add3A_607 = arith.addi %add3A_606, %mul3A_2 : i32
      %mul3A_608 = arith.constant 8 : i32
      %mul3A_609 = arith.muli %add3A_531, %mul3A_608 : i32
      %add3A_610 = arith.addi %add3A_607, %mul3A_609 : i32
      %dma_start3A_611 = arith.constant 0 : i32
      %dma_start3A_612 = arith.constant 16 : i32
      %dma_start3A_613 = arith.constant 0 : i32
      %dma_start3A_614 = tpu.memref_slice %arg7[%dma_start3A_611, %dma_start3A_612, %dma_start3A_613] : memref<3x32x1024xf32, #tpu.memory_space<vmem>> -> memref<1x8x1024xf32, #tpu.memory_space<vmem>>
      %dma_start3A_615 = tpu.memref_squeeze %dma_start3A_614 : memref<1x8x1024xf32, #tpu.memory_space<vmem>> -> memref<8x1024xf32, #tpu.memory_space<vmem>>
      %dma_start3A_616 = arith.constant 0 : i32
      %dma_start3A_617 = tpu.memref_slice %arg5[%add3A_610, %dma_start3A_616] : memref<32768x1024xf32, #tpu.memory_space<hbm>> -> memref<8x1024xf32, #tpu.memory_space<hbm>>
      %dma_start3A_618 = arith.constant 0 : i32
      %dma_start3A_619 = tpu.memref_slice %arg5[%add3A_610, %dma_start3A_618] : memref<32768x1024xf32, #tpu.memory_space<hbm>> -> memref<8x1024xf32, #tpu.memory_space<hbm>>
      %dma_start3A_620 = arith.constant 16 : i32
      %dma_start3A_621 = arith.constant 0 : i32
      %dma_start3A_622 = tpu.memref_slice %arg7[%dma_start3A_611, %dma_start3A_620, %dma_start3A_621] : memref<3x32x1024xf32, #tpu.memory_space<vmem>> -> memref<1x8x1024xf32, #tpu.memory_space<vmem>>
      %dma_start3A_623 = tpu.memref_squeeze %dma_start3A_622 : memref<1x8x1024xf32, #tpu.memory_space<vmem>> -> memref<8x1024xf32, #tpu.memory_space<vmem>>
      tpu.enqueue_dma source(%dma_start3A_623 : memref<8x1024xf32, #tpu.memory_space<vmem>>) target(%dma_start3A_619 : memref<8x1024xf32, #tpu.memory_space<hbm>>) target_semaphore(%arg15 : memref<!tpu.dma_semaphore, #tpu.memory_space<semaphore_mem>>)
      %add3A_624 = arith.constant 24576 : i32
      %add3A_625 = arith.addi %add3A_624, %mul3A_2 : i32
      %mul3A_626 = arith.constant 8 : i32
      %mul3A_627 = arith.muli %add3A_531, %mul3A_626 : i32
      %add3A_628 = arith.addi %add3A_625, %mul3A_627 : i32
      %dma_start3A_629 = arith.constant 0 : i32
      %dma_start3A_630 = arith.constant 24 : i32
      %dma_start3A_631 = arith.constant 0 : i32
      %dma_start3A_632 = tpu.memref_slice %arg7[%dma_start3A_629, %dma_start3A_630, %dma_start3A_631] : memref<3x32x1024xf32, #tpu.memory_space<vmem>> -> memref<1x8x1024xf32, #tpu.memory_space<vmem>>
      %dma_start3A_633 = tpu.memref_squeeze %dma_start3A_632 : memref<1x8x1024xf32, #tpu.memory_space<vmem>> -> memref<8x1024xf32, #tpu.memory_space<vmem>>
      %dma_start3A_634 = arith.constant 0 : i32
      %dma_start3A_635 = tpu.memref_slice %arg5[%add3A_628, %dma_start3A_634] : memref<32768x1024xf32, #tpu.memory_space<hbm>> -> memref<8x1024xf32, #tpu.memory_space<hbm>>
      %dma_start3A_636 = arith.constant 0 : i32
      %dma_start3A_637 = tpu.memref_slice %arg5[%add3A_628, %dma_start3A_636] : memref<32768x1024xf32, #tpu.memory_space<hbm>> -> memref<8x1024xf32, #tpu.memory_space<hbm>>
      %dma_start3A_638 = arith.constant 24 : i32
      %dma_start3A_639 = arith.constant 0 : i32
      %dma_start3A_640 = tpu.memref_slice %arg7[%dma_start3A_629, %dma_start3A_638, %dma_start3A_639] : memref<3x32x1024xf32, #tpu.memory_space<vmem>> -> memref<1x8x1024xf32, #tpu.memory_space<vmem>>
      %dma_start3A_641 = tpu.memref_squeeze %dma_start3A_640 : memref<1x8x1024xf32, #tpu.memory_space<vmem>> -> memref<8x1024xf32, #tpu.memory_space<vmem>>
      tpu.enqueue_dma source(%dma_start3A_641 : memref<8x1024xf32, #tpu.memory_space<vmem>>) target(%dma_start3A_637 : memref<8x1024xf32, #tpu.memory_space<hbm>>) target_semaphore(%arg15 : memref<!tpu.dma_semaphore, #tpu.memory_space<semaphore_mem>>)
      %mul3A_642 = arith.constant 3 : i32
      %mul3A_643 = arith.muli %mul3A_642, %scan3A_527 : i32
      %add3A_644 = arith.constant 1 : i32
      %add3A_645 = arith.addi %mul3A_643, %add3A_644 : i32
      %ge3A_646 = arith.constant 2 : i32
      %ge3A_647 = arith.cmpi sge, %add3A_645, %ge3A_646 : i32
      %convert_element_type3A_648 = arith.extui %ge3A_647 : i1 to i32
      %cond3A_649 = arith.constant 0 : i32
      %cond3A_650 = arith.cmpi ne, %convert_element_type3A_648, %cond3A_649 : i32
      scf.if %cond3A_650 {
        %sub3A = arith.constant 2 : i32
        %sub3A_878 = arith.subi %add3A_645, %sub3A : i32
        %add3A_879 = arith.constant 0 : i32
        %add3A_880 = arith.addi %add3A_879, %mul3A_2 : i32
        %mul3A_881 = arith.constant 8 : i32
        %mul3A_882 = arith.muli %sub3A_878, %mul3A_881 : i32
        %add3A_883 = arith.addi %add3A_880, %mul3A_882 : i32
        %dma_wait3A_884 = arith.constant 2 : i32
        %dma_wait3A_885 = arith.constant 0 : i32
        %dma_wait3A_886 = arith.constant 0 : i32
        %dma_wait3A_887 = tpu.memref_slice %arg7[%dma_wait3A_884, %dma_wait3A_885, %dma_wait3A_886] : memref<3x32x1024xf32, #tpu.memory_space<vmem>> -> memref<1x8x1024xf32, #tpu.memory_space<vmem>>
        %dma_wait3A_888 = tpu.memref_squeeze %dma_wait3A_887 : memref<1x8x1024xf32, #tpu.memory_space<vmem>> -> memref<8x1024xf32, #tpu.memory_space<vmem>>
        %dma_wait3A_889 = arith.constant 0 : i32
        %dma_wait3A_890 = tpu.memref_slice %arg5[%add3A_883, %dma_wait3A_889] : memref<32768x1024xf32, #tpu.memory_space<hbm>> -> memref<8x1024xf32, #tpu.memory_space<hbm>>
        %dma_wait3A_891 = arith.constant 0 : i32
        %dma_wait3A_892 = tpu.memref_slice %arg5[%add3A_883, %dma_wait3A_891] : memref<32768x1024xf32, #tpu.memory_space<hbm>> -> memref<8x1024xf32, #tpu.memory_space<hbm>>
        %dma_wait3A_893 = arith.constant 0 : i32
        %dma_wait3A_894 = arith.constant 0 : i32
        %dma_wait3A_895 = tpu.memref_slice %arg7[%dma_wait3A_884, %dma_wait3A_893, %dma_wait3A_894] : memref<3x32x1024xf32, #tpu.memory_space<vmem>> -> memref<1x8x1024xf32, #tpu.memory_space<vmem>>
        %dma_wait3A_896 = tpu.memref_squeeze %dma_wait3A_895 : memref<1x8x1024xf32, #tpu.memory_space<vmem>> -> memref<8x1024xf32, #tpu.memory_space<vmem>>
        tpu.wait_dma2 semaphore(%arg17 : memref<!tpu.dma_semaphore, #tpu.memory_space<semaphore_mem>>) src(%dma_wait3A_896 : memref<8x1024xf32, #tpu.memory_space<vmem>>) dst(%dma_wait3A_892 : memref<8x1024xf32, #tpu.memory_space<hbm>>)
        %add3A_897 = arith.constant 8192 : i32
        %add3A_898 = arith.addi %add3A_897, %mul3A_2 : i32
        %mul3A_899 = arith.constant 8 : i32
        %mul3A_900 = arith.muli %sub3A_878, %mul3A_899 : i32
        %add3A_901 = arith.addi %add3A_898, %mul3A_900 : i32
        %dma_wait3A_902 = arith.constant 2 : i32
        %dma_wait3A_903 = arith.constant 8 : i32
        %dma_wait3A_904 = arith.constant 0 : i32
        %dma_wait3A_905 = tpu.memref_slice %arg7[%dma_wait3A_902, %dma_wait3A_903, %dma_wait3A_904] : memref<3x32x1024xf32, #tpu.memory_space<vmem>> -> memref<1x8x1024xf32, #tpu.memory_space<vmem>>
        %dma_wait3A_906 = tpu.memref_squeeze %dma_wait3A_905 : memref<1x8x1024xf32, #tpu.memory_space<vmem>> -> memref<8x1024xf32, #tpu.memory_space<vmem>>
        %dma_wait3A_907 = arith.constant 0 : i32
        %dma_wait3A_908 = tpu.memref_slice %arg5[%add3A_901, %dma_wait3A_907] : memref<32768x1024xf32, #tpu.memory_space<hbm>> -> memref<8x1024xf32, #tpu.memory_space<hbm>>
        %dma_wait3A_909 = arith.constant 0 : i32
        %dma_wait3A_910 = tpu.memref_slice %arg5[%add3A_901, %dma_wait3A_909] : memref<32768x1024xf32, #tpu.memory_space<hbm>> -> memref<8x1024xf32, #tpu.memory_space<hbm>>
        %dma_wait3A_911 = arith.constant 8 : i32
        %dma_wait3A_912 = arith.constant 0 : i32
        %dma_wait3A_913 = tpu.memref_slice %arg7[%dma_wait3A_902, %dma_wait3A_911, %dma_wait3A_912] : memref<3x32x1024xf32, #tpu.memory_space<vmem>> -> memref<1x8x1024xf32, #tpu.memory_space<vmem>>
        %dma_wait3A_914 = tpu.memref_squeeze %dma_wait3A_913 : memref<1x8x1024xf32, #tpu.memory_space<vmem>> -> memref<8x1024xf32, #tpu.memory_space<vmem>>
        tpu.wait_dma2 semaphore(%arg17 : memref<!tpu.dma_semaphore, #tpu.memory_space<semaphore_mem>>) src(%dma_wait3A_914 : memref<8x1024xf32, #tpu.memory_space<vmem>>) dst(%dma_wait3A_910 : memref<8x1024xf32, #tpu.memory_space<hbm>>)
        %add3A_915 = arith.constant 16384 : i32
        %add3A_916 = arith.addi %add3A_915, %mul3A_2 : i32
        %mul3A_917 = arith.constant 8 : i32
        %mul3A_918 = arith.muli %sub3A_878, %mul3A_917 : i32
        %add3A_919 = arith.addi %add3A_916, %mul3A_918 : i32
        %dma_wait3A_920 = arith.constant 2 : i32
        %dma_wait3A_921 = arith.constant 16 : i32
        %dma_wait3A_922 = arith.constant 0 : i32
        %dma_wait3A_923 = tpu.memref_slice %arg7[%dma_wait3A_920, %dma_wait3A_921, %dma_wait3A_922] : memref<3x32x1024xf32, #tpu.memory_space<vmem>> -> memref<1x8x1024xf32, #tpu.memory_space<vmem>>
        %dma_wait3A_924 = tpu.memref_squeeze %dma_wait3A_923 : memref<1x8x1024xf32, #tpu.memory_space<vmem>> -> memref<8x1024xf32, #tpu.memory_space<vmem>>
        %dma_wait3A_925 = arith.constant 0 : i32
        %dma_wait3A_926 = tpu.memref_slice %arg5[%add3A_919, %dma_wait3A_925] : memref<32768x1024xf32, #tpu.memory_space<hbm>> -> memref<8x1024xf32, #tpu.memory_space<hbm>>
        %dma_wait3A_927 = arith.constant 0 : i32
        %dma_wait3A_928 = tpu.memref_slice %arg5[%add3A_919, %dma_wait3A_927] : memref<32768x1024xf32, #tpu.memory_space<hbm>> -> memref<8x1024xf32, #tpu.memory_space<hbm>>
        %dma_wait3A_929 = arith.constant 16 : i32
        %dma_wait3A_930 = arith.constant 0 : i32
        %dma_wait3A_931 = tpu.memref_slice %arg7[%dma_wait3A_920, %dma_wait3A_929, %dma_wait3A_930] : memref<3x32x1024xf32, #tpu.memory_space<vmem>> -> memref<1x8x1024xf32, #tpu.memory_space<vmem>>
        %dma_wait3A_932 = tpu.memref_squeeze %dma_wait3A_931 : memref<1x8x1024xf32, #tpu.memory_space<vmem>> -> memref<8x1024xf32, #tpu.memory_space<vmem>>
        tpu.wait_dma2 semaphore(%arg17 : memref<!tpu.dma_semaphore, #tpu.memory_space<semaphore_mem>>) src(%dma_wait3A_932 : memref<8x1024xf32, #tpu.memory_space<vmem>>) dst(%dma_wait3A_928 : memref<8x1024xf32, #tpu.memory_space<hbm>>)
        %add3A_933 = arith.constant 24576 : i32
        %add3A_934 = arith.addi %add3A_933, %mul3A_2 : i32
        %mul3A_935 = arith.constant 8 : i32
        %mul3A_936 = arith.muli %sub3A_878, %mul3A_935 : i32
        %add3A_937 = arith.addi %add3A_934, %mul3A_936 : i32
        %dma_wait3A_938 = arith.constant 2 : i32
        %dma_wait3A_939 = arith.constant 24 : i32
        %dma_wait3A_940 = arith.constant 0 : i32
        %dma_wait3A_941 = tpu.memref_slice %arg7[%dma_wait3A_938, %dma_wait3A_939, %dma_wait3A_940] : memref<3x32x1024xf32, #tpu.memory_space<vmem>> -> memref<1x8x1024xf32, #tpu.memory_space<vmem>>
        %dma_wait3A_942 = tpu.memref_squeeze %dma_wait3A_941 : memref<1x8x1024xf32, #tpu.memory_space<vmem>> -> memref<8x1024xf32, #tpu.memory_space<vmem>>
        %dma_wait3A_943 = arith.constant 0 : i32
        %dma_wait3A_944 = tpu.memref_slice %arg5[%add3A_937, %dma_wait3A_943] : memref<32768x1024xf32, #tpu.memory_space<hbm>> -> memref<8x1024xf32, #tpu.memory_space<hbm>>
        %dma_wait3A_945 = arith.constant 0 : i32
        %dma_wait3A_946 = tpu.memref_slice %arg5[%add3A_937, %dma_wait3A_945] : memref<32768x1024xf32, #tpu.memory_space<hbm>> -> memref<8x1024xf32, #tpu.memory_space<hbm>>
        %dma_wait3A_947 = arith.constant 24 : i32
        %dma_wait3A_948 = arith.constant 0 : i32
        %dma_wait3A_949 = tpu.memref_slice %arg7[%dma_wait3A_938, %dma_wait3A_947, %dma_wait3A_948] : memref<3x32x1024xf32, #tpu.memory_space<vmem>> -> memref<1x8x1024xf32, #tpu.memory_space<vmem>>
        %dma_wait3A_950 = tpu.memref_squeeze %dma_wait3A_949 : memref<1x8x1024xf32, #tpu.memory_space<vmem>> -> memref<8x1024xf32, #tpu.memory_space<vmem>>
        tpu.wait_dma2 semaphore(%arg17 : memref<!tpu.dma_semaphore, #tpu.memory_space<semaphore_mem>>) src(%dma_wait3A_950 : memref<8x1024xf32, #tpu.memory_space<vmem>>) dst(%dma_wait3A_946 : memref<8x1024xf32, #tpu.memory_space<hbm>>)
      } else {
      }
      %add3A_651 = arith.constant 1 : i32
      %add3A_652 = arith.addi %add3A_645, %add3A_651 : i32
      %lt3A_653 = arith.constant 32 : i32
      %lt3A_654 = arith.cmpi slt, %add3A_652, %lt3A_653 : i32
      %convert_element_type3A_655 = arith.extui %lt3A_654 : i1 to i32
      %cond3A_656 = arith.constant 0 : i32
      %cond3A_657 = arith.cmpi ne, %convert_element_type3A_655, %cond3A_656 : i32
      scf.if %cond3A_657 {
        %add3A_878 = arith.constant 1 : i32
        %add3A_879 = arith.addi %add3A_645, %add3A_878 : i32
        %dma_start3A_880 = arith.constant 2 : i32
        %dma_start3A_881 = arith.constant 0 : i32
        %dma_start3A_882 = arith.constant 0 : i32
        %dma_start3A_883 = tpu.memref_slice %arg7[%dma_start3A_880, %dma_start3A_881, %dma_start3A_882] : memref<3x32x1024xf32, #tpu.memory_space<vmem>> -> memref<1x32x1024xf32, #tpu.memory_space<vmem>>
        %dma_start3A_884 = tpu.memref_squeeze %dma_start3A_883 : memref<1x32x1024xf32, #tpu.memory_space<vmem>> -> memref<32x1024xf32, #tpu.memory_space<vmem>>
        %dma_start3A_885 = arith.constant 0 : i32
        %dma_start3A_886 = tpu.memref_slice %arg6[%add3A_879, %dma_start3A_885] : memref<32x32xi32, #tpu.memory_space<vmem>> -> memref<1x32xi32, #tpu.memory_space<vmem>>
        %dma_start3A_887 = tpu.memref_squeeze %dma_start3A_886 : memref<1x32xi32, #tpu.memory_space<vmem>> -> memref<32xi32, #tpu.memory_space<vmem>>
        %dma_start3A_888 = arith.constant 0 : i32
        %dma_start3A_889 = arith.constant 0 : i32
        %dma_start3A_890 = tpu.memref_slice %arg3[%dma_start3A_888, %dma_start3A_889] : memref<100000x1024xf32, #tpu.memory_space<hbm>> -> memref<100000x1024xf32, #tpu.memory_space<hbm>>
        tpu.enqueue_indirect_dma source(%dma_start3A_890 : memref<100000x1024xf32, #tpu.memory_space<hbm>>) target(%dma_start3A_884 : memref<32x1024xf32, #tpu.memory_space<vmem>>) offsets(%dma_start3A_887 : memref<32xi32, #tpu.memory_space<vmem>>) semaphore(%arg11 : memref<!tpu.dma_semaphore, #tpu.memory_space<semaphore_mem>>)
        %mul3A_891 = arith.constant 8 : i32
        %mul3A_892 = arith.muli %add3A_879, %mul3A_891 : i32
        %add3A_893 = arith.addi %mul3A_2, %mul3A_892 : i32
        %dma_start3A_894 = arith.constant 2 : i32
        %dma_start3A_895 = arith.constant 0 : i32
        %dma_start3A_896 = arith.constant 0 : i32
        %dma_start3A_897 = tpu.memref_slice %arg8[%dma_start3A_894, %dma_start3A_895, %dma_start3A_896] : memref<3x8x1024xf32, #tpu.memory_space<vmem>> -> memref<1x8x1024xf32, #tpu.memory_space<vmem>>
        %dma_start3A_898 = tpu.memref_squeeze %dma_start3A_897 : memref<1x8x1024xf32, #tpu.memory_space<vmem>> -> memref<8x1024xf32, #tpu.memory_space<vmem>>
        %dma_start3A_899 = arith.constant 0 : i32
        %dma_start3A_900 = tpu.memref_slice %arg4[%add3A_893, %dma_start3A_899] : memref<8192x1024xf32, #tpu.memory_space<hbm>> -> memref<8x1024xf32, #tpu.memory_space<hbm>>
        %dma_start3A_901 = arith.constant 0 : i32
        %dma_start3A_902 = arith.constant 0 : i32
        %dma_start3A_903 = tpu.memref_slice %arg8[%dma_start3A_894, %dma_start3A_901, %dma_start3A_902] : memref<3x8x1024xf32, #tpu.memory_space<vmem>> -> memref<1x8x1024xf32, #tpu.memory_space<vmem>>
        %dma_start3A_904 = tpu.memref_squeeze %dma_start3A_903 : memref<1x8x1024xf32, #tpu.memory_space<vmem>> -> memref<8x1024xf32, #tpu.memory_space<vmem>>
        %dma_start3A_905 = arith.constant 0 : i32
        %dma_start3A_906 = tpu.memref_slice %arg4[%add3A_893, %dma_start3A_905] : memref<8192x1024xf32, #tpu.memory_space<hbm>> -> memref<8x1024xf32, #tpu.memory_space<hbm>>
        tpu.enqueue_dma source(%dma_start3A_906 : memref<8x1024xf32, #tpu.memory_space<hbm>>) target(%dma_start3A_904 : memref<8x1024xf32, #tpu.memory_space<vmem>>) target_semaphore(%arg14 : memref<!tpu.dma_semaphore, #tpu.memory_space<semaphore_mem>>)
      } else {
      }
      %dma_wait3A_658 = arith.constant 1 : i32
      %dma_wait3A_659 = arith.constant 0 : i32
      %dma_wait3A_660 = arith.constant 0 : i32
      %dma_wait3A_661 = tpu.memref_slice %arg7[%dma_wait3A_658, %dma_wait3A_659, %dma_wait3A_660] : memref<3x32x1024xf32, #tpu.memory_space<vmem>> -> memref<1x32x1024xf32, #tpu.memory_space<vmem>>
      %dma_wait3A_662 = tpu.memref_squeeze %dma_wait3A_661 : memref<1x32x1024xf32, #tpu.memory_space<vmem>> -> memref<32x1024xf32, #tpu.memory_space<vmem>>
      %dma_wait3A_663 = arith.constant 0 : i32
      %dma_wait3A_664 = tpu.memref_slice %arg6[%add3A_645, %dma_wait3A_663] : memref<32x32xi32, #tpu.memory_space<vmem>> -> memref<1x32xi32, #tpu.memory_space<vmem>>
      %dma_wait3A_665 = tpu.memref_squeeze %dma_wait3A_664 : memref<1x32xi32, #tpu.memory_space<vmem>> -> memref<32xi32, #tpu.memory_space<vmem>>
      %dma_wait3A_666 = arith.constant 0 : i32
      %dma_wait3A_667 = arith.constant 0 : i32
      %dma_wait3A_668 = tpu.memref_slice %arg3[%dma_wait3A_666, %dma_wait3A_667] : memref<100000x1024xf32, #tpu.memory_space<hbm>> -> memref<100000x1024xf32, #tpu.memory_space<hbm>>
      tpu.wait_indirect_dma semaphore(%arg10 : memref<!tpu.dma_semaphore, #tpu.memory_space<semaphore_mem>>) src(%dma_wait3A_668 : memref<100000x1024xf32, #tpu.memory_space<hbm>>) dst(%dma_wait3A_662 : memref<32x1024xf32, #tpu.memory_space<vmem>>)
      %mul3A_669 = arith.constant 8 : i32
      %mul3A_670 = arith.muli %add3A_645, %mul3A_669 : i32
      %add3A_671 = arith.addi %mul3A_2, %mul3A_670 : i32
      %dma_wait3A_672 = arith.constant 1 : i32
      %dma_wait3A_673 = arith.constant 0 : i32
      %dma_wait3A_674 = arith.constant 0 : i32
      %dma_wait3A_675 = tpu.memref_slice %arg8[%dma_wait3A_672, %dma_wait3A_673, %dma_wait3A_674] : memref<3x8x1024xf32, #tpu.memory_space<vmem>> -> memref<1x8x1024xf32, #tpu.memory_space<vmem>>
      %dma_wait3A_676 = tpu.memref_squeeze %dma_wait3A_675 : memref<1x8x1024xf32, #tpu.memory_space<vmem>> -> memref<8x1024xf32, #tpu.memory_space<vmem>>
      %dma_wait3A_677 = arith.constant 0 : i32
      %dma_wait3A_678 = tpu.memref_slice %arg4[%add3A_671, %dma_wait3A_677] : memref<8192x1024xf32, #tpu.memory_space<hbm>> -> memref<8x1024xf32, #tpu.memory_space<hbm>>
      %dma_wait3A_679 = arith.constant 0 : i32
      %dma_wait3A_680 = arith.constant 0 : i32
      %dma_wait3A_681 = tpu.memref_slice %arg8[%dma_wait3A_672, %dma_wait3A_679, %dma_wait3A_680] : memref<3x8x1024xf32, #tpu.memory_space<vmem>> -> memref<1x8x1024xf32, #tpu.memory_space<vmem>>
      %dma_wait3A_682 = tpu.memref_squeeze %dma_wait3A_681 : memref<1x8x1024xf32, #tpu.memory_space<vmem>> -> memref<8x1024xf32, #tpu.memory_space<vmem>>
      %dma_wait3A_683 = arith.constant 0 : i32
      %dma_wait3A_684 = tpu.memref_slice %arg4[%add3A_671, %dma_wait3A_683] : memref<8192x1024xf32, #tpu.memory_space<hbm>> -> memref<8x1024xf32, #tpu.memory_space<hbm>>
      tpu.wait_dma2 semaphore(%arg13 : memref<!tpu.dma_semaphore, #tpu.memory_space<semaphore_mem>>) src(%dma_wait3A_684 : memref<8x1024xf32, #tpu.memory_space<hbm>>) dst(%dma_wait3A_682 : memref<8x1024xf32, #tpu.memory_space<vmem>>)
      %parallel_loop3A_685 = arith.constant 0 : i32
      %parallel_loop3A_686 = arith.constant 64 : i32
      %parallel_loop3A_687 = arith.constant 1 : i32
      scf.for %parallel_loop3A_878 = %parallel_loop3A_685 to %parallel_loop3A_686 step %parallel_loop3A_687  : i32 {
        %parallel_loop3A_879 = arith.constant 16 : i32
        %parallel_loop3A_880 = arith.muli %parallel_loop3A_878, %parallel_loop3A_879 : i32
        %parallel_loop3A_881 = arith.constant 1 : i32
        %parallel_loop3A_882 = arith.constant 0 : i32
        %parallel_loop3A_883 = arith.index_cast %parallel_loop3A_881 : i32 to index
        %parallel_loop3A_884 = arith.index_cast %parallel_loop3A_882 : i32 to index
        %parallel_loop3A_885 = arith.index_cast %parallel_loop3A_880 : i32 to index
        %parallel_loop3A_886 = tpu.vector_load %arg8[%parallel_loop3A_883, %parallel_loop3A_884, %parallel_loop3A_885] {strides = array<i32>} : memref<3x8x1024xf32, #tpu.memory_space<vmem>>, vector<1x1x16xf32>,
        %parallel_loop3A_887 = vector.shape_cast %parallel_loop3A_886 : vector<1x1x16xf32> to vector<16xf32>
        %parallel_loop3A_888 = arith.constant 1 : i32
        %parallel_loop3A_889 = arith.constant 0 : i32
        %parallel_loop3A_890 = arith.index_cast %parallel_loop3A_888 : i32 to index
        %parallel_loop3A_891 = arith.index_cast %parallel_loop3A_889 : i32 to index
        %parallel_loop3A_892 = arith.index_cast %parallel_loop3A_880 : i32 to index
        %parallel_loop3A_893 = tpu.vector_load %arg7[%parallel_loop3A_890, %parallel_loop3A_891, %parallel_loop3A_892] {strides = array<i32>} : memref<3x32x1024xf32, #tpu.memory_space<vmem>>, vector<1x1x16xf32>,
        %parallel_loop3A_894 = vector.shape_cast %parallel_loop3A_893 : vector<1x1x16xf32> to vector<16xf32>
        %parallel_loop3A_895 = arith.addf %parallel_loop3A_894, %parallel_loop3A_887 : vector<16xf32>
        %parallel_loop3A_896 = arith.constant 1 : i32
        %parallel_loop3A_897 = arith.constant 0 : i32
        %parallel_loop3A_898 = arith.index_cast %parallel_loop3A_896 : i32 to index
        %parallel_loop3A_899 = arith.index_cast %parallel_loop3A_897 : i32 to index
        %parallel_loop3A_900 = arith.index_cast %parallel_loop3A_880 : i32 to index
        %parallel_loop3A_901 = tpu.vector_load %arg7[%parallel_loop3A_898, %parallel_loop3A_899, %parallel_loop3A_900] {strides = array<i32>} : memref<3x32x1024xf32, #tpu.memory_space<vmem>>, vector<1x1x16xf32>,
        %parallel_loop3A_902 = vector.shape_cast %parallel_loop3A_901 : vector<1x1x16xf32> to vector<16xf32>
        %parallel_loop3A_903 = vector.shape_cast %parallel_loop3A_895 : vector<16xf32> to vector<1x1x16xf32>
        tpu.vector_store %arg7[%parallel_loop3A_898, %parallel_loop3A_899, %parallel_loop3A_900], %parallel_loop3A_903 {strides = array<i32>} : memref<3x32x1024xf32, #tpu.memory_space<vmem>>, vector<1x1x16xf32>,
        %parallel_loop3A_904 = arith.constant 1 : i32
        %parallel_loop3A_905 = arith.constant 8 : i32
        %parallel_loop3A_906 = arith.index_cast %parallel_loop3A_904 : i32 to index
        %parallel_loop3A_907 = arith.index_cast %parallel_loop3A_905 : i32 to index
        %parallel_loop3A_908 = arith.index_cast %parallel_loop3A_880 : i32 to index
        %parallel_loop3A_909 = tpu.vector_load %arg7[%parallel_loop3A_906, %parallel_loop3A_907, %parallel_loop3A_908] {strides = array<i32>} : memref<3x32x1024xf32, #tpu.memory_space<vmem>>, vector<1x1x16xf32>,
        %parallel_loop3A_910 = vector.shape_cast %parallel_loop3A_909 : vector<1x1x16xf32> to vector<16xf32>
        %parallel_loop3A_911 = arith.addf %parallel_loop3A_910, %parallel_loop3A_887 : vector<16xf32>
        %parallel_loop3A_912 = arith.constant 1 : i32
        %parallel_loop3A_913 = arith.constant 8 : i32
        %parallel_loop3A_914 = arith.index_cast %parallel_loop3A_912 : i32 to index
        %parallel_loop3A_915 = arith.index_cast %parallel_loop3A_913 : i32 to index
        %parallel_loop3A_916 = arith.index_cast %parallel_loop3A_880 : i32 to index
        %parallel_loop3A_917 = tpu.vector_load %arg7[%parallel_loop3A_914, %parallel_loop3A_915, %parallel_loop3A_916] {strides = array<i32>} : memref<3x32x1024xf32, #tpu.memory_space<vmem>>, vector<1x1x16xf32>,
        %parallel_loop3A_918 = vector.shape_cast %parallel_loop3A_917 : vector<1x1x16xf32> to vector<16xf32>
        %parallel_loop3A_919 = vector.shape_cast %parallel_loop3A_911 : vector<16xf32> to vector<1x1x16xf32>
        tpu.vector_store %arg7[%parallel_loop3A_914, %parallel_loop3A_915, %parallel_loop3A_916], %parallel_loop3A_919 {strides = array<i32>} : memref<3x32x1024xf32, #tpu.memory_space<vmem>>, vector<1x1x16xf32>,
        %parallel_loop3A_920 = arith.constant 1 : i32
        %parallel_loop3A_921 = arith.constant 16 : i32
        %parallel_loop3A_922 = arith.index_cast %parallel_loop3A_920 : i32 to index
        %parallel_loop3A_923 = arith.index_cast %parallel_loop3A_921 : i32 to index
        %parallel_loop3A_924 = arith.index_cast %parallel_loop3A_880 : i32 to index
        %parallel_loop3A_925 = tpu.vector_load %arg7[%parallel_loop3A_922, %parallel_loop3A_923, %parallel_loop3A_924] {strides = array<i32>} : memref<3x32x1024xf32, #tpu.memory_space<vmem>>, vector<1x1x16xf32>,
        %parallel_loop3A_926 = vector.shape_cast %parallel_loop3A_925 : vector<1x1x16xf32> to vector<16xf32>
        %parallel_loop3A_927 = arith.addf %parallel_loop3A_926, %parallel_loop3A_887 : vector<16xf32>
        %parallel_loop3A_928 = arith.constant 1 : i32
        %parallel_loop3A_929 = arith.constant 16 : i32
        %parallel_loop3A_930 = arith.index_cast %parallel_loop3A_928 : i32 to index
        %parallel_loop3A_931 = arith.index_cast %parallel_loop3A_929 : i32 to index
        %parallel_loop3A_932 = arith.index_cast %parallel_loop3A_880 : i32 to index
        %parallel_loop3A_933 = tpu.vector_load %arg7[%parallel_loop3A_930, %parallel_loop3A_931, %parallel_loop3A_932] {strides = array<i32>} : memref<3x32x1024xf32, #tpu.memory_space<vmem>>, vector<1x1x16xf32>,
        %parallel_loop3A_934 = vector.shape_cast %parallel_loop3A_933 : vector<1x1x16xf32> to vector<16xf32>
        %parallel_loop3A_935 = vector.shape_cast %parallel_loop3A_927 : vector<16xf32> to vector<1x1x16xf32>
        tpu.vector_store %arg7[%parallel_loop3A_930, %parallel_loop3A_931, %parallel_loop3A_932], %parallel_loop3A_935 {strides = array<i32>} : memref<3x32x1024xf32, #tpu.memory_space<vmem>>, vector<1x1x16xf32>,
        %parallel_loop3A_936 = arith.constant 1 : i32
        %parallel_loop3A_937 = arith.constant 24 : i32
        %parallel_loop3A_938 = arith.index_cast %parallel_loop3A_936 : i32 to index
        %parallel_loop3A_939 = arith.index_cast %parallel_loop3A_937 : i32 to index
        %parallel_loop3A_940 = arith.index_cast %parallel_loop3A_880 : i32 to index
        %parallel_loop3A_941 = tpu.vector_load %arg7[%parallel_loop3A_938, %parallel_loop3A_939, %parallel_loop3A_940] {strides = array<i32>} : memref<3x32x1024xf32, #tpu.memory_space<vmem>>, vector<1x1x16xf32>,
        %parallel_loop3A_942 = vector.shape_cast %parallel_loop3A_941 : vector<1x1x16xf32> to vector<16xf32>
        %parallel_loop3A_943 = arith.addf %parallel_loop3A_942, %parallel_loop3A_887 : vector<16xf32>
        %parallel_loop3A_944 = arith.constant 1 : i32
        %parallel_loop3A_945 = arith.constant 24 : i32
        %parallel_loop3A_946 = arith.index_cast %parallel_loop3A_944 : i32 to index
        %parallel_loop3A_947 = arith.index_cast %parallel_loop3A_945 : i32 to index
        %parallel_loop3A_948 = arith.index_cast %parallel_loop3A_880 : i32 to index
        %parallel_loop3A_949 = tpu.vector_load %arg7[%parallel_loop3A_946, %parallel_loop3A_947, %parallel_loop3A_948] {strides = array<i32>} : memref<3x32x1024xf32, #tpu.memory_space<vmem>>, vector<1x1x16xf32>,
        %parallel_loop3A_950 = vector.shape_cast %parallel_loop3A_949 : vector<1x1x16xf32> to vector<16xf32>
        %parallel_loop3A_951 = vector.shape_cast %parallel_loop3A_943 : vector<16xf32> to vector<1x1x16xf32>
        tpu.vector_store %arg7[%parallel_loop3A_946, %parallel_loop3A_947, %parallel_loop3A_948], %parallel_loop3A_951 {strides = array<i32>} : memref<3x32x1024xf32, #tpu.memory_space<vmem>>, vector<1x1x16xf32>,
        %parallel_loop3A_952 = arith.constant 1 : i32
        %parallel_loop3A_953 = arith.constant 1 : i32
        %parallel_loop3A_954 = arith.index_cast %parallel_loop3A_952 : i32 to index
        %parallel_loop3A_955 = arith.index_cast %parallel_loop3A_953 : i32 to index
        %parallel_loop3A_956 = arith.index_cast %parallel_loop3A_880 : i32 to index
        %parallel_loop3A_957 = tpu.vector_load %arg8[%parallel_loop3A_954, %parallel_loop3A_955, %parallel_loop3A_956] {strides = array<i32>} : memref<3x8x1024xf32, #tpu.memory_space<vmem>>, vector<1x1x16xf32>,
        %parallel_loop3A_958 = vector.shape_cast %parallel_loop3A_957 : vector<1x1x16xf32> to vector<16xf32>
        %parallel_loop3A_959 = arith.constant 1 : i32
        %parallel_loop3A_960 = arith.constant 1 : i32
        %parallel_loop3A_961 = arith.index_cast %parallel_loop3A_959 : i32 to index
        %parallel_loop3A_962 = arith.index_cast %parallel_loop3A_960 : i32 to index
        %parallel_loop3A_963 = arith.index_cast %parallel_loop3A_880 : i32 to index
        %parallel_loop3A_964 = tpu.vector_load %arg7[%parallel_loop3A_961, %parallel_loop3A_962, %parallel_loop3A_963] {strides = array<i32>} : memref<3x32x1024xf32, #tpu.memory_space<vmem>>, vector<1x1x16xf32>,
        %parallel_loop3A_965 = vector.shape_cast %parallel_loop3A_964 : vector<1x1x16xf32> to vector<16xf32>
        %parallel_loop3A_966 = arith.addf %parallel_loop3A_965, %parallel_loop3A_958 : vector<16xf32>
        %parallel_loop3A_967 = arith.constant 1 : i32
        %parallel_loop3A_968 = arith.constant 1 : i32
        %parallel_loop3A_969 = arith.index_cast %parallel_loop3A_967 : i32 to index
        %parallel_loop3A_970 = arith.index_cast %parallel_loop3A_968 : i32 to index
        %parallel_loop3A_971 = arith.index_cast %parallel_loop3A_880 : i32 to index
        %parallel_loop3A_972 = tpu.vector_load %arg7[%parallel_loop3A_969, %parallel_loop3A_970, %parallel_loop3A_971] {strides = array<i32>} : memref<3x32x1024xf32, #tpu.memory_space<vmem>>, vector<1x1x16xf32>,
        %parallel_loop3A_973 = vector.shape_cast %parallel_loop3A_972 : vector<1x1x16xf32> to vector<16xf32>
        %parallel_loop3A_974 = vector.shape_cast %parallel_loop3A_966 : vector<16xf32> to vector<1x1x16xf32>
        tpu.vector_store %arg7[%parallel_loop3A_969, %parallel_loop3A_970, %parallel_loop3A_971], %parallel_loop3A_974 {strides = array<i32>} : memref<3x32x1024xf32, #tpu.memory_space<vmem>>, vector<1x1x16xf32>,
        %parallel_loop3A_975 = arith.constant 1 : i32
        %parallel_loop3A_976 = arith.constant 9 : i32
        %parallel_loop3A_977 = arith.index_cast %parallel_loop3A_975 : i32 to index
        %parallel_loop3A_978 = arith.index_cast %parallel_loop3A_976 : i32 to index
        %parallel_loop3A_979 = arith.index_cast %parallel_loop3A_880 : i32 to index
        %parallel_loop3A_980 = tpu.vector_load %arg7[%parallel_loop3A_977, %parallel_loop3A_978, %parallel_loop3A_979] {strides = array<i32>} : memref<3x32x1024xf32, #tpu.memory_space<vmem>>, vector<1x1x16xf32>,
        %parallel_loop3A_981 = vector.shape_cast %parallel_loop3A_980 : vector<1x1x16xf32> to vector<16xf32>
        %parallel_loop3A_982 = arith.addf %parallel_loop3A_981, %parallel_loop3A_958 : vector<16xf32>
        %parallel_loop3A_983 = arith.constant 1 : i32
        %parallel_loop3A_984 = arith.constant 9 : i32
        %parallel_loop3A_985 = arith.index_cast %parallel_loop3A_983 : i32 to index
        %parallel_loop3A_986 = arith.index_cast %parallel_loop3A_984 : i32 to index
        %parallel_loop3A_987 = arith.index_cast %parallel_loop3A_880 : i32 to index
        %parallel_loop3A_988 = tpu.vector_load %arg7[%parallel_loop3A_985, %parallel_loop3A_986, %parallel_loop3A_987] {strides = array<i32>} : memref<3x32x1024xf32, #tpu.memory_space<vmem>>, vector<1x1x16xf32>,
        %parallel_loop3A_989 = vector.shape_cast %parallel_loop3A_988 : vector<1x1x16xf32> to vector<16xf32>
        %parallel_loop3A_990 = vector.shape_cast %parallel_loop3A_982 : vector<16xf32> to vector<1x1x16xf32>
        tpu.vector_store %arg7[%parallel_loop3A_985, %parallel_loop3A_986, %parallel_loop3A_987], %parallel_loop3A_990 {strides = array<i32>} : memref<3x32x1024xf32, #tpu.memory_space<vmem>>, vector<1x1x16xf32>,
        %parallel_loop3A_991 = arith.constant 1 : i32
        %parallel_loop3A_992 = arith.constant 17 : i32
        %parallel_loop3A_993 = arith.index_cast %parallel_loop3A_991 : i32 to index
        %parallel_loop3A_994 = arith.index_cast %parallel_loop3A_992 : i32 to index
        %parallel_loop3A_995 = arith.index_cast %parallel_loop3A_880 : i32 to index
        %parallel_loop3A_996 = tpu.vector_load %arg7[%parallel_loop3A_993, %parallel_loop3A_994, %parallel_loop3A_995] {strides = array<i32>} : memref<3x32x1024xf32, #tpu.memory_space<vmem>>, vector<1x1x16xf32>,
        %parallel_loop3A_997 = vector.shape_cast %parallel_loop3A_996 : vector<1x1x16xf32> to vector<16xf32>
        %parallel_loop3A_998 = arith.addf %parallel_loop3A_997, %parallel_loop3A_958 : vector<16xf32>
        %parallel_loop3A_999 = arith.constant 1 : i32
        %parallel_loop3A_1000 = arith.constant 17 : i32
        %parallel_loop3A_1001 = arith.index_cast %parallel_loop3A_999 : i32 to index
        %parallel_loop3A_1002 = arith.index_cast %parallel_loop3A_1000 : i32 to index
        %parallel_loop3A_1003 = arith.index_cast %parallel_loop3A_880 : i32 to index
        %parallel_loop3A_1004 = tpu.vector_load %arg7[%parallel_loop3A_1001, %parallel_loop3A_1002, %parallel_loop3A_1003] {strides = array<i32>} : memref<3x32x1024xf32, #tpu.memory_space<vmem>>, vector<1x1x16xf32>,
        %parallel_loop3A_1005 = vector.shape_cast %parallel_loop3A_1004 : vector<1x1x16xf32> to vector<16xf32>
        %parallel_loop3A_1006 = vector.shape_cast %parallel_loop3A_998 : vector<16xf32> to vector<1x1x16xf32>
        tpu.vector_store %arg7[%parallel_loop3A_1001, %parallel_loop3A_1002, %parallel_loop3A_1003], %parallel_loop3A_1006 {strides = array<i32>} : memref<3x32x1024xf32, #tpu.memory_space<vmem>>, vector<1x1x16xf32>,
        %parallel_loop3A_1007 = arith.constant 1 : i32
        %parallel_loop3A_1008 = arith.constant 25 : i32
        %parallel_loop3A_1009 = arith.index_cast %parallel_loop3A_1007 : i32 to index
        %parallel_loop3A_1010 = arith.index_cast %parallel_loop3A_1008 : i32 to index
        %parallel_loop3A_1011 = arith.index_cast %parallel_loop3A_880 : i32 to index
        %parallel_loop3A_1012 = tpu.vector_load %arg7[%parallel_loop3A_1009, %parallel_loop3A_1010, %parallel_loop3A_1011] {strides = array<i32>} : memref<3x32x1024xf32, #tpu.memory_space<vmem>>, vector<1x1x16xf32>,
        %parallel_loop3A_1013 = vector.shape_cast %parallel_loop3A_1012 : vector<1x1x16xf32> to vector<16xf32>
        %parallel_loop3A_1014 = arith.addf %parallel_loop3A_1013, %parallel_loop3A_958 : vector<16xf32>
        %parallel_loop3A_1015 = arith.constant 1 : i32
        %parallel_loop3A_1016 = arith.constant 25 : i32
        %parallel_loop3A_1017 = arith.index_cast %parallel_loop3A_1015 : i32 to index
        %parallel_loop3A_1018 = arith.index_cast %parallel_loop3A_1016 : i32 to index
        %parallel_loop3A_1019 = arith.index_cast %parallel_loop3A_880 : i32 to index
        %parallel_loop3A_1020 = tpu.vector_load %arg7[%parallel_loop3A_1017, %parallel_loop3A_1018, %parallel_loop3A_1019] {strides = array<i32>} : memref<3x32x1024xf32, #tpu.memory_space<vmem>>, vector<1x1x16xf32>,
        %parallel_loop3A_1021 = vector.shape_cast %parallel_loop3A_1020 : vector<1x1x16xf32> to vector<16xf32>
        %parallel_loop3A_1022 = vector.shape_cast %parallel_loop3A_1014 : vector<16xf32> to vector<1x1x16xf32>
        tpu.vector_store %arg7[%parallel_loop3A_1017, %parallel_loop3A_1018, %parallel_loop3A_1019], %parallel_loop3A_1022 {strides = array<i32>} : memref<3x32x1024xf32, #tpu.memory_space<vmem>>, vector<1x1x16xf32>,
        %parallel_loop3A_1023 = arith.constant 1 : i32
        %parallel_loop3A_1024 = arith.constant 2 : i32
        %parallel_loop3A_1025 = arith.index_cast %parallel_loop3A_1023 : i32 to index
        %parallel_loop3A_1026 = arith.index_cast %parallel_loop3A_1024 : i32 to index
        %parallel_loop3A_1027 = arith.index_cast %parallel_loop3A_880 : i32 to index
        %parallel_loop3A_1028 = tpu.vector_load %arg8[%parallel_loop3A_1025, %parallel_loop3A_1026, %parallel_loop3A_1027] {strides = array<i32>} : memref<3x8x1024xf32, #tpu.memory_space<vmem>>, vector<1x1x16xf32>,
        %parallel_loop3A_1029 = vector.shape_cast %parallel_loop3A_1028 : vector<1x1x16xf32> to vector<16xf32>
        %parallel_loop3A_1030 = arith.constant 1 : i32
        %parallel_loop3A_1031 = arith.constant 2 : i32
        %parallel_loop3A_1032 = arith.index_cast %parallel_loop3A_1030 : i32 to index
        %parallel_loop3A_1033 = arith.index_cast %parallel_loop3A_1031 : i32 to index
        %parallel_loop3A_1034 = arith.index_cast %parallel_loop3A_880 : i32 to index
        %parallel_loop3A_1035 = tpu.vector_load %arg7[%parallel_loop3A_1032, %parallel_loop3A_1033, %parallel_loop3A_1034] {strides = array<i32>} : memref<3x32x1024xf32, #tpu.memory_space<vmem>>, vector<1x1x16xf32>,
        %parallel_loop3A_1036 = vector.shape_cast %parallel_loop3A_1035 : vector<1x1x16xf32> to vector<16xf32>
        %parallel_loop3A_1037 = arith.addf %parallel_loop3A_1036, %parallel_loop3A_1029 : vector<16xf32>
        %parallel_loop3A_1038 = arith.constant 1 : i32
        %parallel_loop3A_1039 = arith.constant 2 : i32
        %parallel_loop3A_1040 = arith.index_cast %parallel_loop3A_1038 : i32 to index
        %parallel_loop3A_1041 = arith.index_cast %parallel_loop3A_1039 : i32 to index
        %parallel_loop3A_1042 = arith.index_cast %parallel_loop3A_880 : i32 to index
        %parallel_loop3A_1043 = tpu.vector_load %arg7[%parallel_loop3A_1040, %parallel_loop3A_1041, %parallel_loop3A_1042] {strides = array<i32>} : memref<3x32x1024xf32, #tpu.memory_space<vmem>>, vector<1x1x16xf32>,
        %parallel_loop3A_1044 = vector.shape_cast %parallel_loop3A_1043 : vector<1x1x16xf32> to vector<16xf32>
        %parallel_loop3A_1045 = vector.shape_cast %parallel_loop3A_1037 : vector<16xf32> to vector<1x1x16xf32>
        tpu.vector_store %arg7[%parallel_loop3A_1040, %parallel_loop3A_1041, %parallel_loop3A_1042], %parallel_loop3A_1045 {strides = array<i32>} : memref<3x32x1024xf32, #tpu.memory_space<vmem>>, vector<1x1x16xf32>,
        %parallel_loop3A_1046 = arith.constant 1 : i32
        %parallel_loop3A_1047 = arith.constant 10 : i32
        %parallel_loop3A_1048 = arith.index_cast %parallel_loop3A_1046 : i32 to index
        %parallel_loop3A_1049 = arith.index_cast %parallel_loop3A_1047 : i32 to index
        %parallel_loop3A_1050 = arith.index_cast %parallel_loop3A_880 : i32 to index
        %parallel_loop3A_1051 = tpu.vector_load %arg7[%parallel_loop3A_1048, %parallel_loop3A_1049, %parallel_loop3A_1050] {strides = array<i32>} : memref<3x32x1024xf32, #tpu.memory_space<vmem>>, vector<1x1x16xf32>,
        %parallel_loop3A_1052 = vector.shape_cast %parallel_loop3A_1051 : vector<1x1x16xf32> to vector<16xf32>
        %parallel_loop3A_1053 = arith.addf %parallel_loop3A_1052, %parallel_loop3A_1029 : vector<16xf32>
        %parallel_loop3A_1054 = arith.constant 1 : i32
        %parallel_loop3A_1055 = arith.constant 10 : i32
        %parallel_loop3A_1056 = arith.index_cast %parallel_loop3A_1054 : i32 to index
        %parallel_loop3A_1057 = arith.index_cast %parallel_loop3A_1055 : i32 to index
        %parallel_loop3A_1058 = arith.index_cast %parallel_loop3A_880 : i32 to index
        %parallel_loop3A_1059 = tpu.vector_load %arg7[%parallel_loop3A_1056, %parallel_loop3A_1057, %parallel_loop3A_1058] {strides = array<i32>} : memref<3x32x1024xf32, #tpu.memory_space<vmem>>, vector<1x1x16xf32>,
        %parallel_loop3A_1060 = vector.shape_cast %parallel_loop3A_1059 : vector<1x1x16xf32> to vector<16xf32>
        %parallel_loop3A_1061 = vector.shape_cast %parallel_loop3A_1053 : vector<16xf32> to vector<1x1x16xf32>
        tpu.vector_store %arg7[%parallel_loop3A_1056, %parallel_loop3A_1057, %parallel_loop3A_1058], %parallel_loop3A_1061 {strides = array<i32>} : memref<3x32x1024xf32, #tpu.memory_space<vmem>>, vector<1x1x16xf32>,
        %parallel_loop3A_1062 = arith.constant 1 : i32
        %parallel_loop3A_1063 = arith.constant 18 : i32
        %parallel_loop3A_1064 = arith.index_cast %parallel_loop3A_1062 : i32 to index
        %parallel_loop3A_1065 = arith.index_cast %parallel_loop3A_1063 : i32 to index
        %parallel_loop3A_1066 = arith.index_cast %parallel_loop3A_880 : i32 to index
        %parallel_loop3A_1067 = tpu.vector_load %arg7[%parallel_loop3A_1064, %parallel_loop3A_1065, %parallel_loop3A_1066] {strides = array<i32>} : memref<3x32x1024xf32, #tpu.memory_space<vmem>>, vector<1x1x16xf32>,
        %parallel_loop3A_1068 = vector.shape_cast %parallel_loop3A_1067 : vector<1x1x16xf32> to vector<16xf32>
        %parallel_loop3A_1069 = arith.addf %parallel_loop3A_1068, %parallel_loop3A_1029 : vector<16xf32>
        %parallel_loop3A_1070 = arith.constant 1 : i32
        %parallel_loop3A_1071 = arith.constant 18 : i32
        %parallel_loop3A_1072 = arith.index_cast %parallel_loop3A_1070 : i32 to index
        %parallel_loop3A_1073 = arith.index_cast %parallel_loop3A_1071 : i32 to index
        %parallel_loop3A_1074 = arith.index_cast %parallel_loop3A_880 : i32 to index
        %parallel_loop3A_1075 = tpu.vector_load %arg7[%parallel_loop3A_1072, %parallel_loop3A_1073, %parallel_loop3A_1074] {strides = array<i32>} : memref<3x32x1024xf32, #tpu.memory_space<vmem>>, vector<1x1x16xf32>,
        %parallel_loop3A_1076 = vector.shape_cast %parallel_loop3A_1075 : vector<1x1x16xf32> to vector<16xf32>
        %parallel_loop3A_1077 = vector.shape_cast %parallel_loop3A_1069 : vector<16xf32> to vector<1x1x16xf32>
        tpu.vector_store %arg7[%parallel_loop3A_1072, %parallel_loop3A_1073, %parallel_loop3A_1074], %parallel_loop3A_1077 {strides = array<i32>} : memref<3x32x1024xf32, #tpu.memory_space<vmem>>, vector<1x1x16xf32>,
        %parallel_loop3A_1078 = arith.constant 1 : i32
        %parallel_loop3A_1079 = arith.constant 26 : i32
        %parallel_loop3A_1080 = arith.index_cast %parallel_loop3A_1078 : i32 to index
        %parallel_loop3A_1081 = arith.index_cast %parallel_loop3A_1079 : i32 to index
        %parallel_loop3A_1082 = arith.index_cast %parallel_loop3A_880 : i32 to index
        %parallel_loop3A_1083 = tpu.vector_load %arg7[%parallel_loop3A_1080, %parallel_loop3A_1081, %parallel_loop3A_1082] {strides = array<i32>} : memref<3x32x1024xf32, #tpu.memory_space<vmem>>, vector<1x1x16xf32>,
        %parallel_loop3A_1084 = vector.shape_cast %parallel_loop3A_1083 : vector<1x1x16xf32> to vector<16xf32>
        %parallel_loop3A_1085 = arith.addf %parallel_loop3A_1084, %parallel_loop3A_1029 : vector<16xf32>
        %parallel_loop3A_1086 = arith.constant 1 : i32
        %parallel_loop3A_1087 = arith.constant 26 : i32
        %parallel_loop3A_1088 = arith.index_cast %parallel_loop3A_1086 : i32 to index
        %parallel_loop3A_1089 = arith.index_cast %parallel_loop3A_1087 : i32 to index
        %parallel_loop3A_1090 = arith.index_cast %parallel_loop3A_880 : i32 to index
        %parallel_loop3A_1091 = tpu.vector_load %arg7[%parallel_loop3A_1088, %parallel_loop3A_1089, %parallel_loop3A_1090] {strides = array<i32>} : memref<3x32x1024xf32, #tpu.memory_space<vmem>>, vector<1x1x16xf32>,
        %parallel_loop3A_1092 = vector.shape_cast %parallel_loop3A_1091 : vector<1x1x16xf32> to vector<16xf32>
        %parallel_loop3A_1093 = vector.shape_cast %parallel_loop3A_1085 : vector<16xf32> to vector<1x1x16xf32>
        tpu.vector_store %arg7[%parallel_loop3A_1088, %parallel_loop3A_1089, %parallel_loop3A_1090], %parallel_loop3A_1093 {strides = array<i32>} : memref<3x32x1024xf32, #tpu.memory_space<vmem>>, vector<1x1x16xf32>,
        %parallel_loop3A_1094 = arith.constant 1 : i32
        %parallel_loop3A_1095 = arith.constant 3 : i32
        %parallel_loop3A_1096 = arith.index_cast %parallel_loop3A_1094 : i32 to index
        %parallel_loop3A_1097 = arith.index_cast %parallel_loop3A_1095 : i32 to index
        %parallel_loop3A_1098 = arith.index_cast %parallel_loop3A_880 : i32 to index
        %parallel_loop3A_1099 = tpu.vector_load %arg8[%parallel_loop3A_1096, %parallel_loop3A_1097, %parallel_loop3A_1098] {strides = array<i32>} : memref<3x8x1024xf32, #tpu.memory_space<vmem>>, vector<1x1x16xf32>,
        %parallel_loop3A_1100 = vector.shape_cast %parallel_loop3A_1099 : vector<1x1x16xf32> to vector<16xf32>
        %parallel_loop3A_1101 = arith.constant 1 : i32
        %parallel_loop3A_1102 = arith.constant 3 : i32
        %parallel_loop3A_1103 = arith.index_cast %parallel_loop3A_1101 : i32 to index
        %parallel_loop3A_1104 = arith.index_cast %parallel_loop3A_1102 : i32 to index
        %parallel_loop3A_1105 = arith.index_cast %parallel_loop3A_880 : i32 to index
        %parallel_loop3A_1106 = tpu.vector_load %arg7[%parallel_loop3A_1103, %parallel_loop3A_1104, %parallel_loop3A_1105] {strides = array<i32>} : memref<3x32x1024xf32, #tpu.memory_space<vmem>>, vector<1x1x16xf32>,
        %parallel_loop3A_1107 = vector.shape_cast %parallel_loop3A_1106 : vector<1x1x16xf32> to vector<16xf32>
        %parallel_loop3A_1108 = arith.addf %parallel_loop3A_1107, %parallel_loop3A_1100 : vector<16xf32>
        %parallel_loop3A_1109 = arith.constant 1 : i32
        %parallel_loop3A_1110 = arith.constant 3 : i32
        %parallel_loop3A_1111 = arith.index_cast %parallel_loop3A_1109 : i32 to index
        %parallel_loop3A_1112 = arith.index_cast %parallel_loop3A_1110 : i32 to index
        %parallel_loop3A_1113 = arith.index_cast %parallel_loop3A_880 : i32 to index
        %parallel_loop3A_1114 = tpu.vector_load %arg7[%parallel_loop3A_1111, %parallel_loop3A_1112, %parallel_loop3A_1113] {strides = array<i32>} : memref<3x32x1024xf32, #tpu.memory_space<vmem>>, vector<1x1x16xf32>,
        %parallel_loop3A_1115 = vector.shape_cast %parallel_loop3A_1114 : vector<1x1x16xf32> to vector<16xf32>
        %parallel_loop3A_1116 = vector.shape_cast %parallel_loop3A_1108 : vector<16xf32> to vector<1x1x16xf32>
        tpu.vector_store %arg7[%parallel_loop3A_1111, %parallel_loop3A_1112, %parallel_loop3A_1113], %parallel_loop3A_1116 {strides = array<i32>} : memref<3x32x1024xf32, #tpu.memory_space<vmem>>, vector<1x1x16xf32>,
        %parallel_loop3A_1117 = arith.constant 1 : i32
        %parallel_loop3A_1118 = arith.constant 11 : i32
        %parallel_loop3A_1119 = arith.index_cast %parallel_loop3A_1117 : i32 to index
        %parallel_loop3A_1120 = arith.index_cast %parallel_loop3A_1118 : i32 to index
        %parallel_loop3A_1121 = arith.index_cast %parallel_loop3A_880 : i32 to index
        %parallel_loop3A_1122 = tpu.vector_load %arg7[%parallel_loop3A_1119, %parallel_loop3A_1120, %parallel_loop3A_1121] {strides = array<i32>} : memref<3x32x1024xf32, #tpu.memory_space<vmem>>, vector<1x1x16xf32>,
        %parallel_loop3A_1123 = vector.shape_cast %parallel_loop3A_1122 : vector<1x1x16xf32> to vector<16xf32>
        %parallel_loop3A_1124 = arith.addf %parallel_loop3A_1123, %parallel_loop3A_1100 : vector<16xf32>
        %parallel_loop3A_1125 = arith.constant 1 : i32
        %parallel_loop3A_1126 = arith.constant 11 : i32
        %parallel_loop3A_1127 = arith.index_cast %parallel_loop3A_1125 : i32 to index
        %parallel_loop3A_1128 = arith.index_cast %parallel_loop3A_1126 : i32 to index
        %parallel_loop3A_1129 = arith.index_cast %parallel_loop3A_880 : i32 to index
        %parallel_loop3A_1130 = tpu.vector_load %arg7[%parallel_loop3A_1127, %parallel_loop3A_1128, %parallel_loop3A_1129] {strides = array<i32>} : memref<3x32x1024xf32, #tpu.memory_space<vmem>>, vector<1x1x16xf32>,
        %parallel_loop3A_1131 = vector.shape_cast %parallel_loop3A_1130 : vector<1x1x16xf32> to vector<16xf32>
        %parallel_loop3A_1132 = vector.shape_cast %parallel_loop3A_1124 : vector<16xf32> to vector<1x1x16xf32>
        tpu.vector_store %arg7[%parallel_loop3A_1127, %parallel_loop3A_1128, %parallel_loop3A_1129], %parallel_loop3A_1132 {strides = array<i32>} : memref<3x32x1024xf32, #tpu.memory_space<vmem>>, vector<1x1x16xf32>,
        %parallel_loop3A_1133 = arith.constant 1 : i32
        %parallel_loop3A_1134 = arith.constant 19 : i32
        %parallel_loop3A_1135 = arith.index_cast %parallel_loop3A_1133 : i32 to index
        %parallel_loop3A_1136 = arith.index_cast %parallel_loop3A_1134 : i32 to index
        %parallel_loop3A_1137 = arith.index_cast %parallel_loop3A_880 : i32 to index
        %parallel_loop3A_1138 = tpu.vector_load %arg7[%parallel_loop3A_1135, %parallel_loop3A_1136, %parallel_loop3A_1137] {strides = array<i32>} : memref<3x32x1024xf32, #tpu.memory_space<vmem>>, vector<1x1x16xf32>,
        %parallel_loop3A_1139 = vector.shape_cast %parallel_loop3A_1138 : vector<1x1x16xf32> to vector<16xf32>
        %parallel_loop3A_1140 = arith.addf %parallel_loop3A_1139, %parallel_loop3A_1100 : vector<16xf32>
        %parallel_loop3A_1141 = arith.constant 1 : i32
        %parallel_loop3A_1142 = arith.constant 19 : i32
        %parallel_loop3A_1143 = arith.index_cast %parallel_loop3A_1141 : i32 to index
        %parallel_loop3A_1144 = arith.index_cast %parallel_loop3A_1142 : i32 to index
        %parallel_loop3A_1145 = arith.index_cast %parallel_loop3A_880 : i32 to index
        %parallel_loop3A_1146 = tpu.vector_load %arg7[%parallel_loop3A_1143, %parallel_loop3A_1144, %parallel_loop3A_1145] {strides = array<i32>} : memref<3x32x1024xf32, #tpu.memory_space<vmem>>, vector<1x1x16xf32>,
        %parallel_loop3A_1147 = vector.shape_cast %parallel_loop3A_1146 : vector<1x1x16xf32> to vector<16xf32>
        %parallel_loop3A_1148 = vector.shape_cast %parallel_loop3A_1140 : vector<16xf32> to vector<1x1x16xf32>
        tpu.vector_store %arg7[%parallel_loop3A_1143, %parallel_loop3A_1144, %parallel_loop3A_1145], %parallel_loop3A_1148 {strides = array<i32>} : memref<3x32x1024xf32, #tpu.memory_space<vmem>>, vector<1x1x16xf32>,
        %parallel_loop3A_1149 = arith.constant 1 : i32
        %parallel_loop3A_1150 = arith.constant 27 : i32
        %parallel_loop3A_1151 = arith.index_cast %parallel_loop3A_1149 : i32 to index
        %parallel_loop3A_1152 = arith.index_cast %parallel_loop3A_1150 : i32 to index
        %parallel_loop3A_1153 = arith.index_cast %parallel_loop3A_880 : i32 to index
        %parallel_loop3A_1154 = tpu.vector_load %arg7[%parallel_loop3A_1151, %parallel_loop3A_1152, %parallel_loop3A_1153] {strides = array<i32>} : memref<3x32x1024xf32, #tpu.memory_space<vmem>>, vector<1x1x16xf32>,
        %parallel_loop3A_1155 = vector.shape_cast %parallel_loop3A_1154 : vector<1x1x16xf32> to vector<16xf32>
        %parallel_loop3A_1156 = arith.addf %parallel_loop3A_1155, %parallel_loop3A_1100 : vector<16xf32>
        %parallel_loop3A_1157 = arith.constant 1 : i32
        %parallel_loop3A_1158 = arith.constant 27 : i32
        %parallel_loop3A_1159 = arith.index_cast %parallel_loop3A_1157 : i32 to index
        %parallel_loop3A_1160 = arith.index_cast %parallel_loop3A_1158 : i32 to index
        %parallel_loop3A_1161 = arith.index_cast %parallel_loop3A_880 : i32 to index
        %parallel_loop3A_1162 = tpu.vector_load %arg7[%parallel_loop3A_1159, %parallel_loop3A_1160, %parallel_loop3A_1161] {strides = array<i32>} : memref<3x32x1024xf32, #tpu.memory_space<vmem>>, vector<1x1x16xf32>,
        %parallel_loop3A_1163 = vector.shape_cast %parallel_loop3A_1162 : vector<1x1x16xf32> to vector<16xf32>
        %parallel_loop3A_1164 = vector.shape_cast %parallel_loop3A_1156 : vector<16xf32> to vector<1x1x16xf32>
        tpu.vector_store %arg7[%parallel_loop3A_1159, %parallel_loop3A_1160, %parallel_loop3A_1161], %parallel_loop3A_1164 {strides = array<i32>} : memref<3x32x1024xf32, #tpu.memory_space<vmem>>, vector<1x1x16xf32>,
        %parallel_loop3A_1165 = arith.constant 1 : i32
        %parallel_loop3A_1166 = arith.constant 4 : i32
        %parallel_loop3A_1167 = arith.index_cast %parallel_loop3A_1165 : i32 to index
        %parallel_loop3A_1168 = arith.index_cast %parallel_loop3A_1166 : i32 to index
        %parallel_loop3A_1169 = arith.index_cast %parallel_loop3A_880 : i32 to index
        %parallel_loop3A_1170 = tpu.vector_load %arg8[%parallel_loop3A_1167, %parallel_loop3A_1168, %parallel_loop3A_1169] {strides = array<i32>} : memref<3x8x1024xf32, #tpu.memory_space<vmem>>, vector<1x1x16xf32>,
        %parallel_loop3A_1171 = vector.shape_cast %parallel_loop3A_1170 : vector<1x1x16xf32> to vector<16xf32>
        %parallel_loop3A_1172 = arith.constant 1 : i32
        %parallel_loop3A_1173 = arith.constant 4 : i32
        %parallel_loop3A_1174 = arith.index_cast %parallel_loop3A_1172 : i32 to index
        %parallel_loop3A_1175 = arith.index_cast %parallel_loop3A_1173 : i32 to index
        %parallel_loop3A_1176 = arith.index_cast %parallel_loop3A_880 : i32 to index
        %parallel_loop3A_1177 = tpu.vector_load %arg7[%parallel_loop3A_1174, %parallel_loop3A_1175, %parallel_loop3A_1176] {strides = array<i32>} : memref<3x32x1024xf32, #tpu.memory_space<vmem>>, vector<1x1x16xf32>,
        %parallel_loop3A_1178 = vector.shape_cast %parallel_loop3A_1177 : vector<1x1x16xf32> to vector<16xf32>
        %parallel_loop3A_1179 = arith.addf %parallel_loop3A_1178, %parallel_loop3A_1171 : vector<16xf32>
        %parallel_loop3A_1180 = arith.constant 1 : i32
        %parallel_loop3A_1181 = arith.constant 4 : i32
        %parallel_loop3A_1182 = arith.index_cast %parallel_loop3A_1180 : i32 to index
        %parallel_loop3A_1183 = arith.index_cast %parallel_loop3A_1181 : i32 to index
        %parallel_loop3A_1184 = arith.index_cast %parallel_loop3A_880 : i32 to index
        %parallel_loop3A_1185 = tpu.vector_load %arg7[%parallel_loop3A_1182, %parallel_loop3A_1183, %parallel_loop3A_1184] {strides = array<i32>} : memref<3x32x1024xf32, #tpu.memory_space<vmem>>, vector<1x1x16xf32>,
        %parallel_loop3A_1186 = vector.shape_cast %parallel_loop3A_1185 : vector<1x1x16xf32> to vector<16xf32>
        %parallel_loop3A_1187 = vector.shape_cast %parallel_loop3A_1179 : vector<16xf32> to vector<1x1x16xf32>
        tpu.vector_store %arg7[%parallel_loop3A_1182, %parallel_loop3A_1183, %parallel_loop3A_1184], %parallel_loop3A_1187 {strides = array<i32>} : memref<3x32x1024xf32, #tpu.memory_space<vmem>>, vector<1x1x16xf32>,
        %parallel_loop3A_1188 = arith.constant 1 : i32
        %parallel_loop3A_1189 = arith.constant 12 : i32
        %parallel_loop3A_1190 = arith.index_cast %parallel_loop3A_1188 : i32 to index
        %parallel_loop3A_1191 = arith.index_cast %parallel_loop3A_1189 : i32 to index
        %parallel_loop3A_1192 = arith.index_cast %parallel_loop3A_880 : i32 to index
        %parallel_loop3A_1193 = tpu.vector_load %arg7[%parallel_loop3A_1190, %parallel_loop3A_1191, %parallel_loop3A_1192] {strides = array<i32>} : memref<3x32x1024xf32, #tpu.memory_space<vmem>>, vector<1x1x16xf32>,
        %parallel_loop3A_1194 = vector.shape_cast %parallel_loop3A_1193 : vector<1x1x16xf32> to vector<16xf32>
        %parallel_loop3A_1195 = arith.addf %parallel_loop3A_1194, %parallel_loop3A_1171 : vector<16xf32>
        %parallel_loop3A_1196 = arith.constant 1 : i32
        %parallel_loop3A_1197 = arith.constant 12 : i32
        %parallel_loop3A_1198 = arith.index_cast %parallel_loop3A_1196 : i32 to index
        %parallel_loop3A_1199 = arith.index_cast %parallel_loop3A_1197 : i32 to index
        %parallel_loop3A_1200 = arith.index_cast %parallel_loop3A_880 : i32 to index
        %parallel_loop3A_1201 = tpu.vector_load %arg7[%parallel_loop3A_1198, %parallel_loop3A_1199, %parallel_loop3A_1200] {strides = array<i32>} : memref<3x32x1024xf32, #tpu.memory_space<vmem>>, vector<1x1x16xf32>,
        %parallel_loop3A_1202 = vector.shape_cast %parallel_loop3A_1201 : vector<1x1x16xf32> to vector<16xf32>
        %parallel_loop3A_1203 = vector.shape_cast %parallel_loop3A_1195 : vector<16xf32> to vector<1x1x16xf32>
        tpu.vector_store %arg7[%parallel_loop3A_1198, %parallel_loop3A_1199, %parallel_loop3A_1200], %parallel_loop3A_1203 {strides = array<i32>} : memref<3x32x1024xf32, #tpu.memory_space<vmem>>, vector<1x1x16xf32>,
        %parallel_loop3A_1204 = arith.constant 1 : i32
        %parallel_loop3A_1205 = arith.constant 20 : i32
        %parallel_loop3A_1206 = arith.index_cast %parallel_loop3A_1204 : i32 to index
        %parallel_loop3A_1207 = arith.index_cast %parallel_loop3A_1205 : i32 to index
        %parallel_loop3A_1208 = arith.index_cast %parallel_loop3A_880 : i32 to index
        %parallel_loop3A_1209 = tpu.vector_load %arg7[%parallel_loop3A_1206, %parallel_loop3A_1207, %parallel_loop3A_1208] {strides = array<i32>} : memref<3x32x1024xf32, #tpu.memory_space<vmem>>, vector<1x1x16xf32>,
        %parallel_loop3A_1210 = vector.shape_cast %parallel_loop3A_1209 : vector<1x1x16xf32> to vector<16xf32>
        %parallel_loop3A_1211 = arith.addf %parallel_loop3A_1210, %parallel_loop3A_1171 : vector<16xf32>
        %parallel_loop3A_1212 = arith.constant 1 : i32
        %parallel_loop3A_1213 = arith.constant 20 : i32
        %parallel_loop3A_1214 = arith.index_cast %parallel_loop3A_1212 : i32 to index
        %parallel_loop3A_1215 = arith.index_cast %parallel_loop3A_1213 : i32 to index
        %parallel_loop3A_1216 = arith.index_cast %parallel_loop3A_880 : i32 to index
        %parallel_loop3A_1217 = tpu.vector_load %arg7[%parallel_loop3A_1214, %parallel_loop3A_1215, %parallel_loop3A_1216] {strides = array<i32>} : memref<3x32x1024xf32, #tpu.memory_space<vmem>>, vector<1x1x16xf32>,
        %parallel_loop3A_1218 = vector.shape_cast %parallel_loop3A_1217 : vector<1x1x16xf32> to vector<16xf32>
        %parallel_loop3A_1219 = vector.shape_cast %parallel_loop3A_1211 : vector<16xf32> to vector<1x1x16xf32>
        tpu.vector_store %arg7[%parallel_loop3A_1214, %parallel_loop3A_1215, %parallel_loop3A_1216], %parallel_loop3A_1219 {strides = array<i32>} : memref<3x32x1024xf32, #tpu.memory_space<vmem>>, vector<1x1x16xf32>,
        %parallel_loop3A_1220 = arith.constant 1 : i32
        %parallel_loop3A_1221 = arith.constant 28 : i32
        %parallel_loop3A_1222 = arith.index_cast %parallel_loop3A_1220 : i32 to index
        %parallel_loop3A_1223 = arith.index_cast %parallel_loop3A_1221 : i32 to index
        %parallel_loop3A_1224 = arith.index_cast %parallel_loop3A_880 : i32 to index
        %parallel_loop3A_1225 = tpu.vector_load %arg7[%parallel_loop3A_1222, %parallel_loop3A_1223, %parallel_loop3A_1224] {strides = array<i32>} : memref<3x32x1024xf32, #tpu.memory_space<vmem>>, vector<1x1x16xf32>,
        %parallel_loop3A_1226 = vector.shape_cast %parallel_loop3A_1225 : vector<1x1x16xf32> to vector<16xf32>
        %parallel_loop3A_1227 = arith.addf %parallel_loop3A_1226, %parallel_loop3A_1171 : vector<16xf32>
        %parallel_loop3A_1228 = arith.constant 1 : i32
        %parallel_loop3A_1229 = arith.constant 28 : i32
        %parallel_loop3A_1230 = arith.index_cast %parallel_loop3A_1228 : i32 to index
        %parallel_loop3A_1231 = arith.index_cast %parallel_loop3A_1229 : i32 to index
        %parallel_loop3A_1232 = arith.index_cast %parallel_loop3A_880 : i32 to index
        %parallel_loop3A_1233 = tpu.vector_load %arg7[%parallel_loop3A_1230, %parallel_loop3A_1231, %parallel_loop3A_1232] {strides = array<i32>} : memref<3x32x1024xf32, #tpu.memory_space<vmem>>, vector<1x1x16xf32>,
        %parallel_loop3A_1234 = vector.shape_cast %parallel_loop3A_1233 : vector<1x1x16xf32> to vector<16xf32>
        %parallel_loop3A_1235 = vector.shape_cast %parallel_loop3A_1227 : vector<16xf32> to vector<1x1x16xf32>
        tpu.vector_store %arg7[%parallel_loop3A_1230, %parallel_loop3A_1231, %parallel_loop3A_1232], %parallel_loop3A_1235 {strides = array<i32>} : memref<3x32x1024xf32, #tpu.memory_space<vmem>>, vector<1x1x16xf32>,
        %parallel_loop3A_1236 = arith.constant 1 : i32
        %parallel_loop3A_1237 = arith.constant 5 : i32
        %parallel_loop3A_1238 = arith.index_cast %parallel_loop3A_1236 : i32 to index
        %parallel_loop3A_1239 = arith.index_cast %parallel_loop3A_1237 : i32 to index
        %parallel_loop3A_1240 = arith.index_cast %parallel_loop3A_880 : i32 to index
        %parallel_loop3A_1241 = tpu.vector_load %arg8[%parallel_loop3A_1238, %parallel_loop3A_1239, %parallel_loop3A_1240] {strides = array<i32>} : memref<3x8x1024xf32, #tpu.memory_space<vmem>>, vector<1x1x16xf32>,
        %parallel_loop3A_1242 = vector.shape_cast %parallel_loop3A_1241 : vector<1x1x16xf32> to vector<16xf32>
        %parallel_loop3A_1243 = arith.constant 1 : i32
        %parallel_loop3A_1244 = arith.constant 5 : i32
        %parallel_loop3A_1245 = arith.index_cast %parallel_loop3A_1243 : i32 to index
        %parallel_loop3A_1246 = arith.index_cast %parallel_loop3A_1244 : i32 to index
        %parallel_loop3A_1247 = arith.index_cast %parallel_loop3A_880 : i32 to index
        %parallel_loop3A_1248 = tpu.vector_load %arg7[%parallel_loop3A_1245, %parallel_loop3A_1246, %parallel_loop3A_1247] {strides = array<i32>} : memref<3x32x1024xf32, #tpu.memory_space<vmem>>, vector<1x1x16xf32>,
        %parallel_loop3A_1249 = vector.shape_cast %parallel_loop3A_1248 : vector<1x1x16xf32> to vector<16xf32>
        %parallel_loop3A_1250 = arith.addf %parallel_loop3A_1249, %parallel_loop3A_1242 : vector<16xf32>
        %parallel_loop3A_1251 = arith.constant 1 : i32
        %parallel_loop3A_1252 = arith.constant 5 : i32
        %parallel_loop3A_1253 = arith.index_cast %parallel_loop3A_1251 : i32 to index
        %parallel_loop3A_1254 = arith.index_cast %parallel_loop3A_1252 : i32 to index
        %parallel_loop3A_1255 = arith.index_cast %parallel_loop3A_880 : i32 to index
        %parallel_loop3A_1256 = tpu.vector_load %arg7[%parallel_loop3A_1253, %parallel_loop3A_1254, %parallel_loop3A_1255] {strides = array<i32>} : memref<3x32x1024xf32, #tpu.memory_space<vmem>>, vector<1x1x16xf32>,
        %parallel_loop3A_1257 = vector.shape_cast %parallel_loop3A_1256 : vector<1x1x16xf32> to vector<16xf32>
        %parallel_loop3A_1258 = vector.shape_cast %parallel_loop3A_1250 : vector<16xf32> to vector<1x1x16xf32>
        tpu.vector_store %arg7[%parallel_loop3A_1253, %parallel_loop3A_1254, %parallel_loop3A_1255], %parallel_loop3A_1258 {strides = array<i32>} : memref<3x32x1024xf32, #tpu.memory_space<vmem>>, vector<1x1x16xf32>,
        %parallel_loop3A_1259 = arith.constant 1 : i32
        %parallel_loop3A_1260 = arith.constant 13 : i32
        %parallel_loop3A_1261 = arith.index_cast %parallel_loop3A_1259 : i32 to index
        %parallel_loop3A_1262 = arith.index_cast %parallel_loop3A_1260 : i32 to index
        %parallel_loop3A_1263 = arith.index_cast %parallel_loop3A_880 : i32 to index
        %parallel_loop3A_1264 = tpu.vector_load %arg7[%parallel_loop3A_1261, %parallel_loop3A_1262, %parallel_loop3A_1263] {strides = array<i32>} : memref<3x32x1024xf32, #tpu.memory_space<vmem>>, vector<1x1x16xf32>,
        %parallel_loop3A_1265 = vector.shape_cast %parallel_loop3A_1264 : vector<1x1x16xf32> to vector<16xf32>
        %parallel_loop3A_1266 = arith.addf %parallel_loop3A_1265, %parallel_loop3A_1242 : vector<16xf32>
        %parallel_loop3A_1267 = arith.constant 1 : i32
        %parallel_loop3A_1268 = arith.constant 13 : i32
        %parallel_loop3A_1269 = arith.index_cast %parallel_loop3A_1267 : i32 to index
        %parallel_loop3A_1270 = arith.index_cast %parallel_loop3A_1268 : i32 to index
        %parallel_loop3A_1271 = arith.index_cast %parallel_loop3A_880 : i32 to index
        %parallel_loop3A_1272 = tpu.vector_load %arg7[%parallel_loop3A_1269, %parallel_loop3A_1270, %parallel_loop3A_1271] {strides = array<i32>} : memref<3x32x1024xf32, #tpu.memory_space<vmem>>, vector<1x1x16xf32>,
        %parallel_loop3A_1273 = vector.shape_cast %parallel_loop3A_1272 : vector<1x1x16xf32> to vector<16xf32>
        %parallel_loop3A_1274 = vector.shape_cast %parallel_loop3A_1266 : vector<16xf32> to vector<1x1x16xf32>
        tpu.vector_store %arg7[%parallel_loop3A_1269, %parallel_loop3A_1270, %parallel_loop3A_1271], %parallel_loop3A_1274 {strides = array<i32>} : memref<3x32x1024xf32, #tpu.memory_space<vmem>>, vector<1x1x16xf32>,
        %parallel_loop3A_1275 = arith.constant 1 : i32
        %parallel_loop3A_1276 = arith.constant 21 : i32
        %parallel_loop3A_1277 = arith.index_cast %parallel_loop3A_1275 : i32 to index
        %parallel_loop3A_1278 = arith.index_cast %parallel_loop3A_1276 : i32 to index
        %parallel_loop3A_1279 = arith.index_cast %parallel_loop3A_880 : i32 to index
        %parallel_loop3A_1280 = tpu.vector_load %arg7[%parallel_loop3A_1277, %parallel_loop3A_1278, %parallel_loop3A_1279] {strides = array<i32>} : memref<3x32x1024xf32, #tpu.memory_space<vmem>>, vector<1x1x16xf32>,
        %parallel_loop3A_1281 = vector.shape_cast %parallel_loop3A_1280 : vector<1x1x16xf32> to vector<16xf32>
        %parallel_loop3A_1282 = arith.addf %parallel_loop3A_1281, %parallel_loop3A_1242 : vector<16xf32>
        %parallel_loop3A_1283 = arith.constant 1 : i32
        %parallel_loop3A_1284 = arith.constant 21 : i32
        %parallel_loop3A_1285 = arith.index_cast %parallel_loop3A_1283 : i32 to index
        %parallel_loop3A_1286 = arith.index_cast %parallel_loop3A_1284 : i32 to index
        %parallel_loop3A_1287 = arith.index_cast %parallel_loop3A_880 : i32 to index
        %parallel_loop3A_1288 = tpu.vector_load %arg7[%parallel_loop3A_1285, %parallel_loop3A_1286, %parallel_loop3A_1287] {strides = array<i32>} : memref<3x32x1024xf32, #tpu.memory_space<vmem>>, vector<1x1x16xf32>,
        %parallel_loop3A_1289 = vector.shape_cast %parallel_loop3A_1288 : vector<1x1x16xf32> to vector<16xf32>
        %parallel_loop3A_1290 = vector.shape_cast %parallel_loop3A_1282 : vector<16xf32> to vector<1x1x16xf32>
        tpu.vector_store %arg7[%parallel_loop3A_1285, %parallel_loop3A_1286, %parallel_loop3A_1287], %parallel_loop3A_1290 {strides = array<i32>} : memref<3x32x1024xf32, #tpu.memory_space<vmem>>, vector<1x1x16xf32>,
        %parallel_loop3A_1291 = arith.constant 1 : i32
        %parallel_loop3A_1292 = arith.constant 29 : i32
        %parallel_loop3A_1293 = arith.index_cast %parallel_loop3A_1291 : i32 to index
        %parallel_loop3A_1294 = arith.index_cast %parallel_loop3A_1292 : i32 to index
        %parallel_loop3A_1295 = arith.index_cast %parallel_loop3A_880 : i32 to index
        %parallel_loop3A_1296 = tpu.vector_load %arg7[%parallel_loop3A_1293, %parallel_loop3A_1294, %parallel_loop3A_1295] {strides = array<i32>} : memref<3x32x1024xf32, #tpu.memory_space<vmem>>, vector<1x1x16xf32>,
        %parallel_loop3A_1297 = vector.shape_cast %parallel_loop3A_1296 : vector<1x1x16xf32> to vector<16xf32>
        %parallel_loop3A_1298 = arith.addf %parallel_loop3A_1297, %parallel_loop3A_1242 : vector<16xf32>
        %parallel_loop3A_1299 = arith.constant 1 : i32
        %parallel_loop3A_1300 = arith.constant 29 : i32
        %parallel_loop3A_1301 = arith.index_cast %parallel_loop3A_1299 : i32 to index
        %parallel_loop3A_1302 = arith.index_cast %parallel_loop3A_1300 : i32 to index
        %parallel_loop3A_1303 = arith.index_cast %parallel_loop3A_880 : i32 to index
        %parallel_loop3A_1304 = tpu.vector_load %arg7[%parallel_loop3A_1301, %parallel_loop3A_1302, %parallel_loop3A_1303] {strides = array<i32>} : memref<3x32x1024xf32, #tpu.memory_space<vmem>>, vector<1x1x16xf32>,
        %parallel_loop3A_1305 = vector.shape_cast %parallel_loop3A_1304 : vector<1x1x16xf32> to vector<16xf32>
        %parallel_loop3A_1306 = vector.shape_cast %parallel_loop3A_1298 : vector<16xf32> to vector<1x1x16xf32>
        tpu.vector_store %arg7[%parallel_loop3A_1301, %parallel_loop3A_1302, %parallel_loop3A_1303], %parallel_loop3A_1306 {strides = array<i32>} : memref<3x32x1024xf32, #tpu.memory_space<vmem>>, vector<1x1x16xf32>,
        %parallel_loop3A_1307 = arith.constant 1 : i32
        %parallel_loop3A_1308 = arith.constant 6 : i32
        %parallel_loop3A_1309 = arith.index_cast %parallel_loop3A_1307 : i32 to index
        %parallel_loop3A_1310 = arith.index_cast %parallel_loop3A_1308 : i32 to index
        %parallel_loop3A_1311 = arith.index_cast %parallel_loop3A_880 : i32 to index
        %parallel_loop3A_1312 = tpu.vector_load %arg8[%parallel_loop3A_1309, %parallel_loop3A_1310, %parallel_loop3A_1311] {strides = array<i32>} : memref<3x8x1024xf32, #tpu.memory_space<vmem>>, vector<1x1x16xf32>,
        %parallel_loop3A_1313 = vector.shape_cast %parallel_loop3A_1312 : vector<1x1x16xf32> to vector<16xf32>
        %parallel_loop3A_1314 = arith.constant 1 : i32
        %parallel_loop3A_1315 = arith.constant 6 : i32
        %parallel_loop3A_1316 = arith.index_cast %parallel_loop3A_1314 : i32 to index
        %parallel_loop3A_1317 = arith.index_cast %parallel_loop3A_1315 : i32 to index
        %parallel_loop3A_1318 = arith.index_cast %parallel_loop3A_880 : i32 to index
        %parallel_loop3A_1319 = tpu.vector_load %arg7[%parallel_loop3A_1316, %parallel_loop3A_1317, %parallel_loop3A_1318] {strides = array<i32>} : memref<3x32x1024xf32, #tpu.memory_space<vmem>>, vector<1x1x16xf32>,
        %parallel_loop3A_1320 = vector.shape_cast %parallel_loop3A_1319 : vector<1x1x16xf32> to vector<16xf32>
        %parallel_loop3A_1321 = arith.addf %parallel_loop3A_1320, %parallel_loop3A_1313 : vector<16xf32>
        %parallel_loop3A_1322 = arith.constant 1 : i32
        %parallel_loop3A_1323 = arith.constant 6 : i32
        %parallel_loop3A_1324 = arith.index_cast %parallel_loop3A_1322 : i32 to index
        %parallel_loop3A_1325 = arith.index_cast %parallel_loop3A_1323 : i32 to index
        %parallel_loop3A_1326 = arith.index_cast %parallel_loop3A_880 : i32 to index
        %parallel_loop3A_1327 = tpu.vector_load %arg7[%parallel_loop3A_1324, %parallel_loop3A_1325, %parallel_loop3A_1326] {strides = array<i32>} : memref<3x32x1024xf32, #tpu.memory_space<vmem>>, vector<1x1x16xf32>,
        %parallel_loop3A_1328 = vector.shape_cast %parallel_loop3A_1327 : vector<1x1x16xf32> to vector<16xf32>
        %parallel_loop3A_1329 = vector.shape_cast %parallel_loop3A_1321 : vector<16xf32> to vector<1x1x16xf32>
        tpu.vector_store %arg7[%parallel_loop3A_1324, %parallel_loop3A_1325, %parallel_loop3A_1326], %parallel_loop3A_1329 {strides = array<i32>} : memref<3x32x1024xf32, #tpu.memory_space<vmem>>, vector<1x1x16xf32>,
        %parallel_loop3A_1330 = arith.constant 1 : i32
        %parallel_loop3A_1331 = arith.constant 14 : i32
        %parallel_loop3A_1332 = arith.index_cast %parallel_loop3A_1330 : i32 to index
        %parallel_loop3A_1333 = arith.index_cast %parallel_loop3A_1331 : i32 to index
        %parallel_loop3A_1334 = arith.index_cast %parallel_loop3A_880 : i32 to index
        %parallel_loop3A_1335 = tpu.vector_load %arg7[%parallel_loop3A_1332, %parallel_loop3A_1333, %parallel_loop3A_1334] {strides = array<i32>} : memref<3x32x1024xf32, #tpu.memory_space<vmem>>, vector<1x1x16xf32>,
        %parallel_loop3A_1336 = vector.shape_cast %parallel_loop3A_1335 : vector<1x1x16xf32> to vector<16xf32>
        %parallel_loop3A_1337 = arith.addf %parallel_loop3A_1336, %parallel_loop3A_1313 : vector<16xf32>
        %parallel_loop3A_1338 = arith.constant 1 : i32
        %parallel_loop3A_1339 = arith.constant 14 : i32
        %parallel_loop3A_1340 = arith.index_cast %parallel_loop3A_1338 : i32 to index
        %parallel_loop3A_1341 = arith.index_cast %parallel_loop3A_1339 : i32 to index
        %parallel_loop3A_1342 = arith.index_cast %parallel_loop3A_880 : i32 to index
        %parallel_loop3A_1343 = tpu.vector_load %arg7[%parallel_loop3A_1340, %parallel_loop3A_1341, %parallel_loop3A_1342] {strides = array<i32>} : memref<3x32x1024xf32, #tpu.memory_space<vmem>>, vector<1x1x16xf32>,
        %parallel_loop3A_1344 = vector.shape_cast %parallel_loop3A_1343 : vector<1x1x16xf32> to vector<16xf32>
        %parallel_loop3A_1345 = vector.shape_cast %parallel_loop3A_1337 : vector<16xf32> to vector<1x1x16xf32>
        tpu.vector_store %arg7[%parallel_loop3A_1340, %parallel_loop3A_1341, %parallel_loop3A_1342], %parallel_loop3A_1345 {strides = array<i32>} : memref<3x32x1024xf32, #tpu.memory_space<vmem>>, vector<1x1x16xf32>,
        %parallel_loop3A_1346 = arith.constant 1 : i32
        %parallel_loop3A_1347 = arith.constant 22 : i32
        %parallel_loop3A_1348 = arith.index_cast %parallel_loop3A_1346 : i32 to index
        %parallel_loop3A_1349 = arith.index_cast %parallel_loop3A_1347 : i32 to index
        %parallel_loop3A_1350 = arith.index_cast %parallel_loop3A_880 : i32 to index
        %parallel_loop3A_1351 = tpu.vector_load %arg7[%parallel_loop3A_1348, %parallel_loop3A_1349, %parallel_loop3A_1350] {strides = array<i32>} : memref<3x32x1024xf32, #tpu.memory_space<vmem>>, vector<1x1x16xf32>,
        %parallel_loop3A_1352 = vector.shape_cast %parallel_loop3A_1351 : vector<1x1x16xf32> to vector<16xf32>
        %parallel_loop3A_1353 = arith.addf %parallel_loop3A_1352, %parallel_loop3A_1313 : vector<16xf32>
        %parallel_loop3A_1354 = arith.constant 1 : i32
        %parallel_loop3A_1355 = arith.constant 22 : i32
        %parallel_loop3A_1356 = arith.index_cast %parallel_loop3A_1354 : i32 to index
        %parallel_loop3A_1357 = arith.index_cast %parallel_loop3A_1355 : i32 to index
        %parallel_loop3A_1358 = arith.index_cast %parallel_loop3A_880 : i32 to index
        %parallel_loop3A_1359 = tpu.vector_load %arg7[%parallel_loop3A_1356, %parallel_loop3A_1357, %parallel_loop3A_1358] {strides = array<i32>} : memref<3x32x1024xf32, #tpu.memory_space<vmem>>, vector<1x1x16xf32>,
        %parallel_loop3A_1360 = vector.shape_cast %parallel_loop3A_1359 : vector<1x1x16xf32> to vector<16xf32>
        %parallel_loop3A_1361 = vector.shape_cast %parallel_loop3A_1353 : vector<16xf32> to vector<1x1x16xf32>
        tpu.vector_store %arg7[%parallel_loop3A_1356, %parallel_loop3A_1357, %parallel_loop3A_1358], %parallel_loop3A_1361 {strides = array<i32>} : memref<3x32x1024xf32, #tpu.memory_space<vmem>>, vector<1x1x16xf32>,
        %parallel_loop3A_1362 = arith.constant 1 : i32
        %parallel_loop3A_1363 = arith.constant 30 : i32
        %parallel_loop3A_1364 = arith.index_cast %parallel_loop3A_1362 : i32 to index
        %parallel_loop3A_1365 = arith.index_cast %parallel_loop3A_1363 : i32 to index
        %parallel_loop3A_1366 = arith.index_cast %parallel_loop3A_880 : i32 to index
        %parallel_loop3A_1367 = tpu.vector_load %arg7[%parallel_loop3A_1364, %parallel_loop3A_1365, %parallel_loop3A_1366] {strides = array<i32>} : memref<3x32x1024xf32, #tpu.memory_space<vmem>>, vector<1x1x16xf32>,
        %parallel_loop3A_1368 = vector.shape_cast %parallel_loop3A_1367 : vector<1x1x16xf32> to vector<16xf32>
        %parallel_loop3A_1369 = arith.addf %parallel_loop3A_1368, %parallel_loop3A_1313 : vector<16xf32>
        %parallel_loop3A_1370 = arith.constant 1 : i32
        %parallel_loop3A_1371 = arith.constant 30 : i32
        %parallel_loop3A_1372 = arith.index_cast %parallel_loop3A_1370 : i32 to index
        %parallel_loop3A_1373 = arith.index_cast %parallel_loop3A_1371 : i32 to index
        %parallel_loop3A_1374 = arith.index_cast %parallel_loop3A_880 : i32 to index
        %parallel_loop3A_1375 = tpu.vector_load %arg7[%parallel_loop3A_1372, %parallel_loop3A_1373, %parallel_loop3A_1374] {strides = array<i32>} : memref<3x32x1024xf32, #tpu.memory_space<vmem>>, vector<1x1x16xf32>,
        %parallel_loop3A_1376 = vector.shape_cast %parallel_loop3A_1375 : vector<1x1x16xf32> to vector<16xf32>
        %parallel_loop3A_1377 = vector.shape_cast %parallel_loop3A_1369 : vector<16xf32> to vector<1x1x16xf32>
        tpu.vector_store %arg7[%parallel_loop3A_1372, %parallel_loop3A_1373, %parallel_loop3A_1374], %parallel_loop3A_1377 {strides = array<i32>} : memref<3x32x1024xf32, #tpu.memory_space<vmem>>, vector<1x1x16xf32>,
        %parallel_loop3A_1378 = arith.constant 1 : i32
        %parallel_loop3A_1379 = arith.constant 7 : i32
        %parallel_loop3A_1380 = arith.index_cast %parallel_loop3A_1378 : i32 to index
        %parallel_loop3A_1381 = arith.index_cast %parallel_loop3A_1379 : i32 to index
        %parallel_loop3A_1382 = arith.index_cast %parallel_loop3A_880 : i32 to index
        %parallel_loop3A_1383 = tpu.vector_load %arg8[%parallel_loop3A_1380, %parallel_loop3A_1381, %parallel_loop3A_1382] {strides = array<i32>} : memref<3x8x1024xf32, #tpu.memory_space<vmem>>, vector<1x1x16xf32>,
        %parallel_loop3A_1384 = vector.shape_cast %parallel_loop3A_1383 : vector<1x1x16xf32> to vector<16xf32>
        %parallel_loop3A_1385 = arith.constant 1 : i32
        %parallel_loop3A_1386 = arith.constant 7 : i32
        %parallel_loop3A_1387 = arith.index_cast %parallel_loop3A_1385 : i32 to index
        %parallel_loop3A_1388 = arith.index_cast %parallel_loop3A_1386 : i32 to index
        %parallel_loop3A_1389 = arith.index_cast %parallel_loop3A_880 : i32 to index
        %parallel_loop3A_1390 = tpu.vector_load %arg7[%parallel_loop3A_1387, %parallel_loop3A_1388, %parallel_loop3A_1389] {strides = array<i32>} : memref<3x32x1024xf32, #tpu.memory_space<vmem>>, vector<1x1x16xf32>,
        %parallel_loop3A_1391 = vector.shape_cast %parallel_loop3A_1390 : vector<1x1x16xf32> to vector<16xf32>
        %parallel_loop3A_1392 = arith.addf %parallel_loop3A_1391, %parallel_loop3A_1384 : vector<16xf32>
        %parallel_loop3A_1393 = arith.constant 1 : i32
        %parallel_loop3A_1394 = arith.constant 7 : i32
        %parallel_loop3A_1395 = arith.index_cast %parallel_loop3A_1393 : i32 to index
        %parallel_loop3A_1396 = arith.index_cast %parallel_loop3A_1394 : i32 to index
        %parallel_loop3A_1397 = arith.index_cast %parallel_loop3A_880 : i32 to index
        %parallel_loop3A_1398 = tpu.vector_load %arg7[%parallel_loop3A_1395, %parallel_loop3A_1396, %parallel_loop3A_1397] {strides = array<i32>} : memref<3x32x1024xf32, #tpu.memory_space<vmem>>, vector<1x1x16xf32>,
        %parallel_loop3A_1399 = vector.shape_cast %parallel_loop3A_1398 : vector<1x1x16xf32> to vector<16xf32>
        %parallel_loop3A_1400 = vector.shape_cast %parallel_loop3A_1392 : vector<16xf32> to vector<1x1x16xf32>
        tpu.vector_store %arg7[%parallel_loop3A_1395, %parallel_loop3A_1396, %parallel_loop3A_1397], %parallel_loop3A_1400 {strides = array<i32>} : memref<3x32x1024xf32, #tpu.memory_space<vmem>>, vector<1x1x16xf32>,
        %parallel_loop3A_1401 = arith.constant 1 : i32
        %parallel_loop3A_1402 = arith.constant 15 : i32
        %parallel_loop3A_1403 = arith.index_cast %parallel_loop3A_1401 : i32 to index
        %parallel_loop3A_1404 = arith.index_cast %parallel_loop3A_1402 : i32 to index
        %parallel_loop3A_1405 = arith.index_cast %parallel_loop3A_880 : i32 to index
        %parallel_loop3A_1406 = tpu.vector_load %arg7[%parallel_loop3A_1403, %parallel_loop3A_1404, %parallel_loop3A_1405] {strides = array<i32>} : memref<3x32x1024xf32, #tpu.memory_space<vmem>>, vector<1x1x16xf32>,
        %parallel_loop3A_1407 = vector.shape_cast %parallel_loop3A_1406 : vector<1x1x16xf32> to vector<16xf32>
        %parallel_loop3A_1408 = arith.addf %parallel_loop3A_1407, %parallel_loop3A_1384 : vector<16xf32>
        %parallel_loop3A_1409 = arith.constant 1 : i32
        %parallel_loop3A_1410 = arith.constant 15 : i32
        %parallel_loop3A_1411 = arith.index_cast %parallel_loop3A_1409 : i32 to index
        %parallel_loop3A_1412 = arith.index_cast %parallel_loop3A_1410 : i32 to index
        %parallel_loop3A_1413 = arith.index_cast %parallel_loop3A_880 : i32 to index
        %parallel_loop3A_1414 = tpu.vector_load %arg7[%parallel_loop3A_1411, %parallel_loop3A_1412, %parallel_loop3A_1413] {strides = array<i32>} : memref<3x32x1024xf32, #tpu.memory_space<vmem>>, vector<1x1x16xf32>,
        %parallel_loop3A_1415 = vector.shape_cast %parallel_loop3A_1414 : vector<1x1x16xf32> to vector<16xf32>
        %parallel_loop3A_1416 = vector.shape_cast %parallel_loop3A_1408 : vector<16xf32> to vector<1x1x16xf32>
        tpu.vector_store %arg7[%parallel_loop3A_1411, %parallel_loop3A_1412, %parallel_loop3A_1413], %parallel_loop3A_1416 {strides = array<i32>} : memref<3x32x1024xf32, #tpu.memory_space<vmem>>, vector<1x1x16xf32>,
        %parallel_loop3A_1417 = arith.constant 1 : i32
        %parallel_loop3A_1418 = arith.constant 23 : i32
        %parallel_loop3A_1419 = arith.index_cast %parallel_loop3A_1417 : i32 to index
        %parallel_loop3A_1420 = arith.index_cast %parallel_loop3A_1418 : i32 to index
        %parallel_loop3A_1421 = arith.index_cast %parallel_loop3A_880 : i32 to index
        %parallel_loop3A_1422 = tpu.vector_load %arg7[%parallel_loop3A_1419, %parallel_loop3A_1420, %parallel_loop3A_1421] {strides = array<i32>} : memref<3x32x1024xf32, #tpu.memory_space<vmem>>, vector<1x1x16xf32>,
        %parallel_loop3A_1423 = vector.shape_cast %parallel_loop3A_1422 : vector<1x1x16xf32> to vector<16xf32>
        %parallel_loop3A_1424 = arith.addf %parallel_loop3A_1423, %parallel_loop3A_1384 : vector<16xf32>
        %parallel_loop3A_1425 = arith.constant 1 : i32
        %parallel_loop3A_1426 = arith.constant 23 : i32
        %parallel_loop3A_1427 = arith.index_cast %parallel_loop3A_1425 : i32 to index
        %parallel_loop3A_1428 = arith.index_cast %parallel_loop3A_1426 : i32 to index
        %parallel_loop3A_1429 = arith.index_cast %parallel_loop3A_880 : i32 to index
        %parallel_loop3A_1430 = tpu.vector_load %arg7[%parallel_loop3A_1427, %parallel_loop3A_1428, %parallel_loop3A_1429] {strides = array<i32>} : memref<3x32x1024xf32, #tpu.memory_space<vmem>>, vector<1x1x16xf32>,
        %parallel_loop3A_1431 = vector.shape_cast %parallel_loop3A_1430 : vector<1x1x16xf32> to vector<16xf32>
        %parallel_loop3A_1432 = vector.shape_cast %parallel_loop3A_1424 : vector<16xf32> to vector<1x1x16xf32>
        tpu.vector_store %arg7[%parallel_loop3A_1427, %parallel_loop3A_1428, %parallel_loop3A_1429], %parallel_loop3A_1432 {strides = array<i32>} : memref<3x32x1024xf32, #tpu.memory_space<vmem>>, vector<1x1x16xf32>,
        %parallel_loop3A_1433 = arith.constant 1 : i32
        %parallel_loop3A_1434 = arith.constant 31 : i32
        %parallel_loop3A_1435 = arith.index_cast %parallel_loop3A_1433 : i32 to index
        %parallel_loop3A_1436 = arith.index_cast %parallel_loop3A_1434 : i32 to index
        %parallel_loop3A_1437 = arith.index_cast %parallel_loop3A_880 : i32 to index
        %parallel_loop3A_1438 = tpu.vector_load %arg7[%parallel_loop3A_1435, %parallel_loop3A_1436, %parallel_loop3A_1437] {strides = array<i32>} : memref<3x32x1024xf32, #tpu.memory_space<vmem>>, vector<1x1x16xf32>,
        %parallel_loop3A_1439 = vector.shape_cast %parallel_loop3A_1438 : vector<1x1x16xf32> to vector<16xf32>
        %parallel_loop3A_1440 = arith.addf %parallel_loop3A_1439, %parallel_loop3A_1384 : vector<16xf32>
        %parallel_loop3A_1441 = arith.constant 1 : i32
        %parallel_loop3A_1442 = arith.constant 31 : i32
        %parallel_loop3A_1443 = arith.index_cast %parallel_loop3A_1441 : i32 to index
        %parallel_loop3A_1444 = arith.index_cast %parallel_loop3A_1442 : i32 to index
        %parallel_loop3A_1445 = arith.index_cast %parallel_loop3A_880 : i32 to index
        %parallel_loop3A_1446 = tpu.vector_load %arg7[%parallel_loop3A_1443, %parallel_loop3A_1444, %parallel_loop3A_1445] {strides = array<i32>} : memref<3x32x1024xf32, #tpu.memory_space<vmem>>, vector<1x1x16xf32>,
        %parallel_loop3A_1447 = vector.shape_cast %parallel_loop3A_1446 : vector<1x1x16xf32> to vector<16xf32>
        %parallel_loop3A_1448 = vector.shape_cast %parallel_loop3A_1440 : vector<16xf32> to vector<1x1x16xf32>
        tpu.vector_store %arg7[%parallel_loop3A_1443, %parallel_loop3A_1444, %parallel_loop3A_1445], %parallel_loop3A_1448 {strides = array<i32>} : memref<3x32x1024xf32, #tpu.memory_space<vmem>>, vector<1x1x16xf32>,
      } {sc.loop_unroll_factor = 1 : i64, sc.parallel_access}
      %add3A_688 = arith.constant 0 : i32
      %add3A_689 = arith.addi %add3A_688, %mul3A_2 : i32
      %mul3A_690 = arith.constant 8 : i32
      %mul3A_691 = arith.muli %add3A_645, %mul3A_690 : i32
      %add3A_692 = arith.addi %add3A_689, %mul3A_691 : i32
      %dma_start3A_693 = arith.constant 1 : i32
      %dma_start3A_694 = arith.constant 0 : i32
      %dma_start3A_695 = arith.constant 0 : i32
      %dma_start3A_696 = tpu.memref_slice %arg7[%dma_start3A_693, %dma_start3A_694, %dma_start3A_695] : memref<3x32x1024xf32, #tpu.memory_space<vmem>> -> memref<1x8x1024xf32, #tpu.memory_space<vmem>>
      %dma_start3A_697 = tpu.memref_squeeze %dma_start3A_696 : memref<1x8x1024xf32, #tpu.memory_space<vmem>> -> memref<8x1024xf32, #tpu.memory_space<vmem>>
      %dma_start3A_698 = arith.constant 0 : i32
      %dma_start3A_699 = tpu.memref_slice %arg5[%add3A_692, %dma_start3A_698] : memref<32768x1024xf32, #tpu.memory_space<hbm>> -> memref<8x1024xf32, #tpu.memory_space<hbm>>
      %dma_start3A_700 = arith.constant 0 : i32
      %dma_start3A_701 = tpu.memref_slice %arg5[%add3A_692, %dma_start3A_700] : memref<32768x1024xf32, #tpu.memory_space<hbm>> -> memref<8x1024xf32, #tpu.memory_space<hbm>>
      %dma_start3A_702 = arith.constant 0 : i32
      %dma_start3A_703 = arith.constant 0 : i32
      %dma_start3A_704 = tpu.memref_slice %arg7[%dma_start3A_693, %dma_start3A_702, %dma_start3A_703] : memref<3x32x1024xf32, #tpu.memory_space<vmem>> -> memref<1x8x1024xf32, #tpu.memory_space<vmem>>
      %dma_start3A_705 = tpu.memref_squeeze %dma_start3A_704 : memref<1x8x1024xf32, #tpu.memory_space<vmem>> -> memref<8x1024xf32, #tpu.memory_space<vmem>>
      tpu.enqueue_dma source(%dma_start3A_705 : memref<8x1024xf32, #tpu.memory_space<vmem>>) target(%dma_start3A_701 : memref<8x1024xf32, #tpu.memory_space<hbm>>) target_semaphore(%arg16 : memref<!tpu.dma_semaphore, #tpu.memory_space<semaphore_mem>>)
      %add3A_706 = arith.constant 8192 : i32
      %add3A_707 = arith.addi %add3A_706, %mul3A_2 : i32
      %mul3A_708 = arith.constant 8 : i32
      %mul3A_709 = arith.muli %add3A_645, %mul3A_708 : i32
      %add3A_710 = arith.addi %add3A_707, %mul3A_709 : i32
      %dma_start3A_711 = arith.constant 1 : i32
      %dma_start3A_712 = arith.constant 8 : i32
      %dma_start3A_713 = arith.constant 0 : i32
      %dma_start3A_714 = tpu.memref_slice %arg7[%dma_start3A_711, %dma_start3A_712, %dma_start3A_713] : memref<3x32x1024xf32, #tpu.memory_space<vmem>> -> memref<1x8x1024xf32, #tpu.memory_space<vmem>>
      %dma_start3A_715 = tpu.memref_squeeze %dma_start3A_714 : memref<1x8x1024xf32, #tpu.memory_space<vmem>> -> memref<8x1024xf32, #tpu.memory_space<vmem>>
      %dma_start3A_716 = arith.constant 0 : i32
      %dma_start3A_717 = tpu.memref_slice %arg5[%add3A_710, %dma_start3A_716] : memref<32768x1024xf32, #tpu.memory_space<hbm>> -> memref<8x1024xf32, #tpu.memory_space<hbm>>
      %dma_start3A_718 = arith.constant 0 : i32
      %dma_start3A_719 = tpu.memref_slice %arg5[%add3A_710, %dma_start3A_718] : memref<32768x1024xf32, #tpu.memory_space<hbm>> -> memref<8x1024xf32, #tpu.memory_space<hbm>>
      %dma_start3A_720 = arith.constant 8 : i32
      %dma_start3A_721 = arith.constant 0 : i32
      %dma_start3A_722 = tpu.memref_slice %arg7[%dma_start3A_711, %dma_start3A_720, %dma_start3A_721] : memref<3x32x1024xf32, #tpu.memory_space<vmem>> -> memref<1x8x1024xf32, #tpu.memory_space<vmem>>
      %dma_start3A_723 = tpu.memref_squeeze %dma_start3A_722 : memref<1x8x1024xf32, #tpu.memory_space<vmem>> -> memref<8x1024xf32, #tpu.memory_space<vmem>>
      tpu.enqueue_dma source(%dma_start3A_723 : memref<8x1024xf32, #tpu.memory_space<vmem>>) target(%dma_start3A_719 : memref<8x1024xf32, #tpu.memory_space<hbm>>) target_semaphore(%arg16 : memref<!tpu.dma_semaphore, #tpu.memory_space<semaphore_mem>>)
      %add3A_724 = arith.constant 16384 : i32
      %add3A_725 = arith.addi %add3A_724, %mul3A_2 : i32
      %mul3A_726 = arith.constant 8 : i32
      %mul3A_727 = arith.muli %add3A_645, %mul3A_726 : i32
      %add3A_728 = arith.addi %add3A_725, %mul3A_727 : i32
      %dma_start3A_729 = arith.constant 1 : i32
      %dma_start3A_730 = arith.constant 16 : i32
      %dma_start3A_731 = arith.constant 0 : i32
      %dma_start3A_732 = tpu.memref_slice %arg7[%dma_start3A_729, %dma_start3A_730, %dma_start3A_731] : memref<3x32x1024xf32, #tpu.memory_space<vmem>> -> memref<1x8x1024xf32, #tpu.memory_space<vmem>>
      %dma_start3A_733 = tpu.memref_squeeze %dma_start3A_732 : memref<1x8x1024xf32, #tpu.memory_space<vmem>> -> memref<8x1024xf32, #tpu.memory_space<vmem>>
      %dma_start3A_734 = arith.constant 0 : i32
      %dma_start3A_735 = tpu.memref_slice %arg5[%add3A_728, %dma_start3A_734] : memref<32768x1024xf32, #tpu.memory_space<hbm>> -> memref<8x1024xf32, #tpu.memory_space<hbm>>
      %dma_start3A_736 = arith.constant 0 : i32
      %dma_start3A_737 = tpu.memref_slice %arg5[%add3A_728, %dma_start3A_736] : memref<32768x1024xf32, #tpu.memory_space<hbm>> -> memref<8x1024xf32, #tpu.memory_space<hbm>>
      %dma_start3A_738 = arith.constant 16 : i32
      %dma_start3A_739 = arith.constant 0 : i32
      %dma_start3A_740 = tpu.memref_slice %arg7[%dma_start3A_729, %dma_start3A_738, %dma_start3A_739] : memref<3x32x1024xf32, #tpu.memory_space<vmem>> -> memref<1x8x1024xf32, #tpu.memory_space<vmem>>
      %dma_start3A_741 = tpu.memref_squeeze %dma_start3A_740 : memref<1x8x1024xf32, #tpu.memory_space<vmem>> -> memref<8x1024xf32, #tpu.memory_space<vmem>>
      tpu.enqueue_dma source(%dma_start3A_741 : memref<8x1024xf32, #tpu.memory_space<vmem>>) target(%dma_start3A_737 : memref<8x1024xf32, #tpu.memory_space<hbm>>) target_semaphore(%arg16 : memref<!tpu.dma_semaphore, #tpu.memory_space<semaphore_mem>>)
      %add3A_742 = arith.constant 24576 : i32
      %add3A_743 = arith.addi %add3A_742, %mul3A_2 : i32
      %mul3A_744 = arith.constant 8 : i32
      %mul3A_745 = arith.muli %add3A_645, %mul3A_744 : i32
      %add3A_746 = arith.addi %add3A_743, %mul3A_745 : i32
      %dma_start3A_747 = arith.constant 1 : i32
      %dma_start3A_748 = arith.constant 24 : i32
      %dma_start3A_749 = arith.constant 0 : i32
      %dma_start3A_750 = tpu.memref_slice %arg7[%dma_start3A_747, %dma_start3A_748, %dma_start3A_749] : memref<3x32x1024xf32, #tpu.memory_space<vmem>> -> memref<1x8x1024xf32, #tpu.memory_space<vmem>>
      %dma_start3A_751 = tpu.memref_squeeze %dma_start3A_750 : memref<1x8x1024xf32, #tpu.memory_space<vmem>> -> memref<8x1024xf32, #tpu.memory_space<vmem>>
      %dma_start3A_752 = arith.constant 0 : i32
      %dma_start3A_753 = tpu.memref_slice %arg5[%add3A_746, %dma_start3A_752] : memref<32768x1024xf32, #tpu.memory_space<hbm>> -> memref<8x1024xf32, #tpu.memory_space<hbm>>
      %dma_start3A_754 = arith.constant 0 : i32
      %dma_start3A_755 = tpu.memref_slice %arg5[%add3A_746, %dma_start3A_754] : memref<32768x1024xf32, #tpu.memory_space<hbm>> -> memref<8x1024xf32, #tpu.memory_space<hbm>>
      %dma_start3A_756 = arith.constant 24 : i32
      %dma_start3A_757 = arith.constant 0 : i32
      %dma_start3A_758 = tpu.memref_slice %arg7[%dma_start3A_747, %dma_start3A_756, %dma_start3A_757] : memref<3x32x1024xf32, #tpu.memory_space<vmem>> -> memref<1x8x1024xf32, #tpu.memory_space<vmem>>
      %dma_start3A_759 = tpu.memref_squeeze %dma_start3A_758 : memref<1x8x1024xf32, #tpu.memory_space<vmem>> -> memref<8x1024xf32, #tpu.memory_space<vmem>>
      tpu.enqueue_dma source(%dma_start3A_759 : memref<8x1024xf32, #tpu.memory_space<vmem>>) target(%dma_start3A_755 : memref<8x1024xf32, #tpu.memory_space<hbm>>) target_semaphore(%arg16 : memref<!tpu.dma_semaphore, #tpu.memory_space<semaphore_mem>>)
      %mul3A_760 = arith.constant 3 : i32
      %mul3A_761 = arith.muli %mul3A_760, %scan3A_527 : i32
      %add3A_762 = arith.constant 2 : i32
      %add3A_763 = arith.addi %mul3A_761, %add3A_762 : i32
      %ge3A_764 = arith.constant 2 : i32
      %ge3A_765 = arith.cmpi sge, %add3A_763, %ge3A_764 : i32
      %convert_element_type3A_766 = arith.extui %ge3A_765 : i1 to i32
      %cond3A_767 = arith.constant 0 : i32
      %cond3A_768 = arith.cmpi ne, %convert_element_type3A_766, %cond3A_767 : i32
      scf.if %cond3A_768 {
        %sub3A = arith.constant 2 : i32
        %sub3A_878 = arith.subi %add3A_763, %sub3A : i32
        %add3A_879 = arith.constant 0 : i32
        %add3A_880 = arith.addi %add3A_879, %mul3A_2 : i32
        %mul3A_881 = arith.constant 8 : i32
        %mul3A_882 = arith.muli %sub3A_878, %mul3A_881 : i32
        %add3A_883 = arith.addi %add3A_880, %mul3A_882 : i32
        %dma_wait3A_884 = arith.constant 0 : i32
        %dma_wait3A_885 = arith.constant 0 : i32
        %dma_wait3A_886 = arith.constant 0 : i32
        %dma_wait3A_887 = tpu.memref_slice %arg7[%dma_wait3A_884, %dma_wait3A_885, %dma_wait3A_886] : memref<3x32x1024xf32, #tpu.memory_space<vmem>> -> memref<1x8x1024xf32, #tpu.memory_space<vmem>>
        %dma_wait3A_888 = tpu.memref_squeeze %dma_wait3A_887 : memref<1x8x1024xf32, #tpu.memory_space<vmem>> -> memref<8x1024xf32, #tpu.memory_space<vmem>>
        %dma_wait3A_889 = arith.constant 0 : i32
        %dma_wait3A_890 = tpu.memref_slice %arg5[%add3A_883, %dma_wait3A_889] : memref<32768x1024xf32, #tpu.memory_space<hbm>> -> memref<8x1024xf32, #tpu.memory_space<hbm>>
        %dma_wait3A_891 = arith.constant 0 : i32
        %dma_wait3A_892 = tpu.memref_slice %arg5[%add3A_883, %dma_wait3A_891] : memref<32768x1024xf32, #tpu.memory_space<hbm>> -> memref<8x1024xf32, #tpu.memory_space<hbm>>
        %dma_wait3A_893 = arith.constant 0 : i32
        %dma_wait3A_894 = arith.constant 0 : i32
        %dma_wait3A_895 = tpu.memref_slice %arg7[%dma_wait3A_884, %dma_wait3A_893, %dma_wait3A_894] : memref<3x32x1024xf32, #tpu.memory_space<vmem>> -> memref<1x8x1024xf32, #tpu.memory_space<vmem>>
        %dma_wait3A_896 = tpu.memref_squeeze %dma_wait3A_895 : memref<1x8x1024xf32, #tpu.memory_space<vmem>> -> memref<8x1024xf32, #tpu.memory_space<vmem>>
        tpu.wait_dma2 semaphore(%arg15 : memref<!tpu.dma_semaphore, #tpu.memory_space<semaphore_mem>>) src(%dma_wait3A_896 : memref<8x1024xf32, #tpu.memory_space<vmem>>) dst(%dma_wait3A_892 : memref<8x1024xf32, #tpu.memory_space<hbm>>)
        %add3A_897 = arith.constant 8192 : i32
        %add3A_898 = arith.addi %add3A_897, %mul3A_2 : i32
        %mul3A_899 = arith.constant 8 : i32
        %mul3A_900 = arith.muli %sub3A_878, %mul3A_899 : i32
        %add3A_901 = arith.addi %add3A_898, %mul3A_900 : i32
        %dma_wait3A_902 = arith.constant 0 : i32
        %dma_wait3A_903 = arith.constant 8 : i32
        %dma_wait3A_904 = arith.constant 0 : i32
        %dma_wait3A_905 = tpu.memref_slice %arg7[%dma_wait3A_902, %dma_wait3A_903, %dma_wait3A_904] : memref<3x32x1024xf32, #tpu.memory_space<vmem>> -> memref<1x8x1024xf32, #tpu.memory_space<vmem>>
        %dma_wait3A_906 = tpu.memref_squeeze %dma_wait3A_905 : memref<1x8x1024xf32, #tpu.memory_space<vmem>> -> memref<8x1024xf32, #tpu.memory_space<vmem>>
        %dma_wait3A_907 = arith.constant 0 : i32
        %dma_wait3A_908 = tpu.memref_slice %arg5[%add3A_901, %dma_wait3A_907] : memref<32768x1024xf32, #tpu.memory_space<hbm>> -> memref<8x1024xf32, #tpu.memory_space<hbm>>
        %dma_wait3A_909 = arith.constant 0 : i32
        %dma_wait3A_910 = tpu.memref_slice %arg5[%add3A_901, %dma_wait3A_909] : memref<32768x1024xf32, #tpu.memory_space<hbm>> -> memref<8x1024xf32, #tpu.memory_space<hbm>>
        %dma_wait3A_911 = arith.constant 8 : i32
        %dma_wait3A_912 = arith.constant 0 : i32
        %dma_wait3A_913 = tpu.memref_slice %arg7[%dma_wait3A_902, %dma_wait3A_911, %dma_wait3A_912] : memref<3x32x1024xf32, #tpu.memory_space<vmem>> -> memref<1x8x1024xf32, #tpu.memory_space<vmem>>
        %dma_wait3A_914 = tpu.memref_squeeze %dma_wait3A_913 : memref<1x8x1024xf32, #tpu.memory_space<vmem>> -> memref<8x1024xf32, #tpu.memory_space<vmem>>
        tpu.wait_dma2 semaphore(%arg15 : memref<!tpu.dma_semaphore, #tpu.memory_space<semaphore_mem>>) src(%dma_wait3A_914 : memref<8x1024xf32, #tpu.memory_space<vmem>>) dst(%dma_wait3A_910 : memref<8x1024xf32, #tpu.memory_space<hbm>>)
        %add3A_915 = arith.constant 16384 : i32
        %add3A_916 = arith.addi %add3A_915, %mul3A_2 : i32
        %mul3A_917 = arith.constant 8 : i32
        %mul3A_918 = arith.muli %sub3A_878, %mul3A_917 : i32
        %add3A_919 = arith.addi %add3A_916, %mul3A_918 : i32
        %dma_wait3A_920 = arith.constant 0 : i32
        %dma_wait3A_921 = arith.constant 16 : i32
        %dma_wait3A_922 = arith.constant 0 : i32
        %dma_wait3A_923 = tpu.memref_slice %arg7[%dma_wait3A_920, %dma_wait3A_921, %dma_wait3A_922] : memref<3x32x1024xf32, #tpu.memory_space<vmem>> -> memref<1x8x1024xf32, #tpu.memory_space<vmem>>
        %dma_wait3A_924 = tpu.memref_squeeze %dma_wait3A_923 : memref<1x8x1024xf32, #tpu.memory_space<vmem>> -> memref<8x1024xf32, #tpu.memory_space<vmem>>
        %dma_wait3A_925 = arith.constant 0 : i32
        %dma_wait3A_926 = tpu.memref_slice %arg5[%add3A_919, %dma_wait3A_925] : memref<32768x1024xf32, #tpu.memory_space<hbm>> -> memref<8x1024xf32, #tpu.memory_space<hbm>>
        %dma_wait3A_927 = arith.constant 0 : i32
        %dma_wait3A_928 = tpu.memref_slice %arg5[%add3A_919, %dma_wait3A_927] : memref<32768x1024xf32, #tpu.memory_space<hbm>> -> memref<8x1024xf32, #tpu.memory_space<hbm>>
        %dma_wait3A_929 = arith.constant 16 : i32
        %dma_wait3A_930 = arith.constant 0 : i32
        %dma_wait3A_931 = tpu.memref_slice %arg7[%dma_wait3A_920, %dma_wait3A_929, %dma_wait3A_930] : memref<3x32x1024xf32, #tpu.memory_space<vmem>> -> memref<1x8x1024xf32, #tpu.memory_space<vmem>>
        %dma_wait3A_932 = tpu.memref_squeeze %dma_wait3A_931 : memref<1x8x1024xf32, #tpu.memory_space<vmem>> -> memref<8x1024xf32, #tpu.memory_space<vmem>>
        tpu.wait_dma2 semaphore(%arg15 : memref<!tpu.dma_semaphore, #tpu.memory_space<semaphore_mem>>) src(%dma_wait3A_932 : memref<8x1024xf32, #tpu.memory_space<vmem>>) dst(%dma_wait3A_928 : memref<8x1024xf32, #tpu.memory_space<hbm>>)
        %add3A_933 = arith.constant 24576 : i32
        %add3A_934 = arith.addi %add3A_933, %mul3A_2 : i32
        %mul3A_935 = arith.constant 8 : i32
        %mul3A_936 = arith.muli %sub3A_878, %mul3A_935 : i32
        %add3A_937 = arith.addi %add3A_934, %mul3A_936 : i32
        %dma_wait3A_938 = arith.constant 0 : i32
        %dma_wait3A_939 = arith.constant 24 : i32
        %dma_wait3A_940 = arith.constant 0 : i32
        %dma_wait3A_941 = tpu.memref_slice %arg7[%dma_wait3A_938, %dma_wait3A_939, %dma_wait3A_940] : memref<3x32x1024xf32, #tpu.memory_space<vmem>> -> memref<1x8x1024xf32, #tpu.memory_space<vmem>>
        %dma_wait3A_942 = tpu.memref_squeeze %dma_wait3A_941 : memref<1x8x1024xf32, #tpu.memory_space<vmem>> -> memref<8x1024xf32, #tpu.memory_space<vmem>>
        %dma_wait3A_943 = arith.constant 0 : i32
        %dma_wait3A_944 = tpu.memref_slice %arg5[%add3A_937, %dma_wait3A_943] : memref<32768x1024xf32, #tpu.memory_space<hbm>> -> memref<8x1024xf32, #tpu.memory_space<hbm>>
        %dma_wait3A_945 = arith.constant 0 : i32
        %dma_wait3A_946 = tpu.memref_slice %arg5[%add3A_937, %dma_wait3A_945] : memref<32768x1024xf32, #tpu.memory_space<hbm>> -> memref<8x1024xf32, #tpu.memory_space<hbm>>
        %dma_wait3A_947 = arith.constant 24 : i32
        %dma_wait3A_948 = arith.constant 0 : i32
        %dma_wait3A_949 = tpu.memref_slice %arg7[%dma_wait3A_938, %dma_wait3A_947, %dma_wait3A_948] : memref<3x32x1024xf32, #tpu.memory_space<vmem>> -> memref<1x8x1024xf32, #tpu.memory_space<vmem>>
        %dma_wait3A_950 = tpu.memref_squeeze %dma_wait3A_949 : memref<1x8x1024xf32, #tpu.memory_space<vmem>> -> memref<8x1024xf32, #tpu.memory_space<vmem>>
        tpu.wait_dma2 semaphore(%arg15 : memref<!tpu.dma_semaphore, #tpu.memory_space<semaphore_mem>>) src(%dma_wait3A_950 : memref<8x1024xf32, #tpu.memory_space<vmem>>) dst(%dma_wait3A_946 : memref<8x1024xf32, #tpu.memory_space<hbm>>)
      } else {
      }
      %add3A_769 = arith.constant 1 : i32
      %add3A_770 = arith.addi %add3A_763, %add3A_769 : i32
      %lt3A_771 = arith.constant 32 : i32
      %lt3A_772 = arith.cmpi slt, %add3A_770, %lt3A_771 : i32
      %convert_element_type3A_773 = arith.extui %lt3A_772 : i1 to i32
      %cond3A_774 = arith.constant 0 : i32
      %cond3A_775 = arith.cmpi ne, %convert_element_type3A_773, %cond3A_774 : i32
      scf.if %cond3A_775 {
        %add3A_878 = arith.constant 1 : i32
        %add3A_879 = arith.addi %add3A_763, %add3A_878 : i32
        %dma_start3A_880 = arith.constant 0 : i32
        %dma_start3A_881 = arith.constant 0 : i32
        %dma_start3A_882 = arith.constant 0 : i32
        %dma_start3A_883 = tpu.memref_slice %arg7[%dma_start3A_880, %dma_start3A_881, %dma_start3A_882] : memref<3x32x1024xf32, #tpu.memory_space<vmem>> -> memref<1x32x1024xf32, #tpu.memory_space<vmem>>
        %dma_start3A_884 = tpu.memref_squeeze %dma_start3A_883 : memref<1x32x1024xf32, #tpu.memory_space<vmem>> -> memref<32x1024xf32, #tpu.memory_space<vmem>>
        %dma_start3A_885 = arith.constant 0 : i32
        %dma_start3A_886 = tpu.memref_slice %arg6[%add3A_879, %dma_start3A_885] : memref<32x32xi32, #tpu.memory_space<vmem>> -> memref<1x32xi32, #tpu.memory_space<vmem>>
        %dma_start3A_887 = tpu.memref_squeeze %dma_start3A_886 : memref<1x32xi32, #tpu.memory_space<vmem>> -> memref<32xi32, #tpu.memory_space<vmem>>
        %dma_start3A_888 = arith.constant 0 : i32
        %dma_start3A_889 = arith.constant 0 : i32
        %dma_start3A_890 = tpu.memref_slice %arg3[%dma_start3A_888, %dma_start3A_889] : memref<100000x1024xf32, #tpu.memory_space<hbm>> -> memref<100000x1024xf32, #tpu.memory_space<hbm>>
        tpu.enqueue_indirect_dma source(%dma_start3A_890 : memref<100000x1024xf32, #tpu.memory_space<hbm>>) target(%dma_start3A_884 : memref<32x1024xf32, #tpu.memory_space<vmem>>) offsets(%dma_start3A_887 : memref<32xi32, #tpu.memory_space<vmem>>) semaphore(%arg9 : memref<!tpu.dma_semaphore, #tpu.memory_space<semaphore_mem>>)
        %mul3A_891 = arith.constant 8 : i32
        %mul3A_892 = arith.muli %add3A_879, %mul3A_891 : i32
        %add3A_893 = arith.addi %mul3A_2, %mul3A_892 : i32
        %dma_start3A_894 = arith.constant 0 : i32
        %dma_start3A_895 = arith.constant 0 : i32
        %dma_start3A_896 = arith.constant 0 : i32
        %dma_start3A_897 = tpu.memref_slice %arg8[%dma_start3A_894, %dma_start3A_895, %dma_start3A_896] : memref<3x8x1024xf32, #tpu.memory_space<vmem>> -> memref<1x8x1024xf32, #tpu.memory_space<vmem>>
        %dma_start3A_898 = tpu.memref_squeeze %dma_start3A_897 : memref<1x8x1024xf32, #tpu.memory_space<vmem>> -> memref<8x1024xf32, #tpu.memory_space<vmem>>
        %dma_start3A_899 = arith.constant 0 : i32
        %dma_start3A_900 = tpu.memref_slice %arg4[%add3A_893, %dma_start3A_899] : memref<8192x1024xf32, #tpu.memory_space<hbm>> -> memref<8x1024xf32, #tpu.memory_space<hbm>>
        %dma_start3A_901 = arith.constant 0 : i32
        %dma_start3A_902 = arith.constant 0 : i32
        %dma_start3A_903 = tpu.memref_slice %arg8[%dma_start3A_894, %dma_start3A_901, %dma_start3A_902] : memref<3x8x1024xf32, #tpu.memory_space<vmem>> -> memref<1x8x1024xf32, #tpu.memory_space<vmem>>
        %dma_start3A_904 = tpu.memref_squeeze %dma_start3A_903 : memref<1x8x1024xf32, #tpu.memory_space<vmem>> -> memref<8x1024xf32, #tpu.memory_space<vmem>>
        %dma_start3A_905 = arith.constant 0 : i32
        %dma_start3A_906 = tpu.memref_slice %arg4[%add3A_893, %dma_start3A_905] : memref<8192x1024xf32, #tpu.memory_space<hbm>> -> memref<8x1024xf32, #tpu.memory_space<hbm>>
        tpu.enqueue_dma source(%dma_start3A_906 : memref<8x1024xf32, #tpu.memory_space<hbm>>) target(%dma_start3A_904 : memref<8x1024xf32, #tpu.memory_space<vmem>>) target_semaphore(%arg12 : memref<!tpu.dma_semaphore, #tpu.memory_space<semaphore_mem>>)
      } else {
      }
      %dma_wait3A_776 = arith.constant 2 : i32
      %dma_wait3A_777 = arith.constant 0 : i32
      %dma_wait3A_778 = arith.constant 0 : i32
      %dma_wait3A_779 = tpu.memref_slice %arg7[%dma_wait3A_776, %dma_wait3A_777, %dma_wait3A_778] : memref<3x32x1024xf32, #tpu.memory_space<vmem>> -> memref<1x32x1024xf32, #tpu.memory_space<vmem>>
      %dma_wait3A_780 = tpu.memref_squeeze %dma_wait3A_779 : memref<1x32x1024xf32, #tpu.memory_space<vmem>> -> memref<32x1024xf32, #tpu.memory_space<vmem>>
      %dma_wait3A_781 = arith.constant 0 : i32
      %dma_wait3A_782 = tpu.memref_slice %arg6[%add3A_763, %dma_wait3A_781] : memref<32x32xi32, #tpu.memory_space<vmem>> -> memref<1x32xi32, #tpu.memory_space<vmem>>
      %dma_wait3A_783 = tpu.memref_squeeze %dma_wait3A_782 : memref<1x32xi32, #tpu.memory_space<vmem>> -> memref<32xi32, #tpu.memory_space<vmem>>
      %dma_wait3A_784 = arith.constant 0 : i32
      %dma_wait3A_785 = arith.constant 0 : i32
      %dma_wait3A_786 = tpu.memref_slice %arg3[%dma_wait3A_784, %dma_wait3A_785] : memref<100000x1024xf32, #tpu.memory_space<hbm>> -> memref<100000x1024xf32, #tpu.memory_space<hbm>>
      tpu.wait_indirect_dma semaphore(%arg11 : memref<!tpu.dma_semaphore, #tpu.memory_space<semaphore_mem>>) src(%dma_wait3A_786 : memref<100000x1024xf32, #tpu.memory_space<hbm>>) dst(%dma_wait3A_780 : memref<32x1024xf32, #tpu.memory_space<vmem>>)
      %mul3A_787 = arith.constant 8 : i32
      %mul3A_788 = arith.muli %add3A_763, %mul3A_787 : i32
      %add3A_789 = arith.addi %mul3A_2, %mul3A_788 : i32
      %dma_wait3A_790 = arith.constant 2 : i32
      %dma_wait3A_791 = arith.constant 0 : i32
      %dma_wait3A_792 = arith.constant 0 : i32
      %dma_wait3A_793 = tpu.memref_slice %arg8[%dma_wait3A_790, %dma_wait3A_791, %dma_wait3A_792] : memref<3x8x1024xf32, #tpu.memory_space<vmem>> -> memref<1x8x1024xf32, #tpu.memory_space<vmem>>
      %dma_wait3A_794 = tpu.memref_squeeze %dma_wait3A_793 : memref<1x8x1024xf32, #tpu.memory_space<vmem>> -> memref<8x1024xf32, #tpu.memory_space<vmem>>
      %dma_wait3A_795 = arith.constant 0 : i32
      %dma_wait3A_796 = tpu.memref_slice %arg4[%add3A_789, %dma_wait3A_795] : memref<8192x1024xf32, #tpu.memory_space<hbm>> -> memref<8x1024xf32, #tpu.memory_space<hbm>>
      %dma_wait3A_797 = arith.constant 0 : i32
      %dma_wait3A_798 = arith.constant 0 : i32
      %dma_wait3A_799 = tpu.memref_slice %arg8[%dma_wait3A_790, %dma_wait3A_797, %dma_wait3A_798] : memref<3x8x1024xf32, #tpu.memory_space<vmem>> -> memref<1x8x1024xf32, #tpu.memory_space<vmem>>
      %dma_wait3A_800 = tpu.memref_squeeze %dma_wait3A_799 : memref<1x8x1024xf32, #tpu.memory_space<vmem>> -> memref<8x1024xf32, #tpu.memory_space<vmem>>
      %dma_wait3A_801 = arith.constant 0 : i32
      %dma_wait3A_802 = tpu.memref_slice %arg4[%add3A_789, %dma_wait3A_801] : memref<8192x1024xf32, #tpu.memory_space<hbm>> -> memref<8x1024xf32, #tpu.memory_space<hbm>>
      tpu.wait_dma2 semaphore(%arg14 : memref<!tpu.dma_semaphore, #tpu.memory_space<semaphore_mem>>) src(%dma_wait3A_802 : memref<8x1024xf32, #tpu.memory_space<hbm>>) dst(%dma_wait3A_800 : memref<8x1024xf32, #tpu.memory_space<vmem>>)
      %parallel_loop3A_803 = arith.constant 0 : i32
      %parallel_loop3A_804 = arith.constant 64 : i32
      %parallel_loop3A_805 = arith.constant 1 : i32
      scf.for %parallel_loop3A_878 = %parallel_loop3A_803 to %parallel_loop3A_804 step %parallel_loop3A_805  : i32 {
        %parallel_loop3A_879 = arith.constant 16 : i32
        %parallel_loop3A_880 = arith.muli %parallel_loop3A_878, %parallel_loop3A_879 : i32
        %parallel_loop3A_881 = arith.constant 2 : i32
        %parallel_loop3A_882 = arith.constant 0 : i32
        %parallel_loop3A_883 = arith.index_cast %parallel_loop3A_881 : i32 to index
        %parallel_loop3A_884 = arith.index_cast %parallel_loop3A_882 : i32 to index
        %parallel_loop3A_885 = arith.index_cast %parallel_loop3A_880 : i32 to index
        %parallel_loop3A_886 = tpu.vector_load %arg8[%parallel_loop3A_883, %parallel_loop3A_884, %parallel_loop3A_885] {strides = array<i32>} : memref<3x8x1024xf32, #tpu.memory_space<vmem>>, vector<1x1x16xf32>,
        %parallel_loop3A_887 = vector.shape_cast %parallel_loop3A_886 : vector<1x1x16xf32> to vector<16xf32>
        %parallel_loop3A_888 = arith.constant 2 : i32
        %parallel_loop3A_889 = arith.constant 0 : i32
        %parallel_loop3A_890 = arith.index_cast %parallel_loop3A_888 : i32 to index
        %parallel_loop3A_891 = arith.index_cast %parallel_loop3A_889 : i32 to index
        %parallel_loop3A_892 = arith.index_cast %parallel_loop3A_880 : i32 to index
        %parallel_loop3A_893 = tpu.vector_load %arg7[%parallel_loop3A_890, %parallel_loop3A_891, %parallel_loop3A_892] {strides = array<i32>} : memref<3x32x1024xf32, #tpu.memory_space<vmem>>, vector<1x1x16xf32>,
        %parallel_loop3A_894 = vector.shape_cast %parallel_loop3A_893 : vector<1x1x16xf32> to vector<16xf32>
        %parallel_loop3A_895 = arith.addf %parallel_loop3A_894, %parallel_loop3A_887 : vector<16xf32>
        %parallel_loop3A_896 = arith.constant 2 : i32
        %parallel_loop3A_897 = arith.constant 0 : i32
        %parallel_loop3A_898 = arith.index_cast %parallel_loop3A_896 : i32 to index
        %parallel_loop3A_899 = arith.index_cast %parallel_loop3A_897 : i32 to index
        %parallel_loop3A_900 = arith.index_cast %parallel_loop3A_880 : i32 to index
        %parallel_loop3A_901 = tpu.vector_load %arg7[%parallel_loop3A_898, %parallel_loop3A_899, %parallel_loop3A_900] {strides = array<i32>} : memref<3x32x1024xf32, #tpu.memory_space<vmem>>, vector<1x1x16xf32>,
        %parallel_loop3A_902 = vector.shape_cast %parallel_loop3A_901 : vector<1x1x16xf32> to vector<16xf32>
        %parallel_loop3A_903 = vector.shape_cast %parallel_loop3A_895 : vector<16xf32> to vector<1x1x16xf32>
        tpu.vector_store %arg7[%parallel_loop3A_898, %parallel_loop3A_899, %parallel_loop3A_900], %parallel_loop3A_903 {strides = array<i32>} : memref<3x32x1024xf32, #tpu.memory_space<vmem>>, vector<1x1x16xf32>,
        %parallel_loop3A_904 = arith.constant 2 : i32
        %parallel_loop3A_905 = arith.constant 8 : i32
        %parallel_loop3A_906 = arith.index_cast %parallel_loop3A_904 : i32 to index
        %parallel_loop3A_907 = arith.index_cast %parallel_loop3A_905 : i32 to index
        %parallel_loop3A_908 = arith.index_cast %parallel_loop3A_880 : i32 to index
        %parallel_loop3A_909 = tpu.vector_load %arg7[%parallel_loop3A_906, %parallel_loop3A_907, %parallel_loop3A_908] {strides = array<i32>} : memref<3x32x1024xf32, #tpu.memory_space<vmem>>, vector<1x1x16xf32>,
        %parallel_loop3A_910 = vector.shape_cast %parallel_loop3A_909 : vector<1x1x16xf32> to vector<16xf32>
        %parallel_loop3A_911 = arith.addf %parallel_loop3A_910, %parallel_loop3A_887 : vector<16xf32>
        %parallel_loop3A_912 = arith.constant 2 : i32
        %parallel_loop3A_913 = arith.constant 8 : i32
        %parallel_loop3A_914 = arith.index_cast %parallel_loop3A_912 : i32 to index
        %parallel_loop3A_915 = arith.index_cast %parallel_loop3A_913 : i32 to index
        %parallel_loop3A_916 = arith.index_cast %parallel_loop3A_880 : i32 to index
        %parallel_loop3A_917 = tpu.vector_load %arg7[%parallel_loop3A_914, %parallel_loop3A_915, %parallel_loop3A_916] {strides = array<i32>} : memref<3x32x1024xf32, #tpu.memory_space<vmem>>, vector<1x1x16xf32>,
        %parallel_loop3A_918 = vector.shape_cast %parallel_loop3A_917 : vector<1x1x16xf32> to vector<16xf32>
        %parallel_loop3A_919 = vector.shape_cast %parallel_loop3A_911 : vector<16xf32> to vector<1x1x16xf32>
        tpu.vector_store %arg7[%parallel_loop3A_914, %parallel_loop3A_915, %parallel_loop3A_916], %parallel_loop3A_919 {strides = array<i32>} : memref<3x32x1024xf32, #tpu.memory_space<vmem>>, vector<1x1x16xf32>,
        %parallel_loop3A_920 = arith.constant 2 : i32
        %parallel_loop3A_921 = arith.constant 16 : i32
        %parallel_loop3A_922 = arith.index_cast %parallel_loop3A_920 : i32 to index
        %parallel_loop3A_923 = arith.index_cast %parallel_loop3A_921 : i32 to index
        %parallel_loop3A_924 = arith.index_cast %parallel_loop3A_880 : i32 to index
        %parallel_loop3A_925 = tpu.vector_load %arg7[%parallel_loop3A_922, %parallel_loop3A_923, %parallel_loop3A_924] {strides = array<i32>} : memref<3x32x1024xf32, #tpu.memory_space<vmem>>, vector<1x1x16xf32>,
        %parallel_loop3A_926 = vector.shape_cast %parallel_loop3A_925 : vector<1x1x16xf32> to vector<16xf32>
        %parallel_loop3A_927 = arith.addf %parallel_loop3A_926, %parallel_loop3A_887 : vector<16xf32>
        %parallel_loop3A_928 = arith.constant 2 : i32
        %parallel_loop3A_929 = arith.constant 16 : i32
        %parallel_loop3A_930 = arith.index_cast %parallel_loop3A_928 : i32 to index
        %parallel_loop3A_931 = arith.index_cast %parallel_loop3A_929 : i32 to index
        %parallel_loop3A_932 = arith.index_cast %parallel_loop3A_880 : i32 to index
        %parallel_loop3A_933 = tpu.vector_load %arg7[%parallel_loop3A_930, %parallel_loop3A_931, %parallel_loop3A_932] {strides = array<i32>} : memref<3x32x1024xf32, #tpu.memory_space<vmem>>, vector<1x1x16xf32>,
        %parallel_loop3A_934 = vector.shape_cast %parallel_loop3A_933 : vector<1x1x16xf32> to vector<16xf32>
        %parallel_loop3A_935 = vector.shape_cast %parallel_loop3A_927 : vector<16xf32> to vector<1x1x16xf32>
        tpu.vector_store %arg7[%parallel_loop3A_930, %parallel_loop3A_931, %parallel_loop3A_932], %parallel_loop3A_935 {strides = array<i32>} : memref<3x32x1024xf32, #tpu.memory_space<vmem>>, vector<1x1x16xf32>,
        %parallel_loop3A_936 = arith.constant 2 : i32
        %parallel_loop3A_937 = arith.constant 24 : i32
        %parallel_loop3A_938 = arith.index_cast %parallel_loop3A_936 : i32 to index
        %parallel_loop3A_939 = arith.index_cast %parallel_loop3A_937 : i32 to index
        %parallel_loop3A_940 = arith.index_cast %parallel_loop3A_880 : i32 to index
        %parallel_loop3A_941 = tpu.vector_load %arg7[%parallel_loop3A_938, %parallel_loop3A_939, %parallel_loop3A_940] {strides = array<i32>} : memref<3x32x1024xf32, #tpu.memory_space<vmem>>, vector<1x1x16xf32>,
        %parallel_loop3A_942 = vector.shape_cast %parallel_loop3A_941 : vector<1x1x16xf32> to vector<16xf32>
        %parallel_loop3A_943 = arith.addf %parallel_loop3A_942, %parallel_loop3A_887 : vector<16xf32>
        %parallel_loop3A_944 = arith.constant 2 : i32
        %parallel_loop3A_945 = arith.constant 24 : i32
        %parallel_loop3A_946 = arith.index_cast %parallel_loop3A_944 : i32 to index
        %parallel_loop3A_947 = arith.index_cast %parallel_loop3A_945 : i32 to index
        %parallel_loop3A_948 = arith.index_cast %parallel_loop3A_880 : i32 to index
        %parallel_loop3A_949 = tpu.vector_load %arg7[%parallel_loop3A_946, %parallel_loop3A_947, %parallel_loop3A_948] {strides = array<i32>} : memref<3x32x1024xf32, #tpu.memory_space<vmem>>, vector<1x1x16xf32>,
        %parallel_loop3A_950 = vector.shape_cast %parallel_loop3A_949 : vector<1x1x16xf32> to vector<16xf32>
        %parallel_loop3A_951 = vector.shape_cast %parallel_loop3A_943 : vector<16xf32> to vector<1x1x16xf32>
        tpu.vector_store %arg7[%parallel_loop3A_946, %parallel_loop3A_947, %parallel_loop3A_948], %parallel_loop3A_951 {strides = array<i32>} : memref<3x32x1024xf32, #tpu.memory_space<vmem>>, vector<1x1x16xf32>,
        %parallel_loop3A_952 = arith.constant 2 : i32
        %parallel_loop3A_953 = arith.constant 1 : i32
        %parallel_loop3A_954 = arith.index_cast %parallel_loop3A_952 : i32 to index
        %parallel_loop3A_955 = arith.index_cast %parallel_loop3A_953 : i32 to index
        %parallel_loop3A_956 = arith.index_cast %parallel_loop3A_880 : i32 to index
        %parallel_loop3A_957 = tpu.vector_load %arg8[%parallel_loop3A_954, %parallel_loop3A_955, %parallel_loop3A_956] {strides = array<i32>} : memref<3x8x1024xf32, #tpu.memory_space<vmem>>, vector<1x1x16xf32>,
        %parallel_loop3A_958 = vector.shape_cast %parallel_loop3A_957 : vector<1x1x16xf32> to vector<16xf32>
        %parallel_loop3A_959 = arith.constant 2 : i32
        %parallel_loop3A_960 = arith.constant 1 : i32
        %parallel_loop3A_961 = arith.index_cast %parallel_loop3A_959 : i32 to index
        %parallel_loop3A_962 = arith.index_cast %parallel_loop3A_960 : i32 to index
        %parallel_loop3A_963 = arith.index_cast %parallel_loop3A_880 : i32 to index
        %parallel_loop3A_964 = tpu.vector_load %arg7[%parallel_loop3A_961, %parallel_loop3A_962, %parallel_loop3A_963] {strides = array<i32>} : memref<3x32x1024xf32, #tpu.memory_space<vmem>>, vector<1x1x16xf32>,
        %parallel_loop3A_965 = vector.shape_cast %parallel_loop3A_964 : vector<1x1x16xf32> to vector<16xf32>
        %parallel_loop3A_966 = arith.addf %parallel_loop3A_965, %parallel_loop3A_958 : vector<16xf32>
        %parallel_loop3A_967 = arith.constant 2 : i32
        %parallel_loop3A_968 = arith.constant 1 : i32
        %parallel_loop3A_969 = arith.index_cast %parallel_loop3A_967 : i32 to index
        %parallel_loop3A_970 = arith.index_cast %parallel_loop3A_968 : i32 to index
        %parallel_loop3A_971 = arith.index_cast %parallel_loop3A_880 : i32 to index
        %parallel_loop3A_972 = tpu.vector_load %arg7[%parallel_loop3A_969, %parallel_loop3A_970, %parallel_loop3A_971] {strides = array<i32>} : memref<3x32x1024xf32, #tpu.memory_space<vmem>>, vector<1x1x16xf32>,
        %parallel_loop3A_973 = vector.shape_cast %parallel_loop3A_972 : vector<1x1x16xf32> to vector<16xf32>
        %parallel_loop3A_974 = vector.shape_cast %parallel_loop3A_966 : vector<16xf32> to vector<1x1x16xf32>
        tpu.vector_store %arg7[%parallel_loop3A_969, %parallel_loop3A_970, %parallel_loop3A_971], %parallel_loop3A_974 {strides = array<i32>} : memref<3x32x1024xf32, #tpu.memory_space<vmem>>, vector<1x1x16xf32>,
        %parallel_loop3A_975 = arith.constant 2 : i32
        %parallel_loop3A_976 = arith.constant 9 : i32
        %parallel_loop3A_977 = arith.index_cast %parallel_loop3A_975 : i32 to index
        %parallel_loop3A_978 = arith.index_cast %parallel_loop3A_976 : i32 to index
        %parallel_loop3A_979 = arith.index_cast %parallel_loop3A_880 : i32 to index
        %parallel_loop3A_980 = tpu.vector_load %arg7[%parallel_loop3A_977, %parallel_loop3A_978, %parallel_loop3A_979] {strides = array<i32>} : memref<3x32x1024xf32, #tpu.memory_space<vmem>>, vector<1x1x16xf32>,
        %parallel_loop3A_981 = vector.shape_cast %parallel_loop3A_980 : vector<1x1x16xf32> to vector<16xf32>
        %parallel_loop3A_982 = arith.addf %parallel_loop3A_981, %parallel_loop3A_958 : vector<16xf32>
        %parallel_loop3A_983 = arith.constant 2 : i32
        %parallel_loop3A_984 = arith.constant 9 : i32
        %parallel_loop3A_985 = arith.index_cast %parallel_loop3A_983 : i32 to index
        %parallel_loop3A_986 = arith.index_cast %parallel_loop3A_984 : i32 to index
        %parallel_loop3A_987 = arith.index_cast %parallel_loop3A_880 : i32 to index
        %parallel_loop3A_988 = tpu.vector_load %arg7[%parallel_loop3A_985, %parallel_loop3A_986, %parallel_loop3A_987] {strides = array<i32>} : memref<3x32x1024xf32, #tpu.memory_space<vmem>>, vector<1x1x16xf32>,
        %parallel_loop3A_989 = vector.shape_cast %parallel_loop3A_988 : vector<1x1x16xf32> to vector<16xf32>
        %parallel_loop3A_990 = vector.shape_cast %parallel_loop3A_982 : vector<16xf32> to vector<1x1x16xf32>
        tpu.vector_store %arg7[%parallel_loop3A_985, %parallel_loop3A_986, %parallel_loop3A_987], %parallel_loop3A_990 {strides = array<i32>} : memref<3x32x1024xf32, #tpu.memory_space<vmem>>, vector<1x1x16xf32>,
        %parallel_loop3A_991 = arith.constant 2 : i32
        %parallel_loop3A_992 = arith.constant 17 : i32
        %parallel_loop3A_993 = arith.index_cast %parallel_loop3A_991 : i32 to index
        %parallel_loop3A_994 = arith.index_cast %parallel_loop3A_992 : i32 to index
        %parallel_loop3A_995 = arith.index_cast %parallel_loop3A_880 : i32 to index
        %parallel_loop3A_996 = tpu.vector_load %arg7[%parallel_loop3A_993, %parallel_loop3A_994, %parallel_loop3A_995] {strides = array<i32>} : memref<3x32x1024xf32, #tpu.memory_space<vmem>>, vector<1x1x16xf32>,
        %parallel_loop3A_997 = vector.shape_cast %parallel_loop3A_996 : vector<1x1x16xf32> to vector<16xf32>
        %parallel_loop3A_998 = arith.addf %parallel_loop3A_997, %parallel_loop3A_958 : vector<16xf32>
        %parallel_loop3A_999 = arith.constant 2 : i32
        %parallel_loop3A_1000 = arith.constant 17 : i32
        %parallel_loop3A_1001 = arith.index_cast %parallel_loop3A_999 : i32 to index
        %parallel_loop3A_1002 = arith.index_cast %parallel_loop3A_1000 : i32 to index
        %parallel_loop3A_1003 = arith.index_cast %parallel_loop3A_880 : i32 to index
        %parallel_loop3A_1004 = tpu.vector_load %arg7[%parallel_loop3A_1001, %parallel_loop3A_1002, %parallel_loop3A_1003] {strides = array<i32>} : memref<3x32x1024xf32, #tpu.memory_space<vmem>>, vector<1x1x16xf32>,
        %parallel_loop3A_1005 = vector.shape_cast %parallel_loop3A_1004 : vector<1x1x16xf32> to vector<16xf32>
        %parallel_loop3A_1006 = vector.shape_cast %parallel_loop3A_998 : vector<16xf32> to vector<1x1x16xf32>
        tpu.vector_store %arg7[%parallel_loop3A_1001, %parallel_loop3A_1002, %parallel_loop3A_1003], %parallel_loop3A_1006 {strides = array<i32>} : memref<3x32x1024xf32, #tpu.memory_space<vmem>>, vector<1x1x16xf32>,
        %parallel_loop3A_1007 = arith.constant 2 : i32
        %parallel_loop3A_1008 = arith.constant 25 : i32
        %parallel_loop3A_1009 = arith.index_cast %parallel_loop3A_1007 : i32 to index
        %parallel_loop3A_1010 = arith.index_cast %parallel_loop3A_1008 : i32 to index
        %parallel_loop3A_1011 = arith.index_cast %parallel_loop3A_880 : i32 to index
        %parallel_loop3A_1012 = tpu.vector_load %arg7[%parallel_loop3A_1009, %parallel_loop3A_1010, %parallel_loop3A_1011] {strides = array<i32>} : memref<3x32x1024xf32, #tpu.memory_space<vmem>>, vector<1x1x16xf32>,
        %parallel_loop3A_1013 = vector.shape_cast %parallel_loop3A_1012 : vector<1x1x16xf32> to vector<16xf32>
        %parallel_loop3A_1014 = arith.addf %parallel_loop3A_1013, %parallel_loop3A_958 : vector<16xf32>
        %parallel_loop3A_1015 = arith.constant 2 : i32
        %parallel_loop3A_1016 = arith.constant 25 : i32
        %parallel_loop3A_1017 = arith.index_cast %parallel_loop3A_1015 : i32 to index
        %parallel_loop3A_1018 = arith.index_cast %parallel_loop3A_1016 : i32 to index
        %parallel_loop3A_1019 = arith.index_cast %parallel_loop3A_880 : i32 to index
        %parallel_loop3A_1020 = tpu.vector_load %arg7[%parallel_loop3A_1017, %parallel_loop3A_1018, %parallel_loop3A_1019] {strides = array<i32>} : memref<3x32x1024xf32, #tpu.memory_space<vmem>>, vector<1x1x16xf32>,
        %parallel_loop3A_1021 = vector.shape_cast %parallel_loop3A_1020 : vector<1x1x16xf32> to vector<16xf32>
        %parallel_loop3A_1022 = vector.shape_cast %parallel_loop3A_1014 : vector<16xf32> to vector<1x1x16xf32>
        tpu.vector_store %arg7[%parallel_loop3A_1017, %parallel_loop3A_1018, %parallel_loop3A_1019], %parallel_loop3A_1022 {strides = array<i32>} : memref<3x32x1024xf32, #tpu.memory_space<vmem>>, vector<1x1x16xf32>,
        %parallel_loop3A_1023 = arith.constant 2 : i32
        %parallel_loop3A_1024 = arith.constant 2 : i32
        %parallel_loop3A_1025 = arith.index_cast %parallel_loop3A_1023 : i32 to index
        %parallel_loop3A_1026 = arith.index_cast %parallel_loop3A_1024 : i32 to index
        %parallel_loop3A_1027 = arith.index_cast %parallel_loop3A_880 : i32 to index
        %parallel_loop3A_1028 = tpu.vector_load %arg8[%parallel_loop3A_1025, %parallel_loop3A_1026, %parallel_loop3A_1027] {strides = array<i32>} : memref<3x8x1024xf32, #tpu.memory_space<vmem>>, vector<1x1x16xf32>,
        %parallel_loop3A_1029 = vector.shape_cast %parallel_loop3A_1028 : vector<1x1x16xf32> to vector<16xf32>
        %parallel_loop3A_1030 = arith.constant 2 : i32
        %parallel_loop3A_1031 = arith.constant 2 : i32
        %parallel_loop3A_1032 = arith.index_cast %parallel_loop3A_1030 : i32 to index
        %parallel_loop3A_1033 = arith.index_cast %parallel_loop3A_1031 : i32 to index
        %parallel_loop3A_1034 = arith.index_cast %parallel_loop3A_880 : i32 to index
        %parallel_loop3A_1035 = tpu.vector_load %arg7[%parallel_loop3A_1032, %parallel_loop3A_1033, %parallel_loop3A_1034] {strides = array<i32>} : memref<3x32x1024xf32, #tpu.memory_space<vmem>>, vector<1x1x16xf32>,
        %parallel_loop3A_1036 = vector.shape_cast %parallel_loop3A_1035 : vector<1x1x16xf32> to vector<16xf32>
        %parallel_loop3A_1037 = arith.addf %parallel_loop3A_1036, %parallel_loop3A_1029 : vector<16xf32>
        %parallel_loop3A_1038 = arith.constant 2 : i32
        %parallel_loop3A_1039 = arith.constant 2 : i32
        %parallel_loop3A_1040 = arith.index_cast %parallel_loop3A_1038 : i32 to index
        %parallel_loop3A_1041 = arith.index_cast %parallel_loop3A_1039 : i32 to index
        %parallel_loop3A_1042 = arith.index_cast %parallel_loop3A_880 : i32 to index
        %parallel_loop3A_1043 = tpu.vector_load %arg7[%parallel_loop3A_1040, %parallel_loop3A_1041, %parallel_loop3A_1042] {strides = array<i32>} : memref<3x32x1024xf32, #tpu.memory_space<vmem>>, vector<1x1x16xf32>,
        %parallel_loop3A_1044 = vector.shape_cast %parallel_loop3A_1043 : vector<1x1x16xf32> to vector<16xf32>
        %parallel_loop3A_1045 = vector.shape_cast %parallel_loop3A_1037 : vector<16xf32> to vector<1x1x16xf32>
        tpu.vector_store %arg7[%parallel_loop3A_1040, %parallel_loop3A_1041, %parallel_loop3A_1042], %parallel_loop3A_1045 {strides = array<i32>} : memref<3x32x1024xf32, #tpu.memory_space<vmem>>, vector<1x1x16xf32>,
        %parallel_loop3A_1046 = arith.constant 2 : i32
        %parallel_loop3A_1047 = arith.constant 10 : i32
        %parallel_loop3A_1048 = arith.index_cast %parallel_loop3A_1046 : i32 to index
        %parallel_loop3A_1049 = arith.index_cast %parallel_loop3A_1047 : i32 to index
        %parallel_loop3A_1050 = arith.index_cast %parallel_loop3A_880 : i32 to index
        %parallel_loop3A_1051 = tpu.vector_load %arg7[%parallel_loop3A_1048, %parallel_loop3A_1049, %parallel_loop3A_1050] {strides = array<i32>} : memref<3x32x1024xf32, #tpu.memory_space<vmem>>, vector<1x1x16xf32>,
        %parallel_loop3A_1052 = vector.shape_cast %parallel_loop3A_1051 : vector<1x1x16xf32> to vector<16xf32>
        %parallel_loop3A_1053 = arith.addf %parallel_loop3A_1052, %parallel_loop3A_1029 : vector<16xf32>
        %parallel_loop3A_1054 = arith.constant 2 : i32
        %parallel_loop3A_1055 = arith.constant 10 : i32
        %parallel_loop3A_1056 = arith.index_cast %parallel_loop3A_1054 : i32 to index
        %parallel_loop3A_1057 = arith.index_cast %parallel_loop3A_1055 : i32 to index
        %parallel_loop3A_1058 = arith.index_cast %parallel_loop3A_880 : i32 to index
        %parallel_loop3A_1059 = tpu.vector_load %arg7[%parallel_loop3A_1056, %parallel_loop3A_1057, %parallel_loop3A_1058] {strides = array<i32>} : memref<3x32x1024xf32, #tpu.memory_space<vmem>>, vector<1x1x16xf32>,
        %parallel_loop3A_1060 = vector.shape_cast %parallel_loop3A_1059 : vector<1x1x16xf32> to vector<16xf32>
        %parallel_loop3A_1061 = vector.shape_cast %parallel_loop3A_1053 : vector<16xf32> to vector<1x1x16xf32>
        tpu.vector_store %arg7[%parallel_loop3A_1056, %parallel_loop3A_1057, %parallel_loop3A_1058], %parallel_loop3A_1061 {strides = array<i32>} : memref<3x32x1024xf32, #tpu.memory_space<vmem>>, vector<1x1x16xf32>,
        %parallel_loop3A_1062 = arith.constant 2 : i32
        %parallel_loop3A_1063 = arith.constant 18 : i32
        %parallel_loop3A_1064 = arith.index_cast %parallel_loop3A_1062 : i32 to index
        %parallel_loop3A_1065 = arith.index_cast %parallel_loop3A_1063 : i32 to index
        %parallel_loop3A_1066 = arith.index_cast %parallel_loop3A_880 : i32 to index
        %parallel_loop3A_1067 = tpu.vector_load %arg7[%parallel_loop3A_1064, %parallel_loop3A_1065, %parallel_loop3A_1066] {strides = array<i32>} : memref<3x32x1024xf32, #tpu.memory_space<vmem>>, vector<1x1x16xf32>,
        %parallel_loop3A_1068 = vector.shape_cast %parallel_loop3A_1067 : vector<1x1x16xf32> to vector<16xf32>
        %parallel_loop3A_1069 = arith.addf %parallel_loop3A_1068, %parallel_loop3A_1029 : vector<16xf32>
        %parallel_loop3A_1070 = arith.constant 2 : i32
        %parallel_loop3A_1071 = arith.constant 18 : i32
        %parallel_loop3A_1072 = arith.index_cast %parallel_loop3A_1070 : i32 to index
        %parallel_loop3A_1073 = arith.index_cast %parallel_loop3A_1071 : i32 to index
        %parallel_loop3A_1074 = arith.index_cast %parallel_loop3A_880 : i32 to index
        %parallel_loop3A_1075 = tpu.vector_load %arg7[%parallel_loop3A_1072, %parallel_loop3A_1073, %parallel_loop3A_1074] {strides = array<i32>} : memref<3x32x1024xf32, #tpu.memory_space<vmem>>, vector<1x1x16xf32>,
        %parallel_loop3A_1076 = vector.shape_cast %parallel_loop3A_1075 : vector<1x1x16xf32> to vector<16xf32>
        %parallel_loop3A_1077 = vector.shape_cast %parallel_loop3A_1069 : vector<16xf32> to vector<1x1x16xf32>
        tpu.vector_store %arg7[%parallel_loop3A_1072, %parallel_loop3A_1073, %parallel_loop3A_1074], %parallel_loop3A_1077 {strides = array<i32>} : memref<3x32x1024xf32, #tpu.memory_space<vmem>>, vector<1x1x16xf32>,
        %parallel_loop3A_1078 = arith.constant 2 : i32
        %parallel_loop3A_1079 = arith.constant 26 : i32
        %parallel_loop3A_1080 = arith.index_cast %parallel_loop3A_1078 : i32 to index
        %parallel_loop3A_1081 = arith.index_cast %parallel_loop3A_1079 : i32 to index
        %parallel_loop3A_1082 = arith.index_cast %parallel_loop3A_880 : i32 to index
        %parallel_loop3A_1083 = tpu.vector_load %arg7[%parallel_loop3A_1080, %parallel_loop3A_1081, %parallel_loop3A_1082] {strides = array<i32>} : memref<3x32x1024xf32, #tpu.memory_space<vmem>>, vector<1x1x16xf32>,
        %parallel_loop3A_1084 = vector.shape_cast %parallel_loop3A_1083 : vector<1x1x16xf32> to vector<16xf32>
        %parallel_loop3A_1085 = arith.addf %parallel_loop3A_1084, %parallel_loop3A_1029 : vector<16xf32>
        %parallel_loop3A_1086 = arith.constant 2 : i32
        %parallel_loop3A_1087 = arith.constant 26 : i32
        %parallel_loop3A_1088 = arith.index_cast %parallel_loop3A_1086 : i32 to index
        %parallel_loop3A_1089 = arith.index_cast %parallel_loop3A_1087 : i32 to index
        %parallel_loop3A_1090 = arith.index_cast %parallel_loop3A_880 : i32 to index
        %parallel_loop3A_1091 = tpu.vector_load %arg7[%parallel_loop3A_1088, %parallel_loop3A_1089, %parallel_loop3A_1090] {strides = array<i32>} : memref<3x32x1024xf32, #tpu.memory_space<vmem>>, vector<1x1x16xf32>,
        %parallel_loop3A_1092 = vector.shape_cast %parallel_loop3A_1091 : vector<1x1x16xf32> to vector<16xf32>
        %parallel_loop3A_1093 = vector.shape_cast %parallel_loop3A_1085 : vector<16xf32> to vector<1x1x16xf32>
        tpu.vector_store %arg7[%parallel_loop3A_1088, %parallel_loop3A_1089, %parallel_loop3A_1090], %parallel_loop3A_1093 {strides = array<i32>} : memref<3x32x1024xf32, #tpu.memory_space<vmem>>, vector<1x1x16xf32>,
        %parallel_loop3A_1094 = arith.constant 2 : i32
        %parallel_loop3A_1095 = arith.constant 3 : i32
        %parallel_loop3A_1096 = arith.index_cast %parallel_loop3A_1094 : i32 to index
        %parallel_loop3A_1097 = arith.index_cast %parallel_loop3A_1095 : i32 to index
        %parallel_loop3A_1098 = arith.index_cast %parallel_loop3A_880 : i32 to index
        %parallel_loop3A_1099 = tpu.vector_load %arg8[%parallel_loop3A_1096, %parallel_loop3A_1097, %parallel_loop3A_1098] {strides = array<i32>} : memref<3x8x1024xf32, #tpu.memory_space<vmem>>, vector<1x1x16xf32>,
        %parallel_loop3A_1100 = vector.shape_cast %parallel_loop3A_1099 : vector<1x1x16xf32> to vector<16xf32>
        %parallel_loop3A_1101 = arith.constant 2 : i32
        %parallel_loop3A_1102 = arith.constant 3 : i32
        %parallel_loop3A_1103 = arith.index_cast %parallel_loop3A_1101 : i32 to index
        %parallel_loop3A_1104 = arith.index_cast %parallel_loop3A_1102 : i32 to index
        %parallel_loop3A_1105 = arith.index_cast %parallel_loop3A_880 : i32 to index
        %parallel_loop3A_1106 = tpu.vector_load %arg7[%parallel_loop3A_1103, %parallel_loop3A_1104, %parallel_loop3A_1105] {strides = array<i32>} : memref<3x32x1024xf32, #tpu.memory_space<vmem>>, vector<1x1x16xf32>,
        %parallel_loop3A_1107 = vector.shape_cast %parallel_loop3A_1106 : vector<1x1x16xf32> to vector<16xf32>
        %parallel_loop3A_1108 = arith.addf %parallel_loop3A_1107, %parallel_loop3A_1100 : vector<16xf32>
        %parallel_loop3A_1109 = arith.constant 2 : i32
        %parallel_loop3A_1110 = arith.constant 3 : i32
        %parallel_loop3A_1111 = arith.index_cast %parallel_loop3A_1109 : i32 to index
        %parallel_loop3A_1112 = arith.index_cast %parallel_loop3A_1110 : i32 to index
        %parallel_loop3A_1113 = arith.index_cast %parallel_loop3A_880 : i32 to index
        %parallel_loop3A_1114 = tpu.vector_load %arg7[%parallel_loop3A_1111, %parallel_loop3A_1112, %parallel_loop3A_1113] {strides = array<i32>} : memref<3x32x1024xf32, #tpu.memory_space<vmem>>, vector<1x1x16xf32>,
        %parallel_loop3A_1115 = vector.shape_cast %parallel_loop3A_1114 : vector<1x1x16xf32> to vector<16xf32>
        %parallel_loop3A_1116 = vector.shape_cast %parallel_loop3A_1108 : vector<16xf32> to vector<1x1x16xf32>
        tpu.vector_store %arg7[%parallel_loop3A_1111, %parallel_loop3A_1112, %parallel_loop3A_1113], %parallel_loop3A_1116 {strides = array<i32>} : memref<3x32x1024xf32, #tpu.memory_space<vmem>>, vector<1x1x16xf32>,
        %parallel_loop3A_1117 = arith.constant 2 : i32
        %parallel_loop3A_1118 = arith.constant 11 : i32
        %parallel_loop3A_1119 = arith.index_cast %parallel_loop3A_1117 : i32 to index
        %parallel_loop3A_1120 = arith.index_cast %parallel_loop3A_1118 : i32 to index
        %parallel_loop3A_1121 = arith.index_cast %parallel_loop3A_880 : i32 to index
        %parallel_loop3A_1122 = tpu.vector_load %arg7[%parallel_loop3A_1119, %parallel_loop3A_1120, %parallel_loop3A_1121] {strides = array<i32>} : memref<3x32x1024xf32, #tpu.memory_space<vmem>>, vector<1x1x16xf32>,
        %parallel_loop3A_1123 = vector.shape_cast %parallel_loop3A_1122 : vector<1x1x16xf32> to vector<16xf32>
        %parallel_loop3A_1124 = arith.addf %parallel_loop3A_1123, %parallel_loop3A_1100 : vector<16xf32>
        %parallel_loop3A_1125 = arith.constant 2 : i32
        %parallel_loop3A_1126 = arith.constant 11 : i32
        %parallel_loop3A_1127 = arith.index_cast %parallel_loop3A_1125 : i32 to index
        %parallel_loop3A_1128 = arith.index_cast %parallel_loop3A_1126 : i32 to index
        %parallel_loop3A_1129 = arith.index_cast %parallel_loop3A_880 : i32 to index
        %parallel_loop3A_1130 = tpu.vector_load %arg7[%parallel_loop3A_1127, %parallel_loop3A_1128, %parallel_loop3A_1129] {strides = array<i32>} : memref<3x32x1024xf32, #tpu.memory_space<vmem>>, vector<1x1x16xf32>,
        %parallel_loop3A_1131 = vector.shape_cast %parallel_loop3A_1130 : vector<1x1x16xf32> to vector<16xf32>
        %parallel_loop3A_1132 = vector.shape_cast %parallel_loop3A_1124 : vector<16xf32> to vector<1x1x16xf32>
        tpu.vector_store %arg7[%parallel_loop3A_1127, %parallel_loop3A_1128, %parallel_loop3A_1129], %parallel_loop3A_1132 {strides = array<i32>} : memref<3x32x1024xf32, #tpu.memory_space<vmem>>, vector<1x1x16xf32>,
        %parallel_loop3A_1133 = arith.constant 2 : i32
        %parallel_loop3A_1134 = arith.constant 19 : i32
        %parallel_loop3A_1135 = arith.index_cast %parallel_loop3A_1133 : i32 to index
        %parallel_loop3A_1136 = arith.index_cast %parallel_loop3A_1134 : i32 to index
        %parallel_loop3A_1137 = arith.index_cast %parallel_loop3A_880 : i32 to index
        %parallel_loop3A_1138 = tpu.vector_load %arg7[%parallel_loop3A_1135, %parallel_loop3A_1136, %parallel_loop3A_1137] {strides = array<i32>} : memref<3x32x1024xf32, #tpu.memory_space<vmem>>, vector<1x1x16xf32>,
        %parallel_loop3A_1139 = vector.shape_cast %parallel_loop3A_1138 : vector<1x1x16xf32> to vector<16xf32>
        %parallel_loop3A_1140 = arith.addf %parallel_loop3A_1139, %parallel_loop3A_1100 : vector<16xf32>
        %parallel_loop3A_1141 = arith.constant 2 : i32
        %parallel_loop3A_1142 = arith.constant 19 : i32
        %parallel_loop3A_1143 = arith.index_cast %parallel_loop3A_1141 : i32 to index
        %parallel_loop3A_1144 = arith.index_cast %parallel_loop3A_1142 : i32 to index
        %parallel_loop3A_1145 = arith.index_cast %parallel_loop3A_880 : i32 to index
        %parallel_loop3A_1146 = tpu.vector_load %arg7[%parallel_loop3A_1143, %parallel_loop3A_1144, %parallel_loop3A_1145] {strides = array<i32>} : memref<3x32x1024xf32, #tpu.memory_space<vmem>>, vector<1x1x16xf32>,
        %parallel_loop3A_1147 = vector.shape_cast %parallel_loop3A_1146 : vector<1x1x16xf32> to vector<16xf32>
        %parallel_loop3A_1148 = vector.shape_cast %parallel_loop3A_1140 : vector<16xf32> to vector<1x1x16xf32>
        tpu.vector_store %arg7[%parallel_loop3A_1143, %parallel_loop3A_1144, %parallel_loop3A_1145], %parallel_loop3A_1148 {strides = array<i32>} : memref<3x32x1024xf32, #tpu.memory_space<vmem>>, vector<1x1x16xf32>,
        %parallel_loop3A_1149 = arith.constant 2 : i32
        %parallel_loop3A_1150 = arith.constant 27 : i32
        %parallel_loop3A_1151 = arith.index_cast %parallel_loop3A_1149 : i32 to index
        %parallel_loop3A_1152 = arith.index_cast %parallel_loop3A_1150 : i32 to index
        %parallel_loop3A_1153 = arith.index_cast %parallel_loop3A_880 : i32 to index
        %parallel_loop3A_1154 = tpu.vector_load %arg7[%parallel_loop3A_1151, %parallel_loop3A_1152, %parallel_loop3A_1153] {strides = array<i32>} : memref<3x32x1024xf32, #tpu.memory_space<vmem>>, vector<1x1x16xf32>,
        %parallel_loop3A_1155 = vector.shape_cast %parallel_loop3A_1154 : vector<1x1x16xf32> to vector<16xf32>
        %parallel_loop3A_1156 = arith.addf %parallel_loop3A_1155, %parallel_loop3A_1100 : vector<16xf32>
        %parallel_loop3A_1157 = arith.constant 2 : i32
        %parallel_loop3A_1158 = arith.constant 27 : i32
        %parallel_loop3A_1159 = arith.index_cast %parallel_loop3A_1157 : i32 to index
        %parallel_loop3A_1160 = arith.index_cast %parallel_loop3A_1158 : i32 to index
        %parallel_loop3A_1161 = arith.index_cast %parallel_loop3A_880 : i32 to index
        %parallel_loop3A_1162 = tpu.vector_load %arg7[%parallel_loop3A_1159, %parallel_loop3A_1160, %parallel_loop3A_1161] {strides = array<i32>} : memref<3x32x1024xf32, #tpu.memory_space<vmem>>, vector<1x1x16xf32>,
        %parallel_loop3A_1163 = vector.shape_cast %parallel_loop3A_1162 : vector<1x1x16xf32> to vector<16xf32>
        %parallel_loop3A_1164 = vector.shape_cast %parallel_loop3A_1156 : vector<16xf32> to vector<1x1x16xf32>
        tpu.vector_store %arg7[%parallel_loop3A_1159, %parallel_loop3A_1160, %parallel_loop3A_1161], %parallel_loop3A_1164 {strides = array<i32>} : memref<3x32x1024xf32, #tpu.memory_space<vmem>>, vector<1x1x16xf32>,
        %parallel_loop3A_1165 = arith.constant 2 : i32
        %parallel_loop3A_1166 = arith.constant 4 : i32
        %parallel_loop3A_1167 = arith.index_cast %parallel_loop3A_1165 : i32 to index
        %parallel_loop3A_1168 = arith.index_cast %parallel_loop3A_1166 : i32 to index
        %parallel_loop3A_1169 = arith.index_cast %parallel_loop3A_880 : i32 to index
        %parallel_loop3A_1170 = tpu.vector_load %arg8[%parallel_loop3A_1167, %parallel_loop3A_1168, %parallel_loop3A_1169] {strides = array<i32>} : memref<3x8x1024xf32, #tpu.memory_space<vmem>>, vector<1x1x16xf32>,
        %parallel_loop3A_1171 = vector.shape_cast %parallel_loop3A_1170 : vector<1x1x16xf32> to vector<16xf32>
        %parallel_loop3A_1172 = arith.constant 2 : i32
        %parallel_loop3A_1173 = arith.constant 4 : i32
        %parallel_loop3A_1174 = arith.index_cast %parallel_loop3A_1172 : i32 to index
        %parallel_loop3A_1175 = arith.index_cast %parallel_loop3A_1173 : i32 to index
        %parallel_loop3A_1176 = arith.index_cast %parallel_loop3A_880 : i32 to index
        %parallel_loop3A_1177 = tpu.vector_load %arg7[%parallel_loop3A_1174, %parallel_loop3A_1175, %parallel_loop3A_1176] {strides = array<i32>} : memref<3x32x1024xf32, #tpu.memory_space<vmem>>, vector<1x1x16xf32>,
        %parallel_loop3A_1178 = vector.shape_cast %parallel_loop3A_1177 : vector<1x1x16xf32> to vector<16xf32>
        %parallel_loop3A_1179 = arith.addf %parallel_loop3A_1178, %parallel_loop3A_1171 : vector<16xf32>
        %parallel_loop3A_1180 = arith.constant 2 : i32
        %parallel_loop3A_1181 = arith.constant 4 : i32
        %parallel_loop3A_1182 = arith.index_cast %parallel_loop3A_1180 : i32 to index
        %parallel_loop3A_1183 = arith.index_cast %parallel_loop3A_1181 : i32 to index
        %parallel_loop3A_1184 = arith.index_cast %parallel_loop3A_880 : i32 to index
        %parallel_loop3A_1185 = tpu.vector_load %arg7[%parallel_loop3A_1182, %parallel_loop3A_1183, %parallel_loop3A_1184] {strides = array<i32>} : memref<3x32x1024xf32, #tpu.memory_space<vmem>>, vector<1x1x16xf32>,
        %parallel_loop3A_1186 = vector.shape_cast %parallel_loop3A_1185 : vector<1x1x16xf32> to vector<16xf32>
        %parallel_loop3A_1187 = vector.shape_cast %parallel_loop3A_1179 : vector<16xf32> to vector<1x1x16xf32>
        tpu.vector_store %arg7[%parallel_loop3A_1182, %parallel_loop3A_1183, %parallel_loop3A_1184], %parallel_loop3A_1187 {strides = array<i32>} : memref<3x32x1024xf32, #tpu.memory_space<vmem>>, vector<1x1x16xf32>,
        %parallel_loop3A_1188 = arith.constant 2 : i32
        %parallel_loop3A_1189 = arith.constant 12 : i32
        %parallel_loop3A_1190 = arith.index_cast %parallel_loop3A_1188 : i32 to index
        %parallel_loop3A_1191 = arith.index_cast %parallel_loop3A_1189 : i32 to index
        %parallel_loop3A_1192 = arith.index_cast %parallel_loop3A_880 : i32 to index
        %parallel_loop3A_1193 = tpu.vector_load %arg7[%parallel_loop3A_1190, %parallel_loop3A_1191, %parallel_loop3A_1192] {strides = array<i32>} : memref<3x32x1024xf32, #tpu.memory_space<vmem>>, vector<1x1x16xf32>,
        %parallel_loop3A_1194 = vector.shape_cast %parallel_loop3A_1193 : vector<1x1x16xf32> to vector<16xf32>
        %parallel_loop3A_1195 = arith.addf %parallel_loop3A_1194, %parallel_loop3A_1171 : vector<16xf32>
        %parallel_loop3A_1196 = arith.constant 2 : i32
        %parallel_loop3A_1197 = arith.constant 12 : i32
        %parallel_loop3A_1198 = arith.index_cast %parallel_loop3A_1196 : i32 to index
        %parallel_loop3A_1199 = arith.index_cast %parallel_loop3A_1197 : i32 to index
        %parallel_loop3A_1200 = arith.index_cast %parallel_loop3A_880 : i32 to index
        %parallel_loop3A_1201 = tpu.vector_load %arg7[%parallel_loop3A_1198, %parallel_loop3A_1199, %parallel_loop3A_1200] {strides = array<i32>} : memref<3x32x1024xf32, #tpu.memory_space<vmem>>, vector<1x1x16xf32>,
        %parallel_loop3A_1202 = vector.shape_cast %parallel_loop3A_1201 : vector<1x1x16xf32> to vector<16xf32>
        %parallel_loop3A_1203 = vector.shape_cast %parallel_loop3A_1195 : vector<16xf32> to vector<1x1x16xf32>
        tpu.vector_store %arg7[%parallel_loop3A_1198, %parallel_loop3A_1199, %parallel_loop3A_1200], %parallel_loop3A_1203 {strides = array<i32>} : memref<3x32x1024xf32, #tpu.memory_space<vmem>>, vector<1x1x16xf32>,
        %parallel_loop3A_1204 = arith.constant 2 : i32
        %parallel_loop3A_1205 = arith.constant 20 : i32
        %parallel_loop3A_1206 = arith.index_cast %parallel_loop3A_1204 : i32 to index
        %parallel_loop3A_1207 = arith.index_cast %parallel_loop3A_1205 : i32 to index
        %parallel_loop3A_1208 = arith.index_cast %parallel_loop3A_880 : i32 to index
        %parallel_loop3A_1209 = tpu.vector_load %arg7[%parallel_loop3A_1206, %parallel_loop3A_1207, %parallel_loop3A_1208] {strides = array<i32>} : memref<3x32x1024xf32, #tpu.memory_space<vmem>>, vector<1x1x16xf32>,
        %parallel_loop3A_1210 = vector.shape_cast %parallel_loop3A_1209 : vector<1x1x16xf32> to vector<16xf32>
        %parallel_loop3A_1211 = arith.addf %parallel_loop3A_1210, %parallel_loop3A_1171 : vector<16xf32>
        %parallel_loop3A_1212 = arith.constant 2 : i32
        %parallel_loop3A_1213 = arith.constant 20 : i32
        %parallel_loop3A_1214 = arith.index_cast %parallel_loop3A_1212 : i32 to index
        %parallel_loop3A_1215 = arith.index_cast %parallel_loop3A_1213 : i32 to index
        %parallel_loop3A_1216 = arith.index_cast %parallel_loop3A_880 : i32 to index
        %parallel_loop3A_1217 = tpu.vector_load %arg7[%parallel_loop3A_1214, %parallel_loop3A_1215, %parallel_loop3A_1216] {strides = array<i32>} : memref<3x32x1024xf32, #tpu.memory_space<vmem>>, vector<1x1x16xf32>,
        %parallel_loop3A_1218 = vector.shape_cast %parallel_loop3A_1217 : vector<1x1x16xf32> to vector<16xf32>
        %parallel_loop3A_1219 = vector.shape_cast %parallel_loop3A_1211 : vector<16xf32> to vector<1x1x16xf32>
        tpu.vector_store %arg7[%parallel_loop3A_1214, %parallel_loop3A_1215, %parallel_loop3A_1216], %parallel_loop3A_1219 {strides = array<i32>} : memref<3x32x1024xf32, #tpu.memory_space<vmem>>, vector<1x1x16xf32>,
        %parallel_loop3A_1220 = arith.constant 2 : i32
        %parallel_loop3A_1221 = arith.constant 28 : i32
        %parallel_loop3A_1222 = arith.index_cast %parallel_loop3A_1220 : i32 to index
        %parallel_loop3A_1223 = arith.index_cast %parallel_loop3A_1221 : i32 to index
        %parallel_loop3A_1224 = arith.index_cast %parallel_loop3A_880 : i32 to index
        %parallel_loop3A_1225 = tpu.vector_load %arg7[%parallel_loop3A_1222, %parallel_loop3A_1223, %parallel_loop3A_1224] {strides = array<i32>} : memref<3x32x1024xf32, #tpu.memory_space<vmem>>, vector<1x1x16xf32>,
        %parallel_loop3A_1226 = vector.shape_cast %parallel_loop3A_1225 : vector<1x1x16xf32> to vector<16xf32>
        %parallel_loop3A_1227 = arith.addf %parallel_loop3A_1226, %parallel_loop3A_1171 : vector<16xf32>
        %parallel_loop3A_1228 = arith.constant 2 : i32
        %parallel_loop3A_1229 = arith.constant 28 : i32
        %parallel_loop3A_1230 = arith.index_cast %parallel_loop3A_1228 : i32 to index
        %parallel_loop3A_1231 = arith.index_cast %parallel_loop3A_1229 : i32 to index
        %parallel_loop3A_1232 = arith.index_cast %parallel_loop3A_880 : i32 to index
        %parallel_loop3A_1233 = tpu.vector_load %arg7[%parallel_loop3A_1230, %parallel_loop3A_1231, %parallel_loop3A_1232] {strides = array<i32>} : memref<3x32x1024xf32, #tpu.memory_space<vmem>>, vector<1x1x16xf32>,
        %parallel_loop3A_1234 = vector.shape_cast %parallel_loop3A_1233 : vector<1x1x16xf32> to vector<16xf32>
        %parallel_loop3A_1235 = vector.shape_cast %parallel_loop3A_1227 : vector<16xf32> to vector<1x1x16xf32>
        tpu.vector_store %arg7[%parallel_loop3A_1230, %parallel_loop3A_1231, %parallel_loop3A_1232], %parallel_loop3A_1235 {strides = array<i32>} : memref<3x32x1024xf32, #tpu.memory_space<vmem>>, vector<1x1x16xf32>,
        %parallel_loop3A_1236 = arith.constant 2 : i32
        %parallel_loop3A_1237 = arith.constant 5 : i32
        %parallel_loop3A_1238 = arith.index_cast %parallel_loop3A_1236 : i32 to index
        %parallel_loop3A_1239 = arith.index_cast %parallel_loop3A_1237 : i32 to index
        %parallel_loop3A_1240 = arith.index_cast %parallel_loop3A_880 : i32 to index
        %parallel_loop3A_1241 = tpu.vector_load %arg8[%parallel_loop3A_1238, %parallel_loop3A_1239, %parallel_loop3A_1240] {strides = array<i32>} : memref<3x8x1024xf32, #tpu.memory_space<vmem>>, vector<1x1x16xf32>,
        %parallel_loop3A_1242 = vector.shape_cast %parallel_loop3A_1241 : vector<1x1x16xf32> to vector<16xf32>
        %parallel_loop3A_1243 = arith.constant 2 : i32
        %parallel_loop3A_1244 = arith.constant 5 : i32
        %parallel_loop3A_1245 = arith.index_cast %parallel_loop3A_1243 : i32 to index
        %parallel_loop3A_1246 = arith.index_cast %parallel_loop3A_1244 : i32 to index
        %parallel_loop3A_1247 = arith.index_cast %parallel_loop3A_880 : i32 to index
        %parallel_loop3A_1248 = tpu.vector_load %arg7[%parallel_loop3A_1245, %parallel_loop3A_1246, %parallel_loop3A_1247] {strides = array<i32>} : memref<3x32x1024xf32, #tpu.memory_space<vmem>>, vector<1x1x16xf32>,
        %parallel_loop3A_1249 = vector.shape_cast %parallel_loop3A_1248 : vector<1x1x16xf32> to vector<16xf32>
        %parallel_loop3A_1250 = arith.addf %parallel_loop3A_1249, %parallel_loop3A_1242 : vector<16xf32>
        %parallel_loop3A_1251 = arith.constant 2 : i32
        %parallel_loop3A_1252 = arith.constant 5 : i32
        %parallel_loop3A_1253 = arith.index_cast %parallel_loop3A_1251 : i32 to index
        %parallel_loop3A_1254 = arith.index_cast %parallel_loop3A_1252 : i32 to index
        %parallel_loop3A_1255 = arith.index_cast %parallel_loop3A_880 : i32 to index
        %parallel_loop3A_1256 = tpu.vector_load %arg7[%parallel_loop3A_1253, %parallel_loop3A_1254, %parallel_loop3A_1255] {strides = array<i32>} : memref<3x32x1024xf32, #tpu.memory_space<vmem>>, vector<1x1x16xf32>,
        %parallel_loop3A_1257 = vector.shape_cast %parallel_loop3A_1256 : vector<1x1x16xf32> to vector<16xf32>
        %parallel_loop3A_1258 = vector.shape_cast %parallel_loop3A_1250 : vector<16xf32> to vector<1x1x16xf32>
        tpu.vector_store %arg7[%parallel_loop3A_1253, %parallel_loop3A_1254, %parallel_loop3A_1255], %parallel_loop3A_1258 {strides = array<i32>} : memref<3x32x1024xf32, #tpu.memory_space<vmem>>, vector<1x1x16xf32>,
        %parallel_loop3A_1259 = arith.constant 2 : i32
        %parallel_loop3A_1260 = arith.constant 13 : i32
        %parallel_loop3A_1261 = arith.index_cast %parallel_loop3A_1259 : i32 to index
        %parallel_loop3A_1262 = arith.index_cast %parallel_loop3A_1260 : i32 to index
        %parallel_loop3A_1263 = arith.index_cast %parallel_loop3A_880 : i32 to index
        %parallel_loop3A_1264 = tpu.vector_load %arg7[%parallel_loop3A_1261, %parallel_loop3A_1262, %parallel_loop3A_1263] {strides = array<i32>} : memref<3x32x1024xf32, #tpu.memory_space<vmem>>, vector<1x1x16xf32>,
        %parallel_loop3A_1265 = vector.shape_cast %parallel_loop3A_1264 : vector<1x1x16xf32> to vector<16xf32>
        %parallel_loop3A_1266 = arith.addf %parallel_loop3A_1265, %parallel_loop3A_1242 : vector<16xf32>
        %parallel_loop3A_1267 = arith.constant 2 : i32
        %parallel_loop3A_1268 = arith.constant 13 : i32
        %parallel_loop3A_1269 = arith.index_cast %parallel_loop3A_1267 : i32 to index
        %parallel_loop3A_1270 = arith.index_cast %parallel_loop3A_1268 : i32 to index
        %parallel_loop3A_1271 = arith.index_cast %parallel_loop3A_880 : i32 to index
        %parallel_loop3A_1272 = tpu.vector_load %arg7[%parallel_loop3A_1269, %parallel_loop3A_1270, %parallel_loop3A_1271] {strides = array<i32>} : memref<3x32x1024xf32, #tpu.memory_space<vmem>>, vector<1x1x16xf32>,
        %parallel_loop3A_1273 = vector.shape_cast %parallel_loop3A_1272 : vector<1x1x16xf32> to vector<16xf32>
        %parallel_loop3A_1274 = vector.shape_cast %parallel_loop3A_1266 : vector<16xf32> to vector<1x1x16xf32>
        tpu.vector_store %arg7[%parallel_loop3A_1269, %parallel_loop3A_1270, %parallel_loop3A_1271], %parallel_loop3A_1274 {strides = array<i32>} : memref<3x32x1024xf32, #tpu.memory_space<vmem>>, vector<1x1x16xf32>,
        %parallel_loop3A_1275 = arith.constant 2 : i32
        %parallel_loop3A_1276 = arith.constant 21 : i32
        %parallel_loop3A_1277 = arith.index_cast %parallel_loop3A_1275 : i32 to index
        %parallel_loop3A_1278 = arith.index_cast %parallel_loop3A_1276 : i32 to index
        %parallel_loop3A_1279 = arith.index_cast %parallel_loop3A_880 : i32 to index
        %parallel_loop3A_1280 = tpu.vector_load %arg7[%parallel_loop3A_1277, %parallel_loop3A_1278, %parallel_loop3A_1279] {strides = array<i32>} : memref<3x32x1024xf32, #tpu.memory_space<vmem>>, vector<1x1x16xf32>,
        %parallel_loop3A_1281 = vector.shape_cast %parallel_loop3A_1280 : vector<1x1x16xf32> to vector<16xf32>
        %parallel_loop3A_1282 = arith.addf %parallel_loop3A_1281, %parallel_loop3A_1242 : vector<16xf32>
        %parallel_loop3A_1283 = arith.constant 2 : i32
        %parallel_loop3A_1284 = arith.constant 21 : i32
        %parallel_loop3A_1285 = arith.index_cast %parallel_loop3A_1283 : i32 to index
        %parallel_loop3A_1286 = arith.index_cast %parallel_loop3A_1284 : i32 to index
        %parallel_loop3A_1287 = arith.index_cast %parallel_loop3A_880 : i32 to index
        %parallel_loop3A_1288 = tpu.vector_load %arg7[%parallel_loop3A_1285, %parallel_loop3A_1286, %parallel_loop3A_1287] {strides = array<i32>} : memref<3x32x1024xf32, #tpu.memory_space<vmem>>, vector<1x1x16xf32>,
        %parallel_loop3A_1289 = vector.shape_cast %parallel_loop3A_1288 : vector<1x1x16xf32> to vector<16xf32>
        %parallel_loop3A_1290 = vector.shape_cast %parallel_loop3A_1282 : vector<16xf32> to vector<1x1x16xf32>
        tpu.vector_store %arg7[%parallel_loop3A_1285, %parallel_loop3A_1286, %parallel_loop3A_1287], %parallel_loop3A_1290 {strides = array<i32>} : memref<3x32x1024xf32, #tpu.memory_space<vmem>>, vector<1x1x16xf32>,
        %parallel_loop3A_1291 = arith.constant 2 : i32
        %parallel_loop3A_1292 = arith.constant 29 : i32
        %parallel_loop3A_1293 = arith.index_cast %parallel_loop3A_1291 : i32 to index
        %parallel_loop3A_1294 = arith.index_cast %parallel_loop3A_1292 : i32 to index
        %parallel_loop3A_1295 = arith.index_cast %parallel_loop3A_880 : i32 to index
        %parallel_loop3A_1296 = tpu.vector_load %arg7[%parallel_loop3A_1293, %parallel_loop3A_1294, %parallel_loop3A_1295] {strides = array<i32>} : memref<3x32x1024xf32, #tpu.memory_space<vmem>>, vector<1x1x16xf32>,
        %parallel_loop3A_1297 = vector.shape_cast %parallel_loop3A_1296 : vector<1x1x16xf32> to vector<16xf32>
        %parallel_loop3A_1298 = arith.addf %parallel_loop3A_1297, %parallel_loop3A_1242 : vector<16xf32>
        %parallel_loop3A_1299 = arith.constant 2 : i32
        %parallel_loop3A_1300 = arith.constant 29 : i32
        %parallel_loop3A_1301 = arith.index_cast %parallel_loop3A_1299 : i32 to index
        %parallel_loop3A_1302 = arith.index_cast %parallel_loop3A_1300 : i32 to index
        %parallel_loop3A_1303 = arith.index_cast %parallel_loop3A_880 : i32 to index
        %parallel_loop3A_1304 = tpu.vector_load %arg7[%parallel_loop3A_1301, %parallel_loop3A_1302, %parallel_loop3A_1303] {strides = array<i32>} : memref<3x32x1024xf32, #tpu.memory_space<vmem>>, vector<1x1x16xf32>,
        %parallel_loop3A_1305 = vector.shape_cast %parallel_loop3A_1304 : vector<1x1x16xf32> to vector<16xf32>
        %parallel_loop3A_1306 = vector.shape_cast %parallel_loop3A_1298 : vector<16xf32> to vector<1x1x16xf32>
        tpu.vector_store %arg7[%parallel_loop3A_1301, %parallel_loop3A_1302, %parallel_loop3A_1303], %parallel_loop3A_1306 {strides = array<i32>} : memref<3x32x1024xf32, #tpu.memory_space<vmem>>, vector<1x1x16xf32>,
        %parallel_loop3A_1307 = arith.constant 2 : i32
        %parallel_loop3A_1308 = arith.constant 6 : i32
        %parallel_loop3A_1309 = arith.index_cast %parallel_loop3A_1307 : i32 to index
        %parallel_loop3A_1310 = arith.index_cast %parallel_loop3A_1308 : i32 to index
        %parallel_loop3A_1311 = arith.index_cast %parallel_loop3A_880 : i32 to index
        %parallel_loop3A_1312 = tpu.vector_load %arg8[%parallel_loop3A_1309, %parallel_loop3A_1310, %parallel_loop3A_1311] {strides = array<i32>} : memref<3x8x1024xf32, #tpu.memory_space<vmem>>, vector<1x1x16xf32>,
        %parallel_loop3A_1313 = vector.shape_cast %parallel_loop3A_1312 : vector<1x1x16xf32> to vector<16xf32>
        %parallel_loop3A_1314 = arith.constant 2 : i32
        %parallel_loop3A_1315 = arith.constant 6 : i32
        %parallel_loop3A_1316 = arith.index_cast %parallel_loop3A_1314 : i32 to index
        %parallel_loop3A_1317 = arith.index_cast %parallel_loop3A_1315 : i32 to index
        %parallel_loop3A_1318 = arith.index_cast %parallel_loop3A_880 : i32 to index
        %parallel_loop3A_1319 = tpu.vector_load %arg7[%parallel_loop3A_1316, %parallel_loop3A_1317, %parallel_loop3A_1318] {strides = array<i32>} : memref<3x32x1024xf32, #tpu.memory_space<vmem>>, vector<1x1x16xf32>,
        %parallel_loop3A_1320 = vector.shape_cast %parallel_loop3A_1319 : vector<1x1x16xf32> to vector<16xf32>
        %parallel_loop3A_1321 = arith.addf %parallel_loop3A_1320, %parallel_loop3A_1313 : vector<16xf32>
        %parallel_loop3A_1322 = arith.constant 2 : i32
        %parallel_loop3A_1323 = arith.constant 6 : i32
        %parallel_loop3A_1324 = arith.index_cast %parallel_loop3A_1322 : i32 to index
        %parallel_loop3A_1325 = arith.index_cast %parallel_loop3A_1323 : i32 to index
        %parallel_loop3A_1326 = arith.index_cast %parallel_loop3A_880 : i32 to index
        %parallel_loop3A_1327 = tpu.vector_load %arg7[%parallel_loop3A_1324, %parallel_loop3A_1325, %parallel_loop3A_1326] {strides = array<i32>} : memref<3x32x1024xf32, #tpu.memory_space<vmem>>, vector<1x1x16xf32>,
        %parallel_loop3A_1328 = vector.shape_cast %parallel_loop3A_1327 : vector<1x1x16xf32> to vector<16xf32>
        %parallel_loop3A_1329 = vector.shape_cast %parallel_loop3A_1321 : vector<16xf32> to vector<1x1x16xf32>
        tpu.vector_store %arg7[%parallel_loop3A_1324, %parallel_loop3A_1325, %parallel_loop3A_1326], %parallel_loop3A_1329 {strides = array<i32>} : memref<3x32x1024xf32, #tpu.memory_space<vmem>>, vector<1x1x16xf32>,
        %parallel_loop3A_1330 = arith.constant 2 : i32
        %parallel_loop3A_1331 = arith.constant 14 : i32
        %parallel_loop3A_1332 = arith.index_cast %parallel_loop3A_1330 : i32 to index
        %parallel_loop3A_1333 = arith.index_cast %parallel_loop3A_1331 : i32 to index
        %parallel_loop3A_1334 = arith.index_cast %parallel_loop3A_880 : i32 to index
        %parallel_loop3A_1335 = tpu.vector_load %arg7[%parallel_loop3A_1332, %parallel_loop3A_1333, %parallel_loop3A_1334] {strides = array<i32>} : memref<3x32x1024xf32, #tpu.memory_space<vmem>>, vector<1x1x16xf32>,
        %parallel_loop3A_1336 = vector.shape_cast %parallel_loop3A_1335 : vector<1x1x16xf32> to vector<16xf32>
        %parallel_loop3A_1337 = arith.addf %parallel_loop3A_1336, %parallel_loop3A_1313 : vector<16xf32>
        %parallel_loop3A_1338 = arith.constant 2 : i32
        %parallel_loop3A_1339 = arith.constant 14 : i32
        %parallel_loop3A_1340 = arith.index_cast %parallel_loop3A_1338 : i32 to index
        %parallel_loop3A_1341 = arith.index_cast %parallel_loop3A_1339 : i32 to index
        %parallel_loop3A_1342 = arith.index_cast %parallel_loop3A_880 : i32 to index
        %parallel_loop3A_1343 = tpu.vector_load %arg7[%parallel_loop3A_1340, %parallel_loop3A_1341, %parallel_loop3A_1342] {strides = array<i32>} : memref<3x32x1024xf32, #tpu.memory_space<vmem>>, vector<1x1x16xf32>,
        %parallel_loop3A_1344 = vector.shape_cast %parallel_loop3A_1343 : vector<1x1x16xf32> to vector<16xf32>
        %parallel_loop3A_1345 = vector.shape_cast %parallel_loop3A_1337 : vector<16xf32> to vector<1x1x16xf32>
        tpu.vector_store %arg7[%parallel_loop3A_1340, %parallel_loop3A_1341, %parallel_loop3A_1342], %parallel_loop3A_1345 {strides = array<i32>} : memref<3x32x1024xf32, #tpu.memory_space<vmem>>, vector<1x1x16xf32>,
        %parallel_loop3A_1346 = arith.constant 2 : i32
        %parallel_loop3A_1347 = arith.constant 22 : i32
        %parallel_loop3A_1348 = arith.index_cast %parallel_loop3A_1346 : i32 to index
        %parallel_loop3A_1349 = arith.index_cast %parallel_loop3A_1347 : i32 to index
        %parallel_loop3A_1350 = arith.index_cast %parallel_loop3A_880 : i32 to index
        %parallel_loop3A_1351 = tpu.vector_load %arg7[%parallel_loop3A_1348, %parallel_loop3A_1349, %parallel_loop3A_1350] {strides = array<i32>} : memref<3x32x1024xf32, #tpu.memory_space<vmem>>, vector<1x1x16xf32>,
        %parallel_loop3A_1352 = vector.shape_cast %parallel_loop3A_1351 : vector<1x1x16xf32> to vector<16xf32>
        %parallel_loop3A_1353 = arith.addf %parallel_loop3A_1352, %parallel_loop3A_1313 : vector<16xf32>
        %parallel_loop3A_1354 = arith.constant 2 : i32
        %parallel_loop3A_1355 = arith.constant 22 : i32
        %parallel_loop3A_1356 = arith.index_cast %parallel_loop3A_1354 : i32 to index
        %parallel_loop3A_1357 = arith.index_cast %parallel_loop3A_1355 : i32 to index
        %parallel_loop3A_1358 = arith.index_cast %parallel_loop3A_880 : i32 to index
        %parallel_loop3A_1359 = tpu.vector_load %arg7[%parallel_loop3A_1356, %parallel_loop3A_1357, %parallel_loop3A_1358] {strides = array<i32>} : memref<3x32x1024xf32, #tpu.memory_space<vmem>>, vector<1x1x16xf32>,
        %parallel_loop3A_1360 = vector.shape_cast %parallel_loop3A_1359 : vector<1x1x16xf32> to vector<16xf32>
        %parallel_loop3A_1361 = vector.shape_cast %parallel_loop3A_1353 : vector<16xf32> to vector<1x1x16xf32>
        tpu.vector_store %arg7[%parallel_loop3A_1356, %parallel_loop3A_1357, %parallel_loop3A_1358], %parallel_loop3A_1361 {strides = array<i32>} : memref<3x32x1024xf32, #tpu.memory_space<vmem>>, vector<1x1x16xf32>,
        %parallel_loop3A_1362 = arith.constant 2 : i32
        %parallel_loop3A_1363 = arith.constant 30 : i32
        %parallel_loop3A_1364 = arith.index_cast %parallel_loop3A_1362 : i32 to index
        %parallel_loop3A_1365 = arith.index_cast %parallel_loop3A_1363 : i32 to index
        %parallel_loop3A_1366 = arith.index_cast %parallel_loop3A_880 : i32 to index
        %parallel_loop3A_1367 = tpu.vector_load %arg7[%parallel_loop3A_1364, %parallel_loop3A_1365, %parallel_loop3A_1366] {strides = array<i32>} : memref<3x32x1024xf32, #tpu.memory_space<vmem>>, vector<1x1x16xf32>,
        %parallel_loop3A_1368 = vector.shape_cast %parallel_loop3A_1367 : vector<1x1x16xf32> to vector<16xf32>
        %parallel_loop3A_1369 = arith.addf %parallel_loop3A_1368, %parallel_loop3A_1313 : vector<16xf32>
        %parallel_loop3A_1370 = arith.constant 2 : i32
        %parallel_loop3A_1371 = arith.constant 30 : i32
        %parallel_loop3A_1372 = arith.index_cast %parallel_loop3A_1370 : i32 to index
        %parallel_loop3A_1373 = arith.index_cast %parallel_loop3A_1371 : i32 to index
        %parallel_loop3A_1374 = arith.index_cast %parallel_loop3A_880 : i32 to index
        %parallel_loop3A_1375 = tpu.vector_load %arg7[%parallel_loop3A_1372, %parallel_loop3A_1373, %parallel_loop3A_1374] {strides = array<i32>} : memref<3x32x1024xf32, #tpu.memory_space<vmem>>, vector<1x1x16xf32>,
        %parallel_loop3A_1376 = vector.shape_cast %parallel_loop3A_1375 : vector<1x1x16xf32> to vector<16xf32>
        %parallel_loop3A_1377 = vector.shape_cast %parallel_loop3A_1369 : vector<16xf32> to vector<1x1x16xf32>
        tpu.vector_store %arg7[%parallel_loop3A_1372, %parallel_loop3A_1373, %parallel_loop3A_1374], %parallel_loop3A_1377 {strides = array<i32>} : memref<3x32x1024xf32, #tpu.memory_space<vmem>>, vector<1x1x16xf32>,
        %parallel_loop3A_1378 = arith.constant 2 : i32
        %parallel_loop3A_1379 = arith.constant 7 : i32
        %parallel_loop3A_1380 = arith.index_cast %parallel_loop3A_1378 : i32 to index
        %parallel_loop3A_1381 = arith.index_cast %parallel_loop3A_1379 : i32 to index
        %parallel_loop3A_1382 = arith.index_cast %parallel_loop3A_880 : i32 to index
        %parallel_loop3A_1383 = tpu.vector_load %arg8[%parallel_loop3A_1380, %parallel_loop3A_1381, %parallel_loop3A_1382] {strides = array<i32>} : memref<3x8x1024xf32, #tpu.memory_space<vmem>>, vector<1x1x16xf32>,
        %parallel_loop3A_1384 = vector.shape_cast %parallel_loop3A_1383 : vector<1x1x16xf32> to vector<16xf32>
        %parallel_loop3A_1385 = arith.constant 2 : i32
        %parallel_loop3A_1386 = arith.constant 7 : i32
        %parallel_loop3A_1387 = arith.index_cast %parallel_loop3A_1385 : i32 to index
        %parallel_loop3A_1388 = arith.index_cast %parallel_loop3A_1386 : i32 to index
        %parallel_loop3A_1389 = arith.index_cast %parallel_loop3A_880 : i32 to index
        %parallel_loop3A_1390 = tpu.vector_load %arg7[%parallel_loop3A_1387, %parallel_loop3A_1388, %parallel_loop3A_1389] {strides = array<i32>} : memref<3x32x1024xf32, #tpu.memory_space<vmem>>, vector<1x1x16xf32>,
        %parallel_loop3A_1391 = vector.shape_cast %parallel_loop3A_1390 : vector<1x1x16xf32> to vector<16xf32>
        %parallel_loop3A_1392 = arith.addf %parallel_loop3A_1391, %parallel_loop3A_1384 : vector<16xf32>
        %parallel_loop3A_1393 = arith.constant 2 : i32
        %parallel_loop3A_1394 = arith.constant 7 : i32
        %parallel_loop3A_1395 = arith.index_cast %parallel_loop3A_1393 : i32 to index
        %parallel_loop3A_1396 = arith.index_cast %parallel_loop3A_1394 : i32 to index
        %parallel_loop3A_1397 = arith.index_cast %parallel_loop3A_880 : i32 to index
        %parallel_loop3A_1398 = tpu.vector_load %arg7[%parallel_loop3A_1395, %parallel_loop3A_1396, %parallel_loop3A_1397] {strides = array<i32>} : memref<3x32x1024xf32, #tpu.memory_space<vmem>>, vector<1x1x16xf32>,
        %parallel_loop3A_1399 = vector.shape_cast %parallel_loop3A_1398 : vector<1x1x16xf32> to vector<16xf32>
        %parallel_loop3A_1400 = vector.shape_cast %parallel_loop3A_1392 : vector<16xf32> to vector<1x1x16xf32>
        tpu.vector_store %arg7[%parallel_loop3A_1395, %parallel_loop3A_1396, %parallel_loop3A_1397], %parallel_loop3A_1400 {strides = array<i32>} : memref<3x32x1024xf32, #tpu.memory_space<vmem>>, vector<1x1x16xf32>,
        %parallel_loop3A_1401 = arith.constant 2 : i32
        %parallel_loop3A_1402 = arith.constant 15 : i32
        %parallel_loop3A_1403 = arith.index_cast %parallel_loop3A_1401 : i32 to index
        %parallel_loop3A_1404 = arith.index_cast %parallel_loop3A_1402 : i32 to index
        %parallel_loop3A_1405 = arith.index_cast %parallel_loop3A_880 : i32 to index
        %parallel_loop3A_1406 = tpu.vector_load %arg7[%parallel_loop3A_1403, %parallel_loop3A_1404, %parallel_loop3A_1405] {strides = array<i32>} : memref<3x32x1024xf32, #tpu.memory_space<vmem>>, vector<1x1x16xf32>,
        %parallel_loop3A_1407 = vector.shape_cast %parallel_loop3A_1406 : vector<1x1x16xf32> to vector<16xf32>
        %parallel_loop3A_1408 = arith.addf %parallel_loop3A_1407, %parallel_loop3A_1384 : vector<16xf32>
        %parallel_loop3A_1409 = arith.constant 2 : i32
        %parallel_loop3A_1410 = arith.constant 15 : i32
        %parallel_loop3A_1411 = arith.index_cast %parallel_loop3A_1409 : i32 to index
        %parallel_loop3A_1412 = arith.index_cast %parallel_loop3A_1410 : i32 to index
        %parallel_loop3A_1413 = arith.index_cast %parallel_loop3A_880 : i32 to index
        %parallel_loop3A_1414 = tpu.vector_load %arg7[%parallel_loop3A_1411, %parallel_loop3A_1412, %parallel_loop3A_1413] {strides = array<i32>} : memref<3x32x1024xf32, #tpu.memory_space<vmem>>, vector<1x1x16xf32>,
        %parallel_loop3A_1415 = vector.shape_cast %parallel_loop3A_1414 : vector<1x1x16xf32> to vector<16xf32>
        %parallel_loop3A_1416 = vector.shape_cast %parallel_loop3A_1408 : vector<16xf32> to vector<1x1x16xf32>
        tpu.vector_store %arg7[%parallel_loop3A_1411, %parallel_loop3A_1412, %parallel_loop3A_1413], %parallel_loop3A_1416 {strides = array<i32>} : memref<3x32x1024xf32, #tpu.memory_space<vmem>>, vector<1x1x16xf32>,
        %parallel_loop3A_1417 = arith.constant 2 : i32
        %parallel_loop3A_1418 = arith.constant 23 : i32
        %parallel_loop3A_1419 = arith.index_cast %parallel_loop3A_1417 : i32 to index
        %parallel_loop3A_1420 = arith.index_cast %parallel_loop3A_1418 : i32 to index
        %parallel_loop3A_1421 = arith.index_cast %parallel_loop3A_880 : i32 to index
        %parallel_loop3A_1422 = tpu.vector_load %arg7[%parallel_loop3A_1419, %parallel_loop3A_1420, %parallel_loop3A_1421] {strides = array<i32>} : memref<3x32x1024xf32, #tpu.memory_space<vmem>>, vector<1x1x16xf32>,
        %parallel_loop3A_1423 = vector.shape_cast %parallel_loop3A_1422 : vector<1x1x16xf32> to vector<16xf32>
        %parallel_loop3A_1424 = arith.addf %parallel_loop3A_1423, %parallel_loop3A_1384 : vector<16xf32>
        %parallel_loop3A_1425 = arith.constant 2 : i32
        %parallel_loop3A_1426 = arith.constant 23 : i32
        %parallel_loop3A_1427 = arith.index_cast %parallel_loop3A_1425 : i32 to index
        %parallel_loop3A_1428 = arith.index_cast %parallel_loop3A_1426 : i32 to index
        %parallel_loop3A_1429 = arith.index_cast %parallel_loop3A_880 : i32 to index
        %parallel_loop3A_1430 = tpu.vector_load %arg7[%parallel_loop3A_1427, %parallel_loop3A_1428, %parallel_loop3A_1429] {strides = array<i32>} : memref<3x32x1024xf32, #tpu.memory_space<vmem>>, vector<1x1x16xf32>,
        %parallel_loop3A_1431 = vector.shape_cast %parallel_loop3A_1430 : vector<1x1x16xf32> to vector<16xf32>
        %parallel_loop3A_1432 = vector.shape_cast %parallel_loop3A_1424 : vector<16xf32> to vector<1x1x16xf32>
        tpu.vector_store %arg7[%parallel_loop3A_1427, %parallel_loop3A_1428, %parallel_loop3A_1429], %parallel_loop3A_1432 {strides = array<i32>} : memref<3x32x1024xf32, #tpu.memory_space<vmem>>, vector<1x1x16xf32>,
        %parallel_loop3A_1433 = arith.constant 2 : i32
        %parallel_loop3A_1434 = arith.constant 31 : i32
        %parallel_loop3A_1435 = arith.index_cast %parallel_loop3A_1433 : i32 to index
        %parallel_loop3A_1436 = arith.index_cast %parallel_loop3A_1434 : i32 to index
        %parallel_loop3A_1437 = arith.index_cast %parallel_loop3A_880 : i32 to index
        %parallel_loop3A_1438 = tpu.vector_load %arg7[%parallel_loop3A_1435, %parallel_loop3A_1436, %parallel_loop3A_1437] {strides = array<i32>} : memref<3x32x1024xf32, #tpu.memory_space<vmem>>, vector<1x1x16xf32>,
        %parallel_loop3A_1439 = vector.shape_cast %parallel_loop3A_1438 : vector<1x1x16xf32> to vector<16xf32>
        %parallel_loop3A_1440 = arith.addf %parallel_loop3A_1439, %parallel_loop3A_1384 : vector<16xf32>
        %parallel_loop3A_1441 = arith.constant 2 : i32
        %parallel_loop3A_1442 = arith.constant 31 : i32
        %parallel_loop3A_1443 = arith.index_cast %parallel_loop3A_1441 : i32 to index
        %parallel_loop3A_1444 = arith.index_cast %parallel_loop3A_1442 : i32 to index
        %parallel_loop3A_1445 = arith.index_cast %parallel_loop3A_880 : i32 to index
        %parallel_loop3A_1446 = tpu.vector_load %arg7[%parallel_loop3A_1443, %parallel_loop3A_1444, %parallel_loop3A_1445] {strides = array<i32>} : memref<3x32x1024xf32, #tpu.memory_space<vmem>>, vector<1x1x16xf32>,
        %parallel_loop3A_1447 = vector.shape_cast %parallel_loop3A_1446 : vector<1x1x16xf32> to vector<16xf32>
        %parallel_loop3A_1448 = vector.shape_cast %parallel_loop3A_1440 : vector<16xf32> to vector<1x1x16xf32>
        tpu.vector_store %arg7[%parallel_loop3A_1443, %parallel_loop3A_1444, %parallel_loop3A_1445], %parallel_loop3A_1448 {strides = array<i32>} : memref<3x32x1024xf32, #tpu.memory_space<vmem>>, vector<1x1x16xf32>,
      } {sc.loop_unroll_factor = 1 : i64, sc.parallel_access}
      %add3A_806 = arith.constant 0 : i32
      %add3A_807 = arith.addi %add3A_806, %mul3A_2 : i32
      %mul3A_808 = arith.constant 8 : i32
      %mul3A_809 = arith.muli %add3A_763, %mul3A_808 : i32
      %add3A_810 = arith.addi %add3A_807, %mul3A_809 : i32
      %dma_start3A_811 = arith.constant 2 : i32
      %dma_start3A_812 = arith.constant 0 : i32
      %dma_start3A_813 = arith.constant 0 : i32
      %dma_start3A_814 = tpu.memref_slice %arg7[%dma_start3A_811, %dma_start3A_812, %dma_start3A_813] : memref<3x32x1024xf32, #tpu.memory_space<vmem>> -> memref<1x8x1024xf32, #tpu.memory_space<vmem>>
      %dma_start3A_815 = tpu.memref_squeeze %dma_start3A_814 : memref<1x8x1024xf32, #tpu.memory_space<vmem>> -> memref<8x1024xf32, #tpu.memory_space<vmem>>
      %dma_start3A_816 = arith.constant 0 : i32
      %dma_start3A_817 = tpu.memref_slice %arg5[%add3A_810, %dma_start3A_816] : memref<32768x1024xf32, #tpu.memory_space<hbm>> -> memref<8x1024xf32, #tpu.memory_space<hbm>>
      %dma_start3A_818 = arith.constant 0 : i32
      %dma_start3A_819 = tpu.memref_slice %arg5[%add3A_810, %dma_start3A_818] : memref<32768x1024xf32, #tpu.memory_space<hbm>> -> memref<8x1024xf32, #tpu.memory_space<hbm>>
      %dma_start3A_820 = arith.constant 0 : i32
      %dma_start3A_821 = arith.constant 0 : i32
      %dma_start3A_822 = tpu.memref_slice %arg7[%dma_start3A_811, %dma_start3A_820, %dma_start3A_821] : memref<3x32x1024xf32, #tpu.memory_space<vmem>> -> memref<1x8x1024xf32, #tpu.memory_space<vmem>>
      %dma_start3A_823 = tpu.memref_squeeze %dma_start3A_822 : memref<1x8x1024xf32, #tpu.memory_space<vmem>> -> memref<8x1024xf32, #tpu.memory_space<vmem>>
      tpu.enqueue_dma source(%dma_start3A_823 : memref<8x1024xf32, #tpu.memory_space<vmem>>) target(%dma_start3A_819 : memref<8x1024xf32, #tpu.memory_space<hbm>>) target_semaphore(%arg17 : memref<!tpu.dma_semaphore, #tpu.memory_space<semaphore_mem>>)
      %add3A_824 = arith.constant 8192 : i32
      %add3A_825 = arith.addi %add3A_824, %mul3A_2 : i32
      %mul3A_826 = arith.constant 8 : i32
      %mul3A_827 = arith.muli %add3A_763, %mul3A_826 : i32
      %add3A_828 = arith.addi %add3A_825, %mul3A_827 : i32
      %dma_start3A_829 = arith.constant 2 : i32
      %dma_start3A_830 = arith.constant 8 : i32
      %dma_start3A_831 = arith.constant 0 : i32
      %dma_start3A_832 = tpu.memref_slice %arg7[%dma_start3A_829, %dma_start3A_830, %dma_start3A_831] : memref<3x32x1024xf32, #tpu.memory_space<vmem>> -> memref<1x8x1024xf32, #tpu.memory_space<vmem>>
      %dma_start3A_833 = tpu.memref_squeeze %dma_start3A_832 : memref<1x8x1024xf32, #tpu.memory_space<vmem>> -> memref<8x1024xf32, #tpu.memory_space<vmem>>
      %dma_start3A_834 = arith.constant 0 : i32
      %dma_start3A_835 = tpu.memref_slice %arg5[%add3A_828, %dma_start3A_834] : memref<32768x1024xf32, #tpu.memory_space<hbm>> -> memref<8x1024xf32, #tpu.memory_space<hbm>>
      %dma_start3A_836 = arith.constant 0 : i32
      %dma_start3A_837 = tpu.memref_slice %arg5[%add3A_828, %dma_start3A_836] : memref<32768x1024xf32, #tpu.memory_space<hbm>> -> memref<8x1024xf32, #tpu.memory_space<hbm>>
      %dma_start3A_838 = arith.constant 8 : i32
      %dma_start3A_839 = arith.constant 0 : i32
      %dma_start3A_840 = tpu.memref_slice %arg7[%dma_start3A_829, %dma_start3A_838, %dma_start3A_839] : memref<3x32x1024xf32, #tpu.memory_space<vmem>> -> memref<1x8x1024xf32, #tpu.memory_space<vmem>>
      %dma_start3A_841 = tpu.memref_squeeze %dma_start3A_840 : memref<1x8x1024xf32, #tpu.memory_space<vmem>> -> memref<8x1024xf32, #tpu.memory_space<vmem>>
      tpu.enqueue_dma source(%dma_start3A_841 : memref<8x1024xf32, #tpu.memory_space<vmem>>) target(%dma_start3A_837 : memref<8x1024xf32, #tpu.memory_space<hbm>>) target_semaphore(%arg17 : memref<!tpu.dma_semaphore, #tpu.memory_space<semaphore_mem>>)
      %add3A_842 = arith.constant 16384 : i32
      %add3A_843 = arith.addi %add3A_842, %mul3A_2 : i32
      %mul3A_844 = arith.constant 8 : i32
      %mul3A_845 = arith.muli %add3A_763, %mul3A_844 : i32
      %add3A_846 = arith.addi %add3A_843, %mul3A_845 : i32
      %dma_start3A_847 = arith.constant 2 : i32
      %dma_start3A_848 = arith.constant 16 : i32
      %dma_start3A_849 = arith.constant 0 : i32
      %dma_start3A_850 = tpu.memref_slice %arg7[%dma_start3A_847, %dma_start3A_848, %dma_start3A_849] : memref<3x32x1024xf32, #tpu.memory_space<vmem>> -> memref<1x8x1024xf32, #tpu.memory_space<vmem>>
      %dma_start3A_851 = tpu.memref_squeeze %dma_start3A_850 : memref<1x8x1024xf32, #tpu.memory_space<vmem>> -> memref<8x1024xf32, #tpu.memory_space<vmem>>
      %dma_start3A_852 = arith.constant 0 : i32
      %dma_start3A_853 = tpu.memref_slice %arg5[%add3A_846, %dma_start3A_852] : memref<32768x1024xf32, #tpu.memory_space<hbm>> -> memref<8x1024xf32, #tpu.memory_space<hbm>>
      %dma_start3A_854 = arith.constant 0 : i32
      %dma_start3A_855 = tpu.memref_slice %arg5[%add3A_846, %dma_start3A_854] : memref<32768x1024xf32, #tpu.memory_space<hbm>> -> memref<8x1024xf32, #tpu.memory_space<hbm>>
      %dma_start3A_856 = arith.constant 16 : i32
      %dma_start3A_857 = arith.constant 0 : i32
      %dma_start3A_858 = tpu.memref_slice %arg7[%dma_start3A_847, %dma_start3A_856, %dma_start3A_857] : memref<3x32x1024xf32, #tpu.memory_space<vmem>> -> memref<1x8x1024xf32, #tpu.memory_space<vmem>>
      %dma_start3A_859 = tpu.memref_squeeze %dma_start3A_858 : memref<1x8x1024xf32, #tpu.memory_space<vmem>> -> memref<8x1024xf32, #tpu.memory_space<vmem>>
      tpu.enqueue_dma source(%dma_start3A_859 : memref<8x1024xf32, #tpu.memory_space<vmem>>) target(%dma_start3A_855 : memref<8x1024xf32, #tpu.memory_space<hbm>>) target_semaphore(%arg17 : memref<!tpu.dma_semaphore, #tpu.memory_space<semaphore_mem>>)
      %add3A_860 = arith.constant 24576 : i32
      %add3A_861 = arith.addi %add3A_860, %mul3A_2 : i32
      %mul3A_862 = arith.constant 8 : i32
      %mul3A_863 = arith.muli %add3A_763, %mul3A_862 : i32
      %add3A_864 = arith.addi %add3A_861, %mul3A_863 : i32
      %dma_start3A_865 = arith.constant 2 : i32
      %dma_start3A_866 = arith.constant 24 : i32
      %dma_start3A_867 = arith.constant 0 : i32
      %dma_start3A_868 = tpu.memref_slice %arg7[%dma_start3A_865, %dma_start3A_866, %dma_start3A_867] : memref<3x32x1024xf32, #tpu.memory_space<vmem>> -> memref<1x8x1024xf32, #tpu.memory_space<vmem>>
      %dma_start3A_869 = tpu.memref_squeeze %dma_start3A_868 : memref<1x8x1024xf32, #tpu.memory_space<vmem>> -> memref<8x1024xf32, #tpu.memory_space<vmem>>
      %dma_start3A_870 = arith.constant 0 : i32
      %dma_start3A_871 = tpu.memref_slice %arg5[%add3A_864, %dma_start3A_870] : memref<32768x1024xf32, #tpu.memory_space<hbm>> -> memref<8x1024xf32, #tpu.memory_space<hbm>>
      %dma_start3A_872 = arith.constant 0 : i32
      %dma_start3A_873 = tpu.memref_slice %arg5[%add3A_864, %dma_start3A_872] : memref<32768x1024xf32, #tpu.memory_space<hbm>> -> memref<8x1024xf32, #tpu.memory_space<hbm>>
      %dma_start3A_874 = arith.constant 24 : i32
      %dma_start3A_875 = arith.constant 0 : i32
      %dma_start3A_876 = tpu.memref_slice %arg7[%dma_start3A_865, %dma_start3A_874, %dma_start3A_875] : memref<3x32x1024xf32, #tpu.memory_space<vmem>> -> memref<1x8x1024xf32, #tpu.memory_space<vmem>>
      %dma_start3A_877 = tpu.memref_squeeze %dma_start3A_876 : memref<1x8x1024xf32, #tpu.memory_space<vmem>> -> memref<8x1024xf32, #tpu.memory_space<vmem>>
      tpu.enqueue_dma source(%dma_start3A_877 : memref<8x1024xf32, #tpu.memory_space<vmem>>) target(%dma_start3A_873 : memref<8x1024xf32, #tpu.memory_space<hbm>>) target_semaphore(%arg17 : memref<!tpu.dma_semaphore, #tpu.memory_space<semaphore_mem>>)
    }
    %scan3A_33 = arith.constant 10 : i32
    %add3A_34 = arith.constant 0 : i32
    %add3A_35 = arith.addi %add3A_34, %mul3A_2 : i32
    %add3A_36 = arith.constant 224 : i32
    %add3A_37 = arith.addi %add3A_35, %add3A_36 : i32
    %dma_wait3A = arith.constant 1 : i32
    %dma_wait3A_38 = arith.constant 0 : i32
    %dma_wait3A_39 = arith.constant 0 : i32
    %dma_wait3A_40 = tpu.memref_slice %arg7[%dma_wait3A, %dma_wait3A_38, %dma_wait3A_39] : memref<3x32x1024xf32, #tpu.memory_space<vmem>> -> memref<1x8x1024xf32, #tpu.memory_space<vmem>>
    %dma_wait3A_41 = tpu.memref_squeeze %dma_wait3A_40 : memref<1x8x1024xf32, #tpu.memory_space<vmem>> -> memref<8x1024xf32, #tpu.memory_space<vmem>>
    %dma_wait3A_42 = arith.constant 0 : i32
    %dma_wait3A_43 = tpu.memref_slice %arg5[%add3A_37, %dma_wait3A_42] : memref<32768x1024xf32, #tpu.memory_space<hbm>> -> memref<8x1024xf32, #tpu.memory_space<hbm>>
    %dma_wait3A_44 = arith.constant 0 : i32
    %dma_wait3A_45 = tpu.memref_slice %arg5[%add3A_37, %dma_wait3A_44] : memref<32768x1024xf32, #tpu.memory_space<hbm>> -> memref<8x1024xf32, #tpu.memory_space<hbm>>
    %dma_wait3A_46 = arith.constant 0 : i32
    %dma_wait3A_47 = arith.constant 0 : i32
    %dma_wait3A_48 = tpu.memref_slice %arg7[%dma_wait3A, %dma_wait3A_46, %dma_wait3A_47] : memref<3x32x1024xf32, #tpu.memory_space<vmem>> -> memref<1x8x1024xf32, #tpu.memory_space<vmem>>
    %dma_wait3A_49 = tpu.memref_squeeze %dma_wait3A_48 : memref<1x8x1024xf32, #tpu.memory_space<vmem>> -> memref<8x1024xf32, #tpu.memory_space<vmem>>
    tpu.wait_dma2 semaphore(%arg16 : memref<!tpu.dma_semaphore, #tpu.memory_space<semaphore_mem>>) src(%dma_wait3A_49 : memref<8x1024xf32, #tpu.memory_space<vmem>>) dst(%dma_wait3A_45 : memref<8x1024xf32, #tpu.memory_space<hbm>>)
    %add3A_50 = arith.constant 8192 : i32
    %add3A_51 = arith.addi %add3A_50, %mul3A_2 : i32
    %add3A_52 = arith.constant 224 : i32
    %add3A_53 = arith.addi %add3A_51, %add3A_52 : i32
    %dma_wait3A_54 = arith.constant 1 : i32
    %dma_wait3A_55 = arith.constant 8 : i32
    %dma_wait3A_56 = arith.constant 0 : i32
    %dma_wait3A_57 = tpu.memref_slice %arg7[%dma_wait3A_54, %dma_wait3A_55, %dma_wait3A_56] : memref<3x32x1024xf32, #tpu.memory_space<vmem>> -> memref<1x8x1024xf32, #tpu.memory_space<vmem>>
    %dma_wait3A_58 = tpu.memref_squeeze %dma_wait3A_57 : memref<1x8x1024xf32, #tpu.memory_space<vmem>> -> memref<8x1024xf32, #tpu.memory_space<vmem>>
    %dma_wait3A_59 = arith.constant 0 : i32
    %dma_wait3A_60 = tpu.memref_slice %arg5[%add3A_53, %dma_wait3A_59] : memref<32768x1024xf32, #tpu.memory_space<hbm>> -> memref<8x1024xf32, #tpu.memory_space<hbm>>
    %dma_wait3A_61 = arith.constant 0 : i32
    %dma_wait3A_62 = tpu.memref_slice %arg5[%add3A_53, %dma_wait3A_61] : memref<32768x1024xf32, #tpu.memory_space<hbm>> -> memref<8x1024xf32, #tpu.memory_space<hbm>>
    %dma_wait3A_63 = arith.constant 8 : i32
    %dma_wait3A_64 = arith.constant 0 : i32
    %dma_wait3A_65 = tpu.memref_slice %arg7[%dma_wait3A_54, %dma_wait3A_63, %dma_wait3A_64] : memref<3x32x1024xf32, #tpu.memory_space<vmem>> -> memref<1x8x1024xf32, #tpu.memory_space<vmem>>
    %dma_wait3A_66 = tpu.memref_squeeze %dma_wait3A_65 : memref<1x8x1024xf32, #tpu.memory_space<vmem>> -> memref<8x1024xf32, #tpu.memory_space<vmem>>
    tpu.wait_dma2 semaphore(%arg16 : memref<!tpu.dma_semaphore, #tpu.memory_space<semaphore_mem>>) src(%dma_wait3A_66 : memref<8x1024xf32, #tpu.memory_space<vmem>>) dst(%dma_wait3A_62 : memref<8x1024xf32, #tpu.memory_space<hbm>>)
    %add3A_67 = arith.constant 16384 : i32
    %add3A_68 = arith.addi %add3A_67, %mul3A_2 : i32
    %add3A_69 = arith.constant 224 : i32
    %add3A_70 = arith.addi %add3A_68, %add3A_69 : i32
    %dma_wait3A_71 = arith.constant 1 : i32
    %dma_wait3A_72 = arith.constant 16 : i32
    %dma_wait3A_73 = arith.constant 0 : i32
    %dma_wait3A_74 = tpu.memref_slice %arg7[%dma_wait3A_71, %dma_wait3A_72, %dma_wait3A_73] : memref<3x32x1024xf32, #tpu.memory_space<vmem>> -> memref<1x8x1024xf32, #tpu.memory_space<vmem>>
    %dma_wait3A_75 = tpu.memref_squeeze %dma_wait3A_74 : memref<1x8x1024xf32, #tpu.memory_space<vmem>> -> memref<8x1024xf32, #tpu.memory_space<vmem>>
    %dma_wait3A_76 = arith.constant 0 : i32
    %dma_wait3A_77 = tpu.memref_slice %arg5[%add3A_70, %dma_wait3A_76] : memref<32768x1024xf32, #tpu.memory_space<hbm>> -> memref<8x1024xf32, #tpu.memory_space<hbm>>
    %dma_wait3A_78 = arith.constant 0 : i32
    %dma_wait3A_79 = tpu.memref_slice %arg5[%add3A_70, %dma_wait3A_78] : memref<32768x1024xf32, #tpu.memory_space<hbm>> -> memref<8x1024xf32, #tpu.memory_space<hbm>>
    %dma_wait3A_80 = arith.constant 16 : i32
    %dma_wait3A_81 = arith.constant 0 : i32
    %dma_wait3A_82 = tpu.memref_slice %arg7[%dma_wait3A_71, %dma_wait3A_80, %dma_wait3A_81] : memref<3x32x1024xf32, #tpu.memory_space<vmem>> -> memref<1x8x1024xf32, #tpu.memory_space<vmem>>
    %dma_wait3A_83 = tpu.memref_squeeze %dma_wait3A_82 : memref<1x8x1024xf32, #tpu.memory_space<vmem>> -> memref<8x1024xf32, #tpu.memory_space<vmem>>
    tpu.wait_dma2 semaphore(%arg16 : memref<!tpu.dma_semaphore, #tpu.memory_space<semaphore_mem>>) src(%dma_wait3A_83 : memref<8x1024xf32, #tpu.memory_space<vmem>>) dst(%dma_wait3A_79 : memref<8x1024xf32, #tpu.memory_space<hbm>>)
    %add3A_84 = arith.constant 24576 : i32
    %add3A_85 = arith.addi %add3A_84, %mul3A_2 : i32
    %add3A_86 = arith.constant 224 : i32
    %add3A_87 = arith.addi %add3A_85, %add3A_86 : i32
    %dma_wait3A_88 = arith.constant 1 : i32
    %dma_wait3A_89 = arith.constant 24 : i32
    %dma_wait3A_90 = arith.constant 0 : i32
    %dma_wait3A_91 = tpu.memref_slice %arg7[%dma_wait3A_88, %dma_wait3A_89, %dma_wait3A_90] : memref<3x32x1024xf32, #tpu.memory_space<vmem>> -> memref<1x8x1024xf32, #tpu.memory_space<vmem>>
    %dma_wait3A_92 = tpu.memref_squeeze %dma_wait3A_91 : memref<1x8x1024xf32, #tpu.memory_space<vmem>> -> memref<8x1024xf32, #tpu.memory_space<vmem>>
    %dma_wait3A_93 = arith.constant 0 : i32
    %dma_wait3A_94 = tpu.memref_slice %arg5[%add3A_87, %dma_wait3A_93] : memref<32768x1024xf32, #tpu.memory_space<hbm>> -> memref<8x1024xf32, #tpu.memory_space<hbm>>
    %dma_wait3A_95 = arith.constant 0 : i32
    %dma_wait3A_96 = tpu.memref_slice %arg5[%add3A_87, %dma_wait3A_95] : memref<32768x1024xf32, #tpu.memory_space<hbm>> -> memref<8x1024xf32, #tpu.memory_space<hbm>>
    %dma_wait3A_97 = arith.constant 24 : i32
    %dma_wait3A_98 = arith.constant 0 : i32
    %dma_wait3A_99 = tpu.memref_slice %arg7[%dma_wait3A_88, %dma_wait3A_97, %dma_wait3A_98] : memref<3x32x1024xf32, #tpu.memory_space<vmem>> -> memref<1x8x1024xf32, #tpu.memory_space<vmem>>
    %dma_wait3A_100 = tpu.memref_squeeze %dma_wait3A_99 : memref<1x8x1024xf32, #tpu.memory_space<vmem>> -> memref<8x1024xf32, #tpu.memory_space<vmem>>
    tpu.wait_dma2 semaphore(%arg16 : memref<!tpu.dma_semaphore, #tpu.memory_space<semaphore_mem>>) src(%dma_wait3A_100 : memref<8x1024xf32, #tpu.memory_space<vmem>>) dst(%dma_wait3A_96 : memref<8x1024xf32, #tpu.memory_space<hbm>>)
    %dma_start3A_101 = arith.constant 31 : i32
    %dma_start3A_102 = arith.constant 1 : i32
    %dma_start3A_103 = arith.constant 0 : i32
    %dma_start3A_104 = arith.constant 0 : i32
    %dma_start3A_105 = tpu.memref_slice %arg7[%dma_start3A_102, %dma_start3A_103, %dma_start3A_104] : memref<3x32x1024xf32, #tpu.memory_space<vmem>> -> memref<1x32x1024xf32, #tpu.memory_space<vmem>>
    %dma_start3A_106 = tpu.memref_squeeze %dma_start3A_105 : memref<1x32x1024xf32, #tpu.memory_space<vmem>> -> memref<32x1024xf32, #tpu.memory_space<vmem>>
    %dma_start3A_107 = arith.constant 0 : i32
    %dma_start3A_108 = tpu.memref_slice %arg6[%dma_start3A_101, %dma_start3A_107] : memref<32x32xi32, #tpu.memory_space<vmem>> -> memref<1x32xi32, #tpu.memory_space<vmem>>
    %dma_start3A_109 = tpu.memref_squeeze %dma_start3A_108 : memref<1x32xi32, #tpu.memory_space<vmem>> -> memref<32xi32, #tpu.memory_space<vmem>>
    %dma_start3A_110 = arith.constant 0 : i32
    %dma_start3A_111 = arith.constant 0 : i32
    %dma_start3A_112 = tpu.memref_slice %arg3[%dma_start3A_110, %dma_start3A_111] : memref<100000x1024xf32, #tpu.memory_space<hbm>> -> memref<100000x1024xf32, #tpu.memory_space<hbm>>
    tpu.enqueue_indirect_dma source(%dma_start3A_112 : memref<100000x1024xf32, #tpu.memory_space<hbm>>) target(%dma_start3A_106 : memref<32x1024xf32, #tpu.memory_space<vmem>>) offsets(%dma_start3A_109 : memref<32xi32, #tpu.memory_space<vmem>>) semaphore(%arg10 : memref<!tpu.dma_semaphore, #tpu.memory_space<semaphore_mem>>)
    %add3A_113 = arith.constant 248 : i32
    %add3A_114 = arith.addi %mul3A_2, %add3A_113 : i32
    %dma_start3A_115 = arith.constant 1 : i32
    %dma_start3A_116 = arith.constant 0 : i32
    %dma_start3A_117 = arith.constant 0 : i32
    %dma_start3A_118 = tpu.memref_slice %arg8[%dma_start3A_115, %dma_start3A_116, %dma_start3A_117] : memref<3x8x1024xf32, #tpu.memory_space<vmem>> -> memref<1x8x1024xf32, #tpu.memory_space<vmem>>
    %dma_start3A_119 = tpu.memref_squeeze %dma_start3A_118 : memref<1x8x1024xf32, #tpu.memory_space<vmem>> -> memref<8x1024xf32, #tpu.memory_space<vmem>>
    %dma_start3A_120 = arith.constant 0 : i32
    %dma_start3A_121 = tpu.memref_slice %arg4[%add3A_114, %dma_start3A_120] : memref<8192x1024xf32, #tpu.memory_space<hbm>> -> memref<8x1024xf32, #tpu.memory_space<hbm>>
    %dma_start3A_122 = arith.constant 0 : i32
    %dma_start3A_123 = arith.constant 0 : i32
    %dma_start3A_124 = tpu.memref_slice %arg8[%dma_start3A_115, %dma_start3A_122, %dma_start3A_123] : memref<3x8x1024xf32, #tpu.memory_space<vmem>> -> memref<1x8x1024xf32, #tpu.memory_space<vmem>>
    %dma_start3A_125 = tpu.memref_squeeze %dma_start3A_124 : memref<1x8x1024xf32, #tpu.memory_space<vmem>> -> memref<8x1024xf32, #tpu.memory_space<vmem>>
    %dma_start3A_126 = arith.constant 0 : i32
    %dma_start3A_127 = tpu.memref_slice %arg4[%add3A_114, %dma_start3A_126] : memref<8192x1024xf32, #tpu.memory_space<hbm>> -> memref<8x1024xf32, #tpu.memory_space<hbm>>
    tpu.enqueue_dma source(%dma_start3A_127 : memref<8x1024xf32, #tpu.memory_space<hbm>>) target(%dma_start3A_125 : memref<8x1024xf32, #tpu.memory_space<vmem>>) target_semaphore(%arg13 : memref<!tpu.dma_semaphore, #tpu.memory_space<semaphore_mem>>)
    %dma_wait3A_128 = arith.constant 30 : i32
    %dma_wait3A_129 = arith.constant 0 : i32
    %dma_wait3A_130 = arith.constant 0 : i32
    %dma_wait3A_131 = arith.constant 0 : i32
    %dma_wait3A_132 = tpu.memref_slice %arg7[%dma_wait3A_129, %dma_wait3A_130, %dma_wait3A_131] : memref<3x32x1024xf32, #tpu.memory_space<vmem>> -> memref<1x32x1024xf32, #tpu.memory_space<vmem>>
    %dma_wait3A_133 = tpu.memref_squeeze %dma_wait3A_132 : memref<1x32x1024xf32, #tpu.memory_space<vmem>> -> memref<32x1024xf32, #tpu.memory_space<vmem>>
    %dma_wait3A_134 = arith.constant 0 : i32
    %dma_wait3A_135 = tpu.memref_slice %arg6[%dma_wait3A_128, %dma_wait3A_134] : memref<32x32xi32, #tpu.memory_space<vmem>> -> memref<1x32xi32, #tpu.memory_space<vmem>>
    %dma_wait3A_136 = tpu.memref_squeeze %dma_wait3A_135 : memref<1x32xi32, #tpu.memory_space<vmem>> -> memref<32xi32, #tpu.memory_space<vmem>>
    %dma_wait3A_137 = arith.constant 0 : i32
    %dma_wait3A_138 = arith.constant 0 : i32
    %dma_wait3A_139 = tpu.memref_slice %arg3[%dma_wait3A_137, %dma_wait3A_138] : memref<100000x1024xf32, #tpu.memory_space<hbm>> -> memref<100000x1024xf32, #tpu.memory_space<hbm>>
    tpu.wait_indirect_dma semaphore(%arg9 : memref<!tpu.dma_semaphore, #tpu.memory_space<semaphore_mem>>) src(%dma_wait3A_139 : memref<100000x1024xf32, #tpu.memory_space<hbm>>) dst(%dma_wait3A_133 : memref<32x1024xf32, #tpu.memory_space<vmem>>)
    %add3A_140 = arith.constant 240 : i32
    %add3A_141 = arith.addi %mul3A_2, %add3A_140 : i32
    %dma_wait3A_142 = arith.constant 0 : i32
    %dma_wait3A_143 = arith.constant 0 : i32
    %dma_wait3A_144 = arith.constant 0 : i32
    %dma_wait3A_145 = tpu.memref_slice %arg8[%dma_wait3A_142, %dma_wait3A_143, %dma_wait3A_144] : memref<3x8x1024xf32, #tpu.memory_space<vmem>> -> memref<1x8x1024xf32, #tpu.memory_space<vmem>>
    %dma_wait3A_146 = tpu.memref_squeeze %dma_wait3A_145 : memref<1x8x1024xf32, #tpu.memory_space<vmem>> -> memref<8x1024xf32, #tpu.memory_space<vmem>>
    %dma_wait3A_147 = arith.constant 0 : i32
    %dma_wait3A_148 = tpu.memref_slice %arg4[%add3A_141, %dma_wait3A_147] : memref<8192x1024xf32, #tpu.memory_space<hbm>> -> memref<8x1024xf32, #tpu.memory_space<hbm>>
    %dma_wait3A_149 = arith.constant 0 : i32
    %dma_wait3A_150 = arith.constant 0 : i32
    %dma_wait3A_151 = tpu.memref_slice %arg8[%dma_wait3A_142, %dma_wait3A_149, %dma_wait3A_150] : memref<3x8x1024xf32, #tpu.memory_space<vmem>> -> memref<1x8x1024xf32, #tpu.memory_space<vmem>>
    %dma_wait3A_152 = tpu.memref_squeeze %dma_wait3A_151 : memref<1x8x1024xf32, #tpu.memory_space<vmem>> -> memref<8x1024xf32, #tpu.memory_space<vmem>>
    %dma_wait3A_153 = arith.constant 0 : i32
    %dma_wait3A_154 = tpu.memref_slice %arg4[%add3A_141, %dma_wait3A_153] : memref<8192x1024xf32, #tpu.memory_space<hbm>> -> memref<8x1024xf32, #tpu.memory_space<hbm>>
    tpu.wait_dma2 semaphore(%arg12 : memref<!tpu.dma_semaphore, #tpu.memory_space<semaphore_mem>>) src(%dma_wait3A_154 : memref<8x1024xf32, #tpu.memory_space<hbm>>) dst(%dma_wait3A_152 : memref<8x1024xf32, #tpu.memory_space<vmem>>)
    %parallel_loop3A = arith.constant 0 : i32
    %parallel_loop3A_155 = arith.constant 64 : i32
    %parallel_loop3A_156 = arith.constant 1 : i32
    scf.for %parallel_loop3A_527 = %parallel_loop3A to %parallel_loop3A_155 step %parallel_loop3A_156  : i32 {
      %parallel_loop3A_528 = arith.constant 16 : i32
      %parallel_loop3A_529 = arith.muli %parallel_loop3A_527, %parallel_loop3A_528 : i32
      %parallel_loop3A_530 = arith.constant 0 : i32
      %parallel_loop3A_531 = arith.constant 0 : i32
      %parallel_loop3A_532 = arith.index_cast %parallel_loop3A_530 : i32 to index
      %parallel_loop3A_533 = arith.index_cast %parallel_loop3A_531 : i32 to index
      %parallel_loop3A_534 = arith.index_cast %parallel_loop3A_529 : i32 to index
      %parallel_loop3A_535 = tpu.vector_load %arg8[%parallel_loop3A_532, %parallel_loop3A_533, %parallel_loop3A_534] {strides = array<i32>} : memref<3x8x1024xf32, #tpu.memory_space<vmem>>, vector<1x1x16xf32>,
      %parallel_loop3A_536 = vector.shape_cast %parallel_loop3A_535 : vector<1x1x16xf32> to vector<16xf32>
      %parallel_loop3A_537 = arith.constant 0 : i32
      %parallel_loop3A_538 = arith.constant 0 : i32
      %parallel_loop3A_539 = arith.index_cast %parallel_loop3A_537 : i32 to index
      %parallel_loop3A_540 = arith.index_cast %parallel_loop3A_538 : i32 to index
      %parallel_loop3A_541 = arith.index_cast %parallel_loop3A_529 : i32 to index
      %parallel_loop3A_542 = tpu.vector_load %arg7[%parallel_loop3A_539, %parallel_loop3A_540, %parallel_loop3A_541] {strides = array<i32>} : memref<3x32x1024xf32, #tpu.memory_space<vmem>>, vector<1x1x16xf32>,
      %parallel_loop3A_543 = vector.shape_cast %parallel_loop3A_542 : vector<1x1x16xf32> to vector<16xf32>
      %parallel_loop3A_544 = arith.addf %parallel_loop3A_543, %parallel_loop3A_536 : vector<16xf32>
      %parallel_loop3A_545 = arith.constant 0 : i32
      %parallel_loop3A_546 = arith.constant 0 : i32
      %parallel_loop3A_547 = arith.index_cast %parallel_loop3A_545 : i32 to index
      %parallel_loop3A_548 = arith.index_cast %parallel_loop3A_546 : i32 to index
      %parallel_loop3A_549 = arith.index_cast %parallel_loop3A_529 : i32 to index
      %parallel_loop3A_550 = tpu.vector_load %arg7[%parallel_loop3A_547, %parallel_loop3A_548, %parallel_loop3A_549] {strides = array<i32>} : memref<3x32x1024xf32, #tpu.memory_space<vmem>>, vector<1x1x16xf32>,
      %parallel_loop3A_551 = vector.shape_cast %parallel_loop3A_550 : vector<1x1x16xf32> to vector<16xf32>
      %parallel_loop3A_552 = vector.shape_cast %parallel_loop3A_544 : vector<16xf32> to vector<1x1x16xf32>
      tpu.vector_store %arg7[%parallel_loop3A_547, %parallel_loop3A_548, %parallel_loop3A_549], %parallel_loop3A_552 {strides = array<i32>} : memref<3x32x1024xf32, #tpu.memory_space<vmem>>, vector<1x1x16xf32>,
      %parallel_loop3A_553 = arith.constant 0 : i32
      %parallel_loop3A_554 = arith.constant 8 : i32
      %parallel_loop3A_555 = arith.index_cast %parallel_loop3A_553 : i32 to index
      %parallel_loop3A_556 = arith.index_cast %parallel_loop3A_554 : i32 to index
      %parallel_loop3A_557 = arith.index_cast %parallel_loop3A_529 : i32 to index
      %parallel_loop3A_558 = tpu.vector_load %arg7[%parallel_loop3A_555, %parallel_loop3A_556, %parallel_loop3A_557] {strides = array<i32>} : memref<3x32x1024xf32, #tpu.memory_space<vmem>>, vector<1x1x16xf32>,
      %parallel_loop3A_559 = vector.shape_cast %parallel_loop3A_558 : vector<1x1x16xf32> to vector<16xf32>
      %parallel_loop3A_560 = arith.addf %parallel_loop3A_559, %parallel_loop3A_536 : vector<16xf32>
      %parallel_loop3A_561 = arith.constant 0 : i32
      %parallel_loop3A_562 = arith.constant 8 : i32
      %parallel_loop3A_563 = arith.index_cast %parallel_loop3A_561 : i32 to index
      %parallel_loop3A_564 = arith.index_cast %parallel_loop3A_562 : i32 to index
      %parallel_loop3A_565 = arith.index_cast %parallel_loop3A_529 : i32 to index
      %parallel_loop3A_566 = tpu.vector_load %arg7[%parallel_loop3A_563, %parallel_loop3A_564, %parallel_loop3A_565] {strides = array<i32>} : memref<3x32x1024xf32, #tpu.memory_space<vmem>>, vector<1x1x16xf32>,
      %parallel_loop3A_567 = vector.shape_cast %parallel_loop3A_566 : vector<1x1x16xf32> to vector<16xf32>
      %parallel_loop3A_568 = vector.shape_cast %parallel_loop3A_560 : vector<16xf32> to vector<1x1x16xf32>
      tpu.vector_store %arg7[%parallel_loop3A_563, %parallel_loop3A_564, %parallel_loop3A_565], %parallel_loop3A_568 {strides = array<i32>} : memref<3x32x1024xf32, #tpu.memory_space<vmem>>, vector<1x1x16xf32>,
      %parallel_loop3A_569 = arith.constant 0 : i32
      %parallel_loop3A_570 = arith.constant 16 : i32
      %parallel_loop3A_571 = arith.index_cast %parallel_loop3A_569 : i32 to index
      %parallel_loop3A_572 = arith.index_cast %parallel_loop3A_570 : i32 to index
      %parallel_loop3A_573 = arith.index_cast %parallel_loop3A_529 : i32 to index
      %parallel_loop3A_574 = tpu.vector_load %arg7[%parallel_loop3A_571, %parallel_loop3A_572, %parallel_loop3A_573] {strides = array<i32>} : memref<3x32x1024xf32, #tpu.memory_space<vmem>>, vector<1x1x16xf32>,
      %parallel_loop3A_575 = vector.shape_cast %parallel_loop3A_574 : vector<1x1x16xf32> to vector<16xf32>
      %parallel_loop3A_576 = arith.addf %parallel_loop3A_575, %parallel_loop3A_536 : vector<16xf32>
      %parallel_loop3A_577 = arith.constant 0 : i32
      %parallel_loop3A_578 = arith.constant 16 : i32
      %parallel_loop3A_579 = arith.index_cast %parallel_loop3A_577 : i32 to index
      %parallel_loop3A_580 = arith.index_cast %parallel_loop3A_578 : i32 to index
      %parallel_loop3A_581 = arith.index_cast %parallel_loop3A_529 : i32 to index
      %parallel_loop3A_582 = tpu.vector_load %arg7[%parallel_loop3A_579, %parallel_loop3A_580, %parallel_loop3A_581] {strides = array<i32>} : memref<3x32x1024xf32, #tpu.memory_space<vmem>>, vector<1x1x16xf32>,
      %parallel_loop3A_583 = vector.shape_cast %parallel_loop3A_582 : vector<1x1x16xf32> to vector<16xf32>
      %parallel_loop3A_584 = vector.shape_cast %parallel_loop3A_576 : vector<16xf32> to vector<1x1x16xf32>
      tpu.vector_store %arg7[%parallel_loop3A_579, %parallel_loop3A_580, %parallel_loop3A_581], %parallel_loop3A_584 {strides = array<i32>} : memref<3x32x1024xf32, #tpu.memory_space<vmem>>, vector<1x1x16xf32>,
      %parallel_loop3A_585 = arith.constant 0 : i32
      %parallel_loop3A_586 = arith.constant 24 : i32
      %parallel_loop3A_587 = arith.index_cast %parallel_loop3A_585 : i32 to index
      %parallel_loop3A_588 = arith.index_cast %parallel_loop3A_586 : i32 to index
      %parallel_loop3A_589 = arith.index_cast %parallel_loop3A_529 : i32 to index
      %parallel_loop3A_590 = tpu.vector_load %arg7[%parallel_loop3A_587, %parallel_loop3A_588, %parallel_loop3A_589] {strides = array<i32>} : memref<3x32x1024xf32, #tpu.memory_space<vmem>>, vector<1x1x16xf32>,
      %parallel_loop3A_591 = vector.shape_cast %parallel_loop3A_590 : vector<1x1x16xf32> to vector<16xf32>
      %parallel_loop3A_592 = arith.addf %parallel_loop3A_591, %parallel_loop3A_536 : vector<16xf32>
      %parallel_loop3A_593 = arith.constant 0 : i32
      %parallel_loop3A_594 = arith.constant 24 : i32
      %parallel_loop3A_595 = arith.index_cast %parallel_loop3A_593 : i32 to index
      %parallel_loop3A_596 = arith.index_cast %parallel_loop3A_594 : i32 to index
      %parallel_loop3A_597 = arith.index_cast %parallel_loop3A_529 : i32 to index
      %parallel_loop3A_598 = tpu.vector_load %arg7[%parallel_loop3A_595, %parallel_loop3A_596, %parallel_loop3A_597] {strides = array<i32>} : memref<3x32x1024xf32, #tpu.memory_space<vmem>>, vector<1x1x16xf32>,
      %parallel_loop3A_599 = vector.shape_cast %parallel_loop3A_598 : vector<1x1x16xf32> to vector<16xf32>
      %parallel_loop3A_600 = vector.shape_cast %parallel_loop3A_592 : vector<16xf32> to vector<1x1x16xf32>
      tpu.vector_store %arg7[%parallel_loop3A_595, %parallel_loop3A_596, %parallel_loop3A_597], %parallel_loop3A_600 {strides = array<i32>} : memref<3x32x1024xf32, #tpu.memory_space<vmem>>, vector<1x1x16xf32>,
      %parallel_loop3A_601 = arith.constant 0 : i32
      %parallel_loop3A_602 = arith.constant 1 : i32
      %parallel_loop3A_603 = arith.index_cast %parallel_loop3A_601 : i32 to index
      %parallel_loop3A_604 = arith.index_cast %parallel_loop3A_602 : i32 to index
      %parallel_loop3A_605 = arith.index_cast %parallel_loop3A_529 : i32 to index
      %parallel_loop3A_606 = tpu.vector_load %arg8[%parallel_loop3A_603, %parallel_loop3A_604, %parallel_loop3A_605] {strides = array<i32>} : memref<3x8x1024xf32, #tpu.memory_space<vmem>>, vector<1x1x16xf32>,
      %parallel_loop3A_607 = vector.shape_cast %parallel_loop3A_606 : vector<1x1x16xf32> to vector<16xf32>
      %parallel_loop3A_608 = arith.constant 0 : i32
      %parallel_loop3A_609 = arith.constant 1 : i32
      %parallel_loop3A_610 = arith.index_cast %parallel_loop3A_608 : i32 to index
      %parallel_loop3A_611 = arith.index_cast %parallel_loop3A_609 : i32 to index
      %parallel_loop3A_612 = arith.index_cast %parallel_loop3A_529 : i32 to index
      %parallel_loop3A_613 = tpu.vector_load %arg7[%parallel_loop3A_610, %parallel_loop3A_611, %parallel_loop3A_612] {strides = array<i32>} : memref<3x32x1024xf32, #tpu.memory_space<vmem>>, vector<1x1x16xf32>,
      %parallel_loop3A_614 = vector.shape_cast %parallel_loop3A_613 : vector<1x1x16xf32> to vector<16xf32>
      %parallel_loop3A_615 = arith.addf %parallel_loop3A_614, %parallel_loop3A_607 : vector<16xf32>
      %parallel_loop3A_616 = arith.constant 0 : i32
      %parallel_loop3A_617 = arith.constant 1 : i32
      %parallel_loop3A_618 = arith.index_cast %parallel_loop3A_616 : i32 to index
      %parallel_loop3A_619 = arith.index_cast %parallel_loop3A_617 : i32 to index
      %parallel_loop3A_620 = arith.index_cast %parallel_loop3A_529 : i32 to index
      %parallel_loop3A_621 = tpu.vector_load %arg7[%parallel_loop3A_618, %parallel_loop3A_619, %parallel_loop3A_620] {strides = array<i32>} : memref<3x32x1024xf32, #tpu.memory_space<vmem>>, vector<1x1x16xf32>,
      %parallel_loop3A_622 = vector.shape_cast %parallel_loop3A_621 : vector<1x1x16xf32> to vector<16xf32>
      %parallel_loop3A_623 = vector.shape_cast %parallel_loop3A_615 : vector<16xf32> to vector<1x1x16xf32>
      tpu.vector_store %arg7[%parallel_loop3A_618, %parallel_loop3A_619, %parallel_loop3A_620], %parallel_loop3A_623 {strides = array<i32>} : memref<3x32x1024xf32, #tpu.memory_space<vmem>>, vector<1x1x16xf32>,
      %parallel_loop3A_624 = arith.constant 0 : i32
      %parallel_loop3A_625 = arith.constant 9 : i32
      %parallel_loop3A_626 = arith.index_cast %parallel_loop3A_624 : i32 to index
      %parallel_loop3A_627 = arith.index_cast %parallel_loop3A_625 : i32 to index
      %parallel_loop3A_628 = arith.index_cast %parallel_loop3A_529 : i32 to index
      %parallel_loop3A_629 = tpu.vector_load %arg7[%parallel_loop3A_626, %parallel_loop3A_627, %parallel_loop3A_628] {strides = array<i32>} : memref<3x32x1024xf32, #tpu.memory_space<vmem>>, vector<1x1x16xf32>,
      %parallel_loop3A_630 = vector.shape_cast %parallel_loop3A_629 : vector<1x1x16xf32> to vector<16xf32>
      %parallel_loop3A_631 = arith.addf %parallel_loop3A_630, %parallel_loop3A_607 : vector<16xf32>
      %parallel_loop3A_632 = arith.constant 0 : i32
      %parallel_loop3A_633 = arith.constant 9 : i32
      %parallel_loop3A_634 = arith.index_cast %parallel_loop3A_632 : i32 to index
      %parallel_loop3A_635 = arith.index_cast %parallel_loop3A_633 : i32 to index
      %parallel_loop3A_636 = arith.index_cast %parallel_loop3A_529 : i32 to index
      %parallel_loop3A_637 = tpu.vector_load %arg7[%parallel_loop3A_634, %parallel_loop3A_635, %parallel_loop3A_636] {strides = array<i32>} : memref<3x32x1024xf32, #tpu.memory_space<vmem>>, vector<1x1x16xf32>,
      %parallel_loop3A_638 = vector.shape_cast %parallel_loop3A_637 : vector<1x1x16xf32> to vector<16xf32>
      %parallel_loop3A_639 = vector.shape_cast %parallel_loop3A_631 : vector<16xf32> to vector<1x1x16xf32>
      tpu.vector_store %arg7[%parallel_loop3A_634, %parallel_loop3A_635, %parallel_loop3A_636], %parallel_loop3A_639 {strides = array<i32>} : memref<3x32x1024xf32, #tpu.memory_space<vmem>>, vector<1x1x16xf32>,
      %parallel_loop3A_640 = arith.constant 0 : i32
      %parallel_loop3A_641 = arith.constant 17 : i32
      %parallel_loop3A_642 = arith.index_cast %parallel_loop3A_640 : i32 to index
      %parallel_loop3A_643 = arith.index_cast %parallel_loop3A_641 : i32 to index
      %parallel_loop3A_644 = arith.index_cast %parallel_loop3A_529 : i32 to index
      %parallel_loop3A_645 = tpu.vector_load %arg7[%parallel_loop3A_642, %parallel_loop3A_643, %parallel_loop3A_644] {strides = array<i32>} : memref<3x32x1024xf32, #tpu.memory_space<vmem>>, vector<1x1x16xf32>,
      %parallel_loop3A_646 = vector.shape_cast %parallel_loop3A_645 : vector<1x1x16xf32> to vector<16xf32>
      %parallel_loop3A_647 = arith.addf %parallel_loop3A_646, %parallel_loop3A_607 : vector<16xf32>
      %parallel_loop3A_648 = arith.constant 0 : i32
      %parallel_loop3A_649 = arith.constant 17 : i32
      %parallel_loop3A_650 = arith.index_cast %parallel_loop3A_648 : i32 to index
      %parallel_loop3A_651 = arith.index_cast %parallel_loop3A_649 : i32 to index
      %parallel_loop3A_652 = arith.index_cast %parallel_loop3A_529 : i32 to index
      %parallel_loop3A_653 = tpu.vector_load %arg7[%parallel_loop3A_650, %parallel_loop3A_651, %parallel_loop3A_652] {strides = array<i32>} : memref<3x32x1024xf32, #tpu.memory_space<vmem>>, vector<1x1x16xf32>,
      %parallel_loop3A_654 = vector.shape_cast %parallel_loop3A_653 : vector<1x1x16xf32> to vector<16xf32>
      %parallel_loop3A_655 = vector.shape_cast %parallel_loop3A_647 : vector<16xf32> to vector<1x1x16xf32>
      tpu.vector_store %arg7[%parallel_loop3A_650, %parallel_loop3A_651, %parallel_loop3A_652], %parallel_loop3A_655 {strides = array<i32>} : memref<3x32x1024xf32, #tpu.memory_space<vmem>>, vector<1x1x16xf32>,
      %parallel_loop3A_656 = arith.constant 0 : i32
      %parallel_loop3A_657 = arith.constant 25 : i32
      %parallel_loop3A_658 = arith.index_cast %parallel_loop3A_656 : i32 to index
      %parallel_loop3A_659 = arith.index_cast %parallel_loop3A_657 : i32 to index
      %parallel_loop3A_660 = arith.index_cast %parallel_loop3A_529 : i32 to index
      %parallel_loop3A_661 = tpu.vector_load %arg7[%parallel_loop3A_658, %parallel_loop3A_659, %parallel_loop3A_660] {strides = array<i32>} : memref<3x32x1024xf32, #tpu.memory_space<vmem>>, vector<1x1x16xf32>,
      %parallel_loop3A_662 = vector.shape_cast %parallel_loop3A_661 : vector<1x1x16xf32> to vector<16xf32>
      %parallel_loop3A_663 = arith.addf %parallel_loop3A_662, %parallel_loop3A_607 : vector<16xf32>
      %parallel_loop3A_664 = arith.constant 0 : i32
      %parallel_loop3A_665 = arith.constant 25 : i32
      %parallel_loop3A_666 = arith.index_cast %parallel_loop3A_664 : i32 to index
      %parallel_loop3A_667 = arith.index_cast %parallel_loop3A_665 : i32 to index
      %parallel_loop3A_668 = arith.index_cast %parallel_loop3A_529 : i32 to index
      %parallel_loop3A_669 = tpu.vector_load %arg7[%parallel_loop3A_666, %parallel_loop3A_667, %parallel_loop3A_668] {strides = array<i32>} : memref<3x32x1024xf32, #tpu.memory_space<vmem>>, vector<1x1x16xf32>,
      %parallel_loop3A_670 = vector.shape_cast %parallel_loop3A_669 : vector<1x1x16xf32> to vector<16xf32>
      %parallel_loop3A_671 = vector.shape_cast %parallel_loop3A_663 : vector<16xf32> to vector<1x1x16xf32>
      tpu.vector_store %arg7[%parallel_loop3A_666, %parallel_loop3A_667, %parallel_loop3A_668], %parallel_loop3A_671 {strides = array<i32>} : memref<3x32x1024xf32, #tpu.memory_space<vmem>>, vector<1x1x16xf32>,
      %parallel_loop3A_672 = arith.constant 0 : i32
      %parallel_loop3A_673 = arith.constant 2 : i32
      %parallel_loop3A_674 = arith.index_cast %parallel_loop3A_672 : i32 to index
      %parallel_loop3A_675 = arith.index_cast %parallel_loop3A_673 : i32 to index
      %parallel_loop3A_676 = arith.index_cast %parallel_loop3A_529 : i32 to index
      %parallel_loop3A_677 = tpu.vector_load %arg8[%parallel_loop3A_674, %parallel_loop3A_675, %parallel_loop3A_676] {strides = array<i32>} : memref<3x8x1024xf32, #tpu.memory_space<vmem>>, vector<1x1x16xf32>,
      %parallel_loop3A_678 = vector.shape_cast %parallel_loop3A_677 : vector<1x1x16xf32> to vector<16xf32>
      %parallel_loop3A_679 = arith.constant 0 : i32
      %parallel_loop3A_680 = arith.constant 2 : i32
      %parallel_loop3A_681 = arith.index_cast %parallel_loop3A_679 : i32 to index
      %parallel_loop3A_682 = arith.index_cast %parallel_loop3A_680 : i32 to index
      %parallel_loop3A_683 = arith.index_cast %parallel_loop3A_529 : i32 to index
      %parallel_loop3A_684 = tpu.vector_load %arg7[%parallel_loop3A_681, %parallel_loop3A_682, %parallel_loop3A_683] {strides = array<i32>} : memref<3x32x1024xf32, #tpu.memory_space<vmem>>, vector<1x1x16xf32>,
      %parallel_loop3A_685 = vector.shape_cast %parallel_loop3A_684 : vector<1x1x16xf32> to vector<16xf32>
      %parallel_loop3A_686 = arith.addf %parallel_loop3A_685, %parallel_loop3A_678 : vector<16xf32>
      %parallel_loop3A_687 = arith.constant 0 : i32
      %parallel_loop3A_688 = arith.constant 2 : i32
      %parallel_loop3A_689 = arith.index_cast %parallel_loop3A_687 : i32 to index
      %parallel_loop3A_690 = arith.index_cast %parallel_loop3A_688 : i32 to index
      %parallel_loop3A_691 = arith.index_cast %parallel_loop3A_529 : i32 to index
      %parallel_loop3A_692 = tpu.vector_load %arg7[%parallel_loop3A_689, %parallel_loop3A_690, %parallel_loop3A_691] {strides = array<i32>} : memref<3x32x1024xf32, #tpu.memory_space<vmem>>, vector<1x1x16xf32>,
      %parallel_loop3A_693 = vector.shape_cast %parallel_loop3A_692 : vector<1x1x16xf32> to vector<16xf32>
      %parallel_loop3A_694 = vector.shape_cast %parallel_loop3A_686 : vector<16xf32> to vector<1x1x16xf32>
      tpu.vector_store %arg7[%parallel_loop3A_689, %parallel_loop3A_690, %parallel_loop3A_691], %parallel_loop3A_694 {strides = array<i32>} : memref<3x32x1024xf32, #tpu.memory_space<vmem>>, vector<1x1x16xf32>,
      %parallel_loop3A_695 = arith.constant 0 : i32
      %parallel_loop3A_696 = arith.constant 10 : i32
      %parallel_loop3A_697 = arith.index_cast %parallel_loop3A_695 : i32 to index
      %parallel_loop3A_698 = arith.index_cast %parallel_loop3A_696 : i32 to index
      %parallel_loop3A_699 = arith.index_cast %parallel_loop3A_529 : i32 to index
      %parallel_loop3A_700 = tpu.vector_load %arg7[%parallel_loop3A_697, %parallel_loop3A_698, %parallel_loop3A_699] {strides = array<i32>} : memref<3x32x1024xf32, #tpu.memory_space<vmem>>, vector<1x1x16xf32>,
      %parallel_loop3A_701 = vector.shape_cast %parallel_loop3A_700 : vector<1x1x16xf32> to vector<16xf32>
      %parallel_loop3A_702 = arith.addf %parallel_loop3A_701, %parallel_loop3A_678 : vector<16xf32>
      %parallel_loop3A_703 = arith.constant 0 : i32
      %parallel_loop3A_704 = arith.constant 10 : i32
      %parallel_loop3A_705 = arith.index_cast %parallel_loop3A_703 : i32 to index
      %parallel_loop3A_706 = arith.index_cast %parallel_loop3A_704 : i32 to index
      %parallel_loop3A_707 = arith.index_cast %parallel_loop3A_529 : i32 to index
      %parallel_loop3A_708 = tpu.vector_load %arg7[%parallel_loop3A_705, %parallel_loop3A_706, %parallel_loop3A_707] {strides = array<i32>} : memref<3x32x1024xf32, #tpu.memory_space<vmem>>, vector<1x1x16xf32>,
      %parallel_loop3A_709 = vector.shape_cast %parallel_loop3A_708 : vector<1x1x16xf32> to vector<16xf32>
      %parallel_loop3A_710 = vector.shape_cast %parallel_loop3A_702 : vector<16xf32> to vector<1x1x16xf32>
      tpu.vector_store %arg7[%parallel_loop3A_705, %parallel_loop3A_706, %parallel_loop3A_707], %parallel_loop3A_710 {strides = array<i32>} : memref<3x32x1024xf32, #tpu.memory_space<vmem>>, vector<1x1x16xf32>,
      %parallel_loop3A_711 = arith.constant 0 : i32
      %parallel_loop3A_712 = arith.constant 18 : i32
      %parallel_loop3A_713 = arith.index_cast %parallel_loop3A_711 : i32 to index
      %parallel_loop3A_714 = arith.index_cast %parallel_loop3A_712 : i32 to index
      %parallel_loop3A_715 = arith.index_cast %parallel_loop3A_529 : i32 to index
      %parallel_loop3A_716 = tpu.vector_load %arg7[%parallel_loop3A_713, %parallel_loop3A_714, %parallel_loop3A_715] {strides = array<i32>} : memref<3x32x1024xf32, #tpu.memory_space<vmem>>, vector<1x1x16xf32>,
      %parallel_loop3A_717 = vector.shape_cast %parallel_loop3A_716 : vector<1x1x16xf32> to vector<16xf32>
      %parallel_loop3A_718 = arith.addf %parallel_loop3A_717, %parallel_loop3A_678 : vector<16xf32>
      %parallel_loop3A_719 = arith.constant 0 : i32
      %parallel_loop3A_720 = arith.constant 18 : i32
      %parallel_loop3A_721 = arith.index_cast %parallel_loop3A_719 : i32 to index
      %parallel_loop3A_722 = arith.index_cast %parallel_loop3A_720 : i32 to index
      %parallel_loop3A_723 = arith.index_cast %parallel_loop3A_529 : i32 to index
      %parallel_loop3A_724 = tpu.vector_load %arg7[%parallel_loop3A_721, %parallel_loop3A_722, %parallel_loop3A_723] {strides = array<i32>} : memref<3x32x1024xf32, #tpu.memory_space<vmem>>, vector<1x1x16xf32>,
      %parallel_loop3A_725 = vector.shape_cast %parallel_loop3A_724 : vector<1x1x16xf32> to vector<16xf32>
      %parallel_loop3A_726 = vector.shape_cast %parallel_loop3A_718 : vector<16xf32> to vector<1x1x16xf32>
      tpu.vector_store %arg7[%parallel_loop3A_721, %parallel_loop3A_722, %parallel_loop3A_723], %parallel_loop3A_726 {strides = array<i32>} : memref<3x32x1024xf32, #tpu.memory_space<vmem>>, vector<1x1x16xf32>,
      %parallel_loop3A_727 = arith.constant 0 : i32
      %parallel_loop3A_728 = arith.constant 26 : i32
      %parallel_loop3A_729 = arith.index_cast %parallel_loop3A_727 : i32 to index
      %parallel_loop3A_730 = arith.index_cast %parallel_loop3A_728 : i32 to index
      %parallel_loop3A_731 = arith.index_cast %parallel_loop3A_529 : i32 to index
      %parallel_loop3A_732 = tpu.vector_load %arg7[%parallel_loop3A_729, %parallel_loop3A_730, %parallel_loop3A_731] {strides = array<i32>} : memref<3x32x1024xf32, #tpu.memory_space<vmem>>, vector<1x1x16xf32>,
      %parallel_loop3A_733 = vector.shape_cast %parallel_loop3A_732 : vector<1x1x16xf32> to vector<16xf32>
      %parallel_loop3A_734 = arith.addf %parallel_loop3A_733, %parallel_loop3A_678 : vector<16xf32>
      %parallel_loop3A_735 = arith.constant 0 : i32
      %parallel_loop3A_736 = arith.constant 26 : i32
      %parallel_loop3A_737 = arith.index_cast %parallel_loop3A_735 : i32 to index
      %parallel_loop3A_738 = arith.index_cast %parallel_loop3A_736 : i32 to index
      %parallel_loop3A_739 = arith.index_cast %parallel_loop3A_529 : i32 to index
      %parallel_loop3A_740 = tpu.vector_load %arg7[%parallel_loop3A_737, %parallel_loop3A_738, %parallel_loop3A_739] {strides = array<i32>} : memref<3x32x1024xf32, #tpu.memory_space<vmem>>, vector<1x1x16xf32>,
      %parallel_loop3A_741 = vector.shape_cast %parallel_loop3A_740 : vector<1x1x16xf32> to vector<16xf32>
      %parallel_loop3A_742 = vector.shape_cast %parallel_loop3A_734 : vector<16xf32> to vector<1x1x16xf32>
      tpu.vector_store %arg7[%parallel_loop3A_737, %parallel_loop3A_738, %parallel_loop3A_739], %parallel_loop3A_742 {strides = array<i32>} : memref<3x32x1024xf32, #tpu.memory_space<vmem>>, vector<1x1x16xf32>,
      %parallel_loop3A_743 = arith.constant 0 : i32
      %parallel_loop3A_744 = arith.constant 3 : i32
      %parallel_loop3A_745 = arith.index_cast %parallel_loop3A_743 : i32 to index
      %parallel_loop3A_746 = arith.index_cast %parallel_loop3A_744 : i32 to index
      %parallel_loop3A_747 = arith.index_cast %parallel_loop3A_529 : i32 to index
      %parallel_loop3A_748 = tpu.vector_load %arg8[%parallel_loop3A_745, %parallel_loop3A_746, %parallel_loop3A_747] {strides = array<i32>} : memref<3x8x1024xf32, #tpu.memory_space<vmem>>, vector<1x1x16xf32>,
      %parallel_loop3A_749 = vector.shape_cast %parallel_loop3A_748 : vector<1x1x16xf32> to vector<16xf32>
      %parallel_loop3A_750 = arith.constant 0 : i32
      %parallel_loop3A_751 = arith.constant 3 : i32
      %parallel_loop3A_752 = arith.index_cast %parallel_loop3A_750 : i32 to index
      %parallel_loop3A_753 = arith.index_cast %parallel_loop3A_751 : i32 to index
      %parallel_loop3A_754 = arith.index_cast %parallel_loop3A_529 : i32 to index
      %parallel_loop3A_755 = tpu.vector_load %arg7[%parallel_loop3A_752, %parallel_loop3A_753, %parallel_loop3A_754] {strides = array<i32>} : memref<3x32x1024xf32, #tpu.memory_space<vmem>>, vector<1x1x16xf32>,
      %parallel_loop3A_756 = vector.shape_cast %parallel_loop3A_755 : vector<1x1x16xf32> to vector<16xf32>
      %parallel_loop3A_757 = arith.addf %parallel_loop3A_756, %parallel_loop3A_749 : vector<16xf32>
      %parallel_loop3A_758 = arith.constant 0 : i32
      %parallel_loop3A_759 = arith.constant 3 : i32
      %parallel_loop3A_760 = arith.index_cast %parallel_loop3A_758 : i32 to index
      %parallel_loop3A_761 = arith.index_cast %parallel_loop3A_759 : i32 to index
      %parallel_loop3A_762 = arith.index_cast %parallel_loop3A_529 : i32 to index
      %parallel_loop3A_763 = tpu.vector_load %arg7[%parallel_loop3A_760, %parallel_loop3A_761, %parallel_loop3A_762] {strides = array<i32>} : memref<3x32x1024xf32, #tpu.memory_space<vmem>>, vector<1x1x16xf32>,
      %parallel_loop3A_764 = vector.shape_cast %parallel_loop3A_763 : vector<1x1x16xf32> to vector<16xf32>
      %parallel_loop3A_765 = vector.shape_cast %parallel_loop3A_757 : vector<16xf32> to vector<1x1x16xf32>
      tpu.vector_store %arg7[%parallel_loop3A_760, %parallel_loop3A_761, %parallel_loop3A_762], %parallel_loop3A_765 {strides = array<i32>} : memref<3x32x1024xf32, #tpu.memory_space<vmem>>, vector<1x1x16xf32>,
      %parallel_loop3A_766 = arith.constant 0 : i32
      %parallel_loop3A_767 = arith.constant 11 : i32
      %parallel_loop3A_768 = arith.index_cast %parallel_loop3A_766 : i32 to index
      %parallel_loop3A_769 = arith.index_cast %parallel_loop3A_767 : i32 to index
      %parallel_loop3A_770 = arith.index_cast %parallel_loop3A_529 : i32 to index
      %parallel_loop3A_771 = tpu.vector_load %arg7[%parallel_loop3A_768, %parallel_loop3A_769, %parallel_loop3A_770] {strides = array<i32>} : memref<3x32x1024xf32, #tpu.memory_space<vmem>>, vector<1x1x16xf32>,
      %parallel_loop3A_772 = vector.shape_cast %parallel_loop3A_771 : vector<1x1x16xf32> to vector<16xf32>
      %parallel_loop3A_773 = arith.addf %parallel_loop3A_772, %parallel_loop3A_749 : vector<16xf32>
      %parallel_loop3A_774 = arith.constant 0 : i32
      %parallel_loop3A_775 = arith.constant 11 : i32
      %parallel_loop3A_776 = arith.index_cast %parallel_loop3A_774 : i32 to index
      %parallel_loop3A_777 = arith.index_cast %parallel_loop3A_775 : i32 to index
      %parallel_loop3A_778 = arith.index_cast %parallel_loop3A_529 : i32 to index
      %parallel_loop3A_779 = tpu.vector_load %arg7[%parallel_loop3A_776, %parallel_loop3A_777, %parallel_loop3A_778] {strides = array<i32>} : memref<3x32x1024xf32, #tpu.memory_space<vmem>>, vector<1x1x16xf32>,
      %parallel_loop3A_780 = vector.shape_cast %parallel_loop3A_779 : vector<1x1x16xf32> to vector<16xf32>
      %parallel_loop3A_781 = vector.shape_cast %parallel_loop3A_773 : vector<16xf32> to vector<1x1x16xf32>
      tpu.vector_store %arg7[%parallel_loop3A_776, %parallel_loop3A_777, %parallel_loop3A_778], %parallel_loop3A_781 {strides = array<i32>} : memref<3x32x1024xf32, #tpu.memory_space<vmem>>, vector<1x1x16xf32>,
      %parallel_loop3A_782 = arith.constant 0 : i32
      %parallel_loop3A_783 = arith.constant 19 : i32
      %parallel_loop3A_784 = arith.index_cast %parallel_loop3A_782 : i32 to index
      %parallel_loop3A_785 = arith.index_cast %parallel_loop3A_783 : i32 to index
      %parallel_loop3A_786 = arith.index_cast %parallel_loop3A_529 : i32 to index
      %parallel_loop3A_787 = tpu.vector_load %arg7[%parallel_loop3A_784, %parallel_loop3A_785, %parallel_loop3A_786] {strides = array<i32>} : memref<3x32x1024xf32, #tpu.memory_space<vmem>>, vector<1x1x16xf32>,
      %parallel_loop3A_788 = vector.shape_cast %parallel_loop3A_787 : vector<1x1x16xf32> to vector<16xf32>
      %parallel_loop3A_789 = arith.addf %parallel_loop3A_788, %parallel_loop3A_749 : vector<16xf32>
      %parallel_loop3A_790 = arith.constant 0 : i32
      %parallel_loop3A_791 = arith.constant 19 : i32
      %parallel_loop3A_792 = arith.index_cast %parallel_loop3A_790 : i32 to index
      %parallel_loop3A_793 = arith.index_cast %parallel_loop3A_791 : i32 to index
      %parallel_loop3A_794 = arith.index_cast %parallel_loop3A_529 : i32 to index
      %parallel_loop3A_795 = tpu.vector_load %arg7[%parallel_loop3A_792, %parallel_loop3A_793, %parallel_loop3A_794] {strides = array<i32>} : memref<3x32x1024xf32, #tpu.memory_space<vmem>>, vector<1x1x16xf32>,
      %parallel_loop3A_796 = vector.shape_cast %parallel_loop3A_795 : vector<1x1x16xf32> to vector<16xf32>
      %parallel_loop3A_797 = vector.shape_cast %parallel_loop3A_789 : vector<16xf32> to vector<1x1x16xf32>
      tpu.vector_store %arg7[%parallel_loop3A_792, %parallel_loop3A_793, %parallel_loop3A_794], %parallel_loop3A_797 {strides = array<i32>} : memref<3x32x1024xf32, #tpu.memory_space<vmem>>, vector<1x1x16xf32>,
      %parallel_loop3A_798 = arith.constant 0 : i32
      %parallel_loop3A_799 = arith.constant 27 : i32
      %parallel_loop3A_800 = arith.index_cast %parallel_loop3A_798 : i32 to index
      %parallel_loop3A_801 = arith.index_cast %parallel_loop3A_799 : i32 to index
      %parallel_loop3A_802 = arith.index_cast %parallel_loop3A_529 : i32 to index
      %parallel_loop3A_803 = tpu.vector_load %arg7[%parallel_loop3A_800, %parallel_loop3A_801, %parallel_loop3A_802] {strides = array<i32>} : memref<3x32x1024xf32, #tpu.memory_space<vmem>>, vector<1x1x16xf32>,
      %parallel_loop3A_804 = vector.shape_cast %parallel_loop3A_803 : vector<1x1x16xf32> to vector<16xf32>
      %parallel_loop3A_805 = arith.addf %parallel_loop3A_804, %parallel_loop3A_749 : vector<16xf32>
      %parallel_loop3A_806 = arith.constant 0 : i32
      %parallel_loop3A_807 = arith.constant 27 : i32
      %parallel_loop3A_808 = arith.index_cast %parallel_loop3A_806 : i32 to index
      %parallel_loop3A_809 = arith.index_cast %parallel_loop3A_807 : i32 to index
      %parallel_loop3A_810 = arith.index_cast %parallel_loop3A_529 : i32 to index
      %parallel_loop3A_811 = tpu.vector_load %arg7[%parallel_loop3A_808, %parallel_loop3A_809, %parallel_loop3A_810] {strides = array<i32>} : memref<3x32x1024xf32, #tpu.memory_space<vmem>>, vector<1x1x16xf32>,
      %parallel_loop3A_812 = vector.shape_cast %parallel_loop3A_811 : vector<1x1x16xf32> to vector<16xf32>
      %parallel_loop3A_813 = vector.shape_cast %parallel_loop3A_805 : vector<16xf32> to vector<1x1x16xf32>
      tpu.vector_store %arg7[%parallel_loop3A_808, %parallel_loop3A_809, %parallel_loop3A_810], %parallel_loop3A_813 {strides = array<i32>} : memref<3x32x1024xf32, #tpu.memory_space<vmem>>, vector<1x1x16xf32>,
      %parallel_loop3A_814 = arith.constant 0 : i32
      %parallel_loop3A_815 = arith.constant 4 : i32
      %parallel_loop3A_816 = arith.index_cast %parallel_loop3A_814 : i32 to index
      %parallel_loop3A_817 = arith.index_cast %parallel_loop3A_815 : i32 to index
      %parallel_loop3A_818 = arith.index_cast %parallel_loop3A_529 : i32 to index
      %parallel_loop3A_819 = tpu.vector_load %arg8[%parallel_loop3A_816, %parallel_loop3A_817, %parallel_loop3A_818] {strides = array<i32>} : memref<3x8x1024xf32, #tpu.memory_space<vmem>>, vector<1x1x16xf32>,
      %parallel_loop3A_820 = vector.shape_cast %parallel_loop3A_819 : vector<1x1x16xf32> to vector<16xf32>
      %parallel_loop3A_821 = arith.constant 0 : i32
      %parallel_loop3A_822 = arith.constant 4 : i32
      %parallel_loop3A_823 = arith.index_cast %parallel_loop3A_821 : i32 to index
      %parallel_loop3A_824 = arith.index_cast %parallel_loop3A_822 : i32 to index
      %parallel_loop3A_825 = arith.index_cast %parallel_loop3A_529 : i32 to index
      %parallel_loop3A_826 = tpu.vector_load %arg7[%parallel_loop3A_823, %parallel_loop3A_824, %parallel_loop3A_825] {strides = array<i32>} : memref<3x32x1024xf32, #tpu.memory_space<vmem>>, vector<1x1x16xf32>,
      %parallel_loop3A_827 = vector.shape_cast %parallel_loop3A_826 : vector<1x1x16xf32> to vector<16xf32>
      %parallel_loop3A_828 = arith.addf %parallel_loop3A_827, %parallel_loop3A_820 : vector<16xf32>
      %parallel_loop3A_829 = arith.constant 0 : i32
      %parallel_loop3A_830 = arith.constant 4 : i32
      %parallel_loop3A_831 = arith.index_cast %parallel_loop3A_829 : i32 to index
      %parallel_loop3A_832 = arith.index_cast %parallel_loop3A_830 : i32 to index
      %parallel_loop3A_833 = arith.index_cast %parallel_loop3A_529 : i32 to index
      %parallel_loop3A_834 = tpu.vector_load %arg7[%parallel_loop3A_831, %parallel_loop3A_832, %parallel_loop3A_833] {strides = array<i32>} : memref<3x32x1024xf32, #tpu.memory_space<vmem>>, vector<1x1x16xf32>,
      %parallel_loop3A_835 = vector.shape_cast %parallel_loop3A_834 : vector<1x1x16xf32> to vector<16xf32>
      %parallel_loop3A_836 = vector.shape_cast %parallel_loop3A_828 : vector<16xf32> to vector<1x1x16xf32>
      tpu.vector_store %arg7[%parallel_loop3A_831, %parallel_loop3A_832, %parallel_loop3A_833], %parallel_loop3A_836 {strides = array<i32>} : memref<3x32x1024xf32, #tpu.memory_space<vmem>>, vector<1x1x16xf32>,
      %parallel_loop3A_837 = arith.constant 0 : i32
      %parallel_loop3A_838 = arith.constant 12 : i32
      %parallel_loop3A_839 = arith.index_cast %parallel_loop3A_837 : i32 to index
      %parallel_loop3A_840 = arith.index_cast %parallel_loop3A_838 : i32 to index
      %parallel_loop3A_841 = arith.index_cast %parallel_loop3A_529 : i32 to index
      %parallel_loop3A_842 = tpu.vector_load %arg7[%parallel_loop3A_839, %parallel_loop3A_840, %parallel_loop3A_841] {strides = array<i32>} : memref<3x32x1024xf32, #tpu.memory_space<vmem>>, vector<1x1x16xf32>,
      %parallel_loop3A_843 = vector.shape_cast %parallel_loop3A_842 : vector<1x1x16xf32> to vector<16xf32>
      %parallel_loop3A_844 = arith.addf %parallel_loop3A_843, %parallel_loop3A_820 : vector<16xf32>
      %parallel_loop3A_845 = arith.constant 0 : i32
      %parallel_loop3A_846 = arith.constant 12 : i32
      %parallel_loop3A_847 = arith.index_cast %parallel_loop3A_845 : i32 to index
      %parallel_loop3A_848 = arith.index_cast %parallel_loop3A_846 : i32 to index
      %parallel_loop3A_849 = arith.index_cast %parallel_loop3A_529 : i32 to index
      %parallel_loop3A_850 = tpu.vector_load %arg7[%parallel_loop3A_847, %parallel_loop3A_848, %parallel_loop3A_849] {strides = array<i32>} : memref<3x32x1024xf32, #tpu.memory_space<vmem>>, vector<1x1x16xf32>,
      %parallel_loop3A_851 = vector.shape_cast %parallel_loop3A_850 : vector<1x1x16xf32> to vector<16xf32>
      %parallel_loop3A_852 = vector.shape_cast %parallel_loop3A_844 : vector<16xf32> to vector<1x1x16xf32>
      tpu.vector_store %arg7[%parallel_loop3A_847, %parallel_loop3A_848, %parallel_loop3A_849], %parallel_loop3A_852 {strides = array<i32>} : memref<3x32x1024xf32, #tpu.memory_space<vmem>>, vector<1x1x16xf32>,
      %parallel_loop3A_853 = arith.constant 0 : i32
      %parallel_loop3A_854 = arith.constant 20 : i32
      %parallel_loop3A_855 = arith.index_cast %parallel_loop3A_853 : i32 to index
      %parallel_loop3A_856 = arith.index_cast %parallel_loop3A_854 : i32 to index
      %parallel_loop3A_857 = arith.index_cast %parallel_loop3A_529 : i32 to index
      %parallel_loop3A_858 = tpu.vector_load %arg7[%parallel_loop3A_855, %parallel_loop3A_856, %parallel_loop3A_857] {strides = array<i32>} : memref<3x32x1024xf32, #tpu.memory_space<vmem>>, vector<1x1x16xf32>,
      %parallel_loop3A_859 = vector.shape_cast %parallel_loop3A_858 : vector<1x1x16xf32> to vector<16xf32>
      %parallel_loop3A_860 = arith.addf %parallel_loop3A_859, %parallel_loop3A_820 : vector<16xf32>
      %parallel_loop3A_861 = arith.constant 0 : i32
      %parallel_loop3A_862 = arith.constant 20 : i32
      %parallel_loop3A_863 = arith.index_cast %parallel_loop3A_861 : i32 to index
      %parallel_loop3A_864 = arith.index_cast %parallel_loop3A_862 : i32 to index
      %parallel_loop3A_865 = arith.index_cast %parallel_loop3A_529 : i32 to index
      %parallel_loop3A_866 = tpu.vector_load %arg7[%parallel_loop3A_863, %parallel_loop3A_864, %parallel_loop3A_865] {strides = array<i32>} : memref<3x32x1024xf32, #tpu.memory_space<vmem>>, vector<1x1x16xf32>,
      %parallel_loop3A_867 = vector.shape_cast %parallel_loop3A_866 : vector<1x1x16xf32> to vector<16xf32>
      %parallel_loop3A_868 = vector.shape_cast %parallel_loop3A_860 : vector<16xf32> to vector<1x1x16xf32>
      tpu.vector_store %arg7[%parallel_loop3A_863, %parallel_loop3A_864, %parallel_loop3A_865], %parallel_loop3A_868 {strides = array<i32>} : memref<3x32x1024xf32, #tpu.memory_space<vmem>>, vector<1x1x16xf32>,
      %parallel_loop3A_869 = arith.constant 0 : i32
      %parallel_loop3A_870 = arith.constant 28 : i32
      %parallel_loop3A_871 = arith.index_cast %parallel_loop3A_869 : i32 to index
      %parallel_loop3A_872 = arith.index_cast %parallel_loop3A_870 : i32 to index
      %parallel_loop3A_873 = arith.index_cast %parallel_loop3A_529 : i32 to index
      %parallel_loop3A_874 = tpu.vector_load %arg7[%parallel_loop3A_871, %parallel_loop3A_872, %parallel_loop3A_873] {strides = array<i32>} : memref<3x32x1024xf32, #tpu.memory_space<vmem>>, vector<1x1x16xf32>,
      %parallel_loop3A_875 = vector.shape_cast %parallel_loop3A_874 : vector<1x1x16xf32> to vector<16xf32>
      %parallel_loop3A_876 = arith.addf %parallel_loop3A_875, %parallel_loop3A_820 : vector<16xf32>
      %parallel_loop3A_877 = arith.constant 0 : i32
      %parallel_loop3A_878 = arith.constant 28 : i32
      %parallel_loop3A_879 = arith.index_cast %parallel_loop3A_877 : i32 to index
      %parallel_loop3A_880 = arith.index_cast %parallel_loop3A_878 : i32 to index
      %parallel_loop3A_881 = arith.index_cast %parallel_loop3A_529 : i32 to index
      %parallel_loop3A_882 = tpu.vector_load %arg7[%parallel_loop3A_879, %parallel_loop3A_880, %parallel_loop3A_881] {strides = array<i32>} : memref<3x32x1024xf32, #tpu.memory_space<vmem>>, vector<1x1x16xf32>,
      %parallel_loop3A_883 = vector.shape_cast %parallel_loop3A_882 : vector<1x1x16xf32> to vector<16xf32>
      %parallel_loop3A_884 = vector.shape_cast %parallel_loop3A_876 : vector<16xf32> to vector<1x1x16xf32>
      tpu.vector_store %arg7[%parallel_loop3A_879, %parallel_loop3A_880, %parallel_loop3A_881], %parallel_loop3A_884 {strides = array<i32>} : memref<3x32x1024xf32, #tpu.memory_space<vmem>>, vector<1x1x16xf32>,
      %parallel_loop3A_885 = arith.constant 0 : i32
      %parallel_loop3A_886 = arith.constant 5 : i32
      %parallel_loop3A_887 = arith.index_cast %parallel_loop3A_885 : i32 to index
      %parallel_loop3A_888 = arith.index_cast %parallel_loop3A_886 : i32 to index
      %parallel_loop3A_889 = arith.index_cast %parallel_loop3A_529 : i32 to index
      %parallel_loop3A_890 = tpu.vector_load %arg8[%parallel_loop3A_887, %parallel_loop3A_888, %parallel_loop3A_889] {strides = array<i32>} : memref<3x8x1024xf32, #tpu.memory_space<vmem>>, vector<1x1x16xf32>,
      %parallel_loop3A_891 = vector.shape_cast %parallel_loop3A_890 : vector<1x1x16xf32> to vector<16xf32>
      %parallel_loop3A_892 = arith.constant 0 : i32
      %parallel_loop3A_893 = arith.constant 5 : i32
      %parallel_loop3A_894 = arith.index_cast %parallel_loop3A_892 : i32 to index
      %parallel_loop3A_895 = arith.index_cast %parallel_loop3A_893 : i32 to index
      %parallel_loop3A_896 = arith.index_cast %parallel_loop3A_529 : i32 to index
      %parallel_loop3A_897 = tpu.vector_load %arg7[%parallel_loop3A_894, %parallel_loop3A_895, %parallel_loop3A_896] {strides = array<i32>} : memref<3x32x1024xf32, #tpu.memory_space<vmem>>, vector<1x1x16xf32>,
      %parallel_loop3A_898 = vector.shape_cast %parallel_loop3A_897 : vector<1x1x16xf32> to vector<16xf32>
      %parallel_loop3A_899 = arith.addf %parallel_loop3A_898, %parallel_loop3A_891 : vector<16xf32>
      %parallel_loop3A_900 = arith.constant 0 : i32
      %parallel_loop3A_901 = arith.constant 5 : i32
      %parallel_loop3A_902 = arith.index_cast %parallel_loop3A_900 : i32 to index
      %parallel_loop3A_903 = arith.index_cast %parallel_loop3A_901 : i32 to index
      %parallel_loop3A_904 = arith.index_cast %parallel_loop3A_529 : i32 to index
      %parallel_loop3A_905 = tpu.vector_load %arg7[%parallel_loop3A_902, %parallel_loop3A_903, %parallel_loop3A_904] {strides = array<i32>} : memref<3x32x1024xf32, #tpu.memory_space<vmem>>, vector<1x1x16xf32>,
      %parallel_loop3A_906 = vector.shape_cast %parallel_loop3A_905 : vector<1x1x16xf32> to vector<16xf32>
      %parallel_loop3A_907 = vector.shape_cast %parallel_loop3A_899 : vector<16xf32> to vector<1x1x16xf32>
      tpu.vector_store %arg7[%parallel_loop3A_902, %parallel_loop3A_903, %parallel_loop3A_904], %parallel_loop3A_907 {strides = array<i32>} : memref<3x32x1024xf32, #tpu.memory_space<vmem>>, vector<1x1x16xf32>,
      %parallel_loop3A_908 = arith.constant 0 : i32
      %parallel_loop3A_909 = arith.constant 13 : i32
      %parallel_loop3A_910 = arith.index_cast %parallel_loop3A_908 : i32 to index
      %parallel_loop3A_911 = arith.index_cast %parallel_loop3A_909 : i32 to index
      %parallel_loop3A_912 = arith.index_cast %parallel_loop3A_529 : i32 to index
      %parallel_loop3A_913 = tpu.vector_load %arg7[%parallel_loop3A_910, %parallel_loop3A_911, %parallel_loop3A_912] {strides = array<i32>} : memref<3x32x1024xf32, #tpu.memory_space<vmem>>, vector<1x1x16xf32>,
      %parallel_loop3A_914 = vector.shape_cast %parallel_loop3A_913 : vector<1x1x16xf32> to vector<16xf32>
      %parallel_loop3A_915 = arith.addf %parallel_loop3A_914, %parallel_loop3A_891 : vector<16xf32>
      %parallel_loop3A_916 = arith.constant 0 : i32
      %parallel_loop3A_917 = arith.constant 13 : i32
      %parallel_loop3A_918 = arith.index_cast %parallel_loop3A_916 : i32 to index
      %parallel_loop3A_919 = arith.index_cast %parallel_loop3A_917 : i32 to index
      %parallel_loop3A_920 = arith.index_cast %parallel_loop3A_529 : i32 to index
      %parallel_loop3A_921 = tpu.vector_load %arg7[%parallel_loop3A_918, %parallel_loop3A_919, %parallel_loop3A_920] {strides = array<i32>} : memref<3x32x1024xf32, #tpu.memory_space<vmem>>, vector<1x1x16xf32>,
      %parallel_loop3A_922 = vector.shape_cast %parallel_loop3A_921 : vector<1x1x16xf32> to vector<16xf32>
      %parallel_loop3A_923 = vector.shape_cast %parallel_loop3A_915 : vector<16xf32> to vector<1x1x16xf32>
      tpu.vector_store %arg7[%parallel_loop3A_918, %parallel_loop3A_919, %parallel_loop3A_920], %parallel_loop3A_923 {strides = array<i32>} : memref<3x32x1024xf32, #tpu.memory_space<vmem>>, vector<1x1x16xf32>,
      %parallel_loop3A_924 = arith.constant 0 : i32
      %parallel_loop3A_925 = arith.constant 21 : i32
      %parallel_loop3A_926 = arith.index_cast %parallel_loop3A_924 : i32 to index
      %parallel_loop3A_927 = arith.index_cast %parallel_loop3A_925 : i32 to index
      %parallel_loop3A_928 = arith.index_cast %parallel_loop3A_529 : i32 to index
      %parallel_loop3A_929 = tpu.vector_load %arg7[%parallel_loop3A_926, %parallel_loop3A_927, %parallel_loop3A_928] {strides = array<i32>} : memref<3x32x1024xf32, #tpu.memory_space<vmem>>, vector<1x1x16xf32>,
      %parallel_loop3A_930 = vector.shape_cast %parallel_loop3A_929 : vector<1x1x16xf32> to vector<16xf32>
      %parallel_loop3A_931 = arith.addf %parallel_loop3A_930, %parallel_loop3A_891 : vector<16xf32>
      %parallel_loop3A_932 = arith.constant 0 : i32
      %parallel_loop3A_933 = arith.constant 21 : i32
      %parallel_loop3A_934 = arith.index_cast %parallel_loop3A_932 : i32 to index
      %parallel_loop3A_935 = arith.index_cast %parallel_loop3A_933 : i32 to index
      %parallel_loop3A_936 = arith.index_cast %parallel_loop3A_529 : i32 to index
      %parallel_loop3A_937 = tpu.vector_load %arg7[%parallel_loop3A_934, %parallel_loop3A_935, %parallel_loop3A_936] {strides = array<i32>} : memref<3x32x1024xf32, #tpu.memory_space<vmem>>, vector<1x1x16xf32>,
      %parallel_loop3A_938 = vector.shape_cast %parallel_loop3A_937 : vector<1x1x16xf32> to vector<16xf32>
      %parallel_loop3A_939 = vector.shape_cast %parallel_loop3A_931 : vector<16xf32> to vector<1x1x16xf32>
      tpu.vector_store %arg7[%parallel_loop3A_934, %parallel_loop3A_935, %parallel_loop3A_936], %parallel_loop3A_939 {strides = array<i32>} : memref<3x32x1024xf32, #tpu.memory_space<vmem>>, vector<1x1x16xf32>,
      %parallel_loop3A_940 = arith.constant 0 : i32
      %parallel_loop3A_941 = arith.constant 29 : i32
      %parallel_loop3A_942 = arith.index_cast %parallel_loop3A_940 : i32 to index
      %parallel_loop3A_943 = arith.index_cast %parallel_loop3A_941 : i32 to index
      %parallel_loop3A_944 = arith.index_cast %parallel_loop3A_529 : i32 to index
      %parallel_loop3A_945 = tpu.vector_load %arg7[%parallel_loop3A_942, %parallel_loop3A_943, %parallel_loop3A_944] {strides = array<i32>} : memref<3x32x1024xf32, #tpu.memory_space<vmem>>, vector<1x1x16xf32>,
      %parallel_loop3A_946 = vector.shape_cast %parallel_loop3A_945 : vector<1x1x16xf32> to vector<16xf32>
      %parallel_loop3A_947 = arith.addf %parallel_loop3A_946, %parallel_loop3A_891 : vector<16xf32>
      %parallel_loop3A_948 = arith.constant 0 : i32
      %parallel_loop3A_949 = arith.constant 29 : i32
      %parallel_loop3A_950 = arith.index_cast %parallel_loop3A_948 : i32 to index
      %parallel_loop3A_951 = arith.index_cast %parallel_loop3A_949 : i32 to index
      %parallel_loop3A_952 = arith.index_cast %parallel_loop3A_529 : i32 to index
      %parallel_loop3A_953 = tpu.vector_load %arg7[%parallel_loop3A_950, %parallel_loop3A_951, %parallel_loop3A_952] {strides = array<i32>} : memref<3x32x1024xf32, #tpu.memory_space<vmem>>, vector<1x1x16xf32>,
      %parallel_loop3A_954 = vector.shape_cast %parallel_loop3A_953 : vector<1x1x16xf32> to vector<16xf32>
      %parallel_loop3A_955 = vector.shape_cast %parallel_loop3A_947 : vector<16xf32> to vector<1x1x16xf32>
      tpu.vector_store %arg7[%parallel_loop3A_950, %parallel_loop3A_951, %parallel_loop3A_952], %parallel_loop3A_955 {strides = array<i32>} : memref<3x32x1024xf32, #tpu.memory_space<vmem>>, vector<1x1x16xf32>,
      %parallel_loop3A_956 = arith.constant 0 : i32
      %parallel_loop3A_957 = arith.constant 6 : i32
      %parallel_loop3A_958 = arith.index_cast %parallel_loop3A_956 : i32 to index
      %parallel_loop3A_959 = arith.index_cast %parallel_loop3A_957 : i32 to index
      %parallel_loop3A_960 = arith.index_cast %parallel_loop3A_529 : i32 to index
      %parallel_loop3A_961 = tpu.vector_load %arg8[%parallel_loop3A_958, %parallel_loop3A_959, %parallel_loop3A_960] {strides = array<i32>} : memref<3x8x1024xf32, #tpu.memory_space<vmem>>, vector<1x1x16xf32>,
      %parallel_loop3A_962 = vector.shape_cast %parallel_loop3A_961 : vector<1x1x16xf32> to vector<16xf32>
      %parallel_loop3A_963 = arith.constant 0 : i32
      %parallel_loop3A_964 = arith.constant 6 : i32
      %parallel_loop3A_965 = arith.index_cast %parallel_loop3A_963 : i32 to index
      %parallel_loop3A_966 = arith.index_cast %parallel_loop3A_964 : i32 to index
      %parallel_loop3A_967 = arith.index_cast %parallel_loop3A_529 : i32 to index
      %parallel_loop3A_968 = tpu.vector_load %arg7[%parallel_loop3A_965, %parallel_loop3A_966, %parallel_loop3A_967] {strides = array<i32>} : memref<3x32x1024xf32, #tpu.memory_space<vmem>>, vector<1x1x16xf32>,
      %parallel_loop3A_969 = vector.shape_cast %parallel_loop3A_968 : vector<1x1x16xf32> to vector<16xf32>
      %parallel_loop3A_970 = arith.addf %parallel_loop3A_969, %parallel_loop3A_962 : vector<16xf32>
      %parallel_loop3A_971 = arith.constant 0 : i32
      %parallel_loop3A_972 = arith.constant 6 : i32
      %parallel_loop3A_973 = arith.index_cast %parallel_loop3A_971 : i32 to index
      %parallel_loop3A_974 = arith.index_cast %parallel_loop3A_972 : i32 to index
      %parallel_loop3A_975 = arith.index_cast %parallel_loop3A_529 : i32 to index
      %parallel_loop3A_976 = tpu.vector_load %arg7[%parallel_loop3A_973, %parallel_loop3A_974, %parallel_loop3A_975] {strides = array<i32>} : memref<3x32x1024xf32, #tpu.memory_space<vmem>>, vector<1x1x16xf32>,
      %parallel_loop3A_977 = vector.shape_cast %parallel_loop3A_976 : vector<1x1x16xf32> to vector<16xf32>
      %parallel_loop3A_978 = vector.shape_cast %parallel_loop3A_970 : vector<16xf32> to vector<1x1x16xf32>
      tpu.vector_store %arg7[%parallel_loop3A_973, %parallel_loop3A_974, %parallel_loop3A_975], %parallel_loop3A_978 {strides = array<i32>} : memref<3x32x1024xf32, #tpu.memory_space<vmem>>, vector<1x1x16xf32>,
      %parallel_loop3A_979 = arith.constant 0 : i32
      %parallel_loop3A_980 = arith.constant 14 : i32
      %parallel_loop3A_981 = arith.index_cast %parallel_loop3A_979 : i32 to index
      %parallel_loop3A_982 = arith.index_cast %parallel_loop3A_980 : i32 to index
      %parallel_loop3A_983 = arith.index_cast %parallel_loop3A_529 : i32 to index
      %parallel_loop3A_984 = tpu.vector_load %arg7[%parallel_loop3A_981, %parallel_loop3A_982, %parallel_loop3A_983] {strides = array<i32>} : memref<3x32x1024xf32, #tpu.memory_space<vmem>>, vector<1x1x16xf32>,
      %parallel_loop3A_985 = vector.shape_cast %parallel_loop3A_984 : vector<1x1x16xf32> to vector<16xf32>
      %parallel_loop3A_986 = arith.addf %parallel_loop3A_985, %parallel_loop3A_962 : vector<16xf32>
      %parallel_loop3A_987 = arith.constant 0 : i32
      %parallel_loop3A_988 = arith.constant 14 : i32
      %parallel_loop3A_989 = arith.index_cast %parallel_loop3A_987 : i32 to index
      %parallel_loop3A_990 = arith.index_cast %parallel_loop3A_988 : i32 to index
      %parallel_loop3A_991 = arith.index_cast %parallel_loop3A_529 : i32 to index
      %parallel_loop3A_992 = tpu.vector_load %arg7[%parallel_loop3A_989, %parallel_loop3A_990, %parallel_loop3A_991] {strides = array<i32>} : memref<3x32x1024xf32, #tpu.memory_space<vmem>>, vector<1x1x16xf32>,
      %parallel_loop3A_993 = vector.shape_cast %parallel_loop3A_992 : vector<1x1x16xf32> to vector<16xf32>
      %parallel_loop3A_994 = vector.shape_cast %parallel_loop3A_986 : vector<16xf32> to vector<1x1x16xf32>
      tpu.vector_store %arg7[%parallel_loop3A_989, %parallel_loop3A_990, %parallel_loop3A_991], %parallel_loop3A_994 {strides = array<i32>} : memref<3x32x1024xf32, #tpu.memory_space<vmem>>, vector<1x1x16xf32>,
      %parallel_loop3A_995 = arith.constant 0 : i32
      %parallel_loop3A_996 = arith.constant 22 : i32
      %parallel_loop3A_997 = arith.index_cast %parallel_loop3A_995 : i32 to index
      %parallel_loop3A_998 = arith.index_cast %parallel_loop3A_996 : i32 to index
      %parallel_loop3A_999 = arith.index_cast %parallel_loop3A_529 : i32 to index
      %parallel_loop3A_1000 = tpu.vector_load %arg7[%parallel_loop3A_997, %parallel_loop3A_998, %parallel_loop3A_999] {strides = array<i32>} : memref<3x32x1024xf32, #tpu.memory_space<vmem>>, vector<1x1x16xf32>,
      %parallel_loop3A_1001 = vector.shape_cast %parallel_loop3A_1000 : vector<1x1x16xf32> to vector<16xf32>
      %parallel_loop3A_1002 = arith.addf %parallel_loop3A_1001, %parallel_loop3A_962 : vector<16xf32>
      %parallel_loop3A_1003 = arith.constant 0 : i32
      %parallel_loop3A_1004 = arith.constant 22 : i32
      %parallel_loop3A_1005 = arith.index_cast %parallel_loop3A_1003 : i32 to index
      %parallel_loop3A_1006 = arith.index_cast %parallel_loop3A_1004 : i32 to index
      %parallel_loop3A_1007 = arith.index_cast %parallel_loop3A_529 : i32 to index
      %parallel_loop3A_1008 = tpu.vector_load %arg7[%parallel_loop3A_1005, %parallel_loop3A_1006, %parallel_loop3A_1007] {strides = array<i32>} : memref<3x32x1024xf32, #tpu.memory_space<vmem>>, vector<1x1x16xf32>,
      %parallel_loop3A_1009 = vector.shape_cast %parallel_loop3A_1008 : vector<1x1x16xf32> to vector<16xf32>
      %parallel_loop3A_1010 = vector.shape_cast %parallel_loop3A_1002 : vector<16xf32> to vector<1x1x16xf32>
      tpu.vector_store %arg7[%parallel_loop3A_1005, %parallel_loop3A_1006, %parallel_loop3A_1007], %parallel_loop3A_1010 {strides = array<i32>} : memref<3x32x1024xf32, #tpu.memory_space<vmem>>, vector<1x1x16xf32>,
      %parallel_loop3A_1011 = arith.constant 0 : i32
      %parallel_loop3A_1012 = arith.constant 30 : i32
      %parallel_loop3A_1013 = arith.index_cast %parallel_loop3A_1011 : i32 to index
      %parallel_loop3A_1014 = arith.index_cast %parallel_loop3A_1012 : i32 to index
      %parallel_loop3A_1015 = arith.index_cast %parallel_loop3A_529 : i32 to index
      %parallel_loop3A_1016 = tpu.vector_load %arg7[%parallel_loop3A_1013, %parallel_loop3A_1014, %parallel_loop3A_1015] {strides = array<i32>} : memref<3x32x1024xf32, #tpu.memory_space<vmem>>, vector<1x1x16xf32>,
      %parallel_loop3A_1017 = vector.shape_cast %parallel_loop3A_1016 : vector<1x1x16xf32> to vector<16xf32>
      %parallel_loop3A_1018 = arith.addf %parallel_loop3A_1017, %parallel_loop3A_962 : vector<16xf32>
      %parallel_loop3A_1019 = arith.constant 0 : i32
      %parallel_loop3A_1020 = arith.constant 30 : i32
      %parallel_loop3A_1021 = arith.index_cast %parallel_loop3A_1019 : i32 to index
      %parallel_loop3A_1022 = arith.index_cast %parallel_loop3A_1020 : i32 to index
      %parallel_loop3A_1023 = arith.index_cast %parallel_loop3A_529 : i32 to index
      %parallel_loop3A_1024 = tpu.vector_load %arg7[%parallel_loop3A_1021, %parallel_loop3A_1022, %parallel_loop3A_1023] {strides = array<i32>} : memref<3x32x1024xf32, #tpu.memory_space<vmem>>, vector<1x1x16xf32>,
      %parallel_loop3A_1025 = vector.shape_cast %parallel_loop3A_1024 : vector<1x1x16xf32> to vector<16xf32>
      %parallel_loop3A_1026 = vector.shape_cast %parallel_loop3A_1018 : vector<16xf32> to vector<1x1x16xf32>
      tpu.vector_store %arg7[%parallel_loop3A_1021, %parallel_loop3A_1022, %parallel_loop3A_1023], %parallel_loop3A_1026 {strides = array<i32>} : memref<3x32x1024xf32, #tpu.memory_space<vmem>>, vector<1x1x16xf32>,
      %parallel_loop3A_1027 = arith.constant 0 : i32
      %parallel_loop3A_1028 = arith.constant 7 : i32
      %parallel_loop3A_1029 = arith.index_cast %parallel_loop3A_1027 : i32 to index
      %parallel_loop3A_1030 = arith.index_cast %parallel_loop3A_1028 : i32 to index
      %parallel_loop3A_1031 = arith.index_cast %parallel_loop3A_529 : i32 to index
      %parallel_loop3A_1032 = tpu.vector_load %arg8[%parallel_loop3A_1029, %parallel_loop3A_1030, %parallel_loop3A_1031] {strides = array<i32>} : memref<3x8x1024xf32, #tpu.memory_space<vmem>>, vector<1x1x16xf32>,
      %parallel_loop3A_1033 = vector.shape_cast %parallel_loop3A_1032 : vector<1x1x16xf32> to vector<16xf32>
      %parallel_loop3A_1034 = arith.constant 0 : i32
      %parallel_loop3A_1035 = arith.constant 7 : i32
      %parallel_loop3A_1036 = arith.index_cast %parallel_loop3A_1034 : i32 to index
      %parallel_loop3A_1037 = arith.index_cast %parallel_loop3A_1035 : i32 to index
      %parallel_loop3A_1038 = arith.index_cast %parallel_loop3A_529 : i32 to index
      %parallel_loop3A_1039 = tpu.vector_load %arg7[%parallel_loop3A_1036, %parallel_loop3A_1037, %parallel_loop3A_1038] {strides = array<i32>} : memref<3x32x1024xf32, #tpu.memory_space<vmem>>, vector<1x1x16xf32>,
      %parallel_loop3A_1040 = vector.shape_cast %parallel_loop3A_1039 : vector<1x1x16xf32> to vector<16xf32>
      %parallel_loop3A_1041 = arith.addf %parallel_loop3A_1040, %parallel_loop3A_1033 : vector<16xf32>
      %parallel_loop3A_1042 = arith.constant 0 : i32
      %parallel_loop3A_1043 = arith.constant 7 : i32
      %parallel_loop3A_1044 = arith.index_cast %parallel_loop3A_1042 : i32 to index
      %parallel_loop3A_1045 = arith.index_cast %parallel_loop3A_1043 : i32 to index
      %parallel_loop3A_1046 = arith.index_cast %parallel_loop3A_529 : i32 to index
      %parallel_loop3A_1047 = tpu.vector_load %arg7[%parallel_loop3A_1044, %parallel_loop3A_1045, %parallel_loop3A_1046] {strides = array<i32>} : memref<3x32x1024xf32, #tpu.memory_space<vmem>>, vector<1x1x16xf32>,
      %parallel_loop3A_1048 = vector.shape_cast %parallel_loop3A_1047 : vector<1x1x16xf32> to vector<16xf32>
      %parallel_loop3A_1049 = vector.shape_cast %parallel_loop3A_1041 : vector<16xf32> to vector<1x1x16xf32>
      tpu.vector_store %arg7[%parallel_loop3A_1044, %parallel_loop3A_1045, %parallel_loop3A_1046], %parallel_loop3A_1049 {strides = array<i32>} : memref<3x32x1024xf32, #tpu.memory_space<vmem>>, vector<1x1x16xf32>,
      %parallel_loop3A_1050 = arith.constant 0 : i32
      %parallel_loop3A_1051 = arith.constant 15 : i32
      %parallel_loop3A_1052 = arith.index_cast %parallel_loop3A_1050 : i32 to index
      %parallel_loop3A_1053 = arith.index_cast %parallel_loop3A_1051 : i32 to index
      %parallel_loop3A_1054 = arith.index_cast %parallel_loop3A_529 : i32 to index
      %parallel_loop3A_1055 = tpu.vector_load %arg7[%parallel_loop3A_1052, %parallel_loop3A_1053, %parallel_loop3A_1054] {strides = array<i32>} : memref<3x32x1024xf32, #tpu.memory_space<vmem>>, vector<1x1x16xf32>,
      %parallel_loop3A_1056 = vector.shape_cast %parallel_loop3A_1055 : vector<1x1x16xf32> to vector<16xf32>
      %parallel_loop3A_1057 = arith.addf %parallel_loop3A_1056, %parallel_loop3A_1033 : vector<16xf32>
      %parallel_loop3A_1058 = arith.constant 0 : i32
      %parallel_loop3A_1059 = arith.constant 15 : i32
      %parallel_loop3A_1060 = arith.index_cast %parallel_loop3A_1058 : i32 to index
      %parallel_loop3A_1061 = arith.index_cast %parallel_loop3A_1059 : i32 to index
      %parallel_loop3A_1062 = arith.index_cast %parallel_loop3A_529 : i32 to index
      %parallel_loop3A_1063 = tpu.vector_load %arg7[%parallel_loop3A_1060, %parallel_loop3A_1061, %parallel_loop3A_1062] {strides = array<i32>} : memref<3x32x1024xf32, #tpu.memory_space<vmem>>, vector<1x1x16xf32>,
      %parallel_loop3A_1064 = vector.shape_cast %parallel_loop3A_1063 : vector<1x1x16xf32> to vector<16xf32>
      %parallel_loop3A_1065 = vector.shape_cast %parallel_loop3A_1057 : vector<16xf32> to vector<1x1x16xf32>
      tpu.vector_store %arg7[%parallel_loop3A_1060, %parallel_loop3A_1061, %parallel_loop3A_1062], %parallel_loop3A_1065 {strides = array<i32>} : memref<3x32x1024xf32, #tpu.memory_space<vmem>>, vector<1x1x16xf32>,
      %parallel_loop3A_1066 = arith.constant 0 : i32
      %parallel_loop3A_1067 = arith.constant 23 : i32
      %parallel_loop3A_1068 = arith.index_cast %parallel_loop3A_1066 : i32 to index
      %parallel_loop3A_1069 = arith.index_cast %parallel_loop3A_1067 : i32 to index
      %parallel_loop3A_1070 = arith.index_cast %parallel_loop3A_529 : i32 to index
      %parallel_loop3A_1071 = tpu.vector_load %arg7[%parallel_loop3A_1068, %parallel_loop3A_1069, %parallel_loop3A_1070] {strides = array<i32>} : memref<3x32x1024xf32, #tpu.memory_space<vmem>>, vector<1x1x16xf32>,
      %parallel_loop3A_1072 = vector.shape_cast %parallel_loop3A_1071 : vector<1x1x16xf32> to vector<16xf32>
      %parallel_loop3A_1073 = arith.addf %parallel_loop3A_1072, %parallel_loop3A_1033 : vector<16xf32>
      %parallel_loop3A_1074 = arith.constant 0 : i32
      %parallel_loop3A_1075 = arith.constant 23 : i32
      %parallel_loop3A_1076 = arith.index_cast %parallel_loop3A_1074 : i32 to index
      %parallel_loop3A_1077 = arith.index_cast %parallel_loop3A_1075 : i32 to index
      %parallel_loop3A_1078 = arith.index_cast %parallel_loop3A_529 : i32 to index
      %parallel_loop3A_1079 = tpu.vector_load %arg7[%parallel_loop3A_1076, %parallel_loop3A_1077, %parallel_loop3A_1078] {strides = array<i32>} : memref<3x32x1024xf32, #tpu.memory_space<vmem>>, vector<1x1x16xf32>,
      %parallel_loop3A_1080 = vector.shape_cast %parallel_loop3A_1079 : vector<1x1x16xf32> to vector<16xf32>
      %parallel_loop3A_1081 = vector.shape_cast %parallel_loop3A_1073 : vector<16xf32> to vector<1x1x16xf32>
      tpu.vector_store %arg7[%parallel_loop3A_1076, %parallel_loop3A_1077, %parallel_loop3A_1078], %parallel_loop3A_1081 {strides = array<i32>} : memref<3x32x1024xf32, #tpu.memory_space<vmem>>, vector<1x1x16xf32>,
      %parallel_loop3A_1082 = arith.constant 0 : i32
      %parallel_loop3A_1083 = arith.constant 31 : i32
      %parallel_loop3A_1084 = arith.index_cast %parallel_loop3A_1082 : i32 to index
      %parallel_loop3A_1085 = arith.index_cast %parallel_loop3A_1083 : i32 to index
      %parallel_loop3A_1086 = arith.index_cast %parallel_loop3A_529 : i32 to index
      %parallel_loop3A_1087 = tpu.vector_load %arg7[%parallel_loop3A_1084, %parallel_loop3A_1085, %parallel_loop3A_1086] {strides = array<i32>} : memref<3x32x1024xf32, #tpu.memory_space<vmem>>, vector<1x1x16xf32>,
      %parallel_loop3A_1088 = vector.shape_cast %parallel_loop3A_1087 : vector<1x1x16xf32> to vector<16xf32>
      %parallel_loop3A_1089 = arith.addf %parallel_loop3A_1088, %parallel_loop3A_1033 : vector<16xf32>
      %parallel_loop3A_1090 = arith.constant 0 : i32
      %parallel_loop3A_1091 = arith.constant 31 : i32
      %parallel_loop3A_1092 = arith.index_cast %parallel_loop3A_1090 : i32 to index
      %parallel_loop3A_1093 = arith.index_cast %parallel_loop3A_1091 : i32 to index
      %parallel_loop3A_1094 = arith.index_cast %parallel_loop3A_529 : i32 to index
      %parallel_loop3A_1095 = tpu.vector_load %arg7[%parallel_loop3A_1092, %parallel_loop3A_1093, %parallel_loop3A_1094] {strides = array<i32>} : memref<3x32x1024xf32, #tpu.memory_space<vmem>>, vector<1x1x16xf32>,
      %parallel_loop3A_1096 = vector.shape_cast %parallel_loop3A_1095 : vector<1x1x16xf32> to vector<16xf32>
      %parallel_loop3A_1097 = vector.shape_cast %parallel_loop3A_1089 : vector<16xf32> to vector<1x1x16xf32>
      tpu.vector_store %arg7[%parallel_loop3A_1092, %parallel_loop3A_1093, %parallel_loop3A_1094], %parallel_loop3A_1097 {strides = array<i32>} : memref<3x32x1024xf32, #tpu.memory_space<vmem>>, vector<1x1x16xf32>,
    } {sc.loop_unroll_factor = 1 : i64, sc.parallel_access}
    %add3A_157 = arith.constant 0 : i32
    %add3A_158 = arith.addi %add3A_157, %mul3A_2 : i32
    %add3A_159 = arith.constant 240 : i32
    %add3A_160 = arith.addi %add3A_158, %add3A_159 : i32
    %dma_start3A_161 = arith.constant 0 : i32
    %dma_start3A_162 = arith.constant 0 : i32
    %dma_start3A_163 = arith.constant 0 : i32
    %dma_start3A_164 = tpu.memref_slice %arg7[%dma_start3A_161, %dma_start3A_162, %dma_start3A_163] : memref<3x32x1024xf32, #tpu.memory_space<vmem>> -> memref<1x8x1024xf32, #tpu.memory_space<vmem>>
    %dma_start3A_165 = tpu.memref_squeeze %dma_start3A_164 : memref<1x8x1024xf32, #tpu.memory_space<vmem>> -> memref<8x1024xf32, #tpu.memory_space<vmem>>
    %dma_start3A_166 = arith.constant 0 : i32
    %dma_start3A_167 = tpu.memref_slice %arg5[%add3A_160, %dma_start3A_166] : memref<32768x1024xf32, #tpu.memory_space<hbm>> -> memref<8x1024xf32, #tpu.memory_space<hbm>>
    %dma_start3A_168 = arith.constant 0 : i32
    %dma_start3A_169 = tpu.memref_slice %arg5[%add3A_160, %dma_start3A_168] : memref<32768x1024xf32, #tpu.memory_space<hbm>> -> memref<8x1024xf32, #tpu.memory_space<hbm>>
    %dma_start3A_170 = arith.constant 0 : i32
    %dma_start3A_171 = arith.constant 0 : i32
    %dma_start3A_172 = tpu.memref_slice %arg7[%dma_start3A_161, %dma_start3A_170, %dma_start3A_171] : memref<3x32x1024xf32, #tpu.memory_space<vmem>> -> memref<1x8x1024xf32, #tpu.memory_space<vmem>>
    %dma_start3A_173 = tpu.memref_squeeze %dma_start3A_172 : memref<1x8x1024xf32, #tpu.memory_space<vmem>> -> memref<8x1024xf32, #tpu.memory_space<vmem>>
    tpu.enqueue_dma source(%dma_start3A_173 : memref<8x1024xf32, #tpu.memory_space<vmem>>) target(%dma_start3A_169 : memref<8x1024xf32, #tpu.memory_space<hbm>>) target_semaphore(%arg15 : memref<!tpu.dma_semaphore, #tpu.memory_space<semaphore_mem>>)
    %add3A_174 = arith.constant 8192 : i32
    %add3A_175 = arith.addi %add3A_174, %mul3A_2 : i32
    %add3A_176 = arith.constant 240 : i32
    %add3A_177 = arith.addi %add3A_175, %add3A_176 : i32
    %dma_start3A_178 = arith.constant 0 : i32
    %dma_start3A_179 = arith.constant 8 : i32
    %dma_start3A_180 = arith.constant 0 : i32
    %dma_start3A_181 = tpu.memref_slice %arg7[%dma_start3A_178, %dma_start3A_179, %dma_start3A_180] : memref<3x32x1024xf32, #tpu.memory_space<vmem>> -> memref<1x8x1024xf32, #tpu.memory_space<vmem>>
    %dma_start3A_182 = tpu.memref_squeeze %dma_start3A_181 : memref<1x8x1024xf32, #tpu.memory_space<vmem>> -> memref<8x1024xf32, #tpu.memory_space<vmem>>
    %dma_start3A_183 = arith.constant 0 : i32
    %dma_start3A_184 = tpu.memref_slice %arg5[%add3A_177, %dma_start3A_183] : memref<32768x1024xf32, #tpu.memory_space<hbm>> -> memref<8x1024xf32, #tpu.memory_space<hbm>>
    %dma_start3A_185 = arith.constant 0 : i32
    %dma_start3A_186 = tpu.memref_slice %arg5[%add3A_177, %dma_start3A_185] : memref<32768x1024xf32, #tpu.memory_space<hbm>> -> memref<8x1024xf32, #tpu.memory_space<hbm>>
    %dma_start3A_187 = arith.constant 8 : i32
    %dma_start3A_188 = arith.constant 0 : i32
    %dma_start3A_189 = tpu.memref_slice %arg7[%dma_start3A_178, %dma_start3A_187, %dma_start3A_188] : memref<3x32x1024xf32, #tpu.memory_space<vmem>> -> memref<1x8x1024xf32, #tpu.memory_space<vmem>>
    %dma_start3A_190 = tpu.memref_squeeze %dma_start3A_189 : memref<1x8x1024xf32, #tpu.memory_space<vmem>> -> memref<8x1024xf32, #tpu.memory_space<vmem>>
    tpu.enqueue_dma source(%dma_start3A_190 : memref<8x1024xf32, #tpu.memory_space<vmem>>) target(%dma_start3A_186 : memref<8x1024xf32, #tpu.memory_space<hbm>>) target_semaphore(%arg15 : memref<!tpu.dma_semaphore, #tpu.memory_space<semaphore_mem>>)
    %add3A_191 = arith.constant 16384 : i32
    %add3A_192 = arith.addi %add3A_191, %mul3A_2 : i32
    %add3A_193 = arith.constant 240 : i32
    %add3A_194 = arith.addi %add3A_192, %add3A_193 : i32
    %dma_start3A_195 = arith.constant 0 : i32
    %dma_start3A_196 = arith.constant 16 : i32
    %dma_start3A_197 = arith.constant 0 : i32
    %dma_start3A_198 = tpu.memref_slice %arg7[%dma_start3A_195, %dma_start3A_196, %dma_start3A_197] : memref<3x32x1024xf32, #tpu.memory_space<vmem>> -> memref<1x8x1024xf32, #tpu.memory_space<vmem>>
    %dma_start3A_199 = tpu.memref_squeeze %dma_start3A_198 : memref<1x8x1024xf32, #tpu.memory_space<vmem>> -> memref<8x1024xf32, #tpu.memory_space<vmem>>
    %dma_start3A_200 = arith.constant 0 : i32
    %dma_start3A_201 = tpu.memref_slice %arg5[%add3A_194, %dma_start3A_200] : memref<32768x1024xf32, #tpu.memory_space<hbm>> -> memref<8x1024xf32, #tpu.memory_space<hbm>>
    %dma_start3A_202 = arith.constant 0 : i32
    %dma_start3A_203 = tpu.memref_slice %arg5[%add3A_194, %dma_start3A_202] : memref<32768x1024xf32, #tpu.memory_space<hbm>> -> memref<8x1024xf32, #tpu.memory_space<hbm>>
    %dma_start3A_204 = arith.constant 16 : i32
    %dma_start3A_205 = arith.constant 0 : i32
    %dma_start3A_206 = tpu.memref_slice %arg7[%dma_start3A_195, %dma_start3A_204, %dma_start3A_205] : memref<3x32x1024xf32, #tpu.memory_space<vmem>> -> memref<1x8x1024xf32, #tpu.memory_space<vmem>>
    %dma_start3A_207 = tpu.memref_squeeze %dma_start3A_206 : memref<1x8x1024xf32, #tpu.memory_space<vmem>> -> memref<8x1024xf32, #tpu.memory_space<vmem>>
    tpu.enqueue_dma source(%dma_start3A_207 : memref<8x1024xf32, #tpu.memory_space<vmem>>) target(%dma_start3A_203 : memref<8x1024xf32, #tpu.memory_space<hbm>>) target_semaphore(%arg15 : memref<!tpu.dma_semaphore, #tpu.memory_space<semaphore_mem>>)
    %add3A_208 = arith.constant 24576 : i32
    %add3A_209 = arith.addi %add3A_208, %mul3A_2 : i32
    %add3A_210 = arith.constant 240 : i32
    %add3A_211 = arith.addi %add3A_209, %add3A_210 : i32
    %dma_start3A_212 = arith.constant 0 : i32
    %dma_start3A_213 = arith.constant 24 : i32
    %dma_start3A_214 = arith.constant 0 : i32
    %dma_start3A_215 = tpu.memref_slice %arg7[%dma_start3A_212, %dma_start3A_213, %dma_start3A_214] : memref<3x32x1024xf32, #tpu.memory_space<vmem>> -> memref<1x8x1024xf32, #tpu.memory_space<vmem>>
    %dma_start3A_216 = tpu.memref_squeeze %dma_start3A_215 : memref<1x8x1024xf32, #tpu.memory_space<vmem>> -> memref<8x1024xf32, #tpu.memory_space<vmem>>
    %dma_start3A_217 = arith.constant 0 : i32
    %dma_start3A_218 = tpu.memref_slice %arg5[%add3A_211, %dma_start3A_217] : memref<32768x1024xf32, #tpu.memory_space<hbm>> -> memref<8x1024xf32, #tpu.memory_space<hbm>>
    %dma_start3A_219 = arith.constant 0 : i32
    %dma_start3A_220 = tpu.memref_slice %arg5[%add3A_211, %dma_start3A_219] : memref<32768x1024xf32, #tpu.memory_space<hbm>> -> memref<8x1024xf32, #tpu.memory_space<hbm>>
    %dma_start3A_221 = arith.constant 24 : i32
    %dma_start3A_222 = arith.constant 0 : i32
    %dma_start3A_223 = tpu.memref_slice %arg7[%dma_start3A_212, %dma_start3A_221, %dma_start3A_222] : memref<3x32x1024xf32, #tpu.memory_space<vmem>> -> memref<1x8x1024xf32, #tpu.memory_space<vmem>>
    %dma_start3A_224 = tpu.memref_squeeze %dma_start3A_223 : memref<1x8x1024xf32, #tpu.memory_space<vmem>> -> memref<8x1024xf32, #tpu.memory_space<vmem>>
    tpu.enqueue_dma source(%dma_start3A_224 : memref<8x1024xf32, #tpu.memory_space<vmem>>) target(%dma_start3A_220 : memref<8x1024xf32, #tpu.memory_space<hbm>>) target_semaphore(%arg15 : memref<!tpu.dma_semaphore, #tpu.memory_space<semaphore_mem>>)
    %add3A_225 = arith.constant 0 : i32
    %add3A_226 = arith.addi %add3A_225, %mul3A_2 : i32
    %add3A_227 = arith.constant 232 : i32
    %add3A_228 = arith.addi %add3A_226, %add3A_227 : i32
    %dma_wait3A_229 = arith.constant 2 : i32
    %dma_wait3A_230 = arith.constant 0 : i32
    %dma_wait3A_231 = arith.constant 0 : i32
    %dma_wait3A_232 = tpu.memref_slice %arg7[%dma_wait3A_229, %dma_wait3A_230, %dma_wait3A_231] : memref<3x32x1024xf32, #tpu.memory_space<vmem>> -> memref<1x8x1024xf32, #tpu.memory_space<vmem>>
    %dma_wait3A_233 = tpu.memref_squeeze %dma_wait3A_232 : memref<1x8x1024xf32, #tpu.memory_space<vmem>> -> memref<8x1024xf32, #tpu.memory_space<vmem>>
    %dma_wait3A_234 = arith.constant 0 : i32
    %dma_wait3A_235 = tpu.memref_slice %arg5[%add3A_228, %dma_wait3A_234] : memref<32768x1024xf32, #tpu.memory_space<hbm>> -> memref<8x1024xf32, #tpu.memory_space<hbm>>
    %dma_wait3A_236 = arith.constant 0 : i32
    %dma_wait3A_237 = tpu.memref_slice %arg5[%add3A_228, %dma_wait3A_236] : memref<32768x1024xf32, #tpu.memory_space<hbm>> -> memref<8x1024xf32, #tpu.memory_space<hbm>>
    %dma_wait3A_238 = arith.constant 0 : i32
    %dma_wait3A_239 = arith.constant 0 : i32
    %dma_wait3A_240 = tpu.memref_slice %arg7[%dma_wait3A_229, %dma_wait3A_238, %dma_wait3A_239] : memref<3x32x1024xf32, #tpu.memory_space<vmem>> -> memref<1x8x1024xf32, #tpu.memory_space<vmem>>
    %dma_wait3A_241 = tpu.memref_squeeze %dma_wait3A_240 : memref<1x8x1024xf32, #tpu.memory_space<vmem>> -> memref<8x1024xf32, #tpu.memory_space<vmem>>
    tpu.wait_dma2 semaphore(%arg17 : memref<!tpu.dma_semaphore, #tpu.memory_space<semaphore_mem>>) src(%dma_wait3A_241 : memref<8x1024xf32, #tpu.memory_space<vmem>>) dst(%dma_wait3A_237 : memref<8x1024xf32, #tpu.memory_space<hbm>>)
    %add3A_242 = arith.constant 8192 : i32
    %add3A_243 = arith.addi %add3A_242, %mul3A_2 : i32
    %add3A_244 = arith.constant 232 : i32
    %add3A_245 = arith.addi %add3A_243, %add3A_244 : i32
    %dma_wait3A_246 = arith.constant 2 : i32
    %dma_wait3A_247 = arith.constant 8 : i32
    %dma_wait3A_248 = arith.constant 0 : i32
    %dma_wait3A_249 = tpu.memref_slice %arg7[%dma_wait3A_246, %dma_wait3A_247, %dma_wait3A_248] : memref<3x32x1024xf32, #tpu.memory_space<vmem>> -> memref<1x8x1024xf32, #tpu.memory_space<vmem>>
    %dma_wait3A_250 = tpu.memref_squeeze %dma_wait3A_249 : memref<1x8x1024xf32, #tpu.memory_space<vmem>> -> memref<8x1024xf32, #tpu.memory_space<vmem>>
    %dma_wait3A_251 = arith.constant 0 : i32
    %dma_wait3A_252 = tpu.memref_slice %arg5[%add3A_245, %dma_wait3A_251] : memref<32768x1024xf32, #tpu.memory_space<hbm>> -> memref<8x1024xf32, #tpu.memory_space<hbm>>
    %dma_wait3A_253 = arith.constant 0 : i32
    %dma_wait3A_254 = tpu.memref_slice %arg5[%add3A_245, %dma_wait3A_253] : memref<32768x1024xf32, #tpu.memory_space<hbm>> -> memref<8x1024xf32, #tpu.memory_space<hbm>>
    %dma_wait3A_255 = arith.constant 8 : i32
    %dma_wait3A_256 = arith.constant 0 : i32
    %dma_wait3A_257 = tpu.memref_slice %arg7[%dma_wait3A_246, %dma_wait3A_255, %dma_wait3A_256] : memref<3x32x1024xf32, #tpu.memory_space<vmem>> -> memref<1x8x1024xf32, #tpu.memory_space<vmem>>
    %dma_wait3A_258 = tpu.memref_squeeze %dma_wait3A_257 : memref<1x8x1024xf32, #tpu.memory_space<vmem>> -> memref<8x1024xf32, #tpu.memory_space<vmem>>
    tpu.wait_dma2 semaphore(%arg17 : memref<!tpu.dma_semaphore, #tpu.memory_space<semaphore_mem>>) src(%dma_wait3A_258 : memref<8x1024xf32, #tpu.memory_space<vmem>>) dst(%dma_wait3A_254 : memref<8x1024xf32, #tpu.memory_space<hbm>>)
    %add3A_259 = arith.constant 16384 : i32
    %add3A_260 = arith.addi %add3A_259, %mul3A_2 : i32
    %add3A_261 = arith.constant 232 : i32
    %add3A_262 = arith.addi %add3A_260, %add3A_261 : i32
    %dma_wait3A_263 = arith.constant 2 : i32
    %dma_wait3A_264 = arith.constant 16 : i32
    %dma_wait3A_265 = arith.constant 0 : i32
    %dma_wait3A_266 = tpu.memref_slice %arg7[%dma_wait3A_263, %dma_wait3A_264, %dma_wait3A_265] : memref<3x32x1024xf32, #tpu.memory_space<vmem>> -> memref<1x8x1024xf32, #tpu.memory_space<vmem>>
    %dma_wait3A_267 = tpu.memref_squeeze %dma_wait3A_266 : memref<1x8x1024xf32, #tpu.memory_space<vmem>> -> memref<8x1024xf32, #tpu.memory_space<vmem>>
    %dma_wait3A_268 = arith.constant 0 : i32
    %dma_wait3A_269 = tpu.memref_slice %arg5[%add3A_262, %dma_wait3A_268] : memref<32768x1024xf32, #tpu.memory_space<hbm>> -> memref<8x1024xf32, #tpu.memory_space<hbm>>
    %dma_wait3A_270 = arith.constant 0 : i32
    %dma_wait3A_271 = tpu.memref_slice %arg5[%add3A_262, %dma_wait3A_270] : memref<32768x1024xf32, #tpu.memory_space<hbm>> -> memref<8x1024xf32, #tpu.memory_space<hbm>>
    %dma_wait3A_272 = arith.constant 16 : i32
    %dma_wait3A_273 = arith.constant 0 : i32
    %dma_wait3A_274 = tpu.memref_slice %arg7[%dma_wait3A_263, %dma_wait3A_272, %dma_wait3A_273] : memref<3x32x1024xf32, #tpu.memory_space<vmem>> -> memref<1x8x1024xf32, #tpu.memory_space<vmem>>
    %dma_wait3A_275 = tpu.memref_squeeze %dma_wait3A_274 : memref<1x8x1024xf32, #tpu.memory_space<vmem>> -> memref<8x1024xf32, #tpu.memory_space<vmem>>
    tpu.wait_dma2 semaphore(%arg17 : memref<!tpu.dma_semaphore, #tpu.memory_space<semaphore_mem>>) src(%dma_wait3A_275 : memref<8x1024xf32, #tpu.memory_space<vmem>>) dst(%dma_wait3A_271 : memref<8x1024xf32, #tpu.memory_space<hbm>>)
    %add3A_276 = arith.constant 24576 : i32
    %add3A_277 = arith.addi %add3A_276, %mul3A_2 : i32
    %add3A_278 = arith.constant 232 : i32
    %add3A_279 = arith.addi %add3A_277, %add3A_278 : i32
    %dma_wait3A_280 = arith.constant 2 : i32
    %dma_wait3A_281 = arith.constant 24 : i32
    %dma_wait3A_282 = arith.constant 0 : i32
    %dma_wait3A_283 = tpu.memref_slice %arg7[%dma_wait3A_280, %dma_wait3A_281, %dma_wait3A_282] : memref<3x32x1024xf32, #tpu.memory_space<vmem>> -> memref<1x8x1024xf32, #tpu.memory_space<vmem>>
    %dma_wait3A_284 = tpu.memref_squeeze %dma_wait3A_283 : memref<1x8x1024xf32, #tpu.memory_space<vmem>> -> memref<8x1024xf32, #tpu.memory_space<vmem>>
    %dma_wait3A_285 = arith.constant 0 : i32
    %dma_wait3A_286 = tpu.memref_slice %arg5[%add3A_279, %dma_wait3A_285] : memref<32768x1024xf32, #tpu.memory_space<hbm>> -> memref<8x1024xf32, #tpu.memory_space<hbm>>
    %dma_wait3A_287 = arith.constant 0 : i32
    %dma_wait3A_288 = tpu.memref_slice %arg5[%add3A_279, %dma_wait3A_287] : memref<32768x1024xf32, #tpu.memory_space<hbm>> -> memref<8x1024xf32, #tpu.memory_space<hbm>>
    %dma_wait3A_289 = arith.constant 24 : i32
    %dma_wait3A_290 = arith.constant 0 : i32
    %dma_wait3A_291 = tpu.memref_slice %arg7[%dma_wait3A_280, %dma_wait3A_289, %dma_wait3A_290] : memref<3x32x1024xf32, #tpu.memory_space<vmem>> -> memref<1x8x1024xf32, #tpu.memory_space<vmem>>
    %dma_wait3A_292 = tpu.memref_squeeze %dma_wait3A_291 : memref<1x8x1024xf32, #tpu.memory_space<vmem>> -> memref<8x1024xf32, #tpu.memory_space<vmem>>
    tpu.wait_dma2 semaphore(%arg17 : memref<!tpu.dma_semaphore, #tpu.memory_space<semaphore_mem>>) src(%dma_wait3A_292 : memref<8x1024xf32, #tpu.memory_space<vmem>>) dst(%dma_wait3A_288 : memref<8x1024xf32, #tpu.memory_space<hbm>>)
    %dma_wait3A_293 = arith.constant 31 : i32
    %dma_wait3A_294 = arith.constant 1 : i32
    %dma_wait3A_295 = arith.constant 0 : i32
    %dma_wait3A_296 = arith.constant 0 : i32
    %dma_wait3A_297 = tpu.memref_slice %arg7[%dma_wait3A_294, %dma_wait3A_295, %dma_wait3A_296] : memref<3x32x1024xf32, #tpu.memory_space<vmem>> -> memref<1x32x1024xf32, #tpu.memory_space<vmem>>
    %dma_wait3A_298 = tpu.memref_squeeze %dma_wait3A_297 : memref<1x32x1024xf32, #tpu.memory_space<vmem>> -> memref<32x1024xf32, #tpu.memory_space<vmem>>
    %dma_wait3A_299 = arith.constant 0 : i32
    %dma_wait3A_300 = tpu.memref_slice %arg6[%dma_wait3A_293, %dma_wait3A_299] : memref<32x32xi32, #tpu.memory_space<vmem>> -> memref<1x32xi32, #tpu.memory_space<vmem>>
    %dma_wait3A_301 = tpu.memref_squeeze %dma_wait3A_300 : memref<1x32xi32, #tpu.memory_space<vmem>> -> memref<32xi32, #tpu.memory_space<vmem>>
    %dma_wait3A_302 = arith.constant 0 : i32
    %dma_wait3A_303 = arith.constant 0 : i32
    %dma_wait3A_304 = tpu.memref_slice %arg3[%dma_wait3A_302, %dma_wait3A_303] : memref<100000x1024xf32, #tpu.memory_space<hbm>> -> memref<100000x1024xf32, #tpu.memory_space<hbm>>
    tpu.wait_indirect_dma semaphore(%arg10 : memref<!tpu.dma_semaphore, #tpu.memory_space<semaphore_mem>>) src(%dma_wait3A_304 : memref<100000x1024xf32, #tpu.memory_space<hbm>>) dst(%dma_wait3A_298 : memref<32x1024xf32, #tpu.memory_space<vmem>>)
    %add3A_305 = arith.constant 248 : i32
    %add3A_306 = arith.addi %mul3A_2, %add3A_305 : i32
    %dma_wait3A_307 = arith.constant 1 : i32
    %dma_wait3A_308 = arith.constant 0 : i32
    %dma_wait3A_309 = arith.constant 0 : i32
    %dma_wait3A_310 = tpu.memref_slice %arg8[%dma_wait3A_307, %dma_wait3A_308, %dma_wait3A_309] : memref<3x8x1024xf32, #tpu.memory_space<vmem>> -> memref<1x8x1024xf32, #tpu.memory_space<vmem>>
    %dma_wait3A_311 = tpu.memref_squeeze %dma_wait3A_310 : memref<1x8x1024xf32, #tpu.memory_space<vmem>> -> memref<8x1024xf32, #tpu.memory_space<vmem>>
    %dma_wait3A_312 = arith.constant 0 : i32
    %dma_wait3A_313 = tpu.memref_slice %arg4[%add3A_306, %dma_wait3A_312] : memref<8192x1024xf32, #tpu.memory_space<hbm>> -> memref<8x1024xf32, #tpu.memory_space<hbm>>
    %dma_wait3A_314 = arith.constant 0 : i32
    %dma_wait3A_315 = arith.constant 0 : i32
    %dma_wait3A_316 = tpu.memref_slice %arg8[%dma_wait3A_307, %dma_wait3A_314, %dma_wait3A_315] : memref<3x8x1024xf32, #tpu.memory_space<vmem>> -> memref<1x8x1024xf32, #tpu.memory_space<vmem>>
    %dma_wait3A_317 = tpu.memref_squeeze %dma_wait3A_316 : memref<1x8x1024xf32, #tpu.memory_space<vmem>> -> memref<8x1024xf32, #tpu.memory_space<vmem>>
    %dma_wait3A_318 = arith.constant 0 : i32
    %dma_wait3A_319 = tpu.memref_slice %arg4[%add3A_306, %dma_wait3A_318] : memref<8192x1024xf32, #tpu.memory_space<hbm>> -> memref<8x1024xf32, #tpu.memory_space<hbm>>
    tpu.wait_dma2 semaphore(%arg13 : memref<!tpu.dma_semaphore, #tpu.memory_space<semaphore_mem>>) src(%dma_wait3A_319 : memref<8x1024xf32, #tpu.memory_space<hbm>>) dst(%dma_wait3A_317 : memref<8x1024xf32, #tpu.memory_space<vmem>>)
    %parallel_loop3A_320 = arith.constant 0 : i32
    %parallel_loop3A_321 = arith.constant 64 : i32
    %parallel_loop3A_322 = arith.constant 1 : i32
    scf.for %parallel_loop3A_527 = %parallel_loop3A_320 to %parallel_loop3A_321 step %parallel_loop3A_322  : i32 {
      %parallel_loop3A_528 = arith.constant 16 : i32
      %parallel_loop3A_529 = arith.muli %parallel_loop3A_527, %parallel_loop3A_528 : i32
      %parallel_loop3A_530 = arith.constant 1 : i32
      %parallel_loop3A_531 = arith.constant 0 : i32
      %parallel_loop3A_532 = arith.index_cast %parallel_loop3A_530 : i32 to index
      %parallel_loop3A_533 = arith.index_cast %parallel_loop3A_531 : i32 to index
      %parallel_loop3A_534 = arith.index_cast %parallel_loop3A_529 : i32 to index
      %parallel_loop3A_535 = tpu.vector_load %arg8[%parallel_loop3A_532, %parallel_loop3A_533, %parallel_loop3A_534] {strides = array<i32>} : memref<3x8x1024xf32, #tpu.memory_space<vmem>>, vector<1x1x16xf32>,
      %parallel_loop3A_536 = vector.shape_cast %parallel_loop3A_535 : vector<1x1x16xf32> to vector<16xf32>
      %parallel_loop3A_537 = arith.constant 1 : i32
      %parallel_loop3A_538 = arith.constant 0 : i32
      %parallel_loop3A_539 = arith.index_cast %parallel_loop3A_537 : i32 to index
      %parallel_loop3A_540 = arith.index_cast %parallel_loop3A_538 : i32 to index
      %parallel_loop3A_541 = arith.index_cast %parallel_loop3A_529 : i32 to index
      %parallel_loop3A_542 = tpu.vector_load %arg7[%parallel_loop3A_539, %parallel_loop3A_540, %parallel_loop3A_541] {strides = array<i32>} : memref<3x32x1024xf32, #tpu.memory_space<vmem>>, vector<1x1x16xf32>,
      %parallel_loop3A_543 = vector.shape_cast %parallel_loop3A_542 : vector<1x1x16xf32> to vector<16xf32>
      %parallel_loop3A_544 = arith.addf %parallel_loop3A_543, %parallel_loop3A_536 : vector<16xf32>
      %parallel_loop3A_545 = arith.constant 1 : i32
      %parallel_loop3A_546 = arith.constant 0 : i32
      %parallel_loop3A_547 = arith.index_cast %parallel_loop3A_545 : i32 to index
      %parallel_loop3A_548 = arith.index_cast %parallel_loop3A_546 : i32 to index
      %parallel_loop3A_549 = arith.index_cast %parallel_loop3A_529 : i32 to index
      %parallel_loop3A_550 = tpu.vector_load %arg7[%parallel_loop3A_547, %parallel_loop3A_548, %parallel_loop3A_549] {strides = array<i32>} : memref<3x32x1024xf32, #tpu.memory_space<vmem>>, vector<1x1x16xf32>,
      %parallel_loop3A_551 = vector.shape_cast %parallel_loop3A_550 : vector<1x1x16xf32> to vector<16xf32>
      %parallel_loop3A_552 = vector.shape_cast %parallel_loop3A_544 : vector<16xf32> to vector<1x1x16xf32>
      tpu.vector_store %arg7[%parallel_loop3A_547, %parallel_loop3A_548, %parallel_loop3A_549], %parallel_loop3A_552 {strides = array<i32>} : memref<3x32x1024xf32, #tpu.memory_space<vmem>>, vector<1x1x16xf32>,
      %parallel_loop3A_553 = arith.constant 1 : i32
      %parallel_loop3A_554 = arith.constant 8 : i32
      %parallel_loop3A_555 = arith.index_cast %parallel_loop3A_553 : i32 to index
      %parallel_loop3A_556 = arith.index_cast %parallel_loop3A_554 : i32 to index
      %parallel_loop3A_557 = arith.index_cast %parallel_loop3A_529 : i32 to index
      %parallel_loop3A_558 = tpu.vector_load %arg7[%parallel_loop3A_555, %parallel_loop3A_556, %parallel_loop3A_557] {strides = array<i32>} : memref<3x32x1024xf32, #tpu.memory_space<vmem>>, vector<1x1x16xf32>,
      %parallel_loop3A_559 = vector.shape_cast %parallel_loop3A_558 : vector<1x1x16xf32> to vector<16xf32>
      %parallel_loop3A_560 = arith.addf %parallel_loop3A_559, %parallel_loop3A_536 : vector<16xf32>
      %parallel_loop3A_561 = arith.constant 1 : i32
      %parallel_loop3A_562 = arith.constant 8 : i32
      %parallel_loop3A_563 = arith.index_cast %parallel_loop3A_561 : i32 to index
      %parallel_loop3A_564 = arith.index_cast %parallel_loop3A_562 : i32 to index
      %parallel_loop3A_565 = arith.index_cast %parallel_loop3A_529 : i32 to index
      %parallel_loop3A_566 = tpu.vector_load %arg7[%parallel_loop3A_563, %parallel_loop3A_564, %parallel_loop3A_565] {strides = array<i32>} : memref<3x32x1024xf32, #tpu.memory_space<vmem>>, vector<1x1x16xf32>,
      %parallel_loop3A_567 = vector.shape_cast %parallel_loop3A_566 : vector<1x1x16xf32> to vector<16xf32>
      %parallel_loop3A_568 = vector.shape_cast %parallel_loop3A_560 : vector<16xf32> to vector<1x1x16xf32>
      tpu.vector_store %arg7[%parallel_loop3A_563, %parallel_loop3A_564, %parallel_loop3A_565], %parallel_loop3A_568 {strides = array<i32>} : memref<3x32x1024xf32, #tpu.memory_space<vmem>>, vector<1x1x16xf32>,
      %parallel_loop3A_569 = arith.constant 1 : i32
      %parallel_loop3A_570 = arith.constant 16 : i32
      %parallel_loop3A_571 = arith.index_cast %parallel_loop3A_569 : i32 to index
      %parallel_loop3A_572 = arith.index_cast %parallel_loop3A_570 : i32 to index
      %parallel_loop3A_573 = arith.index_cast %parallel_loop3A_529 : i32 to index
      %parallel_loop3A_574 = tpu.vector_load %arg7[%parallel_loop3A_571, %parallel_loop3A_572, %parallel_loop3A_573] {strides = array<i32>} : memref<3x32x1024xf32, #tpu.memory_space<vmem>>, vector<1x1x16xf32>,
      %parallel_loop3A_575 = vector.shape_cast %parallel_loop3A_574 : vector<1x1x16xf32> to vector<16xf32>
      %parallel_loop3A_576 = arith.addf %parallel_loop3A_575, %parallel_loop3A_536 : vector<16xf32>
      %parallel_loop3A_577 = arith.constant 1 : i32
      %parallel_loop3A_578 = arith.constant 16 : i32
      %parallel_loop3A_579 = arith.index_cast %parallel_loop3A_577 : i32 to index
      %parallel_loop3A_580 = arith.index_cast %parallel_loop3A_578 : i32 to index
      %parallel_loop3A_581 = arith.index_cast %parallel_loop3A_529 : i32 to index
      %parallel_loop3A_582 = tpu.vector_load %arg7[%parallel_loop3A_579, %parallel_loop3A_580, %parallel_loop3A_581] {strides = array<i32>} : memref<3x32x1024xf32, #tpu.memory_space<vmem>>, vector<1x1x16xf32>,
      %parallel_loop3A_583 = vector.shape_cast %parallel_loop3A_582 : vector<1x1x16xf32> to vector<16xf32>
      %parallel_loop3A_584 = vector.shape_cast %parallel_loop3A_576 : vector<16xf32> to vector<1x1x16xf32>
      tpu.vector_store %arg7[%parallel_loop3A_579, %parallel_loop3A_580, %parallel_loop3A_581], %parallel_loop3A_584 {strides = array<i32>} : memref<3x32x1024xf32, #tpu.memory_space<vmem>>, vector<1x1x16xf32>,
      %parallel_loop3A_585 = arith.constant 1 : i32
      %parallel_loop3A_586 = arith.constant 24 : i32
      %parallel_loop3A_587 = arith.index_cast %parallel_loop3A_585 : i32 to index
      %parallel_loop3A_588 = arith.index_cast %parallel_loop3A_586 : i32 to index
      %parallel_loop3A_589 = arith.index_cast %parallel_loop3A_529 : i32 to index
      %parallel_loop3A_590 = tpu.vector_load %arg7[%parallel_loop3A_587, %parallel_loop3A_588, %parallel_loop3A_589] {strides = array<i32>} : memref<3x32x1024xf32, #tpu.memory_space<vmem>>, vector<1x1x16xf32>,
      %parallel_loop3A_591 = vector.shape_cast %parallel_loop3A_590 : vector<1x1x16xf32> to vector<16xf32>
      %parallel_loop3A_592 = arith.addf %parallel_loop3A_591, %parallel_loop3A_536 : vector<16xf32>
      %parallel_loop3A_593 = arith.constant 1 : i32
      %parallel_loop3A_594 = arith.constant 24 : i32
      %parallel_loop3A_595 = arith.index_cast %parallel_loop3A_593 : i32 to index
      %parallel_loop3A_596 = arith.index_cast %parallel_loop3A_594 : i32 to index
      %parallel_loop3A_597 = arith.index_cast %parallel_loop3A_529 : i32 to index
      %parallel_loop3A_598 = tpu.vector_load %arg7[%parallel_loop3A_595, %parallel_loop3A_596, %parallel_loop3A_597] {strides = array<i32>} : memref<3x32x1024xf32, #tpu.memory_space<vmem>>, vector<1x1x16xf32>,
      %parallel_loop3A_599 = vector.shape_cast %parallel_loop3A_598 : vector<1x1x16xf32> to vector<16xf32>
      %parallel_loop3A_600 = vector.shape_cast %parallel_loop3A_592 : vector<16xf32> to vector<1x1x16xf32>
      tpu.vector_store %arg7[%parallel_loop3A_595, %parallel_loop3A_596, %parallel_loop3A_597], %parallel_loop3A_600 {strides = array<i32>} : memref<3x32x1024xf32, #tpu.memory_space<vmem>>, vector<1x1x16xf32>,
      %parallel_loop3A_601 = arith.constant 1 : i32
      %parallel_loop3A_602 = arith.constant 1 : i32
      %parallel_loop3A_603 = arith.index_cast %parallel_loop3A_601 : i32 to index
      %parallel_loop3A_604 = arith.index_cast %parallel_loop3A_602 : i32 to index
      %parallel_loop3A_605 = arith.index_cast %parallel_loop3A_529 : i32 to index
      %parallel_loop3A_606 = tpu.vector_load %arg8[%parallel_loop3A_603, %parallel_loop3A_604, %parallel_loop3A_605] {strides = array<i32>} : memref<3x8x1024xf32, #tpu.memory_space<vmem>>, vector<1x1x16xf32>,
      %parallel_loop3A_607 = vector.shape_cast %parallel_loop3A_606 : vector<1x1x16xf32> to vector<16xf32>
      %parallel_loop3A_608 = arith.constant 1 : i32
      %parallel_loop3A_609 = arith.constant 1 : i32
      %parallel_loop3A_610 = arith.index_cast %parallel_loop3A_608 : i32 to index
      %parallel_loop3A_611 = arith.index_cast %parallel_loop3A_609 : i32 to index
      %parallel_loop3A_612 = arith.index_cast %parallel_loop3A_529 : i32 to index
      %parallel_loop3A_613 = tpu.vector_load %arg7[%parallel_loop3A_610, %parallel_loop3A_611, %parallel_loop3A_612] {strides = array<i32>} : memref<3x32x1024xf32, #tpu.memory_space<vmem>>, vector<1x1x16xf32>,
      %parallel_loop3A_614 = vector.shape_cast %parallel_loop3A_613 : vector<1x1x16xf32> to vector<16xf32>
      %parallel_loop3A_615 = arith.addf %parallel_loop3A_614, %parallel_loop3A_607 : vector<16xf32>
      %parallel_loop3A_616 = arith.constant 1 : i32
      %parallel_loop3A_617 = arith.constant 1 : i32
      %parallel_loop3A_618 = arith.index_cast %parallel_loop3A_616 : i32 to index
      %parallel_loop3A_619 = arith.index_cast %parallel_loop3A_617 : i32 to index
      %parallel_loop3A_620 = arith.index_cast %parallel_loop3A_529 : i32 to index
      %parallel_loop3A_621 = tpu.vector_load %arg7[%parallel_loop3A_618, %parallel_loop3A_619, %parallel_loop3A_620] {strides = array<i32>} : memref<3x32x1024xf32, #tpu.memory_space<vmem>>, vector<1x1x16xf32>,
      %parallel_loop3A_622 = vector.shape_cast %parallel_loop3A_621 : vector<1x1x16xf32> to vector<16xf32>
      %parallel_loop3A_623 = vector.shape_cast %parallel_loop3A_615 : vector<16xf32> to vector<1x1x16xf32>
      tpu.vector_store %arg7[%parallel_loop3A_618, %parallel_loop3A_619, %parallel_loop3A_620], %parallel_loop3A_623 {strides = array<i32>} : memref<3x32x1024xf32, #tpu.memory_space<vmem>>, vector<1x1x16xf32>,
      %parallel_loop3A_624 = arith.constant 1 : i32
      %parallel_loop3A_625 = arith.constant 9 : i32
      %parallel_loop3A_626 = arith.index_cast %parallel_loop3A_624 : i32 to index
      %parallel_loop3A_627 = arith.index_cast %parallel_loop3A_625 : i32 to index
      %parallel_loop3A_628 = arith.index_cast %parallel_loop3A_529 : i32 to index
      %parallel_loop3A_629 = tpu.vector_load %arg7[%parallel_loop3A_626, %parallel_loop3A_627, %parallel_loop3A_628] {strides = array<i32>} : memref<3x32x1024xf32, #tpu.memory_space<vmem>>, vector<1x1x16xf32>,
      %parallel_loop3A_630 = vector.shape_cast %parallel_loop3A_629 : vector<1x1x16xf32> to vector<16xf32>
      %parallel_loop3A_631 = arith.addf %parallel_loop3A_630, %parallel_loop3A_607 : vector<16xf32>
      %parallel_loop3A_632 = arith.constant 1 : i32
      %parallel_loop3A_633 = arith.constant 9 : i32
      %parallel_loop3A_634 = arith.index_cast %parallel_loop3A_632 : i32 to index
      %parallel_loop3A_635 = arith.index_cast %parallel_loop3A_633 : i32 to index
      %parallel_loop3A_636 = arith.index_cast %parallel_loop3A_529 : i32 to index
      %parallel_loop3A_637 = tpu.vector_load %arg7[%parallel_loop3A_634, %parallel_loop3A_635, %parallel_loop3A_636] {strides = array<i32>} : memref<3x32x1024xf32, #tpu.memory_space<vmem>>, vector<1x1x16xf32>,
      %parallel_loop3A_638 = vector.shape_cast %parallel_loop3A_637 : vector<1x1x16xf32> to vector<16xf32>
      %parallel_loop3A_639 = vector.shape_cast %parallel_loop3A_631 : vector<16xf32> to vector<1x1x16xf32>
      tpu.vector_store %arg7[%parallel_loop3A_634, %parallel_loop3A_635, %parallel_loop3A_636], %parallel_loop3A_639 {strides = array<i32>} : memref<3x32x1024xf32, #tpu.memory_space<vmem>>, vector<1x1x16xf32>,
      %parallel_loop3A_640 = arith.constant 1 : i32
      %parallel_loop3A_641 = arith.constant 17 : i32
      %parallel_loop3A_642 = arith.index_cast %parallel_loop3A_640 : i32 to index
      %parallel_loop3A_643 = arith.index_cast %parallel_loop3A_641 : i32 to index
      %parallel_loop3A_644 = arith.index_cast %parallel_loop3A_529 : i32 to index
      %parallel_loop3A_645 = tpu.vector_load %arg7[%parallel_loop3A_642, %parallel_loop3A_643, %parallel_loop3A_644] {strides = array<i32>} : memref<3x32x1024xf32, #tpu.memory_space<vmem>>, vector<1x1x16xf32>,
      %parallel_loop3A_646 = vector.shape_cast %parallel_loop3A_645 : vector<1x1x16xf32> to vector<16xf32>
      %parallel_loop3A_647 = arith.addf %parallel_loop3A_646, %parallel_loop3A_607 : vector<16xf32>
      %parallel_loop3A_648 = arith.constant 1 : i32
      %parallel_loop3A_649 = arith.constant 17 : i32
      %parallel_loop3A_650 = arith.index_cast %parallel_loop3A_648 : i32 to index
      %parallel_loop3A_651 = arith.index_cast %parallel_loop3A_649 : i32 to index
      %parallel_loop3A_652 = arith.index_cast %parallel_loop3A_529 : i32 to index
      %parallel_loop3A_653 = tpu.vector_load %arg7[%parallel_loop3A_650, %parallel_loop3A_651, %parallel_loop3A_652] {strides = array<i32>} : memref<3x32x1024xf32, #tpu.memory_space<vmem>>, vector<1x1x16xf32>,
      %parallel_loop3A_654 = vector.shape_cast %parallel_loop3A_653 : vector<1x1x16xf32> to vector<16xf32>
      %parallel_loop3A_655 = vector.shape_cast %parallel_loop3A_647 : vector<16xf32> to vector<1x1x16xf32>
      tpu.vector_store %arg7[%parallel_loop3A_650, %parallel_loop3A_651, %parallel_loop3A_652], %parallel_loop3A_655 {strides = array<i32>} : memref<3x32x1024xf32, #tpu.memory_space<vmem>>, vector<1x1x16xf32>,
      %parallel_loop3A_656 = arith.constant 1 : i32
      %parallel_loop3A_657 = arith.constant 25 : i32
      %parallel_loop3A_658 = arith.index_cast %parallel_loop3A_656 : i32 to index
      %parallel_loop3A_659 = arith.index_cast %parallel_loop3A_657 : i32 to index
      %parallel_loop3A_660 = arith.index_cast %parallel_loop3A_529 : i32 to index
      %parallel_loop3A_661 = tpu.vector_load %arg7[%parallel_loop3A_658, %parallel_loop3A_659, %parallel_loop3A_660] {strides = array<i32>} : memref<3x32x1024xf32, #tpu.memory_space<vmem>>, vector<1x1x16xf32>,
      %parallel_loop3A_662 = vector.shape_cast %parallel_loop3A_661 : vector<1x1x16xf32> to vector<16xf32>
      %parallel_loop3A_663 = arith.addf %parallel_loop3A_662, %parallel_loop3A_607 : vector<16xf32>
      %parallel_loop3A_664 = arith.constant 1 : i32
      %parallel_loop3A_665 = arith.constant 25 : i32
      %parallel_loop3A_666 = arith.index_cast %parallel_loop3A_664 : i32 to index
      %parallel_loop3A_667 = arith.index_cast %parallel_loop3A_665 : i32 to index
      %parallel_loop3A_668 = arith.index_cast %parallel_loop3A_529 : i32 to index
      %parallel_loop3A_669 = tpu.vector_load %arg7[%parallel_loop3A_666, %parallel_loop3A_667, %parallel_loop3A_668] {strides = array<i32>} : memref<3x32x1024xf32, #tpu.memory_space<vmem>>, vector<1x1x16xf32>,
      %parallel_loop3A_670 = vector.shape_cast %parallel_loop3A_669 : vector<1x1x16xf32> to vector<16xf32>
      %parallel_loop3A_671 = vector.shape_cast %parallel_loop3A_663 : vector<16xf32> to vector<1x1x16xf32>
      tpu.vector_store %arg7[%parallel_loop3A_666, %parallel_loop3A_667, %parallel_loop3A_668], %parallel_loop3A_671 {strides = array<i32>} : memref<3x32x1024xf32, #tpu.memory_space<vmem>>, vector<1x1x16xf32>,
      %parallel_loop3A_672 = arith.constant 1 : i32
      %parallel_loop3A_673 = arith.constant 2 : i32
      %parallel_loop3A_674 = arith.index_cast %parallel_loop3A_672 : i32 to index
      %parallel_loop3A_675 = arith.index_cast %parallel_loop3A_673 : i32 to index
      %parallel_loop3A_676 = arith.index_cast %parallel_loop3A_529 : i32 to index
      %parallel_loop3A_677 = tpu.vector_load %arg8[%parallel_loop3A_674, %parallel_loop3A_675, %parallel_loop3A_676] {strides = array<i32>} : memref<3x8x1024xf32, #tpu.memory_space<vmem>>, vector<1x1x16xf32>,
      %parallel_loop3A_678 = vector.shape_cast %parallel_loop3A_677 : vector<1x1x16xf32> to vector<16xf32>
      %parallel_loop3A_679 = arith.constant 1 : i32
      %parallel_loop3A_680 = arith.constant 2 : i32
      %parallel_loop3A_681 = arith.index_cast %parallel_loop3A_679 : i32 to index
      %parallel_loop3A_682 = arith.index_cast %parallel_loop3A_680 : i32 to index
      %parallel_loop3A_683 = arith.index_cast %parallel_loop3A_529 : i32 to index
      %parallel_loop3A_684 = tpu.vector_load %arg7[%parallel_loop3A_681, %parallel_loop3A_682, %parallel_loop3A_683] {strides = array<i32>} : memref<3x32x1024xf32, #tpu.memory_space<vmem>>, vector<1x1x16xf32>,
      %parallel_loop3A_685 = vector.shape_cast %parallel_loop3A_684 : vector<1x1x16xf32> to vector<16xf32>
      %parallel_loop3A_686 = arith.addf %parallel_loop3A_685, %parallel_loop3A_678 : vector<16xf32>
      %parallel_loop3A_687 = arith.constant 1 : i32
      %parallel_loop3A_688 = arith.constant 2 : i32
      %parallel_loop3A_689 = arith.index_cast %parallel_loop3A_687 : i32 to index
      %parallel_loop3A_690 = arith.index_cast %parallel_loop3A_688 : i32 to index
      %parallel_loop3A_691 = arith.index_cast %parallel_loop3A_529 : i32 to index
      %parallel_loop3A_692 = tpu.vector_load %arg7[%parallel_loop3A_689, %parallel_loop3A_690, %parallel_loop3A_691] {strides = array<i32>} : memref<3x32x1024xf32, #tpu.memory_space<vmem>>, vector<1x1x16xf32>,
      %parallel_loop3A_693 = vector.shape_cast %parallel_loop3A_692 : vector<1x1x16xf32> to vector<16xf32>
      %parallel_loop3A_694 = vector.shape_cast %parallel_loop3A_686 : vector<16xf32> to vector<1x1x16xf32>
      tpu.vector_store %arg7[%parallel_loop3A_689, %parallel_loop3A_690, %parallel_loop3A_691], %parallel_loop3A_694 {strides = array<i32>} : memref<3x32x1024xf32, #tpu.memory_space<vmem>>, vector<1x1x16xf32>,
      %parallel_loop3A_695 = arith.constant 1 : i32
      %parallel_loop3A_696 = arith.constant 10 : i32
      %parallel_loop3A_697 = arith.index_cast %parallel_loop3A_695 : i32 to index
      %parallel_loop3A_698 = arith.index_cast %parallel_loop3A_696 : i32 to index
      %parallel_loop3A_699 = arith.index_cast %parallel_loop3A_529 : i32 to index
      %parallel_loop3A_700 = tpu.vector_load %arg7[%parallel_loop3A_697, %parallel_loop3A_698, %parallel_loop3A_699] {strides = array<i32>} : memref<3x32x1024xf32, #tpu.memory_space<vmem>>, vector<1x1x16xf32>,
      %parallel_loop3A_701 = vector.shape_cast %parallel_loop3A_700 : vector<1x1x16xf32> to vector<16xf32>
      %parallel_loop3A_702 = arith.addf %parallel_loop3A_701, %parallel_loop3A_678 : vector<16xf32>
      %parallel_loop3A_703 = arith.constant 1 : i32
      %parallel_loop3A_704 = arith.constant 10 : i32
      %parallel_loop3A_705 = arith.index_cast %parallel_loop3A_703 : i32 to index
      %parallel_loop3A_706 = arith.index_cast %parallel_loop3A_704 : i32 to index
      %parallel_loop3A_707 = arith.index_cast %parallel_loop3A_529 : i32 to index
      %parallel_loop3A_708 = tpu.vector_load %arg7[%parallel_loop3A_705, %parallel_loop3A_706, %parallel_loop3A_707] {strides = array<i32>} : memref<3x32x1024xf32, #tpu.memory_space<vmem>>, vector<1x1x16xf32>,
      %parallel_loop3A_709 = vector.shape_cast %parallel_loop3A_708 : vector<1x1x16xf32> to vector<16xf32>
      %parallel_loop3A_710 = vector.shape_cast %parallel_loop3A_702 : vector<16xf32> to vector<1x1x16xf32>
      tpu.vector_store %arg7[%parallel_loop3A_705, %parallel_loop3A_706, %parallel_loop3A_707], %parallel_loop3A_710 {strides = array<i32>} : memref<3x32x1024xf32, #tpu.memory_space<vmem>>, vector<1x1x16xf32>,
      %parallel_loop3A_711 = arith.constant 1 : i32
      %parallel_loop3A_712 = arith.constant 18 : i32
      %parallel_loop3A_713 = arith.index_cast %parallel_loop3A_711 : i32 to index
      %parallel_loop3A_714 = arith.index_cast %parallel_loop3A_712 : i32 to index
      %parallel_loop3A_715 = arith.index_cast %parallel_loop3A_529 : i32 to index
      %parallel_loop3A_716 = tpu.vector_load %arg7[%parallel_loop3A_713, %parallel_loop3A_714, %parallel_loop3A_715] {strides = array<i32>} : memref<3x32x1024xf32, #tpu.memory_space<vmem>>, vector<1x1x16xf32>,
      %parallel_loop3A_717 = vector.shape_cast %parallel_loop3A_716 : vector<1x1x16xf32> to vector<16xf32>
      %parallel_loop3A_718 = arith.addf %parallel_loop3A_717, %parallel_loop3A_678 : vector<16xf32>
      %parallel_loop3A_719 = arith.constant 1 : i32
      %parallel_loop3A_720 = arith.constant 18 : i32
      %parallel_loop3A_721 = arith.index_cast %parallel_loop3A_719 : i32 to index
      %parallel_loop3A_722 = arith.index_cast %parallel_loop3A_720 : i32 to index
      %parallel_loop3A_723 = arith.index_cast %parallel_loop3A_529 : i32 to index
      %parallel_loop3A_724 = tpu.vector_load %arg7[%parallel_loop3A_721, %parallel_loop3A_722, %parallel_loop3A_723] {strides = array<i32>} : memref<3x32x1024xf32, #tpu.memory_space<vmem>>, vector<1x1x16xf32>,
      %parallel_loop3A_725 = vector.shape_cast %parallel_loop3A_724 : vector<1x1x16xf32> to vector<16xf32>
      %parallel_loop3A_726 = vector.shape_cast %parallel_loop3A_718 : vector<16xf32> to vector<1x1x16xf32>
      tpu.vector_store %arg7[%parallel_loop3A_721, %parallel_loop3A_722, %parallel_loop3A_723], %parallel_loop3A_726 {strides = array<i32>} : memref<3x32x1024xf32, #tpu.memory_space<vmem>>, vector<1x1x16xf32>,
      %parallel_loop3A_727 = arith.constant 1 : i32
      %parallel_loop3A_728 = arith.constant 26 : i32
      %parallel_loop3A_729 = arith.index_cast %parallel_loop3A_727 : i32 to index
      %parallel_loop3A_730 = arith.index_cast %parallel_loop3A_728 : i32 to index
      %parallel_loop3A_731 = arith.index_cast %parallel_loop3A_529 : i32 to index
      %parallel_loop3A_732 = tpu.vector_load %arg7[%parallel_loop3A_729, %parallel_loop3A_730, %parallel_loop3A_731] {strides = array<i32>} : memref<3x32x1024xf32, #tpu.memory_space<vmem>>, vector<1x1x16xf32>,
      %parallel_loop3A_733 = vector.shape_cast %parallel_loop3A_732 : vector<1x1x16xf32> to vector<16xf32>
      %parallel_loop3A_734 = arith.addf %parallel_loop3A_733, %parallel_loop3A_678 : vector<16xf32>
      %parallel_loop3A_735 = arith.constant 1 : i32
      %parallel_loop3A_736 = arith.constant 26 : i32
      %parallel_loop3A_737 = arith.index_cast %parallel_loop3A_735 : i32 to index
      %parallel_loop3A_738 = arith.index_cast %parallel_loop3A_736 : i32 to index
      %parallel_loop3A_739 = arith.index_cast %parallel_loop3A_529 : i32 to index
      %parallel_loop3A_740 = tpu.vector_load %arg7[%parallel_loop3A_737, %parallel_loop3A_738, %parallel_loop3A_739] {strides = array<i32>} : memref<3x32x1024xf32, #tpu.memory_space<vmem>>, vector<1x1x16xf32>,
      %parallel_loop3A_741 = vector.shape_cast %parallel_loop3A_740 : vector<1x1x16xf32> to vector<16xf32>
      %parallel_loop3A_742 = vector.shape_cast %parallel_loop3A_734 : vector<16xf32> to vector<1x1x16xf32>
      tpu.vector_store %arg7[%parallel_loop3A_737, %parallel_loop3A_738, %parallel_loop3A_739], %parallel_loop3A_742 {strides = array<i32>} : memref<3x32x1024xf32, #tpu.memory_space<vmem>>, vector<1x1x16xf32>,
      %parallel_loop3A_743 = arith.constant 1 : i32
      %parallel_loop3A_744 = arith.constant 3 : i32
      %parallel_loop3A_745 = arith.index_cast %parallel_loop3A_743 : i32 to index
      %parallel_loop3A_746 = arith.index_cast %parallel_loop3A_744 : i32 to index
      %parallel_loop3A_747 = arith.index_cast %parallel_loop3A_529 : i32 to index
      %parallel_loop3A_748 = tpu.vector_load %arg8[%parallel_loop3A_745, %parallel_loop3A_746, %parallel_loop3A_747] {strides = array<i32>} : memref<3x8x1024xf32, #tpu.memory_space<vmem>>, vector<1x1x16xf32>,
      %parallel_loop3A_749 = vector.shape_cast %parallel_loop3A_748 : vector<1x1x16xf32> to vector<16xf32>
      %parallel_loop3A_750 = arith.constant 1 : i32
      %parallel_loop3A_751 = arith.constant 3 : i32
      %parallel_loop3A_752 = arith.index_cast %parallel_loop3A_750 : i32 to index
      %parallel_loop3A_753 = arith.index_cast %parallel_loop3A_751 : i32 to index
      %parallel_loop3A_754 = arith.index_cast %parallel_loop3A_529 : i32 to index
      %parallel_loop3A_755 = tpu.vector_load %arg7[%parallel_loop3A_752, %parallel_loop3A_753, %parallel_loop3A_754] {strides = array<i32>} : memref<3x32x1024xf32, #tpu.memory_space<vmem>>, vector<1x1x16xf32>,
      %parallel_loop3A_756 = vector.shape_cast %parallel_loop3A_755 : vector<1x1x16xf32> to vector<16xf32>
      %parallel_loop3A_757 = arith.addf %parallel_loop3A_756, %parallel_loop3A_749 : vector<16xf32>
      %parallel_loop3A_758 = arith.constant 1 : i32
      %parallel_loop3A_759 = arith.constant 3 : i32
      %parallel_loop3A_760 = arith.index_cast %parallel_loop3A_758 : i32 to index
      %parallel_loop3A_761 = arith.index_cast %parallel_loop3A_759 : i32 to index
      %parallel_loop3A_762 = arith.index_cast %parallel_loop3A_529 : i32 to index
      %parallel_loop3A_763 = tpu.vector_load %arg7[%parallel_loop3A_760, %parallel_loop3A_761, %parallel_loop3A_762] {strides = array<i32>} : memref<3x32x1024xf32, #tpu.memory_space<vmem>>, vector<1x1x16xf32>,
      %parallel_loop3A_764 = vector.shape_cast %parallel_loop3A_763 : vector<1x1x16xf32> to vector<16xf32>
      %parallel_loop3A_765 = vector.shape_cast %parallel_loop3A_757 : vector<16xf32> to vector<1x1x16xf32>
      tpu.vector_store %arg7[%parallel_loop3A_760, %parallel_loop3A_761, %parallel_loop3A_762], %parallel_loop3A_765 {strides = array<i32>} : memref<3x32x1024xf32, #tpu.memory_space<vmem>>, vector<1x1x16xf32>,
      %parallel_loop3A_766 = arith.constant 1 : i32
      %parallel_loop3A_767 = arith.constant 11 : i32
      %parallel_loop3A_768 = arith.index_cast %parallel_loop3A_766 : i32 to index
      %parallel_loop3A_769 = arith.index_cast %parallel_loop3A_767 : i32 to index
      %parallel_loop3A_770 = arith.index_cast %parallel_loop3A_529 : i32 to index
      %parallel_loop3A_771 = tpu.vector_load %arg7[%parallel_loop3A_768, %parallel_loop3A_769, %parallel_loop3A_770] {strides = array<i32>} : memref<3x32x1024xf32, #tpu.memory_space<vmem>>, vector<1x1x16xf32>,
      %parallel_loop3A_772 = vector.shape_cast %parallel_loop3A_771 : vector<1x1x16xf32> to vector<16xf32>
      %parallel_loop3A_773 = arith.addf %parallel_loop3A_772, %parallel_loop3A_749 : vector<16xf32>
      %parallel_loop3A_774 = arith.constant 1 : i32
      %parallel_loop3A_775 = arith.constant 11 : i32
      %parallel_loop3A_776 = arith.index_cast %parallel_loop3A_774 : i32 to index
      %parallel_loop3A_777 = arith.index_cast %parallel_loop3A_775 : i32 to index
      %parallel_loop3A_778 = arith.index_cast %parallel_loop3A_529 : i32 to index
      %parallel_loop3A_779 = tpu.vector_load %arg7[%parallel_loop3A_776, %parallel_loop3A_777, %parallel_loop3A_778] {strides = array<i32>} : memref<3x32x1024xf32, #tpu.memory_space<vmem>>, vector<1x1x16xf32>,
      %parallel_loop3A_780 = vector.shape_cast %parallel_loop3A_779 : vector<1x1x16xf32> to vector<16xf32>
      %parallel_loop3A_781 = vector.shape_cast %parallel_loop3A_773 : vector<16xf32> to vector<1x1x16xf32>
      tpu.vector_store %arg7[%parallel_loop3A_776, %parallel_loop3A_777, %parallel_loop3A_778], %parallel_loop3A_781 {strides = array<i32>} : memref<3x32x1024xf32, #tpu.memory_space<vmem>>, vector<1x1x16xf32>,
      %parallel_loop3A_782 = arith.constant 1 : i32
      %parallel_loop3A_783 = arith.constant 19 : i32
      %parallel_loop3A_784 = arith.index_cast %parallel_loop3A_782 : i32 to index
      %parallel_loop3A_785 = arith.index_cast %parallel_loop3A_783 : i32 to index
      %parallel_loop3A_786 = arith.index_cast %parallel_loop3A_529 : i32 to index
      %parallel_loop3A_787 = tpu.vector_load %arg7[%parallel_loop3A_784, %parallel_loop3A_785, %parallel_loop3A_786] {strides = array<i32>} : memref<3x32x1024xf32, #tpu.memory_space<vmem>>, vector<1x1x16xf32>,
      %parallel_loop3A_788 = vector.shape_cast %parallel_loop3A_787 : vector<1x1x16xf32> to vector<16xf32>
      %parallel_loop3A_789 = arith.addf %parallel_loop3A_788, %parallel_loop3A_749 : vector<16xf32>
      %parallel_loop3A_790 = arith.constant 1 : i32
      %parallel_loop3A_791 = arith.constant 19 : i32
      %parallel_loop3A_792 = arith.index_cast %parallel_loop3A_790 : i32 to index
      %parallel_loop3A_793 = arith.index_cast %parallel_loop3A_791 : i32 to index
      %parallel_loop3A_794 = arith.index_cast %parallel_loop3A_529 : i32 to index
      %parallel_loop3A_795 = tpu.vector_load %arg7[%parallel_loop3A_792, %parallel_loop3A_793, %parallel_loop3A_794] {strides = array<i32>} : memref<3x32x1024xf32, #tpu.memory_space<vmem>>, vector<1x1x16xf32>,
      %parallel_loop3A_796 = vector.shape_cast %parallel_loop3A_795 : vector<1x1x16xf32> to vector<16xf32>
      %parallel_loop3A_797 = vector.shape_cast %parallel_loop3A_789 : vector<16xf32> to vector<1x1x16xf32>
      tpu.vector_store %arg7[%parallel_loop3A_792, %parallel_loop3A_793, %parallel_loop3A_794], %parallel_loop3A_797 {strides = array<i32>} : memref<3x32x1024xf32, #tpu.memory_space<vmem>>, vector<1x1x16xf32>,
      %parallel_loop3A_798 = arith.constant 1 : i32
      %parallel_loop3A_799 = arith.constant 27 : i32
      %parallel_loop3A_800 = arith.index_cast %parallel_loop3A_798 : i32 to index
      %parallel_loop3A_801 = arith.index_cast %parallel_loop3A_799 : i32 to index
      %parallel_loop3A_802 = arith.index_cast %parallel_loop3A_529 : i32 to index
      %parallel_loop3A_803 = tpu.vector_load %arg7[%parallel_loop3A_800, %parallel_loop3A_801, %parallel_loop3A_802] {strides = array<i32>} : memref<3x32x1024xf32, #tpu.memory_space<vmem>>, vector<1x1x16xf32>,
      %parallel_loop3A_804 = vector.shape_cast %parallel_loop3A_803 : vector<1x1x16xf32> to vector<16xf32>
      %parallel_loop3A_805 = arith.addf %parallel_loop3A_804, %parallel_loop3A_749 : vector<16xf32>
      %parallel_loop3A_806 = arith.constant 1 : i32
      %parallel_loop3A_807 = arith.constant 27 : i32
      %parallel_loop3A_808 = arith.index_cast %parallel_loop3A_806 : i32 to index
      %parallel_loop3A_809 = arith.index_cast %parallel_loop3A_807 : i32 to index
      %parallel_loop3A_810 = arith.index_cast %parallel_loop3A_529 : i32 to index
      %parallel_loop3A_811 = tpu.vector_load %arg7[%parallel_loop3A_808, %parallel_loop3A_809, %parallel_loop3A_810] {strides = array<i32>} : memref<3x32x1024xf32, #tpu.memory_space<vmem>>, vector<1x1x16xf32>,
      %parallel_loop3A_812 = vector.shape_cast %parallel_loop3A_811 : vector<1x1x16xf32> to vector<16xf32>
      %parallel_loop3A_813 = vector.shape_cast %parallel_loop3A_805 : vector<16xf32> to vector<1x1x16xf32>
      tpu.vector_store %arg7[%parallel_loop3A_808, %parallel_loop3A_809, %parallel_loop3A_810], %parallel_loop3A_813 {strides = array<i32>} : memref<3x32x1024xf32, #tpu.memory_space<vmem>>, vector<1x1x16xf32>,
      %parallel_loop3A_814 = arith.constant 1 : i32
      %parallel_loop3A_815 = arith.constant 4 : i32
      %parallel_loop3A_816 = arith.index_cast %parallel_loop3A_814 : i32 to index
      %parallel_loop3A_817 = arith.index_cast %parallel_loop3A_815 : i32 to index
      %parallel_loop3A_818 = arith.index_cast %parallel_loop3A_529 : i32 to index
      %parallel_loop3A_819 = tpu.vector_load %arg8[%parallel_loop3A_816, %parallel_loop3A_817, %parallel_loop3A_818] {strides = array<i32>} : memref<3x8x1024xf32, #tpu.memory_space<vmem>>, vector<1x1x16xf32>,
      %parallel_loop3A_820 = vector.shape_cast %parallel_loop3A_819 : vector<1x1x16xf32> to vector<16xf32>
      %parallel_loop3A_821 = arith.constant 1 : i32
      %parallel_loop3A_822 = arith.constant 4 : i32
      %parallel_loop3A_823 = arith.index_cast %parallel_loop3A_821 : i32 to index
      %parallel_loop3A_824 = arith.index_cast %parallel_loop3A_822 : i32 to index
      %parallel_loop3A_825 = arith.index_cast %parallel_loop3A_529 : i32 to index
      %parallel_loop3A_826 = tpu.vector_load %arg7[%parallel_loop3A_823, %parallel_loop3A_824, %parallel_loop3A_825] {strides = array<i32>} : memref<3x32x1024xf32, #tpu.memory_space<vmem>>, vector<1x1x16xf32>,
      %parallel_loop3A_827 = vector.shape_cast %parallel_loop3A_826 : vector<1x1x16xf32> to vector<16xf32>
      %parallel_loop3A_828 = arith.addf %parallel_loop3A_827, %parallel_loop3A_820 : vector<16xf32>
      %parallel_loop3A_829 = arith.constant 1 : i32
      %parallel_loop3A_830 = arith.constant 4 : i32
      %parallel_loop3A_831 = arith.index_cast %parallel_loop3A_829 : i32 to index
      %parallel_loop3A_832 = arith.index_cast %parallel_loop3A_830 : i32 to index
      %parallel_loop3A_833 = arith.index_cast %parallel_loop3A_529 : i32 to index
      %parallel_loop3A_834 = tpu.vector_load %arg7[%parallel_loop3A_831, %parallel_loop3A_832, %parallel_loop3A_833] {strides = array<i32>} : memref<3x32x1024xf32, #tpu.memory_space<vmem>>, vector<1x1x16xf32>,
      %parallel_loop3A_835 = vector.shape_cast %parallel_loop3A_834 : vector<1x1x16xf32> to vector<16xf32>
      %parallel_loop3A_836 = vector.shape_cast %parallel_loop3A_828 : vector<16xf32> to vector<1x1x16xf32>
      tpu.vector_store %arg7[%parallel_loop3A_831, %parallel_loop3A_832, %parallel_loop3A_833], %parallel_loop3A_836 {strides = array<i32>} : memref<3x32x1024xf32, #tpu.memory_space<vmem>>, vector<1x1x16xf32>,
      %parallel_loop3A_837 = arith.constant 1 : i32
      %parallel_loop3A_838 = arith.constant 12 : i32
      %parallel_loop3A_839 = arith.index_cast %parallel_loop3A_837 : i32 to index
      %parallel_loop3A_840 = arith.index_cast %parallel_loop3A_838 : i32 to index
      %parallel_loop3A_841 = arith.index_cast %parallel_loop3A_529 : i32 to index
      %parallel_loop3A_842 = tpu.vector_load %arg7[%parallel_loop3A_839, %parallel_loop3A_840, %parallel_loop3A_841] {strides = array<i32>} : memref<3x32x1024xf32, #tpu.memory_space<vmem>>, vector<1x1x16xf32>,
      %parallel_loop3A_843 = vector.shape_cast %parallel_loop3A_842 : vector<1x1x16xf32> to vector<16xf32>
      %parallel_loop3A_844 = arith.addf %parallel_loop3A_843, %parallel_loop3A_820 : vector<16xf32>
      %parallel_loop3A_845 = arith.constant 1 : i32
      %parallel_loop3A_846 = arith.constant 12 : i32
      %parallel_loop3A_847 = arith.index_cast %parallel_loop3A_845 : i32 to index
      %parallel_loop3A_848 = arith.index_cast %parallel_loop3A_846 : i32 to index
      %parallel_loop3A_849 = arith.index_cast %parallel_loop3A_529 : i32 to index
      %parallel_loop3A_850 = tpu.vector_load %arg7[%parallel_loop3A_847, %parallel_loop3A_848, %parallel_loop3A_849] {strides = array<i32>} : memref<3x32x1024xf32, #tpu.memory_space<vmem>>, vector<1x1x16xf32>,
      %parallel_loop3A_851 = vector.shape_cast %parallel_loop3A_850 : vector<1x1x16xf32> to vector<16xf32>
      %parallel_loop3A_852 = vector.shape_cast %parallel_loop3A_844 : vector<16xf32> to vector<1x1x16xf32>
      tpu.vector_store %arg7[%parallel_loop3A_847, %parallel_loop3A_848, %parallel_loop3A_849], %parallel_loop3A_852 {strides = array<i32>} : memref<3x32x1024xf32, #tpu.memory_space<vmem>>, vector<1x1x16xf32>,
      %parallel_loop3A_853 = arith.constant 1 : i32
      %parallel_loop3A_854 = arith.constant 20 : i32
      %parallel_loop3A_855 = arith.index_cast %parallel_loop3A_853 : i32 to index
      %parallel_loop3A_856 = arith.index_cast %parallel_loop3A_854 : i32 to index
      %parallel_loop3A_857 = arith.index_cast %parallel_loop3A_529 : i32 to index
      %parallel_loop3A_858 = tpu.vector_load %arg7[%parallel_loop3A_855, %parallel_loop3A_856, %parallel_loop3A_857] {strides = array<i32>} : memref<3x32x1024xf32, #tpu.memory_space<vmem>>, vector<1x1x16xf32>,
      %parallel_loop3A_859 = vector.shape_cast %parallel_loop3A_858 : vector<1x1x16xf32> to vector<16xf32>
      %parallel_loop3A_860 = arith.addf %parallel_loop3A_859, %parallel_loop3A_820 : vector<16xf32>
      %parallel_loop3A_861 = arith.constant 1 : i32
      %parallel_loop3A_862 = arith.constant 20 : i32
      %parallel_loop3A_863 = arith.index_cast %parallel_loop3A_861 : i32 to index
      %parallel_loop3A_864 = arith.index_cast %parallel_loop3A_862 : i32 to index
      %parallel_loop3A_865 = arith.index_cast %parallel_loop3A_529 : i32 to index
      %parallel_loop3A_866 = tpu.vector_load %arg7[%parallel_loop3A_863, %parallel_loop3A_864, %parallel_loop3A_865] {strides = array<i32>} : memref<3x32x1024xf32, #tpu.memory_space<vmem>>, vector<1x1x16xf32>,
      %parallel_loop3A_867 = vector.shape_cast %parallel_loop3A_866 : vector<1x1x16xf32> to vector<16xf32>
      %parallel_loop3A_868 = vector.shape_cast %parallel_loop3A_860 : vector<16xf32> to vector<1x1x16xf32>
      tpu.vector_store %arg7[%parallel_loop3A_863, %parallel_loop3A_864, %parallel_loop3A_865], %parallel_loop3A_868 {strides = array<i32>} : memref<3x32x1024xf32, #tpu.memory_space<vmem>>, vector<1x1x16xf32>,
      %parallel_loop3A_869 = arith.constant 1 : i32
      %parallel_loop3A_870 = arith.constant 28 : i32
      %parallel_loop3A_871 = arith.index_cast %parallel_loop3A_869 : i32 to index
      %parallel_loop3A_872 = arith.index_cast %parallel_loop3A_870 : i32 to index
      %parallel_loop3A_873 = arith.index_cast %parallel_loop3A_529 : i32 to index
      %parallel_loop3A_874 = tpu.vector_load %arg7[%parallel_loop3A_871, %parallel_loop3A_872, %parallel_loop3A_873] {strides = array<i32>} : memref<3x32x1024xf32, #tpu.memory_space<vmem>>, vector<1x1x16xf32>,
      %parallel_loop3A_875 = vector.shape_cast %parallel_loop3A_874 : vector<1x1x16xf32> to vector<16xf32>
      %parallel_loop3A_876 = arith.addf %parallel_loop3A_875, %parallel_loop3A_820 : vector<16xf32>
      %parallel_loop3A_877 = arith.constant 1 : i32
      %parallel_loop3A_878 = arith.constant 28 : i32
      %parallel_loop3A_879 = arith.index_cast %parallel_loop3A_877 : i32 to index
      %parallel_loop3A_880 = arith.index_cast %parallel_loop3A_878 : i32 to index
      %parallel_loop3A_881 = arith.index_cast %parallel_loop3A_529 : i32 to index
      %parallel_loop3A_882 = tpu.vector_load %arg7[%parallel_loop3A_879, %parallel_loop3A_880, %parallel_loop3A_881] {strides = array<i32>} : memref<3x32x1024xf32, #tpu.memory_space<vmem>>, vector<1x1x16xf32>,
      %parallel_loop3A_883 = vector.shape_cast %parallel_loop3A_882 : vector<1x1x16xf32> to vector<16xf32>
      %parallel_loop3A_884 = vector.shape_cast %parallel_loop3A_876 : vector<16xf32> to vector<1x1x16xf32>
      tpu.vector_store %arg7[%parallel_loop3A_879, %parallel_loop3A_880, %parallel_loop3A_881], %parallel_loop3A_884 {strides = array<i32>} : memref<3x32x1024xf32, #tpu.memory_space<vmem>>, vector<1x1x16xf32>,
      %parallel_loop3A_885 = arith.constant 1 : i32
      %parallel_loop3A_886 = arith.constant 5 : i32
      %parallel_loop3A_887 = arith.index_cast %parallel_loop3A_885 : i32 to index
      %parallel_loop3A_888 = arith.index_cast %parallel_loop3A_886 : i32 to index
      %parallel_loop3A_889 = arith.index_cast %parallel_loop3A_529 : i32 to index
      %parallel_loop3A_890 = tpu.vector_load %arg8[%parallel_loop3A_887, %parallel_loop3A_888, %parallel_loop3A_889] {strides = array<i32>} : memref<3x8x1024xf32, #tpu.memory_space<vmem>>, vector<1x1x16xf32>,
      %parallel_loop3A_891 = vector.shape_cast %parallel_loop3A_890 : vector<1x1x16xf32> to vector<16xf32>
      %parallel_loop3A_892 = arith.constant 1 : i32
      %parallel_loop3A_893 = arith.constant 5 : i32
      %parallel_loop3A_894 = arith.index_cast %parallel_loop3A_892 : i32 to index
      %parallel_loop3A_895 = arith.index_cast %parallel_loop3A_893 : i32 to index
      %parallel_loop3A_896 = arith.index_cast %parallel_loop3A_529 : i32 to index
      %parallel_loop3A_897 = tpu.vector_load %arg7[%parallel_loop3A_894, %parallel_loop3A_895, %parallel_loop3A_896] {strides = array<i32>} : memref<3x32x1024xf32, #tpu.memory_space<vmem>>, vector<1x1x16xf32>,
      %parallel_loop3A_898 = vector.shape_cast %parallel_loop3A_897 : vector<1x1x16xf32> to vector<16xf32>
      %parallel_loop3A_899 = arith.addf %parallel_loop3A_898, %parallel_loop3A_891 : vector<16xf32>
      %parallel_loop3A_900 = arith.constant 1 : i32
      %parallel_loop3A_901 = arith.constant 5 : i32
      %parallel_loop3A_902 = arith.index_cast %parallel_loop3A_900 : i32 to index
      %parallel_loop3A_903 = arith.index_cast %parallel_loop3A_901 : i32 to index
      %parallel_loop3A_904 = arith.index_cast %parallel_loop3A_529 : i32 to index
      %parallel_loop3A_905 = tpu.vector_load %arg7[%parallel_loop3A_902, %parallel_loop3A_903, %parallel_loop3A_904] {strides = array<i32>} : memref<3x32x1024xf32, #tpu.memory_space<vmem>>, vector<1x1x16xf32>,
      %parallel_loop3A_906 = vector.shape_cast %parallel_loop3A_905 : vector<1x1x16xf32> to vector<16xf32>
      %parallel_loop3A_907 = vector.shape_cast %parallel_loop3A_899 : vector<16xf32> to vector<1x1x16xf32>
      tpu.vector_store %arg7[%parallel_loop3A_902, %parallel_loop3A_903, %parallel_loop3A_904], %parallel_loop3A_907 {strides = array<i32>} : memref<3x32x1024xf32, #tpu.memory_space<vmem>>, vector<1x1x16xf32>,
      %parallel_loop3A_908 = arith.constant 1 : i32
      %parallel_loop3A_909 = arith.constant 13 : i32
      %parallel_loop3A_910 = arith.index_cast %parallel_loop3A_908 : i32 to index
      %parallel_loop3A_911 = arith.index_cast %parallel_loop3A_909 : i32 to index
      %parallel_loop3A_912 = arith.index_cast %parallel_loop3A_529 : i32 to index
      %parallel_loop3A_913 = tpu.vector_load %arg7[%parallel_loop3A_910, %parallel_loop3A_911, %parallel_loop3A_912] {strides = array<i32>} : memref<3x32x1024xf32, #tpu.memory_space<vmem>>, vector<1x1x16xf32>,
      %parallel_loop3A_914 = vector.shape_cast %parallel_loop3A_913 : vector<1x1x16xf32> to vector<16xf32>
      %parallel_loop3A_915 = arith.addf %parallel_loop3A_914, %parallel_loop3A_891 : vector<16xf32>
      %parallel_loop3A_916 = arith.constant 1 : i32
      %parallel_loop3A_917 = arith.constant 13 : i32
      %parallel_loop3A_918 = arith.index_cast %parallel_loop3A_916 : i32 to index
      %parallel_loop3A_919 = arith.index_cast %parallel_loop3A_917 : i32 to index
      %parallel_loop3A_920 = arith.index_cast %parallel_loop3A_529 : i32 to index
      %parallel_loop3A_921 = tpu.vector_load %arg7[%parallel_loop3A_918, %parallel_loop3A_919, %parallel_loop3A_920] {strides = array<i32>} : memref<3x32x1024xf32, #tpu.memory_space<vmem>>, vector<1x1x16xf32>,
      %parallel_loop3A_922 = vector.shape_cast %parallel_loop3A_921 : vector<1x1x16xf32> to vector<16xf32>
      %parallel_loop3A_923 = vector.shape_cast %parallel_loop3A_915 : vector<16xf32> to vector<1x1x16xf32>
      tpu.vector_store %arg7[%parallel_loop3A_918, %parallel_loop3A_919, %parallel_loop3A_920], %parallel_loop3A_923 {strides = array<i32>} : memref<3x32x1024xf32, #tpu.memory_space<vmem>>, vector<1x1x16xf32>,
      %parallel_loop3A_924 = arith.constant 1 : i32
      %parallel_loop3A_925 = arith.constant 21 : i32
      %parallel_loop3A_926 = arith.index_cast %parallel_loop3A_924 : i32 to index
      %parallel_loop3A_927 = arith.index_cast %parallel_loop3A_925 : i32 to index
      %parallel_loop3A_928 = arith.index_cast %parallel_loop3A_529 : i32 to index
      %parallel_loop3A_929 = tpu.vector_load %arg7[%parallel_loop3A_926, %parallel_loop3A_927, %parallel_loop3A_928] {strides = array<i32>} : memref<3x32x1024xf32, #tpu.memory_space<vmem>>, vector<1x1x16xf32>,
      %parallel_loop3A_930 = vector.shape_cast %parallel_loop3A_929 : vector<1x1x16xf32> to vector<16xf32>
      %parallel_loop3A_931 = arith.addf %parallel_loop3A_930, %parallel_loop3A_891 : vector<16xf32>
      %parallel_loop3A_932 = arith.constant 1 : i32
      %parallel_loop3A_933 = arith.constant 21 : i32
      %parallel_loop3A_934 = arith.index_cast %parallel_loop3A_932 : i32 to index
      %parallel_loop3A_935 = arith.index_cast %parallel_loop3A_933 : i32 to index
      %parallel_loop3A_936 = arith.index_cast %parallel_loop3A_529 : i32 to index
      %parallel_loop3A_937 = tpu.vector_load %arg7[%parallel_loop3A_934, %parallel_loop3A_935, %parallel_loop3A_936] {strides = array<i32>} : memref<3x32x1024xf32, #tpu.memory_space<vmem>>, vector<1x1x16xf32>,
      %parallel_loop3A_938 = vector.shape_cast %parallel_loop3A_937 : vector<1x1x16xf32> to vector<16xf32>
      %parallel_loop3A_939 = vector.shape_cast %parallel_loop3A_931 : vector<16xf32> to vector<1x1x16xf32>
      tpu.vector_store %arg7[%parallel_loop3A_934, %parallel_loop3A_935, %parallel_loop3A_936], %parallel_loop3A_939 {strides = array<i32>} : memref<3x32x1024xf32, #tpu.memory_space<vmem>>, vector<1x1x16xf32>,
      %parallel_loop3A_940 = arith.constant 1 : i32
      %parallel_loop3A_941 = arith.constant 29 : i32
      %parallel_loop3A_942 = arith.index_cast %parallel_loop3A_940 : i32 to index
      %parallel_loop3A_943 = arith.index_cast %parallel_loop3A_941 : i32 to index
      %parallel_loop3A_944 = arith.index_cast %parallel_loop3A_529 : i32 to index
      %parallel_loop3A_945 = tpu.vector_load %arg7[%parallel_loop3A_942, %parallel_loop3A_943, %parallel_loop3A_944] {strides = array<i32>} : memref<3x32x1024xf32, #tpu.memory_space<vmem>>, vector<1x1x16xf32>,
      %parallel_loop3A_946 = vector.shape_cast %parallel_loop3A_945 : vector<1x1x16xf32> to vector<16xf32>
      %parallel_loop3A_947 = arith.addf %parallel_loop3A_946, %parallel_loop3A_891 : vector<16xf32>
      %parallel_loop3A_948 = arith.constant 1 : i32
      %parallel_loop3A_949 = arith.constant 29 : i32
      %parallel_loop3A_950 = arith.index_cast %parallel_loop3A_948 : i32 to index
      %parallel_loop3A_951 = arith.index_cast %parallel_loop3A_949 : i32 to index
      %parallel_loop3A_952 = arith.index_cast %parallel_loop3A_529 : i32 to index
      %parallel_loop3A_953 = tpu.vector_load %arg7[%parallel_loop3A_950, %parallel_loop3A_951, %parallel_loop3A_952] {strides = array<i32>} : memref<3x32x1024xf32, #tpu.memory_space<vmem>>, vector<1x1x16xf32>,
      %parallel_loop3A_954 = vector.shape_cast %parallel_loop3A_953 : vector<1x1x16xf32> to vector<16xf32>
      %parallel_loop3A_955 = vector.shape_cast %parallel_loop3A_947 : vector<16xf32> to vector<1x1x16xf32>
      tpu.vector_store %arg7[%parallel_loop3A_950, %parallel_loop3A_951, %parallel_loop3A_952], %parallel_loop3A_955 {strides = array<i32>} : memref<3x32x1024xf32, #tpu.memory_space<vmem>>, vector<1x1x16xf32>,
      %parallel_loop3A_956 = arith.constant 1 : i32
      %parallel_loop3A_957 = arith.constant 6 : i32
      %parallel_loop3A_958 = arith.index_cast %parallel_loop3A_956 : i32 to index
      %parallel_loop3A_959 = arith.index_cast %parallel_loop3A_957 : i32 to index
      %parallel_loop3A_960 = arith.index_cast %parallel_loop3A_529 : i32 to index
      %parallel_loop3A_961 = tpu.vector_load %arg8[%parallel_loop3A_958, %parallel_loop3A_959, %parallel_loop3A_960] {strides = array<i32>} : memref<3x8x1024xf32, #tpu.memory_space<vmem>>, vector<1x1x16xf32>,
      %parallel_loop3A_962 = vector.shape_cast %parallel_loop3A_961 : vector<1x1x16xf32> to vector<16xf32>
      %parallel_loop3A_963 = arith.constant 1 : i32
      %parallel_loop3A_964 = arith.constant 6 : i32
      %parallel_loop3A_965 = arith.index_cast %parallel_loop3A_963 : i32 to index
      %parallel_loop3A_966 = arith.index_cast %parallel_loop3A_964 : i32 to index
      %parallel_loop3A_967 = arith.index_cast %parallel_loop3A_529 : i32 to index
      %parallel_loop3A_968 = tpu.vector_load %arg7[%parallel_loop3A_965, %parallel_loop3A_966, %parallel_loop3A_967] {strides = array<i32>} : memref<3x32x1024xf32, #tpu.memory_space<vmem>>, vector<1x1x16xf32>,
      %parallel_loop3A_969 = vector.shape_cast %parallel_loop3A_968 : vector<1x1x16xf32> to vector<16xf32>
      %parallel_loop3A_970 = arith.addf %parallel_loop3A_969, %parallel_loop3A_962 : vector<16xf32>
      %parallel_loop3A_971 = arith.constant 1 : i32
      %parallel_loop3A_972 = arith.constant 6 : i32
      %parallel_loop3A_973 = arith.index_cast %parallel_loop3A_971 : i32 to index
      %parallel_loop3A_974 = arith.index_cast %parallel_loop3A_972 : i32 to index
      %parallel_loop3A_975 = arith.index_cast %parallel_loop3A_529 : i32 to index
      %parallel_loop3A_976 = tpu.vector_load %arg7[%parallel_loop3A_973, %parallel_loop3A_974, %parallel_loop3A_975] {strides = array<i32>} : memref<3x32x1024xf32, #tpu.memory_space<vmem>>, vector<1x1x16xf32>,
      %parallel_loop3A_977 = vector.shape_cast %parallel_loop3A_976 : vector<1x1x16xf32> to vector<16xf32>
      %parallel_loop3A_978 = vector.shape_cast %parallel_loop3A_970 : vector<16xf32> to vector<1x1x16xf32>
      tpu.vector_store %arg7[%parallel_loop3A_973, %parallel_loop3A_974, %parallel_loop3A_975], %parallel_loop3A_978 {strides = array<i32>} : memref<3x32x1024xf32, #tpu.memory_space<vmem>>, vector<1x1x16xf32>,
      %parallel_loop3A_979 = arith.constant 1 : i32
      %parallel_loop3A_980 = arith.constant 14 : i32
      %parallel_loop3A_981 = arith.index_cast %parallel_loop3A_979 : i32 to index
      %parallel_loop3A_982 = arith.index_cast %parallel_loop3A_980 : i32 to index
      %parallel_loop3A_983 = arith.index_cast %parallel_loop3A_529 : i32 to index
      %parallel_loop3A_984 = tpu.vector_load %arg7[%parallel_loop3A_981, %parallel_loop3A_982, %parallel_loop3A_983] {strides = array<i32>} : memref<3x32x1024xf32, #tpu.memory_space<vmem>>, vector<1x1x16xf32>,
      %parallel_loop3A_985 = vector.shape_cast %parallel_loop3A_984 : vector<1x1x16xf32> to vector<16xf32>
      %parallel_loop3A_986 = arith.addf %parallel_loop3A_985, %parallel_loop3A_962 : vector<16xf32>
      %parallel_loop3A_987 = arith.constant 1 : i32
      %parallel_loop3A_988 = arith.constant 14 : i32
      %parallel_loop3A_989 = arith.index_cast %parallel_loop3A_987 : i32 to index
      %parallel_loop3A_990 = arith.index_cast %parallel_loop3A_988 : i32 to index
      %parallel_loop3A_991 = arith.index_cast %parallel_loop3A_529 : i32 to index
      %parallel_loop3A_992 = tpu.vector_load %arg7[%parallel_loop3A_989, %parallel_loop3A_990, %parallel_loop3A_991] {strides = array<i32>} : memref<3x32x1024xf32, #tpu.memory_space<vmem>>, vector<1x1x16xf32>,
      %parallel_loop3A_993 = vector.shape_cast %parallel_loop3A_992 : vector<1x1x16xf32> to vector<16xf32>
      %parallel_loop3A_994 = vector.shape_cast %parallel_loop3A_986 : vector<16xf32> to vector<1x1x16xf32>
      tpu.vector_store %arg7[%parallel_loop3A_989, %parallel_loop3A_990, %parallel_loop3A_991], %parallel_loop3A_994 {strides = array<i32>} : memref<3x32x1024xf32, #tpu.memory_space<vmem>>, vector<1x1x16xf32>,
      %parallel_loop3A_995 = arith.constant 1 : i32
      %parallel_loop3A_996 = arith.constant 22 : i32
      %parallel_loop3A_997 = arith.index_cast %parallel_loop3A_995 : i32 to index
      %parallel_loop3A_998 = arith.index_cast %parallel_loop3A_996 : i32 to index
      %parallel_loop3A_999 = arith.index_cast %parallel_loop3A_529 : i32 to index
      %parallel_loop3A_1000 = tpu.vector_load %arg7[%parallel_loop3A_997, %parallel_loop3A_998, %parallel_loop3A_999] {strides = array<i32>} : memref<3x32x1024xf32, #tpu.memory_space<vmem>>, vector<1x1x16xf32>,
      %parallel_loop3A_1001 = vector.shape_cast %parallel_loop3A_1000 : vector<1x1x16xf32> to vector<16xf32>
      %parallel_loop3A_1002 = arith.addf %parallel_loop3A_1001, %parallel_loop3A_962 : vector<16xf32>
      %parallel_loop3A_1003 = arith.constant 1 : i32
      %parallel_loop3A_1004 = arith.constant 22 : i32
      %parallel_loop3A_1005 = arith.index_cast %parallel_loop3A_1003 : i32 to index
      %parallel_loop3A_1006 = arith.index_cast %parallel_loop3A_1004 : i32 to index
      %parallel_loop3A_1007 = arith.index_cast %parallel_loop3A_529 : i32 to index
      %parallel_loop3A_1008 = tpu.vector_load %arg7[%parallel_loop3A_1005, %parallel_loop3A_1006, %parallel_loop3A_1007] {strides = array<i32>} : memref<3x32x1024xf32, #tpu.memory_space<vmem>>, vector<1x1x16xf32>,
      %parallel_loop3A_1009 = vector.shape_cast %parallel_loop3A_1008 : vector<1x1x16xf32> to vector<16xf32>
      %parallel_loop3A_1010 = vector.shape_cast %parallel_loop3A_1002 : vector<16xf32> to vector<1x1x16xf32>
      tpu.vector_store %arg7[%parallel_loop3A_1005, %parallel_loop3A_1006, %parallel_loop3A_1007], %parallel_loop3A_1010 {strides = array<i32>} : memref<3x32x1024xf32, #tpu.memory_space<vmem>>, vector<1x1x16xf32>,
      %parallel_loop3A_1011 = arith.constant 1 : i32
      %parallel_loop3A_1012 = arith.constant 30 : i32
      %parallel_loop3A_1013 = arith.index_cast %parallel_loop3A_1011 : i32 to index
      %parallel_loop3A_1014 = arith.index_cast %parallel_loop3A_1012 : i32 to index
      %parallel_loop3A_1015 = arith.index_cast %parallel_loop3A_529 : i32 to index
      %parallel_loop3A_1016 = tpu.vector_load %arg7[%parallel_loop3A_1013, %parallel_loop3A_1014, %parallel_loop3A_1015] {strides = array<i32>} : memref<3x32x1024xf32, #tpu.memory_space<vmem>>, vector<1x1x16xf32>,
      %parallel_loop3A_1017 = vector.shape_cast %parallel_loop3A_1016 : vector<1x1x16xf32> to vector<16xf32>
      %parallel_loop3A_1018 = arith.addf %parallel_loop3A_1017, %parallel_loop3A_962 : vector<16xf32>
      %parallel_loop3A_1019 = arith.constant 1 : i32
      %parallel_loop3A_1020 = arith.constant 30 : i32
      %parallel_loop3A_1021 = arith.index_cast %parallel_loop3A_1019 : i32 to index
      %parallel_loop3A_1022 = arith.index_cast %parallel_loop3A_1020 : i32 to index
      %parallel_loop3A_1023 = arith.index_cast %parallel_loop3A_529 : i32 to index
      %parallel_loop3A_1024 = tpu.vector_load %arg7[%parallel_loop3A_1021, %parallel_loop3A_1022, %parallel_loop3A_1023] {strides = array<i32>} : memref<3x32x1024xf32, #tpu.memory_space<vmem>>, vector<1x1x16xf32>,
      %parallel_loop3A_1025 = vector.shape_cast %parallel_loop3A_1024 : vector<1x1x16xf32> to vector<16xf32>
      %parallel_loop3A_1026 = vector.shape_cast %parallel_loop3A_1018 : vector<16xf32> to vector<1x1x16xf32>
      tpu.vector_store %arg7[%parallel_loop3A_1021, %parallel_loop3A_1022, %parallel_loop3A_1023], %parallel_loop3A_1026 {strides = array<i32>} : memref<3x32x1024xf32, #tpu.memory_space<vmem>>, vector<1x1x16xf32>,
      %parallel_loop3A_1027 = arith.constant 1 : i32
      %parallel_loop3A_1028 = arith.constant 7 : i32
      %parallel_loop3A_1029 = arith.index_cast %parallel_loop3A_1027 : i32 to index
      %parallel_loop3A_1030 = arith.index_cast %parallel_loop3A_1028 : i32 to index
      %parallel_loop3A_1031 = arith.index_cast %parallel_loop3A_529 : i32 to index
      %parallel_loop3A_1032 = tpu.vector_load %arg8[%parallel_loop3A_1029, %parallel_loop3A_1030, %parallel_loop3A_1031] {strides = array<i32>} : memref<3x8x1024xf32, #tpu.memory_space<vmem>>, vector<1x1x16xf32>,
      %parallel_loop3A_1033 = vector.shape_cast %parallel_loop3A_1032 : vector<1x1x16xf32> to vector<16xf32>
      %parallel_loop3A_1034 = arith.constant 1 : i32
      %parallel_loop3A_1035 = arith.constant 7 : i32
      %parallel_loop3A_1036 = arith.index_cast %parallel_loop3A_1034 : i32 to index
      %parallel_loop3A_1037 = arith.index_cast %parallel_loop3A_1035 : i32 to index
      %parallel_loop3A_1038 = arith.index_cast %parallel_loop3A_529 : i32 to index
      %parallel_loop3A_1039 = tpu.vector_load %arg7[%parallel_loop3A_1036, %parallel_loop3A_1037, %parallel_loop3A_1038] {strides = array<i32>} : memref<3x32x1024xf32, #tpu.memory_space<vmem>>, vector<1x1x16xf32>,
      %parallel_loop3A_1040 = vector.shape_cast %parallel_loop3A_1039 : vector<1x1x16xf32> to vector<16xf32>
      %parallel_loop3A_1041 = arith.addf %parallel_loop3A_1040, %parallel_loop3A_1033 : vector<16xf32>
      %parallel_loop3A_1042 = arith.constant 1 : i32
      %parallel_loop3A_1043 = arith.constant 7 : i32
      %parallel_loop3A_1044 = arith.index_cast %parallel_loop3A_1042 : i32 to index
      %parallel_loop3A_1045 = arith.index_cast %parallel_loop3A_1043 : i32 to index
      %parallel_loop3A_1046 = arith.index_cast %parallel_loop3A_529 : i32 to index
      %parallel_loop3A_1047 = tpu.vector_load %arg7[%parallel_loop3A_1044, %parallel_loop3A_1045, %parallel_loop3A_1046] {strides = array<i32>} : memref<3x32x1024xf32, #tpu.memory_space<vmem>>, vector<1x1x16xf32>,
      %parallel_loop3A_1048 = vector.shape_cast %parallel_loop3A_1047 : vector<1x1x16xf32> to vector<16xf32>
      %parallel_loop3A_1049 = vector.shape_cast %parallel_loop3A_1041 : vector<16xf32> to vector<1x1x16xf32>
      tpu.vector_store %arg7[%parallel_loop3A_1044, %parallel_loop3A_1045, %parallel_loop3A_1046], %parallel_loop3A_1049 {strides = array<i32>} : memref<3x32x1024xf32, #tpu.memory_space<vmem>>, vector<1x1x16xf32>,
      %parallel_loop3A_1050 = arith.constant 1 : i32
      %parallel_loop3A_1051 = arith.constant 15 : i32
      %parallel_loop3A_1052 = arith.index_cast %parallel_loop3A_1050 : i32 to index
      %parallel_loop3A_1053 = arith.index_cast %parallel_loop3A_1051 : i32 to index
      %parallel_loop3A_1054 = arith.index_cast %parallel_loop3A_529 : i32 to index
      %parallel_loop3A_1055 = tpu.vector_load %arg7[%parallel_loop3A_1052, %parallel_loop3A_1053, %parallel_loop3A_1054] {strides = array<i32>} : memref<3x32x1024xf32, #tpu.memory_space<vmem>>, vector<1x1x16xf32>,
      %parallel_loop3A_1056 = vector.shape_cast %parallel_loop3A_1055 : vector<1x1x16xf32> to vector<16xf32>
      %parallel_loop3A_1057 = arith.addf %parallel_loop3A_1056, %parallel_loop3A_1033 : vector<16xf32>
      %parallel_loop3A_1058 = arith.constant 1 : i32
      %parallel_loop3A_1059 = arith.constant 15 : i32
      %parallel_loop3A_1060 = arith.index_cast %parallel_loop3A_1058 : i32 to index
      %parallel_loop3A_1061 = arith.index_cast %parallel_loop3A_1059 : i32 to index
      %parallel_loop3A_1062 = arith.index_cast %parallel_loop3A_529 : i32 to index
      %parallel_loop3A_1063 = tpu.vector_load %arg7[%parallel_loop3A_1060, %parallel_loop3A_1061, %parallel_loop3A_1062] {strides = array<i32>} : memref<3x32x1024xf32, #tpu.memory_space<vmem>>, vector<1x1x16xf32>,
      %parallel_loop3A_1064 = vector.shape_cast %parallel_loop3A_1063 : vector<1x1x16xf32> to vector<16xf32>
      %parallel_loop3A_1065 = vector.shape_cast %parallel_loop3A_1057 : vector<16xf32> to vector<1x1x16xf32>
      tpu.vector_store %arg7[%parallel_loop3A_1060, %parallel_loop3A_1061, %parallel_loop3A_1062], %parallel_loop3A_1065 {strides = array<i32>} : memref<3x32x1024xf32, #tpu.memory_space<vmem>>, vector<1x1x16xf32>,
      %parallel_loop3A_1066 = arith.constant 1 : i32
      %parallel_loop3A_1067 = arith.constant 23 : i32
      %parallel_loop3A_1068 = arith.index_cast %parallel_loop3A_1066 : i32 to index
      %parallel_loop3A_1069 = arith.index_cast %parallel_loop3A_1067 : i32 to index
      %parallel_loop3A_1070 = arith.index_cast %parallel_loop3A_529 : i32 to index
      %parallel_loop3A_1071 = tpu.vector_load %arg7[%parallel_loop3A_1068, %parallel_loop3A_1069, %parallel_loop3A_1070] {strides = array<i32>} : memref<3x32x1024xf32, #tpu.memory_space<vmem>>, vector<1x1x16xf32>,
      %parallel_loop3A_1072 = vector.shape_cast %parallel_loop3A_1071 : vector<1x1x16xf32> to vector<16xf32>
      %parallel_loop3A_1073 = arith.addf %parallel_loop3A_1072, %parallel_loop3A_1033 : vector<16xf32>
      %parallel_loop3A_1074 = arith.constant 1 : i32
      %parallel_loop3A_1075 = arith.constant 23 : i32
      %parallel_loop3A_1076 = arith.index_cast %parallel_loop3A_1074 : i32 to index
      %parallel_loop3A_1077 = arith.index_cast %parallel_loop3A_1075 : i32 to index
      %parallel_loop3A_1078 = arith.index_cast %parallel_loop3A_529 : i32 to index
      %parallel_loop3A_1079 = tpu.vector_load %arg7[%parallel_loop3A_1076, %parallel_loop3A_1077, %parallel_loop3A_1078] {strides = array<i32>} : memref<3x32x1024xf32, #tpu.memory_space<vmem>>, vector<1x1x16xf32>,
      %parallel_loop3A_1080 = vector.shape_cast %parallel_loop3A_1079 : vector<1x1x16xf32> to vector<16xf32>
      %parallel_loop3A_1081 = vector.shape_cast %parallel_loop3A_1073 : vector<16xf32> to vector<1x1x16xf32>
      tpu.vector_store %arg7[%parallel_loop3A_1076, %parallel_loop3A_1077, %parallel_loop3A_1078], %parallel_loop3A_1081 {strides = array<i32>} : memref<3x32x1024xf32, #tpu.memory_space<vmem>>, vector<1x1x16xf32>,
      %parallel_loop3A_1082 = arith.constant 1 : i32
      %parallel_loop3A_1083 = arith.constant 31 : i32
      %parallel_loop3A_1084 = arith.index_cast %parallel_loop3A_1082 : i32 to index
      %parallel_loop3A_1085 = arith.index_cast %parallel_loop3A_1083 : i32 to index
      %parallel_loop3A_1086 = arith.index_cast %parallel_loop3A_529 : i32 to index
      %parallel_loop3A_1087 = tpu.vector_load %arg7[%parallel_loop3A_1084, %parallel_loop3A_1085, %parallel_loop3A_1086] {strides = array<i32>} : memref<3x32x1024xf32, #tpu.memory_space<vmem>>, vector<1x1x16xf32>,
      %parallel_loop3A_1088 = vector.shape_cast %parallel_loop3A_1087 : vector<1x1x16xf32> to vector<16xf32>
      %parallel_loop3A_1089 = arith.addf %parallel_loop3A_1088, %parallel_loop3A_1033 : vector<16xf32>
      %parallel_loop3A_1090 = arith.constant 1 : i32
      %parallel_loop3A_1091 = arith.constant 31 : i32
      %parallel_loop3A_1092 = arith.index_cast %parallel_loop3A_1090 : i32 to index
      %parallel_loop3A_1093 = arith.index_cast %parallel_loop3A_1091 : i32 to index
      %parallel_loop3A_1094 = arith.index_cast %parallel_loop3A_529 : i32 to index
      %parallel_loop3A_1095 = tpu.vector_load %arg7[%parallel_loop3A_1092, %parallel_loop3A_1093, %parallel_loop3A_1094] {strides = array<i32>} : memref<3x32x1024xf32, #tpu.memory_space<vmem>>, vector<1x1x16xf32>,
      %parallel_loop3A_1096 = vector.shape_cast %parallel_loop3A_1095 : vector<1x1x16xf32> to vector<16xf32>
      %parallel_loop3A_1097 = vector.shape_cast %parallel_loop3A_1089 : vector<16xf32> to vector<1x1x16xf32>
      tpu.vector_store %arg7[%parallel_loop3A_1092, %parallel_loop3A_1093, %parallel_loop3A_1094], %parallel_loop3A_1097 {strides = array<i32>} : memref<3x32x1024xf32, #tpu.memory_space<vmem>>, vector<1x1x16xf32>,
    } {sc.loop_unroll_factor = 1 : i64, sc.parallel_access}
    %add3A_323 = arith.constant 0 : i32
    %add3A_324 = arith.addi %add3A_323, %mul3A_2 : i32
    %add3A_325 = arith.constant 248 : i32
    %add3A_326 = arith.addi %add3A_324, %add3A_325 : i32
    %dma_start3A_327 = arith.constant 1 : i32
    %dma_start3A_328 = arith.constant 0 : i32
    %dma_start3A_329 = arith.constant 0 : i32
    %dma_start3A_330 = tpu.memref_slice %arg7[%dma_start3A_327, %dma_start3A_328, %dma_start3A_329] : memref<3x32x1024xf32, #tpu.memory_space<vmem>> -> memref<1x8x1024xf32, #tpu.memory_space<vmem>>
    %dma_start3A_331 = tpu.memref_squeeze %dma_start3A_330 : memref<1x8x1024xf32, #tpu.memory_space<vmem>> -> memref<8x1024xf32, #tpu.memory_space<vmem>>
    %dma_start3A_332 = arith.constant 0 : i32
    %dma_start3A_333 = tpu.memref_slice %arg5[%add3A_326, %dma_start3A_332] : memref<32768x1024xf32, #tpu.memory_space<hbm>> -> memref<8x1024xf32, #tpu.memory_space<hbm>>
    %dma_start3A_334 = arith.constant 0 : i32
    %dma_start3A_335 = tpu.memref_slice %arg5[%add3A_326, %dma_start3A_334] : memref<32768x1024xf32, #tpu.memory_space<hbm>> -> memref<8x1024xf32, #tpu.memory_space<hbm>>
    %dma_start3A_336 = arith.constant 0 : i32
    %dma_start3A_337 = arith.constant 0 : i32
    %dma_start3A_338 = tpu.memref_slice %arg7[%dma_start3A_327, %dma_start3A_336, %dma_start3A_337] : memref<3x32x1024xf32, #tpu.memory_space<vmem>> -> memref<1x8x1024xf32, #tpu.memory_space<vmem>>
    %dma_start3A_339 = tpu.memref_squeeze %dma_start3A_338 : memref<1x8x1024xf32, #tpu.memory_space<vmem>> -> memref<8x1024xf32, #tpu.memory_space<vmem>>
    tpu.enqueue_dma source(%dma_start3A_339 : memref<8x1024xf32, #tpu.memory_space<vmem>>) target(%dma_start3A_335 : memref<8x1024xf32, #tpu.memory_space<hbm>>) target_semaphore(%arg16 : memref<!tpu.dma_semaphore, #tpu.memory_space<semaphore_mem>>)
    %add3A_340 = arith.constant 8192 : i32
    %add3A_341 = arith.addi %add3A_340, %mul3A_2 : i32
    %add3A_342 = arith.constant 248 : i32
    %add3A_343 = arith.addi %add3A_341, %add3A_342 : i32
    %dma_start3A_344 = arith.constant 1 : i32
    %dma_start3A_345 = arith.constant 8 : i32
    %dma_start3A_346 = arith.constant 0 : i32
    %dma_start3A_347 = tpu.memref_slice %arg7[%dma_start3A_344, %dma_start3A_345, %dma_start3A_346] : memref<3x32x1024xf32, #tpu.memory_space<vmem>> -> memref<1x8x1024xf32, #tpu.memory_space<vmem>>
    %dma_start3A_348 = tpu.memref_squeeze %dma_start3A_347 : memref<1x8x1024xf32, #tpu.memory_space<vmem>> -> memref<8x1024xf32, #tpu.memory_space<vmem>>
    %dma_start3A_349 = arith.constant 0 : i32
    %dma_start3A_350 = tpu.memref_slice %arg5[%add3A_343, %dma_start3A_349] : memref<32768x1024xf32, #tpu.memory_space<hbm>> -> memref<8x1024xf32, #tpu.memory_space<hbm>>
    %dma_start3A_351 = arith.constant 0 : i32
    %dma_start3A_352 = tpu.memref_slice %arg5[%add3A_343, %dma_start3A_351] : memref<32768x1024xf32, #tpu.memory_space<hbm>> -> memref<8x1024xf32, #tpu.memory_space<hbm>>
    %dma_start3A_353 = arith.constant 8 : i32
    %dma_start3A_354 = arith.constant 0 : i32
    %dma_start3A_355 = tpu.memref_slice %arg7[%dma_start3A_344, %dma_start3A_353, %dma_start3A_354] : memref<3x32x1024xf32, #tpu.memory_space<vmem>> -> memref<1x8x1024xf32, #tpu.memory_space<vmem>>
    %dma_start3A_356 = tpu.memref_squeeze %dma_start3A_355 : memref<1x8x1024xf32, #tpu.memory_space<vmem>> -> memref<8x1024xf32, #tpu.memory_space<vmem>>
    tpu.enqueue_dma source(%dma_start3A_356 : memref<8x1024xf32, #tpu.memory_space<vmem>>) target(%dma_start3A_352 : memref<8x1024xf32, #tpu.memory_space<hbm>>) target_semaphore(%arg16 : memref<!tpu.dma_semaphore, #tpu.memory_space<semaphore_mem>>)
    %add3A_357 = arith.constant 16384 : i32
    %add3A_358 = arith.addi %add3A_357, %mul3A_2 : i32
    %add3A_359 = arith.constant 248 : i32
    %add3A_360 = arith.addi %add3A_358, %add3A_359 : i32
    %dma_start3A_361 = arith.constant 1 : i32
    %dma_start3A_362 = arith.constant 16 : i32
    %dma_start3A_363 = arith.constant 0 : i32
    %dma_start3A_364 = tpu.memref_slice %arg7[%dma_start3A_361, %dma_start3A_362, %dma_start3A_363] : memref<3x32x1024xf32, #tpu.memory_space<vmem>> -> memref<1x8x1024xf32, #tpu.memory_space<vmem>>
    %dma_start3A_365 = tpu.memref_squeeze %dma_start3A_364 : memref<1x8x1024xf32, #tpu.memory_space<vmem>> -> memref<8x1024xf32, #tpu.memory_space<vmem>>
    %dma_start3A_366 = arith.constant 0 : i32
    %dma_start3A_367 = tpu.memref_slice %arg5[%add3A_360, %dma_start3A_366] : memref<32768x1024xf32, #tpu.memory_space<hbm>> -> memref<8x1024xf32, #tpu.memory_space<hbm>>
    %dma_start3A_368 = arith.constant 0 : i32
    %dma_start3A_369 = tpu.memref_slice %arg5[%add3A_360, %dma_start3A_368] : memref<32768x1024xf32, #tpu.memory_space<hbm>> -> memref<8x1024xf32, #tpu.memory_space<hbm>>
    %dma_start3A_370 = arith.constant 16 : i32
    %dma_start3A_371 = arith.constant 0 : i32
    %dma_start3A_372 = tpu.memref_slice %arg7[%dma_start3A_361, %dma_start3A_370, %dma_start3A_371] : memref<3x32x1024xf32, #tpu.memory_space<vmem>> -> memref<1x8x1024xf32, #tpu.memory_space<vmem>>
    %dma_start3A_373 = tpu.memref_squeeze %dma_start3A_372 : memref<1x8x1024xf32, #tpu.memory_space<vmem>> -> memref<8x1024xf32, #tpu.memory_space<vmem>>
    tpu.enqueue_dma source(%dma_start3A_373 : memref<8x1024xf32, #tpu.memory_space<vmem>>) target(%dma_start3A_369 : memref<8x1024xf32, #tpu.memory_space<hbm>>) target_semaphore(%arg16 : memref<!tpu.dma_semaphore, #tpu.memory_space<semaphore_mem>>)
    %add3A_374 = arith.constant 24576 : i32
    %add3A_375 = arith.addi %add3A_374, %mul3A_2 : i32
    %add3A_376 = arith.constant 248 : i32
    %add3A_377 = arith.addi %add3A_375, %add3A_376 : i32
    %dma_start3A_378 = arith.constant 1 : i32
    %dma_start3A_379 = arith.constant 24 : i32
    %dma_start3A_380 = arith.constant 0 : i32
    %dma_start3A_381 = tpu.memref_slice %arg7[%dma_start3A_378, %dma_start3A_379, %dma_start3A_380] : memref<3x32x1024xf32, #tpu.memory_space<vmem>> -> memref<1x8x1024xf32, #tpu.memory_space<vmem>>
    %dma_start3A_382 = tpu.memref_squeeze %dma_start3A_381 : memref<1x8x1024xf32, #tpu.memory_space<vmem>> -> memref<8x1024xf32, #tpu.memory_space<vmem>>
    %dma_start3A_383 = arith.constant 0 : i32
    %dma_start3A_384 = tpu.memref_slice %arg5[%add3A_377, %dma_start3A_383] : memref<32768x1024xf32, #tpu.memory_space<hbm>> -> memref<8x1024xf32, #tpu.memory_space<hbm>>
    %dma_start3A_385 = arith.constant 0 : i32
    %dma_start3A_386 = tpu.memref_slice %arg5[%add3A_377, %dma_start3A_385] : memref<32768x1024xf32, #tpu.memory_space<hbm>> -> memref<8x1024xf32, #tpu.memory_space<hbm>>
    %dma_start3A_387 = arith.constant 24 : i32
    %dma_start3A_388 = arith.constant 0 : i32
    %dma_start3A_389 = tpu.memref_slice %arg7[%dma_start3A_378, %dma_start3A_387, %dma_start3A_388] : memref<3x32x1024xf32, #tpu.memory_space<vmem>> -> memref<1x8x1024xf32, #tpu.memory_space<vmem>>
    %dma_start3A_390 = tpu.memref_squeeze %dma_start3A_389 : memref<1x8x1024xf32, #tpu.memory_space<vmem>> -> memref<8x1024xf32, #tpu.memory_space<vmem>>
    tpu.enqueue_dma source(%dma_start3A_390 : memref<8x1024xf32, #tpu.memory_space<vmem>>) target(%dma_start3A_386 : memref<8x1024xf32, #tpu.memory_space<hbm>>) target_semaphore(%arg16 : memref<!tpu.dma_semaphore, #tpu.memory_space<semaphore_mem>>)
    %add3A_391 = arith.constant 0 : i32
    %add3A_392 = arith.addi %add3A_391, %mul3A_2 : i32
    %add3A_393 = arith.constant 240 : i32
    %add3A_394 = arith.addi %add3A_392, %add3A_393 : i32
    %dma_wait3A_395 = arith.constant 0 : i32
    %dma_wait3A_396 = arith.constant 0 : i32
    %dma_wait3A_397 = arith.constant 0 : i32
    %dma_wait3A_398 = tpu.memref_slice %arg7[%dma_wait3A_395, %dma_wait3A_396, %dma_wait3A_397] : memref<3x32x1024xf32, #tpu.memory_space<vmem>> -> memref<1x8x1024xf32, #tpu.memory_space<vmem>>
    %dma_wait3A_399 = tpu.memref_squeeze %dma_wait3A_398 : memref<1x8x1024xf32, #tpu.memory_space<vmem>> -> memref<8x1024xf32, #tpu.memory_space<vmem>>
    %dma_wait3A_400 = arith.constant 0 : i32
    %dma_wait3A_401 = tpu.memref_slice %arg5[%add3A_394, %dma_wait3A_400] : memref<32768x1024xf32, #tpu.memory_space<hbm>> -> memref<8x1024xf32, #tpu.memory_space<hbm>>
    %dma_wait3A_402 = arith.constant 0 : i32
    %dma_wait3A_403 = tpu.memref_slice %arg5[%add3A_394, %dma_wait3A_402] : memref<32768x1024xf32, #tpu.memory_space<hbm>> -> memref<8x1024xf32, #tpu.memory_space<hbm>>
    %dma_wait3A_404 = arith.constant 0 : i32
    %dma_wait3A_405 = arith.constant 0 : i32
    %dma_wait3A_406 = tpu.memref_slice %arg7[%dma_wait3A_395, %dma_wait3A_404, %dma_wait3A_405] : memref<3x32x1024xf32, #tpu.memory_space<vmem>> -> memref<1x8x1024xf32, #tpu.memory_space<vmem>>
    %dma_wait3A_407 = tpu.memref_squeeze %dma_wait3A_406 : memref<1x8x1024xf32, #tpu.memory_space<vmem>> -> memref<8x1024xf32, #tpu.memory_space<vmem>>
    tpu.wait_dma2 semaphore(%arg15 : memref<!tpu.dma_semaphore, #tpu.memory_space<semaphore_mem>>) src(%dma_wait3A_407 : memref<8x1024xf32, #tpu.memory_space<vmem>>) dst(%dma_wait3A_403 : memref<8x1024xf32, #tpu.memory_space<hbm>>)
    %add3A_408 = arith.constant 8192 : i32
    %add3A_409 = arith.addi %add3A_408, %mul3A_2 : i32
    %add3A_410 = arith.constant 240 : i32
    %add3A_411 = arith.addi %add3A_409, %add3A_410 : i32
    %dma_wait3A_412 = arith.constant 0 : i32
    %dma_wait3A_413 = arith.constant 8 : i32
    %dma_wait3A_414 = arith.constant 0 : i32
    %dma_wait3A_415 = tpu.memref_slice %arg7[%dma_wait3A_412, %dma_wait3A_413, %dma_wait3A_414] : memref<3x32x1024xf32, #tpu.memory_space<vmem>> -> memref<1x8x1024xf32, #tpu.memory_space<vmem>>
    %dma_wait3A_416 = tpu.memref_squeeze %dma_wait3A_415 : memref<1x8x1024xf32, #tpu.memory_space<vmem>> -> memref<8x1024xf32, #tpu.memory_space<vmem>>
    %dma_wait3A_417 = arith.constant 0 : i32
    %dma_wait3A_418 = tpu.memref_slice %arg5[%add3A_411, %dma_wait3A_417] : memref<32768x1024xf32, #tpu.memory_space<hbm>> -> memref<8x1024xf32, #tpu.memory_space<hbm>>
    %dma_wait3A_419 = arith.constant 0 : i32
    %dma_wait3A_420 = tpu.memref_slice %arg5[%add3A_411, %dma_wait3A_419] : memref<32768x1024xf32, #tpu.memory_space<hbm>> -> memref<8x1024xf32, #tpu.memory_space<hbm>>
    %dma_wait3A_421 = arith.constant 8 : i32
    %dma_wait3A_422 = arith.constant 0 : i32
    %dma_wait3A_423 = tpu.memref_slice %arg7[%dma_wait3A_412, %dma_wait3A_421, %dma_wait3A_422] : memref<3x32x1024xf32, #tpu.memory_space<vmem>> -> memref<1x8x1024xf32, #tpu.memory_space<vmem>>
    %dma_wait3A_424 = tpu.memref_squeeze %dma_wait3A_423 : memref<1x8x1024xf32, #tpu.memory_space<vmem>> -> memref<8x1024xf32, #tpu.memory_space<vmem>>
    tpu.wait_dma2 semaphore(%arg15 : memref<!tpu.dma_semaphore, #tpu.memory_space<semaphore_mem>>) src(%dma_wait3A_424 : memref<8x1024xf32, #tpu.memory_space<vmem>>) dst(%dma_wait3A_420 : memref<8x1024xf32, #tpu.memory_space<hbm>>)
    %add3A_425 = arith.constant 16384 : i32
    %add3A_426 = arith.addi %add3A_425, %mul3A_2 : i32
    %add3A_427 = arith.constant 240 : i32
    %add3A_428 = arith.addi %add3A_426, %add3A_427 : i32
    %dma_wait3A_429 = arith.constant 0 : i32
    %dma_wait3A_430 = arith.constant 16 : i32
    %dma_wait3A_431 = arith.constant 0 : i32
    %dma_wait3A_432 = tpu.memref_slice %arg7[%dma_wait3A_429, %dma_wait3A_430, %dma_wait3A_431] : memref<3x32x1024xf32, #tpu.memory_space<vmem>> -> memref<1x8x1024xf32, #tpu.memory_space<vmem>>
    %dma_wait3A_433 = tpu.memref_squeeze %dma_wait3A_432 : memref<1x8x1024xf32, #tpu.memory_space<vmem>> -> memref<8x1024xf32, #tpu.memory_space<vmem>>
    %dma_wait3A_434 = arith.constant 0 : i32
    %dma_wait3A_435 = tpu.memref_slice %arg5[%add3A_428, %dma_wait3A_434] : memref<32768x1024xf32, #tpu.memory_space<hbm>> -> memref<8x1024xf32, #tpu.memory_space<hbm>>
    %dma_wait3A_436 = arith.constant 0 : i32
    %dma_wait3A_437 = tpu.memref_slice %arg5[%add3A_428, %dma_wait3A_436] : memref<32768x1024xf32, #tpu.memory_space<hbm>> -> memref<8x1024xf32, #tpu.memory_space<hbm>>
    %dma_wait3A_438 = arith.constant 16 : i32
    %dma_wait3A_439 = arith.constant 0 : i32
    %dma_wait3A_440 = tpu.memref_slice %arg7[%dma_wait3A_429, %dma_wait3A_438, %dma_wait3A_439] : memref<3x32x1024xf32, #tpu.memory_space<vmem>> -> memref<1x8x1024xf32, #tpu.memory_space<vmem>>
    %dma_wait3A_441 = tpu.memref_squeeze %dma_wait3A_440 : memref<1x8x1024xf32, #tpu.memory_space<vmem>> -> memref<8x1024xf32, #tpu.memory_space<vmem>>
    tpu.wait_dma2 semaphore(%arg15 : memref<!tpu.dma_semaphore, #tpu.memory_space<semaphore_mem>>) src(%dma_wait3A_441 : memref<8x1024xf32, #tpu.memory_space<vmem>>) dst(%dma_wait3A_437 : memref<8x1024xf32, #tpu.memory_space<hbm>>)
    %add3A_442 = arith.constant 24576 : i32
    %add3A_443 = arith.addi %add3A_442, %mul3A_2 : i32
    %add3A_444 = arith.constant 240 : i32
    %add3A_445 = arith.addi %add3A_443, %add3A_444 : i32
    %dma_wait3A_446 = arith.constant 0 : i32
    %dma_wait3A_447 = arith.constant 24 : i32
    %dma_wait3A_448 = arith.constant 0 : i32
    %dma_wait3A_449 = tpu.memref_slice %arg7[%dma_wait3A_446, %dma_wait3A_447, %dma_wait3A_448] : memref<3x32x1024xf32, #tpu.memory_space<vmem>> -> memref<1x8x1024xf32, #tpu.memory_space<vmem>>
    %dma_wait3A_450 = tpu.memref_squeeze %dma_wait3A_449 : memref<1x8x1024xf32, #tpu.memory_space<vmem>> -> memref<8x1024xf32, #tpu.memory_space<vmem>>
    %dma_wait3A_451 = arith.constant 0 : i32
    %dma_wait3A_452 = tpu.memref_slice %arg5[%add3A_445, %dma_wait3A_451] : memref<32768x1024xf32, #tpu.memory_space<hbm>> -> memref<8x1024xf32, #tpu.memory_space<hbm>>
    %dma_wait3A_453 = arith.constant 0 : i32
    %dma_wait3A_454 = tpu.memref_slice %arg5[%add3A_445, %dma_wait3A_453] : memref<32768x1024xf32, #tpu.memory_space<hbm>> -> memref<8x1024xf32, #tpu.memory_space<hbm>>
    %dma_wait3A_455 = arith.constant 24 : i32
    %dma_wait3A_456 = arith.constant 0 : i32
    %dma_wait3A_457 = tpu.memref_slice %arg7[%dma_wait3A_446, %dma_wait3A_455, %dma_wait3A_456] : memref<3x32x1024xf32, #tpu.memory_space<vmem>> -> memref<1x8x1024xf32, #tpu.memory_space<vmem>>
    %dma_wait3A_458 = tpu.memref_squeeze %dma_wait3A_457 : memref<1x8x1024xf32, #tpu.memory_space<vmem>> -> memref<8x1024xf32, #tpu.memory_space<vmem>>
    tpu.wait_dma2 semaphore(%arg15 : memref<!tpu.dma_semaphore, #tpu.memory_space<semaphore_mem>>) src(%dma_wait3A_458 : memref<8x1024xf32, #tpu.memory_space<vmem>>) dst(%dma_wait3A_454 : memref<8x1024xf32, #tpu.memory_space<hbm>>)
    %add3A_459 = arith.constant 0 : i32
    %add3A_460 = arith.addi %add3A_459, %mul3A_2 : i32
    %add3A_461 = arith.constant 248 : i32
    %add3A_462 = arith.addi %add3A_460, %add3A_461 : i32
    %dma_wait3A_463 = arith.constant 1 : i32
    %dma_wait3A_464 = arith.constant 0 : i32
    %dma_wait3A_465 = arith.constant 0 : i32
    %dma_wait3A_466 = tpu.memref_slice %arg7[%dma_wait3A_463, %dma_wait3A_464, %dma_wait3A_465] : memref<3x32x1024xf32, #tpu.memory_space<vmem>> -> memref<1x8x1024xf32, #tpu.memory_space<vmem>>
    %dma_wait3A_467 = tpu.memref_squeeze %dma_wait3A_466 : memref<1x8x1024xf32, #tpu.memory_space<vmem>> -> memref<8x1024xf32, #tpu.memory_space<vmem>>
    %dma_wait3A_468 = arith.constant 0 : i32
    %dma_wait3A_469 = tpu.memref_slice %arg5[%add3A_462, %dma_wait3A_468] : memref<32768x1024xf32, #tpu.memory_space<hbm>> -> memref<8x1024xf32, #tpu.memory_space<hbm>>
    %dma_wait3A_470 = arith.constant 0 : i32
    %dma_wait3A_471 = tpu.memref_slice %arg5[%add3A_462, %dma_wait3A_470] : memref<32768x1024xf32, #tpu.memory_space<hbm>> -> memref<8x1024xf32, #tpu.memory_space<hbm>>
    %dma_wait3A_472 = arith.constant 0 : i32
    %dma_wait3A_473 = arith.constant 0 : i32
    %dma_wait3A_474 = tpu.memref_slice %arg7[%dma_wait3A_463, %dma_wait3A_472, %dma_wait3A_473] : memref<3x32x1024xf32, #tpu.memory_space<vmem>> -> memref<1x8x1024xf32, #tpu.memory_space<vmem>>
    %dma_wait3A_475 = tpu.memref_squeeze %dma_wait3A_474 : memref<1x8x1024xf32, #tpu.memory_space<vmem>> -> memref<8x1024xf32, #tpu.memory_space<vmem>>
    tpu.wait_dma2 semaphore(%arg16 : memref<!tpu.dma_semaphore, #tpu.memory_space<semaphore_mem>>) src(%dma_wait3A_475 : memref<8x1024xf32, #tpu.memory_space<vmem>>) dst(%dma_wait3A_471 : memref<8x1024xf32, #tpu.memory_space<hbm>>)
    %add3A_476 = arith.constant 8192 : i32
    %add3A_477 = arith.addi %add3A_476, %mul3A_2 : i32
    %add3A_478 = arith.constant 248 : i32
    %add3A_479 = arith.addi %add3A_477, %add3A_478 : i32
    %dma_wait3A_480 = arith.constant 1 : i32
    %dma_wait3A_481 = arith.constant 8 : i32
    %dma_wait3A_482 = arith.constant 0 : i32
    %dma_wait3A_483 = tpu.memref_slice %arg7[%dma_wait3A_480, %dma_wait3A_481, %dma_wait3A_482] : memref<3x32x1024xf32, #tpu.memory_space<vmem>> -> memref<1x8x1024xf32, #tpu.memory_space<vmem>>
    %dma_wait3A_484 = tpu.memref_squeeze %dma_wait3A_483 : memref<1x8x1024xf32, #tpu.memory_space<vmem>> -> memref<8x1024xf32, #tpu.memory_space<vmem>>
    %dma_wait3A_485 = arith.constant 0 : i32
    %dma_wait3A_486 = tpu.memref_slice %arg5[%add3A_479, %dma_wait3A_485] : memref<32768x1024xf32, #tpu.memory_space<hbm>> -> memref<8x1024xf32, #tpu.memory_space<hbm>>
    %dma_wait3A_487 = arith.constant 0 : i32
    %dma_wait3A_488 = tpu.memref_slice %arg5[%add3A_479, %dma_wait3A_487] : memref<32768x1024xf32, #tpu.memory_space<hbm>> -> memref<8x1024xf32, #tpu.memory_space<hbm>>
    %dma_wait3A_489 = arith.constant 8 : i32
    %dma_wait3A_490 = arith.constant 0 : i32
    %dma_wait3A_491 = tpu.memref_slice %arg7[%dma_wait3A_480, %dma_wait3A_489, %dma_wait3A_490] : memref<3x32x1024xf32, #tpu.memory_space<vmem>> -> memref<1x8x1024xf32, #tpu.memory_space<vmem>>
    %dma_wait3A_492 = tpu.memref_squeeze %dma_wait3A_491 : memref<1x8x1024xf32, #tpu.memory_space<vmem>> -> memref<8x1024xf32, #tpu.memory_space<vmem>>
    tpu.wait_dma2 semaphore(%arg16 : memref<!tpu.dma_semaphore, #tpu.memory_space<semaphore_mem>>) src(%dma_wait3A_492 : memref<8x1024xf32, #tpu.memory_space<vmem>>) dst(%dma_wait3A_488 : memref<8x1024xf32, #tpu.memory_space<hbm>>)
    %add3A_493 = arith.constant 16384 : i32
    %add3A_494 = arith.addi %add3A_493, %mul3A_2 : i32
    %add3A_495 = arith.constant 248 : i32
    %add3A_496 = arith.addi %add3A_494, %add3A_495 : i32
    %dma_wait3A_497 = arith.constant 1 : i32
    %dma_wait3A_498 = arith.constant 16 : i32
    %dma_wait3A_499 = arith.constant 0 : i32
    %dma_wait3A_500 = tpu.memref_slice %arg7[%dma_wait3A_497, %dma_wait3A_498, %dma_wait3A_499] : memref<3x32x1024xf32, #tpu.memory_space<vmem>> -> memref<1x8x1024xf32, #tpu.memory_space<vmem>>
    %dma_wait3A_501 = tpu.memref_squeeze %dma_wait3A_500 : memref<1x8x1024xf32, #tpu.memory_space<vmem>> -> memref<8x1024xf32, #tpu.memory_space<vmem>>
    %dma_wait3A_502 = arith.constant 0 : i32
    %dma_wait3A_503 = tpu.memref_slice %arg5[%add3A_496, %dma_wait3A_502] : memref<32768x1024xf32, #tpu.memory_space<hbm>> -> memref<8x1024xf32, #tpu.memory_space<hbm>>
    %dma_wait3A_504 = arith.constant 0 : i32
    %dma_wait3A_505 = tpu.memref_slice %arg5[%add3A_496, %dma_wait3A_504] : memref<32768x1024xf32, #tpu.memory_space<hbm>> -> memref<8x1024xf32, #tpu.memory_space<hbm>>
    %dma_wait3A_506 = arith.constant 16 : i32
    %dma_wait3A_507 = arith.constant 0 : i32
    %dma_wait3A_508 = tpu.memref_slice %arg7[%dma_wait3A_497, %dma_wait3A_506, %dma_wait3A_507] : memref<3x32x1024xf32, #tpu.memory_space<vmem>> -> memref<1x8x1024xf32, #tpu.memory_space<vmem>>
    %dma_wait3A_509 = tpu.memref_squeeze %dma_wait3A_508 : memref<1x8x1024xf32, #tpu.memory_space<vmem>> -> memref<8x1024xf32, #tpu.memory_space<vmem>>
    tpu.wait_dma2 semaphore(%arg16 : memref<!tpu.dma_semaphore, #tpu.memory_space<semaphore_mem>>) src(%dma_wait3A_509 : memref<8x1024xf32, #tpu.memory_space<vmem>>) dst(%dma_wait3A_505 : memref<8x1024xf32, #tpu.memory_space<hbm>>)
    %add3A_510 = arith.constant 24576 : i32
    %add3A_511 = arith.addi %add3A_510, %mul3A_2 : i32
    %add3A_512 = arith.constant 248 : i32
    %add3A_513 = arith.addi %add3A_511, %add3A_512 : i32
    %dma_wait3A_514 = arith.constant 1 : i32
    %dma_wait3A_515 = arith.constant 24 : i32
    %dma_wait3A_516 = arith.constant 0 : i32
    %dma_wait3A_517 = tpu.memref_slice %arg7[%dma_wait3A_514, %dma_wait3A_515, %dma_wait3A_516] : memref<3x32x1024xf32, #tpu.memory_space<vmem>> -> memref<1x8x1024xf32, #tpu.memory_space<vmem>>
    %dma_wait3A_518 = tpu.memref_squeeze %dma_wait3A_517 : memref<1x8x1024xf32, #tpu.memory_space<vmem>> -> memref<8x1024xf32, #tpu.memory_space<vmem>>
    %dma_wait3A_519 = arith.constant 0 : i32
    %dma_wait3A_520 = tpu.memref_slice %arg5[%add3A_513, %dma_wait3A_519] : memref<32768x1024xf32, #tpu.memory_space<hbm>> -> memref<8x1024xf32, #tpu.memory_space<hbm>>
    %dma_wait3A_521 = arith.constant 0 : i32
    %dma_wait3A_522 = tpu.memref_slice %arg5[%add3A_513, %dma_wait3A_521] : memref<32768x1024xf32, #tpu.memory_space<hbm>> -> memref<8x1024xf32, #tpu.memory_space<hbm>>
    %dma_wait3A_523 = arith.constant 24 : i32
    %dma_wait3A_524 = arith.constant 0 : i32
    %dma_wait3A_525 = tpu.memref_slice %arg7[%dma_wait3A_514, %dma_wait3A_523, %dma_wait3A_524] : memref<3x32x1024xf32, #tpu.memory_space<vmem>> -> memref<1x8x1024xf32, #tpu.memory_space<vmem>>
    %dma_wait3A_526 = tpu.memref_squeeze %dma_wait3A_525 : memref<1x8x1024xf32, #tpu.memory_space<vmem>> -> memref<8x1024xf32, #tpu.memory_space<vmem>>
    tpu.wait_dma2 semaphore(%arg16 : memref<!tpu.dma_semaphore, #tpu.memory_space<semaphore_mem>>) src(%dma_wait3A_526 : memref<8x1024xf32, #tpu.memory_space<vmem>>) dst(%dma_wait3A_522 : memref<8x1024xf32, #tpu.memory_space<hbm>>)
    return
  }
}

</mosaic_0001>

<sc_bundles>
// kernel: kernel.3.cloned.1.call-start
scs
__scs_entry_jumppad:
0x0: {  	(pc) =	sbr.rel $0x88, $3  }
0x1: {  	(tag) =	ssettag $0x0;
	lr =	simm.s32 $0x1  }
0x2: {  	[smem:$0x3F9E] =	sst lr;
	_ =	strace $0xD0000000  }
0x3: {  	_ = 	snop  }
0x4: {  	_ = 	snop  }
0x5: {  	_ = 	snop  }
0x6: {  	_ = 	snop  }
0x7: {  	_ = 	snop  }
__scs_overlays_trampoline_lowered:
0x8: {  	[smem:$0x3FAD] =	sst s0  }
0x9: {  	[smem:$0x3FAE] =	sst s1  }
0xa: {  	[smem:$0x3FAF] =	sst s2  }
0xb: {  	[smem:$0x3FB0] =	sst s3  }
0xc: {  	[smem:$0x3FB1] =	sst s4  }
0xd: {  	[smem:$0x3FB2] =	sst s5  }
0xe: {  	[smem:$0x3FB3] =	sst s6  }
0xf: {  	[smem:$0x3FB4] =	sst s7  }
0x10: {  	[smem:$0x3FB5] =	sst s8  }
0x11: {  	[smem:$0x3FB6] =	sst s9;
	s0 =	simm.s32 @!p0 $0x0  }
0x12: {  	s1 =	sld [smem:$0x3F9C];
	s0 =	simm.s32 @p0 $0x1  }
0x13: {  	[smem:$0x3FB7] =	sst s0;
	s0 =	simm.s32 @!p1 $0x0  }
0x14: {  	s2 =	sld [smem:$0x3F9B];
	s0 =	simm.s32 @p1 $0x1  }
0x15: {  	[smem:$0x3FB8] =	sst s0;
	s0 =	simm.s32 @!p2 $0x0  }
0x16: {  	s3 =	sld [smem:$0x3FDB];
	s0 =	simm.s32 @p2 $0x1  }
0x17: {  	s4 =	simm.s32 $0x1BF5;
	[smem:$0x3FBA] =	sst s0  }
0x18: {  	s0 =	sld [smem:$0x3F9D];
	_ =	swait.ge [sflag:s4], $0x0  }
0x19: {  	s7 =	sld [smem:$0x3F9E]  }
0x1a: {  	s8 =	sadd.s32 $0xFFFFE003, lr  }
0x1b: {  	s9 =	sadd.s32 $0xFFFFFEF7, lr;
	s5 =	simm.s32 $0xFFFFFFFF;
	p2 =	slt.u32 s8, $0xFFFFF086  }
0x1c: {  	p1 =	slt.u32 s9, $0xF7A;
	s5 =	simm.s32 @!p2 $0x0  }
0x1d: {  	s5 =	simm.s32 @p1 $0x1;
	p0 =	seq.s32 s7, s2  }
0x1e: {  	s7 =	smul.u32 @!p0 $0xF7A, s2;
	p2 =	seq.s32 @!p0 s5, $0x0  }
0x1f: {  	s9 =	smul.u32 $0xF7A, s1;
	s8 =	simm.s32 @!p0 $0x1BF5;
	p2 =	por !p2, p0  }
0x20: {  	[sflag:s8] =	ssyncset.s32 @!p0 $0xFFFFF086;
	s6 =	sadd.s32 @!p0 s3, s7;
	s7 =	simm.s32 @!p0 $0x108  }
0x21: {  	s3 =	sadd.s32 s3, s9;
	s6 =	sadd.s32 @!p0 $0x88, s6;
	s7 =	simm.s32 @p2 $0x1082  }
0x22: {  	[simem:s7], [sflag:s8] =	dma.local @!p0 [hbm:s6], $0xF7A  }
0x23: {  	s9 =	sor.u32 $0xD0000000, s2;
	s6 =	simm.s32 $0x108;
	_ =	swait.ge @!p0 [sflag:s8], $0x0  }
0x24: {  	s3 =	sadd.s32 $0x88, s3;
	s6 =	simm.s32 @!p1 $0x1082;
	[sflag:s4] =	ssyncset.s32 $0xFFFFF086  }
0x25: {  	[simem:s6], [sflag:s4] =	dma.local [hbm:s3], $0xF7A  }
0x26: {  	[smem:$0x3F9E] =	sst s1;
	(tag) =	ssettag s2;
	_ =	strace s9  }
0x27: {  	s1 =	sld [smem:$0x3FAE]  }
0x28: {  	s2 =	sld [smem:$0x3FAF]  }
0x29: {  	s4 =	sld [smem:$0x3FB1]  }
0x2a: {  	p0 =	seq.s32 s5, $0x0;
	s5 =	sld [smem:$0x3FB2]  }
0x2b: {  	s6 =	sld [smem:$0x3FB3]  }
0x2c: {  	s7 =	sld [smem:$0x3FB4]  }
0x2d: {  	s3 =	simm.s32 $0x108;
	s8 =	sld [smem:$0x3FB5]  }
0x2e: {  	s3 =	simm.s32 @!p0 $0x1082;
	s9 =	sld [smem:$0x3FB6]  }
0x2f: {  	lr =	sadd.s32 s0, s3;
	s0 =	sld [smem:$0x3FAD]  }
0x30: {  	s3 =	sld [smem:$0x3FB0]  }
0x31: {  	[smem:$0x3FB9] =	sst s10  }
0x32: {  	s10 =	sld [smem:$0x3FB7];
	_ =	sdelay $0x3  }
0x33: {  	p0 =	seq.s32 s10, $0x1;
	s10 =	sld [smem:$0x3FB9];
	_ =	sdelay $0x3  }
0x34: {  	[smem:$0x3FB9] =	sst s10  }
0x35: {  	s10 =	sld [smem:$0x3FB8];
	_ =	sdelay $0x3  }
0x36: {  	p1 =	seq.s32 s10, $0x1;
	s10 =	sld [smem:$0x3FB9];
	_ =	sdelay $0x3  }
0x37: {  	[smem:$0x3FB9] =	sst s10  }
0x38: {  	s10 =	sld [smem:$0x3FBA]  }
0x39: {  	_ = 	snop;
	(pc) =	sbr.ind lr, $3  }
0x3a: {  	_ = 	snop  }
0x3b: {  	_ = 	snop  }
0x3c: {  	p2 =	seq.s32 s10, $0x1;
	s10 =	sld [smem:$0x3FB9]  }
0x3d: {  	_ =	shalt  }
0x3e: {  	_ =	shalt  }
0x3f: {  	_ =	shalt  }
0x40: {  	_ =	shalt  }
0x41: {  	_ =	shalt  }
0x42: {  	_ =	shalt  }
0x43: {  	_ =	shalt  }
0x44: {  	_ =	shalt  }
0x45: {  	_ =	shalt  }
0x46: {  	_ =	shalt  }
0x47: {  	_ =	shalt  }
0x48: {  	_ =	shalt  }
0x49: {  	_ =	shalt  }
0x4a: {  	_ =	shalt  }
0x4b: {  	_ =	shalt  }
0x4c: {  	_ =	shalt  }
0x4d: {  	_ =	shalt  }
0x4e: {  	_ =	shalt  }
0x4f: {  	_ =	shalt  }
0x50: {  	_ =	shalt  }
0x51: {  	_ =	shalt  }
0x52: {  	_ =	shalt  }
0x53: {  	_ =	shalt  }
0x54: {  	_ =	shalt  }
0x55: {  	_ =	shalt  }
0x56: {  	_ =	shalt  }
0x57: {  	_ =	shalt  }
0x58: {  	_ =	shalt  }
0x59: {  	_ =	shalt  }
0x5a: {  	_ =	shalt  }
0x5b: {  	_ =	shalt  }
0x5c: {  	_ =	shalt  }
0x5d: {  	_ =	shalt  }
0x5e: {  	_ =	shalt  }
0x5f: {  	_ =	shalt  }
0x60: {  	_ =	shalt  }
0x61: {  	_ =	shalt  }
0x62: {  	_ =	shalt  }
0x63: {  	_ =	shalt  }
0x64: {  	_ =	shalt  }
0x65: {  	_ =	shalt  }
0x66: {  	_ =	shalt  }
0x67: {  	_ =	shalt  }
0x68: {  	_ =	shalt  }
0x69: {  	_ =	shalt  }
0x6a: {  	_ =	shalt  }
0x6b: {  	_ =	shalt  }
0x6c: {  	_ =	shalt  }
0x6d: {  	_ =	shalt  }
0x6e: {  	_ =	shalt  }
0x6f: {  	_ =	shalt  }
0x70: {  	_ =	shalt  }
0x71: {  	_ =	shalt  }
0x72: {  	_ =	shalt  }
0x73: {  	_ =	shalt  }
0x74: {  	_ =	shalt  }
0x75: {  	_ =	shalt  }
0x76: {  	_ =	shalt  }
0x77: {  	_ =	shalt  }
0x78: {  	_ =	shalt  }
0x79: {  	_ =	shalt  }
0x7a: {  	_ =	shalt  }
0x7b: {  	_ =	shalt  }
0x7c: {  	_ =	shalt  }
0x7d: {  	_ =	shalt  }
0x7e: {  	_ =	shalt  }
0x7f: {  	_ =	shalt  }
0x80: {  	_ =	shalt  }
0x81: {  	_ =	shalt  }
0x82: {  	_ =	shalt  }
0x83: {  	_ =	shalt  }
0x84: {  	_ =	shalt  }
0x85: {  	_ =	shalt  }
0x86: {  	_ =	shalt  }
0x87: {  	_ =	shalt  }
.Lfunc_end0:
.L_simem_size_0:
called_computation_lowered:
.L_overlay_start_0:
0x88: {  	s2 =	sld [smem:$0x3FD9]  }
0x89: {  	s3 =	sld [smem:$0x3FFE];
	_ =	sdelay $0x1  }
0x8a: {  	s1 =	srdreg.scid  }
0x8b: {  	s0 =	sand.u32 $0x1, s1  }
0x8c: {  	s17 =	sshll.u32 s0, $0xA;
	s2 =	sadd.s32 s3, s2  }
0x8d: {  	s2 =	sadd.s32 s2, s17  }
0x8e: {  	[smem:$0x3FC5] =	sst s2  }
0x8f: {  	_ = 	snop  }
0x90: {  	s2 =	sld [smem:$0x3FC8]  }
0x91: {  	s18 =	sld [smem:$0x3FC7]  }
0x92: {  	s4 =	sld [smem:$0x3FD0];
	(tm) =	ssettm $0x1  }
0x93: {  	s5 =	sld [smem:$0x3FFB];
	_ =	sdelay $0x3  }
0x94: {  	_ =	strace s5  }
0x95: {  	s5 =	sld [smem:$0x3FFC];
	_ =	sdelay $0x3  }
0x96: {  	_ =	strace s5  }
0x97: {  	s5 =	sld [smem:$0x3FFD];
	_ =	sdelay $0x3  }
0x98: {  	_ =	strace s5  }
0x99: {  	_ =	strace $0x8FFFFFFF  }
0x9a: {  	s19 =	sld [smem:$0x3FDB];
	_ =	sdelay $0x1  }
0x9b: {  	s6 =	simm.s32 $_scs_section_size  }
0x9c: {  	s7 =	simm.s32 $_size__tile_overlayer_lowered;
	s8 =	simm.s32 $_tile_overlayer_lowered  }
0x9d: {  	s22 =	simm.s32 $0x1BFF;
	s21 =	sshll.u32 s8, $0x1;
	s5 =	sadd.s32 s6, s19  }
0x9e: {  	s9 =	simm.s32 $0x0;
	s20 =	sshll.u32 s7, $0x1;
	s7 =	sadd.s32 s21, s5  }
0x9f: {  	[timem:s9], [sflag:s22] =	dma.local [hbm:s7], s20  }
0xa0: {  	_ =	swait.ge [sflag:s22], s20  }
0xa1: {  	s6 =	ssub.s32 $0x0, s20;
	[sflag:s22] =	ssyncset.done $0x0  }
0xa2: {  	[sflag:s22] =	ssyncadd.s32 s6;
	_ =	sdelay $0x1  }
0xa3: {  	s23 =	simm.s32 $0x1B8B  }
0xa4: {  	_ =	swait.ge [sflag:s23], $0x1  }
0xa5: {  	[sflag:s23] =	ssyncset.done $0x0  }
0xa6: {  	s25 =	simm.s32 $0x1B8E;
	s24 =	sld [smem:$0x3FFE];
	[sflag:s23] =	ssyncadd.s32 $0xFFFFFFFF  }
0xa7: {  	s26 =	simm.s32 $execute0_lowered;
	[smem:$0x3FD2] =	sst s25  }
0xa8: {  	s7 =	sshll.u32 s26, $0x1;
	_ =	strace $0x80000046;
	[dreg:$0x1] =	wrdreg $0xFFFFFFFF  }
0xa9: {  	s28 =	simm.s32 $_size_execute0_lowered;
	s5 =	sadd.s32 s5, s7;
	[dreg:$0x0] =	wrdreg $0x0  }
0xaa: {  	s7 =	sshll.u32 s28, $0x1;
	[dreg:$0x2] =	wrdreg s5  }
0xab: {  	[dreg:$0x3] =	wrdreg s7  }
0xac: {  	[dreg:$0x4] =	wrdreg $0xC0  }
0xad: {  	_ =	task [dreg:s9], $0x5FFFF  }
0xae: {  	[dreg:$0x1] =	wrdreg $0xFFFFFFFF  }
0xaf: {  	[dreg:$0x0] =	wrdreg $0x60  }
0xb0: {  	[dreg:$0x2] =	wrdreg s24  }
0xb1: {  	[dreg:$0x3] =	wrdreg s2  }
0xb2: {  	[dreg:$0x4] =	wrdreg s18  }
0xb3: {  	[dreg:$0x5] =	wrdreg s4  }
0xb4: {  	[dreg:$0x6] =	wrdreg $0x9  }
0xb5: {  	_ =	task.clear_ibuf [dreg:s9], $0x7FFFF;
	_ =	strace $0x90000046  }
0xb6: {  	s29 =	simm.s32 $0x9;
	_ =	strace $0x80000048  }
0xb7: {  	_ =	swait.ge [sflag:s29], $0x1  }
0xb8: {  	[sflag:s29] =	ssyncadd.s32 $0xFFFFFFFF  }
0xb9: {  	_ =	strace $0x90000048  }
0xba: {  	_ =	sfence  }
0xbb: {  	s30 =	sld [smem:$0x0];
	_ =	sdelay $0x2  }
0xbc: {  	s31 =	sshll.u32 s1, $0xD;
	s1 =	sshrl.u32 s1, $0x2  }
0xbd: {  	s3 =	sand.u32 $0x4000, s31;
	s1 =	sadd.s32 s1, s30  }
0xbe: {  	s0 =	sor.u32 s3, s0;
	s1 =	sshll.u32 s1, $0x11  }
0xbf: {  	s0 =	sor.u32 s1, s0  }
0xc0: {  	s0 =	sadd.s32 $0x8F2B, s0  }
0xc1: {  	[sflag:s0] =	ssyncadd.remote.s32 $0x1  }
0xc2: {  	_ =	sfence.sel $0xFFFF  }
0xc3: {  	[dreg:$0x0] =	wrdreg $0xFFFFFFFF;
	(pc) =	sbr.abs _section_cstart, $3  }
0xc4: {  	[dreg:$0x1] =	wrdreg $0xFFFFFFFF  }
0xc5: {  	_ =	task.clear_ibuf [dreg:s9], $0x2FFFF;
	_ =	strace $0x9FFFFFFF  }
0xc6: {  	(tm) =	ssettm $0x7FFFFFFF  }
0xc7: {  	_ =	shalt  }
tec
execute0_lowered:
.L_overlay_start_1:
0x0: {  	(tag) =	ssettag $0x1  }
0x1: {  	s0 =	rddreg [dreg:$0x0]  }
0x2: {  	s2 =	rddreg [dreg:$0x1]  }
0x3: {  	s1 =	rddreg [dreg:$0x2]  }
0x4: {  	s3 =	rddreg [dreg:$0x3];
	s4 =	srdreg.scid  }
0x5: {  	s6 =	stileid.u32;
	s30 =	simm.s32 $0x1000;
	s18 =	simm.s32 $0xF000  }
0x6: {  	s15 =	simm.s32 $0x2;
	s16 =	simm.s32 $0x5;
	s19 =	simm.s32 $0x7  }
0x7: {  	s5 =	sand.u32 $0x1, s4;
	s6 =	sshll.u32 s6, $0x1;
	s4 =	simm.s32 $0x0  }
0x8: {  	s6 =	sor.u32 s5, s6;
	s5 =	ssub.s32 $0x2, s5;
	[smem:$0x7FF] =	sst s4  }
0x9: {  	s7 =	sshll.u32 s6, $0x9;
	s8 =	sshrl.u32 s5, $0x1;
	_ =	strace $0x80000047  }
0xa: {  	s21 =	sshll.u32 s6, $0xF;
	s0 =	sadd.s32 s7, s0;
	s14 =	ssub.s32 s5, s8  }
0xb: {  	s5 =	sshll.u32 s6, $0x8;
	s6 =	sor.u32 $0x7C00, s21;
	s0 =	sadd.s32 $0x400, s0  }
0xc: {  	s10 =	sadd.s32 s1, s21;
	s1 =	sadd.s32 s1, s6;
	[dreg:$0x5] =	wrdreg s0  }
0xd: {  	s20 =	simm.s32 $0x3;
	s28 =	sadd.s32 s3, s6;
	[dreg:$0x6] =	wrdreg s1  }
0xe: {  	s31 =	smax.u32 s14, $0x1;
	s0 =	sadd.s32 s21, s3;
	[dreg:$0xc] =	wrdreg s28  }
0xf: {  	s9 =	sadd.s32 $0x300, s2;
	[dreg:$0xf] =	wrdreg s31;
	s22 =	sadd.s32 $0x107800, s0  }
0x10: {  	s7 =	sadd.s32 $0x100, s2;
	s23 =	sadd.s32 $0x207800, s0;
	[dreg:$0x7] =	wrdreg s22  }
0x11: {  	s8 =	sadd.s32 $0x200, s2;
	s24 =	sadd.s32 $0x7800, s0;
	[dreg:$0x8] =	wrdreg s23  }
0x12: {  	s11 =	sor.u32 $0x2000, s5;
	s25 =	sadd.s32 $0x307800, s0;
	[dreg:$0x9] =	wrdreg s24  }
0x13: {  	s12 =	sor.u32 $0x4000, s5;
	s26 =	sadd.s32 $0x107C00, s0;
	[dreg:$0xa] =	wrdreg s25  }
0x14: {  	s13 =	sor.u32 $0x6000, s5;
	s29 =	sadd.s32 $0x207C00, s0;
	[dreg:$0xb] =	wrdreg s26  }
0x15: {  	v2 =	vlaneseq.u32;
	s6 =	simm.s32 $0x0;
	s0 =	sadd.s32 $0x307C00, s0;
	[dreg:$0xd] =	wrdreg s29  }
0x16: {  	vm0 =	vmmov $0xffff;
	v1 =	vshrl.u32 v2, $0x3;
	s1 =	simm.s32 $0xD000;
	s21 =	simm.s32 $0x6;
	[dreg:$0xe] =	wrdreg s0  }
0x17: {  	v0 =	vand.u32 $0x7, v2;
	v2 =	vor.u32 $0x8, v2;
	v1 =	vmul.u32 $0x8, v1;
	s23 =	simm.s32 $0x3000;
	s24 =	simm.s32 $0x1;
	s26 =	simm.s32 $0x4  }
.LBB2_1:
0x18: {  	[dreg:$0x10] =	wrdreg s6  }
0x19: {  	s0 =	rddreg [dreg:$0x5];
	s22 =	simm.s32 $0xA  }
0x1a: {  	[tilespmem:s4], [sflag:$0xA] =	stream.linear.gather [hbm4b:s0+s4], $0x1000, $0x38;
	[tilespmem:$0x1F000] =	vst v63  }
0x1b: {  	_ =	swait.ge [sflag:s22], $0x1000  }
0x1c: {  	[sflag:s22] =	ssyncset.done $0x0  }
0x1d: {  	[sflag:s22] =	ssyncadd.s32 $0xFFFFF000  }
0x1e: {  	v3 =	vld [tilespmem:$0x0];
	_ =	sdelay $0x4  }
0x1f: {  	v4 =	vshll.u32 v3, $0x3  }
0x20: {  	v3 =	vand.u32 $0x7, v3;
	v4 =	vand.u32 $0xFFFFFFC0, v4  }
0x21: {  	v3 =	vor.u32 v3, v4  }
0x22: {  	v4 =	vperm.xlane v3, v0;
	_ =	sdelay $0x1  }
0x23: {  	v4 =	vadd.s32 v1, v4;
	_ =	sdelay $0x4  }
0x24: {  	[tilespmem:s30], [sflag:$0x1] =	stream.indirect_vreg.gather [hbm4b:s2+s4], $0x80, v4, vm0, $0xb8;
	[tilespmem:$0x1F000] =	vst v63  }
0x25: {  	s25 =	simm.s32 $0x1800;
	v3 =	vperm.xlane v3, v2  }
0x26: {  	[tilespmem:s25], [sflag:$0x1] =	stream.indirect_vreg.gather [hbm4b:s7+s4], $0x80, v4, vm0, $0xb8;
	[tilespmem:$0x1F000] =	vst v63  }
0x27: {  	s28 =	simm.s32 $0x2000;
	v3 =	vadd.s32 v1, v3  }
0x28: {  	[tilespmem:s28], [sflag:$0x1] =	stream.indirect_vreg.gather [hbm4b:s8+s4], $0x80, v4, vm0, $0xb8;
	[tilespmem:$0x1F000] =	vst v63  }
0x29: {  	s29 =	simm.s32 $0x2800  }
0x2a: {  	[tilespmem:s29], [sflag:$0x1] =	stream.indirect_vreg.gather [hbm4b:s9+s4], $0x80, v4, vm0, $0xb8;
	[tilespmem:$0x1F000] =	vst v63  }
0x2b: {  	_ = 	snop  }
0x2c: {  	[tilespmem:s23], [sflag:$0x1] =	stream.indirect_vreg.gather [hbm4b:s2+s4], $0x80, v3, vm0, $0xb8;
	[tilespmem:$0x1F000] =	vst v63  }
0x2d: {  	s30 =	simm.s32 $0x3800  }
0x2e: {  	[tilespmem:s30], [sflag:$0x1] =	stream.indirect_vreg.gather [hbm4b:s7+s4], $0x80, v3, vm0, $0xb8;
	[tilespmem:$0x1F000] =	vst v63  }
0x2f: {  	s31 =	simm.s32 $0x4000  }
0x30: {  	[tilespmem:s31], [sflag:$0x1] =	stream.indirect_vreg.gather [hbm4b:s8+s4], $0x80, v3, vm0, $0xb8;
	[tilespmem:$0x1F000] =	vst v63  }
0x31: {  	s6 =	simm.s32 $0x4800  }
0x32: {  	[tilespmem:s6], [sflag:$0x1] =	stream.indirect_vreg.gather [hbm4b:s9+s4], $0x80, v3, vm0, $0xb8;
	[tilespmem:$0x1F000] =	vst v63  }
0x33: {  	v3 =	vld [tilespmem:$0x10];
	_ =	sdelay $0x4  }
0x34: {  	v63 =	vshll.u32 v3, $0x3  }
0x35: {  	v3 =	vand.u32 $0x7, v3;
	v4 =	vand.u32 $0xFFFFFFC0, v63  }
0x36: {  	v3 =	vor.u32 v3, v4  }
0x37: {  	v4 =	vperm.xlane v3, v0;
	_ =	sdelay $0x1  }
0x38: {  	v4 =	vadd.s32 v1, v4;
	_ =	sdelay $0x3  }
0x39: {  	s14 =	simm.s32 $0x5000  }
0x3a: {  	[tilespmem:s14], [sflag:$0x1] =	stream.indirect_vreg.gather [hbm4b:s2+s4], $0x80, v4, vm0, $0xb8;
	[tilespmem:$0x1F000] =	vst v63  }
0x3b: {  	s17 =	simm.s32 $0x5800;
	v3 =	vperm.xlane v3, v2  }
0x3c: {  	[tilespmem:s17], [sflag:$0x1] =	stream.indirect_vreg.gather [hbm4b:s7+s4], $0x80, v4, vm0, $0xb8;
	[tilespmem:$0x1F000] =	vst v63  }
0x3d: {  	s22 =	simm.s32 $0x6000;
	v3 =	vadd.s32 v1, v3  }
0x3e: {  	[tilespmem:s22], [sflag:$0x1] =	stream.indirect_vreg.gather [hbm4b:s8+s4], $0x80, v4, vm0, $0xb8;
	[tilespmem:$0x1F000] =	vst v63  }
0x3f: {  	s23 =	simm.s32 $0x6800  }
0x40: {  	[tilespmem:s23], [sflag:$0x1] =	stream.indirect_vreg.gather [hbm4b:s9+s4], $0x80, v4, vm0, $0xb8;
	[tilespmem:$0x1F000] =	vst v63  }
0x41: {  	s25 =	simm.s32 $0x7000  }
0x42: {  	[tilespmem:s25], [sflag:$0x1] =	stream.indirect_vreg.gather [hbm4b:s2+s4], $0x80, v3, vm0, $0xb8;
	[tilespmem:$0x1F000] =	vst v63  }
0x43: {  	s28 =	simm.s32 $0x7800  }
0x44: {  	[tilespmem:s28], [sflag:$0x1] =	stream.indirect_vreg.gather [hbm4b:s7+s4], $0x80, v3, vm0, $0xb8;
	[tilespmem:$0x1F000] =	vst v63  }
0x45: {  	s29 =	simm.s32 $0x8000  }
0x46: {  	[tilespmem:s29], [sflag:$0x1] =	stream.indirect_vreg.gather [hbm4b:s8+s4], $0x80, v3, vm0, $0xb8;
	[tilespmem:$0x1F000] =	vst v63  }
0x47: {  	s30 =	simm.s32 $0x8800  }
0x48: {  	[tilespmem:s30], [sflag:$0x1] =	stream.indirect_vreg.gather [hbm4b:s9+s4], $0x80, v3, vm0, $0xb8;
	[tilespmem:$0x1F000] =	vst v63  }
0x49: {  	s31 =	simm.s32 $0x19000;
	s23 =	simm.s32 $0x0  }
0x4a: {  	[tilespmem:s31], [sflag:$0x4] =	stream.linear.gather [hbm4b:s10+s4], $0x2000, $0x38;
	[tilespmem:$0x1F000] =	vst v63  }
.LBB2_2:
0x4b: {  	p0 =	seq.s32 s23, $0x0  }
0x4c: {  	s0 =	simm.s32 @!p0 $0x8  }
0x4d: {  	_ =	swait.ge @!p0 [sflag:s0], $0x2000  }
0x4e: {  	[sflag:s0] =	ssyncset.done @!p0 $0x0  }
0x4f: {  	[sflag:s0] =	ssyncadd.s32 @!p0 $0xFFFFE000  }
0x50: {  	_ =	swait.ge @!p0 [sflag:s0], $0x2000  }
0x51: {  	[sflag:s0] =	ssyncset.done @!p0 $0x0  }
0x52: {  	[sflag:s0] =	ssyncadd.s32 @!p0 $0xFFFFE000  }
0x53: {  	_ =	swait.ge @!p0 [sflag:s0], $0x2000  }
0x54: {  	s29 =	smul.u32 $0x3, s23;
	[sflag:s0] =	ssyncset.done @!p0 $0x0  }
0x55: {  	[sflag:s0] =	ssyncadd.s32 @!p0 $0xFFFFE000  }
0x56: {  	s31 =	sadd.s32 $0x1, s29;
	_ =	swait.ge @!p0 [sflag:s0], $0x2000  }
0x57: {  	s6 =	sshll.u32 s31, $0x7;
	[sflag:s0] =	ssyncset.done @!p0 $0x0  }
0x58: {  	[sflag:s0] =	ssyncadd.s32 @!p0 $0xFFFFE000;
	s0 =	sand.u32 $0x3FFFFF80, s6  }
0x59: {  	v3 =	vld [tilespmem:s0+$0x0];
	_ =	sdelay $0x4  }
0x5a: {  	v4 =	vshll.u32 v3, $0x3  }
0x5b: {  	v3 =	vand.u32 $0x7, v3;
	v4 =	vand.u32 $0xFFFFFFC0, v4  }
0x5c: {  	v3 =	vor.u32 v3, v4  }
0x5d: {  	v4 =	vperm.xlane v3, v0;
	_ =	sdelay $0x1  }
0x5e: {  	v4 =	vadd.s32 v1, v4;
	_ =	sdelay $0x3  }
0x5f: {  	s14 =	simm.s32 $0x9000;
	s6 =	simm.s32 $0x0  }
0x60: {  	[tilespmem:s14], [sflag:$0x2] =	stream.indirect_vreg.gather [hbm4b:s2+s6], $0x80, v4, vm0, $0xb8;
	[tilespmem:$0x1F000] =	vst v63  }
0x61: {  	s17 =	simm.s32 $0x9800;
	v3 =	vperm.xlane v3, v2  }
0x62: {  	[tilespmem:s17], [sflag:$0x2] =	stream.indirect_vreg.gather [hbm4b:s7+s6], $0x80, v4, vm0, $0xb8;
	[tilespmem:$0x1F000] =	vst v63  }
0x63: {  	s22 =	simm.s32 $0xA000;
	v3 =	vadd.s32 v1, v3  }
0x64: {  	[tilespmem:s22], [sflag:$0x2] =	stream.indirect_vreg.gather [hbm4b:s8+s6], $0x80, v4, vm0, $0xb8;
	[tilespmem:$0x1F000] =	vst v63  }
0x65: {  	s25 =	simm.s32 $0xA800  }
0x66: {  	[tilespmem:s25], [sflag:$0x2] =	stream.indirect_vreg.gather [hbm4b:s9+s6], $0x80, v4, vm0, $0xb8;
	[tilespmem:$0x1F000] =	vst v63  }
0x67: {  	s28 =	simm.s32 $0xB000  }
0x68: {  	[tilespmem:s28], [sflag:$0x2] =	stream.indirect_vreg.gather [hbm4b:s2+s6], $0x80, v3, vm0, $0xb8;
	[tilespmem:$0x1F000] =	vst v63  }
0x69: {  	s17 =	simm.s32 $0xB800  }
0x6a: {  	[tilespmem:s17], [sflag:$0x2] =	stream.indirect_vreg.gather [hbm4b:s7+s6], $0x80, v3, vm0, $0xb8;
	[tilespmem:$0x1F000] =	vst v63  }
0x6b: {  	s22 =	simm.s32 $0xC000  }
0x6c: {  	[tilespmem:s22], [sflag:$0x2] =	stream.indirect_vreg.gather [hbm4b:s8+s6], $0x80, v3, vm0, $0xb8;
	[tilespmem:$0x1F000] =	vst v63  }
0x6d: {  	s25 =	simm.s32 $0xC800  }
0x6e: {  	[tilespmem:s25], [sflag:$0x2] =	stream.indirect_vreg.gather [hbm4b:s9+s6], $0x80, v3, vm0, $0xb8;
	[tilespmem:$0x1F000] =	vst v63  }
0x6f: {  	v3 =	vld [tilespmem:s0+$0x10];
	_ =	sdelay $0x4  }
0x70: {  	v4 =	vshll.u32 v3, $0x3  }
0x71: {  	v3 =	vand.u32 $0x7, v3;
	v4 =	vand.u32 $0xFFFFFFC0, v4  }
0x72: {  	v3 =	vor.u32 v3, v4  }
0x73: {  	v4 =	vperm.xlane v3, v0;
	_ =	sdelay $0x1  }
0x74: {  	v4 =	vadd.s32 v1, v4;
	_ =	sdelay $0x4  }
0x75: {  	[tilespmem:s1], [sflag:$0x2] =	stream.indirect_vreg.gather [hbm4b:s2+s6], $0x80, v4, vm0, $0xb8;
	[tilespmem:$0x1F000] =	vst v63  }
0x76: {  	s28 =	simm.s32 $0xD800;
	v3 =	vperm.xlane v3, v2  }
0x77: {  	[tilespmem:s28], [sflag:$0x2] =	stream.indirect_vreg.gather [hbm4b:s7+s6], $0x80, v4, vm0, $0xb8;
	[tilespmem:$0x1F000] =	vst v63  }
0x78: {  	s14 =	simm.s32 $0xE000;
	v3 =	vadd.s32 v1, v3  }
0x79: {  	[tilespmem:s14], [sflag:$0x2] =	stream.indirect_vreg.gather [hbm4b:s8+s6], $0x80, v4, vm0, $0xb8;
	[tilespmem:$0x1F000] =	vst v63  }
0x7a: {  	s17 =	simm.s32 $0xE800  }
0x7b: {  	[tilespmem:s17], [sflag:$0x2] =	stream.indirect_vreg.gather [hbm4b:s9+s6], $0x80, v4, vm0, $0xb8;
	[tilespmem:$0x1F000] =	vst v63  }
0x7c: {  	_ = 	snop  }
0x7d: {  	[tilespmem:s18], [sflag:$0x2] =	stream.indirect_vreg.gather [hbm4b:s2+s6], $0x80, v3, vm0, $0xb8;
	[tilespmem:$0x1F000] =	vst v63  }
0x7e: {  	s22 =	simm.s32 $0xF800  }
0x7f: {  	[tilespmem:s22], [sflag:$0x2] =	stream.indirect_vreg.gather [hbm4b:s7+s6], $0x80, v3, vm0, $0xb8;
	[tilespmem:$0x1F000] =	vst v63  }
0x80: {  	s25 =	simm.s32 $0x10000  }
0x81: {  	[tilespmem:s25], [sflag:$0x2] =	stream.indirect_vreg.gather [hbm4b:s8+s6], $0x80, v3, vm0, $0xb8;
	[tilespmem:$0x1F000] =	vst v63  }
0x82: {  	s28 =	simm.s32 $0x10800;
	s14 =	sshll.u32 s31, $0xA  }
0x83: {  	[tilespmem:s28], [sflag:$0x2] =	stream.indirect_vreg.gather [hbm4b:s9+s6], $0x80, v3, vm0, $0xb8;
	[tilespmem:$0x1F000] =	vst v63  }
0x84: {  	s0 =	sadd.s32 s14, s10;
	s17 =	simm.s32 $0x1B000  }
0x85: {  	[tilespmem:s17], [sflag:$0x5] =	stream.linear.gather [hbm4b:s0+s6], $0x2000, $0x38;
	[tilespmem:$0x1F000] =	vst v63  }
0x86: {  	_ =	swait.ge [sflag:s24], $0x8000  }
0x87: {  	[sflag:s24] =	ssyncset.done $0x0  }
0x88: {  	[sflag:s24] =	ssyncadd.s32 $0xFFFF8000  }
0x89: {  	_ =	swait.ge [sflag:s26], $0x2000  }
0x8a: {  	s22 =	sand.u32 $0x70, s6;
	s25 =	sand.u32 $0x1C00, s6;
	[sflag:s26] =	ssyncset.done $0x0  }
0x8b: {  	s0 =	sor.u32 s22, s25;
	[sflag:s26] =	ssyncadd.s32 $0xFFFFE000  }
0x8c: {  	v3 =	vld [tilespmem:s0+$0x19000]  }
0x8d: {  	v4 =	vld [tilespmem:s0+$0x1000]  }
0x8e: {  	v5 =	vld [tilespmem:s0+$0x3000]  }
0x8f: {  	v6 =	vld [tilespmem:s0+$0x5000]  }
0x90: {  	v7 =	vld [tilespmem:s0+$0x7000]  }
0x91: {  	v8 =	vld [tilespmem:s0+$0x19080]  }
0x92: {  	v9 =	vld [tilespmem:s0+$0x1080]  }
0x93: {  	v10 =	vld [tilespmem:s0+$0x3080]  }
0x94: {  	v11 =	vld [tilespmem:s0+$0x5080]  }
0x95: {  	v12 =	vld [tilespmem:s0+$0x7080]  }
0x96: {  	s30 =	simm.s32 $0x80;
	s25 =	simm.s32 $0x10;
	v13 =	vld [tilespmem:s0+$0x19100]  }
0x97: {  	s17 =	sand.u32 $0x1C00, s30;
	s28 =	sand.u32 $0x70, s25;
	v14 =	vld [tilespmem:s0+$0x1100]  }
0x98: {  	s14 =	sor.u32 s28, s17;
	v15 =	vld [tilespmem:s0+$0x3100]  }
0x99: {  	v16 =	vld [tilespmem:s14+$0x5000]  }
0x9a: {  	v17 =	vld [tilespmem:s14+$0x7000]  }
0x9b: {  	v18 =	vld [tilespmem:s14+$0x19080]  }
0x9c: {  	v19 =	vld [tilespmem:s14+$0x1080]  }
0x9d: {  	v20 =	vld [tilespmem:s14+$0x3080]  }
0x9e: {  	v21 =	vld [tilespmem:s14+$0x5080]  }
0x9f: {  	v22 =	vld [tilespmem:s14+$0x7080];
	v4 =	vadd.f32 v4, v3  }
0xa0: {  	v23 =	vld [tilespmem:s14+$0x19100];
	v5 =	vadd.f32 v5, v3;
	v6 =	vadd.f32 v6, v3  }
0xa1: {  	v3 =	vadd.f32 v7, v3;
	v7 =	vadd.f32 v9, v8;
	v9 =	vld [tilespmem:s0+$0x3180];
	[tilespmem:s0+$0x1000] =	vst v4  }
0xa2: {  	v4 =	vld [tilespmem:s0+$0x5100];
	[tilespmem:s0+$0x3000] =	vst v5  }
0xa3: {  	v5 =	vld [tilespmem:s0+$0x7100];
	[tilespmem:s0+$0x5000] =	vst v6  }
0xa4: {  	v11 =	vadd.f32 v11, v8;
	v6 =	vld [tilespmem:s0+$0x19180];
	[tilespmem:s0+$0x7000] =	vst v3  }
0xa5: {  	v3 =	vld [tilespmem:s0+$0x1180];
	[tilespmem:s0+$0x1080] =	vst v7;
	v7 =	vadd.f32 v10, v8  }
0xa6: {  	v10 =	vld [tilespmem:s0+$0x5180];
	v8 =	vadd.f32 v12, v8;
	[tilespmem:s0+$0x5080] =	vst v11  }
0xa7: {  	v11 =	vld [tilespmem:s0+$0x19200];
	v12 =	vadd.f32 v14, v13;
	[tilespmem:s0+$0x3080] =	vst v7  }
0xa8: {  	v14 =	vadd.f32 v15, v13;
	v7 =	vld [tilespmem:s0+$0x7180];
	[tilespmem:s0+$0x7080] =	vst v8  }
0xa9: {  	v8 =	vld [tilespmem:s0+$0x1200];
	[tilespmem:s0+$0x1100] =	vst v12;
	v4 =	vadd.f32 v4, v13  }
0xaa: {  	v12 =	vld [tilespmem:s0+$0x3200];
	[tilespmem:s0+$0x3100] =	vst v14;
	v5 =	vadd.f32 v5, v13  }
0xab: {  	v14 =	vld [tilespmem:s0+$0x5200];
	v10 =	vadd.f32 v10, v6;
	[tilespmem:s0+$0x5100] =	vst v4  }
0xac: {  	v3 =	vadd.f32 v3, v6;
	v13 =	vld [tilespmem:s14+$0x1000];
	[tilespmem:s0+$0x7100] =	vst v5  }
0xad: {  	v9 =	vadd.f32 v9, v6;
	[tilespmem:s0+$0x5180] =	vst v10;
	v10 =	vld [tilespmem:s14+$0x19000]  }
0xae: {  	v15 =	vld [tilespmem:s14+$0x3000];
	[tilespmem:s0+$0x1180] =	vst v3;
	v6 =	vadd.f32 v7, v6  }
0xaf: {  	v4 =	vld [tilespmem:s0+$0x7200];
	[tilespmem:s0+$0x3180] =	vst v9;
	v8 =	vadd.f32 v8, v11  }
0xb0: {  	v5 =	vld [tilespmem:s0+$0x19280];
	v12 =	vadd.f32 v12, v11;
	[tilespmem:s0+$0x7180] =	vst v6  }
0xb1: {  	v3 =	vld [tilespmem:s0+$0x1280];
	v14 =	vadd.f32 v14, v11;
	[tilespmem:s0+$0x1200] =	vst v8  }
0xb2: {  	v7 =	vld [tilespmem:s0+$0x5280];
	[tilespmem:s0+$0x3200] =	vst v12;
	v13 =	vadd.f32 v13, v10  }
0xb3: {  	v9 =	vld [tilespmem:s0+$0x3280];
	[tilespmem:s0+$0x5200] =	vst v14;
	v15 =	vadd.f32 v15, v10  }
0xb4: {  	v6 =	vld [tilespmem:s0+$0x7280];
	v4 =	vadd.f32 v4, v11;
	[tilespmem:s14+$0x1000] =	vst v13  }
0xb5: {  	v24 =	vld [tilespmem:s14+$0x1100];
	v16 =	vadd.f32 v16, v10;
	v10 =	vadd.f32 v17, v10;
	[tilespmem:s14+$0x3000] =	vst v15  }
0xb6: {  	v3 =	vadd.f32 v3, v5;
	v13 =	vld [tilespmem:s0+$0x19300];
	[tilespmem:s0+$0x7200] =	vst v4  }
0xb7: {  	v7 =	vadd.f32 v7, v5;
	v15 =	vld [tilespmem:s0+$0x1300];
	[tilespmem:s14+$0x7000] =	vst v10  }
0xb8: {  	v14 =	vld [tilespmem:s0+$0x3300];
	[tilespmem:s0+$0x1280] =	vst v3;
	v3 =	vadd.f32 v9, v5  }
0xb9: {  	v8 =	vld [tilespmem:s14+$0x3100];
	v5 =	vadd.f32 v6, v5;
	[tilespmem:s0+$0x5280] =	vst v7  }
0xba: {  	v4 =	vld [tilespmem:s0+$0x5300];
	[tilespmem:s0+$0x3280] =	vst v3;
	v3 =	vadd.f32 v21, v18  }
0xbb: {  	v9 =	vld [tilespmem:s0+$0x7300];
	v7 =	vadd.f32 v22, v18;
	[tilespmem:s0+$0x7280] =	vst v5  }
0xbc: {  	v59 =	vld [tilespmem:s14+$0x19180];
	[tilespmem:s14+$0x5080] =	vst v3;
	v3 =	vadd.f32 v15, v13  }
0xbd: {  	v12 =	vld [tilespmem:s14+$0x5100];
	[tilespmem:s14+$0x7080] =	vst v7;
	v7 =	vadd.f32 v14, v13  }
0xbe: {  	v62 =	vld [tilespmem:s14+$0x3180];
	[tilespmem:s0+$0x1300] =	vst v3;
	v3 =	vadd.f32 v8, v23  }
0xbf: {  	v10 =	vld [tilespmem:s14+$0x1180];
	v4 =	vadd.f32 v4, v13;
	[tilespmem:s0+$0x3300] =	vst v7  }
0xc0: {  	v63 =	vld [tilespmem:s14+$0x5180];
	[tilespmem:s14+$0x3100] =	vst v3;
	v3 =	vadd.f32 v9, v13  }
0xc1: {  	s6 =	sor.u32 s6, s6;
	v11 =	vld [tilespmem:s14+$0x7100];
	[tilespmem:s0+$0x5300] =	vst v4  }
0xc2: {  	s6 =	sor.u32 $0x380, s6;
	v6 =	vld [tilespmem:s14+$0x7180];
	v7 =	vadd.f32 v12, v23;
	[tilespmem:s0+$0x7300] =	vst v3  }
0xc3: {  	v5 =	vadd.f32 v24, v23;
	v3 =	vld [tilespmem:s6+$0x19000]  }
0xc4: {  	v60 =	vadd.f32 v19, v18;
	[tilespmem:s14+$0x5100] =	vst v7;
	v7 =	vadd.f32 v10, v59;
	v10 =	vld [tilespmem:s6+$0x1000]  }
0xc5: {  	v61 =	vadd.f32 v20, v18;
	[tilespmem:s14+$0x1100] =	vst v5;
	v5 =	vld [tilespmem:s14+$0x3200]  }
0xc6: {  	[tilespmem:s14+$0x1080] =	vst v60;
	v15 =	vld [tilespmem:s14+$0x19200]  }
0xc7: {  	[tilespmem:s14+$0x3080] =	vst v61;
	v14 =	vld [tilespmem:s14+$0x1200];
	v6 =	vadd.f32 v6, v59  }
0xc8: {  	[tilespmem:s14+$0x5000] =	vst v16;
	v8 =	vld [tilespmem:s14+$0x5200];
	v4 =	vadd.f32 v11, v23  }
0xc9: {  	v12 =	vld [tilespmem:s14+$0x1280];
	[tilespmem:s14+$0x7180] =	vst v6;
	v10 =	vadd.f32 v10, v3  }
0xca: {  	v11 =	vadd.f32 v62, v59;
	v6 =	vld [tilespmem:s14+$0x7280];
	[tilespmem:s14+$0x7100] =	vst v4  }
0xcb: {  	v9 =	vld [tilespmem:s14+$0x7200];
	[tilespmem:s6+$0x1000] =	vst v10  }
0xcc: {  	[tilespmem:s14+$0x3180] =	vst v11;
	v13 =	vadd.f32 v14, v15;
	v10 =	vld [tilespmem:s0+$0x7380]  }
0xcd: {  	v4 =	vld [tilespmem:s14+$0x19280];
	[tilespmem:s14+$0x1180] =	vst v7;
	v7 =	vadd.f32 v63, v59  }
0xce: {  	v11 =	vld [tilespmem:s14+$0x3280];
	v14 =	vadd.f32 v5, v15;
	[tilespmem:s14+$0x1200] =	vst v13  }
0xcf: {  	v13 =	vadd.f32 v8, v15;
	[tilespmem:s14+$0x5180] =	vst v7;
	v7 =	vld [tilespmem:s14+$0x5280]  }
0xd0: {  	v5 =	vld [tilespmem:s14+$0x19300];
	[tilespmem:s14+$0x3200] =	vst v14;
	v14 =	vadd.f32 v9, v15  }
0xd1: {  	v8 =	vld [tilespmem:s14+$0x1300];
	[tilespmem:s14+$0x5200] =	vst v13;
	v10 =	vadd.f32 v10, v3  }
0xd2: {  	v9 =	vld [tilespmem:s14+$0x3300];
	v12 =	vadd.f32 v12, v4;
	[tilespmem:s14+$0x7200] =	vst v14  }
0xd3: {  	s17 =	simm.s32 $0x20;
	v11 =	vadd.f32 v11, v4;
	s6 =	simm.s32 $0x80;
	[tilespmem:s0+$0x7380] =	vst v10;
	v10 =	vld [tilespmem:s14+$0x5300]  }
.LBB2_3:
0xd4: {  	p1 =	sne.s32 s17, $0x3F0;
	[tilespmem:s14+$0x1280] =	vst v12;
	v7 =	vadd.f32 v7, v4;
	v12 =	vld [tilespmem:s14+$0x7300];
	s30 =	sadd.s32 $0x80, s30  }
0xd5: {  	s22 =	sand.u32 $0x70, s17;
	v4 =	vadd.f32 v6, v4;
	s28 =	sand.u32 $0x1C00, s30;
	[tilespmem:s14+$0x3280] =	vst v11;
	v6 =	vld [tilespmem:s0+$0x3380]  }
0xd6: {  	s22 =	sor.u32 s22, s28;
	[tilespmem:s14+$0x5280] =	vst v7;
	v7 =	vadd.f32 v8, v5;
	v8 =	vld [tilespmem:s0+$0x5380]  }
0xd7: {  	v11 =	vld [tilespmem:s22+$0x19000];
	[tilespmem:s14+$0x7280] =	vst v4;
	v4 =	vadd.f32 v9, v5  }
0xd8: {  	v9 =	vld [tilespmem:s22+$0x1000];
	[tilespmem:s14+$0x1300] =	vst v7;
	v7 =	vadd.f32 v10, v5  }
0xd9: {  	v10 =	vld [tilespmem:s22+$0x3000];
	[tilespmem:s14+$0x3300] =	vst v4;
	v4 =	vadd.f32 v12, v5  }
0xda: {  	s28 =	sor.u32 s6, s25;
	s6 =	smov.u32 s30;
	s25 =	smov.u32 s17;
	v5 =	vld [tilespmem:s22+$0x5000];
	[tilespmem:s14+$0x5300] =	vst v7;
	v6 =	vadd.f32 v6, v3  }
0xdb: {  	s28 =	sor.u32 $0x380, s28;
	v7 =	vld [tilespmem:s22+$0x7000];
	[tilespmem:s14+$0x7300] =	vst v4;
	v4 =	vadd.f32 v8, v3  }
0xdc: {  	v3 =	vld [tilespmem:s28+$0x19000];
	[tilespmem:s0+$0x3380] =	vst v6  }
0xdd: {  	v6 =	vld [tilespmem:s28+$0x1000];
	[tilespmem:s0+$0x5380] =	vst v4;
	s0 =	smov.u32 s14;
	s14 =	smov.u32 s22  }
0xde: {  	v4 =	vld [tilespmem:s14+$0x19080]  }
0xdf: {  	v8 =	vld [tilespmem:s14+$0x1080]  }
0xe0: {  	v12 =	vld [tilespmem:s14+$0x3080]  }
0xe1: {  	v13 =	vld [tilespmem:s14+$0x5080]  }
0xe2: {  	v14 =	vld [tilespmem:s14+$0x7080];
	v6 =	vadd.f32 v6, v3  }
0xe3: {  	v15 =	vld [tilespmem:s14+$0x19100]  }
0xe4: {  	v16 =	vld [tilespmem:s14+$0x1100];
	[tilespmem:s28+$0x1000] =	vst v6  }
0xe5: {  	v6 =	vadd.f32 v9, v11;
	v9 =	vld [tilespmem:s0+$0x7380]  }
0xe6: {  	v10 =	vadd.f32 v10, v11;
	v17 =	vld [tilespmem:s14+$0x3100]  }
0xe7: {  	v5 =	vadd.f32 v5, v11;
	[tilespmem:s14+$0x1000] =	vst v6;
	v6 =	vld [tilespmem:s14+$0x5100]  }
0xe8: {  	v7 =	vadd.f32 v7, v11;
	[tilespmem:s14+$0x3000] =	vst v10;
	v10 =	vld [tilespmem:s14+$0x7100]  }
0xe9: {  	[tilespmem:s14+$0x5000] =	vst v5;
	v5 =	vadd.f32 v8, v4;
	v8 =	vld [tilespmem:s14+$0x19180]  }
0xea: {  	[tilespmem:s14+$0x7000] =	vst v7;
	v7 =	vld [tilespmem:s14+$0x1180];
	v9 =	vadd.f32 v9, v3  }
0xeb: {  	[tilespmem:s14+$0x1080] =	vst v5;
	v5 =	vadd.f32 v12, v4;
	v11 =	vld [tilespmem:s14+$0x3180]  }
0xec: {  	v12 =	vadd.f32 v13, v4;
	v13 =	vld [tilespmem:s14+$0x5180];
	[tilespmem:s0+$0x7380] =	vst v9  }
0xed: {  	v4 =	vadd.f32 v14, v4;
	[tilespmem:s14+$0x3080] =	vst v5;
	v5 =	vld [tilespmem:s14+$0x7180]  }
0xee: {  	v9 =	vadd.f32 v16, v15;
	[tilespmem:s14+$0x5080] =	vst v12;
	v12 =	vld [tilespmem:s14+$0x19200]  }
0xef: {  	[tilespmem:s14+$0x7080] =	vst v4;
	v4 =	vadd.f32 v17, v15;
	v14 =	vld [tilespmem:s14+$0x1200]  }
0xf0: {  	v6 =	vadd.f32 v6, v15;
	[tilespmem:s14+$0x1100] =	vst v9;
	v9 =	vld [tilespmem:s14+$0x3200]  }
0xf1: {  	[tilespmem:s14+$0x3100] =	vst v4;
	v4 =	vadd.f32 v10, v15;
	v10 =	vld [tilespmem:s14+$0x5200]  }
0xf2: {  	[tilespmem:s14+$0x5100] =	vst v6;
	v6 =	vadd.f32 v7, v8;
	v15 =	vld [tilespmem:s14+$0x7200]  }
0xf3: {  	v7 =	vadd.f32 v11, v8;
	[tilespmem:s14+$0x7100] =	vst v4;
	v4 =	vld [tilespmem:s14+$0x19280]  }
0xf4: {  	[tilespmem:s14+$0x1180] =	vst v6;
	v6 =	vadd.f32 v13, v8;
	v11 =	vld [tilespmem:s14+$0x1280]  }
0xf5: {  	v5 =	vadd.f32 v5, v8;
	[tilespmem:s14+$0x3180] =	vst v7;
	v13 =	vld [tilespmem:s14+$0x3280]  }
0xf6: {  	v8 =	vadd.f32 v14, v12;
	[tilespmem:s14+$0x5180] =	vst v6;
	v7 =	vld [tilespmem:s14+$0x5280]  }
.Ltmp0:
0xf7: {  	v9 =	vadd.f32 v9, v12;
	[tilespmem:s14+$0x7180] =	vst v5;
	v6 =	vld [tilespmem:s14+$0x7280];
	(pc) =	sbr.rel @p1 .LBB2_3-.Ltmp0, $4  }
0xf8: {  	v10 =	vadd.f32 v10, v12;
	[tilespmem:s14+$0x1200] =	vst v8;
	v5 =	vld [tilespmem:s14+$0x19300]  }
0xf9: {  	v14 =	vadd.f32 v15, v12;
	[tilespmem:s14+$0x3200] =	vst v9;
	v8 =	vld [tilespmem:s14+$0x1300]  }
0xfa: {  	v12 =	vadd.f32 v11, v4;
	[tilespmem:s14+$0x5200] =	vst v10;
	v9 =	vld [tilespmem:s14+$0x3300]  }
0xfb: {  	s17 =	sadd.s32 $0x10, s17;
	v11 =	vadd.f32 v13, v4;
	[tilespmem:s14+$0x7200] =	vst v14;
	v10 =	vld [tilespmem:s14+$0x5300]  }
0xfc: {  	[tilespmem:s14+$0x1280] =	vst v12;
	v7 =	vadd.f32 v7, v4;
	v62 =	vld [tilespmem:s14+$0x7300]  }
0xfd: {  	v4 =	vadd.f32 v6, v4;
	[tilespmem:s14+$0x3280] =	vst v11  }
0xfe: {  	[tilespmem:s14+$0x5280] =	vst v7;
	v6 =	vadd.f32 v8, v5  }
0xff: {  	[tilespmem:s14+$0x7280] =	vst v4;
	v4 =	vadd.f32 v9, v5  }
0x100: {  	[tilespmem:s14+$0x1300] =	vst v6;
	v6 =	vadd.f32 v10, v5  }
0x101: {  	[tilespmem:s14+$0x3300] =	vst v4;
	v4 =	vadd.f32 v62, v5  }
0x102: {  	s6 =	sor.u32 s6, s25;
	[tilespmem:s14+$0x5300] =	vst v6  }
0x103: {  	s6 =	sor.u32 $0x380, s6;
	[tilespmem:s14+$0x7300] =	vst v4  }
0x104: {  	v4 =	vld [tilespmem:s6+$0x19000]  }
0x105: {  	v5 =	vld [tilespmem:s6+$0x1000];
	_ =	sdelay $0x4  }
0x106: {  	v5 =	vadd.f32 v5, v4;
	_ =	sdelay $0x1  }
0x107: {  	[tilespmem:s6+$0x1000] =	vst v5  }
0x108: {  	v5 =	vld [tilespmem:s14+$0x7380];
	_ =	sdelay $0x2  }
0x109: {  	v7 =	vld [tilespmem:s0+$0x5380]  }
0x10a: {  	v6 =	vld [tilespmem:s0+$0x3380]  }
0x10b: {  	v5 =	vadd.f32 v5, v4  }
0x10c: {  	v8 =	vld [tilespmem:s14+$0x5380]  }
0x10d: {  	[tilespmem:s14+$0x7380] =	vst v5;
	v5 =	vld [tilespmem:s14+$0x3380];
	_ =	sdelay $0x1  }
0x10e: {  	v6 =	vadd.f32 v6, v3;
	v3 =	vadd.f32 v7, v3  }
0x10f: {  	s6 =	smul.u32 $0x18, s23  }
0x110: {  	[tilespmem:s0+$0x5380] =	vst v3;
	v3 =	vadd.f32 v8, v4  }
0x111: {  	[tilespmem:s0+$0x3380] =	vst v6;
	s25 =	sadd.s32 s5, s6;
	v5 =	vadd.f32 v5, v4  }
0x112: {  	s0 =	sshll.u32 s25, $0x7;
	[tilespmem:s14+$0x5380] =	vst v3  }
0x113: {  	s30 =	simm.s32 $0x1000;
	s17 =	sadd.s32 s11, s6;
	s0 =	sadd.s32 s3, s0;
	[tilespmem:s14+$0x3380] =	vst v5  }
0x114: {  	[hbm4b:s0+s4] =	stream.linear.scatter [tilespmem:s30], [sflag:$0x7], $0x2000, $0x38;
	[tilespmem:$0x1F000] =	vst v63  }
0x115: {  	s0 =	sshll.u32 s17, $0x7  }
0x116: {  	s28 =	simm.s32 $0x3000;
	s22 =	sadd.s32 s12, s6;
	s0 =	sadd.s32 s3, s0  }
0x117: {  	[hbm4b:s0+s4] =	stream.linear.scatter [tilespmem:s28], [sflag:$0x7], $0x2000, $0x38;
	[tilespmem:$0x1F000] =	vst v63  }
0x118: {  	s0 =	sshll.u32 s22, $0x7  }
0x119: {  	s6 =	sadd.s32 s13, s6;
	s25 =	simm.s32 $0x5000;
	s0 =	sadd.s32 s3, s0  }
0x11a: {  	[hbm4b:s0+s4] =	stream.linear.scatter [tilespmem:s25], [sflag:$0x7], $0x2000, $0x38;
	[tilespmem:$0x1F000] =	vst v63  }
0x11b: {  	s0 =	sshll.u32 s6, $0x7  }
0x11c: {  	s14 =	simm.s32 $0x7000;
	s6 =	simm.s32 @!p0 $0x9;
	s0 =	sadd.s32 s3, s0  }
0x11d: {  	[hbm4b:s0+s4] =	stream.linear.scatter [tilespmem:s14], [sflag:$0x7], $0x2000, $0x38;
	[tilespmem:$0x1F000] =	vst v63  }
0x11e: {  	_ =	swait.ge @!p0 [sflag:s6], $0x2000  }
0x11f: {  	[sflag:s6] =	ssyncset.done @!p0 $0x0  }
0x120: {  	[sflag:s6] =	ssyncadd.s32 @!p0 $0xFFFFE000  }
0x121: {  	_ =	swait.ge @!p0 [sflag:s6], $0x2000  }
0x122: {  	[sflag:s6] =	ssyncset.done @!p0 $0x0  }
0x123: {  	[sflag:s6] =	ssyncadd.s32 @!p0 $0xFFFFE000  }
0x124: {  	_ =	swait.ge @!p0 [sflag:s6], $0x2000  }
0x125: {  	[sflag:s6] =	ssyncset.done @!p0 $0x0  }
0x126: {  	[sflag:s6] =	ssyncadd.s32 @!p0 $0xFFFFE000  }
0x127: {  	s0 =	sadd.s32 $0x2, s29;
	_ =	swait.ge @!p0 [sflag:s6], $0x2000  }
0x128: {  	s17 =	sshll.u32 s0, $0x7;
	[sflag:s6] =	ssyncset.done @!p0 $0x0  }
0x129: {  	[sflag:s6] =	ssyncadd.s32 @!p0 $0xFFFFE000;
	s6 =	sand.u32 $0x3FFFFF80, s17  }
0x12a: {  	v3 =	vld [tilespmem:s6+$0x0];
	_ =	sdelay $0x4  }
0x12b: {  	v4 =	vshll.u32 v3, $0x3  }
0x12c: {  	v3 =	vand.u32 $0x7, v3;
	v4 =	vand.u32 $0xFFFFFFC0, v4  }
0x12d: {  	v3 =	vor.u32 v3, v4  }
0x12e: {  	v4 =	vperm.xlane v3, v0;
	_ =	sdelay $0x1  }
0x12f: {  	v4 =	vadd.s32 v1, v4;
	_ =	sdelay $0x3  }
0x130: {  	s14 =	simm.s32 $0x0;
	s17 =	simm.s32 $0x11000  }
0x131: {  	[tilespmem:s17], [sflag:$0x3] =	stream.indirect_vreg.gather [hbm4b:s2+s14], $0x80, v4, vm0, $0xb8;
	[tilespmem:$0x1F000] =	vst v63  }
0x132: {  	s22 =	simm.s32 $0x11800;
	v3 =	vperm.xlane v3, v2  }
0x133: {  	[tilespmem:s22], [sflag:$0x3] =	stream.indirect_vreg.gather [hbm4b:s7+s14], $0x80, v4, vm0, $0xb8;
	[tilespmem:$0x1F000] =	vst v63  }
0x134: {  	s25 =	simm.s32 $0x12000;
	v3 =	vadd.s32 v1, v3  }
0x135: {  	[tilespmem:s25], [sflag:$0x3] =	stream.indirect_vreg.gather [hbm4b:s8+s14], $0x80, v4, vm0, $0xb8;
	[tilespmem:$0x1F000] =	vst v63  }
0x136: {  	s22 =	simm.s32 $0x12800  }
0x137: {  	[tilespmem:s22], [sflag:$0x3] =	stream.indirect_vreg.gather [hbm4b:s9+s14], $0x80, v4, vm0, $0xb8;
	[tilespmem:$0x1F000] =	vst v63  }
0x138: {  	s25 =	simm.s32 $0x13000  }
0x139: {  	[tilespmem:s25], [sflag:$0x3] =	stream.indirect_vreg.gather [hbm4b:s2+s14], $0x80, v3, vm0, $0xb8;
	[tilespmem:$0x1F000] =	vst v63  }
0x13a: {  	s22 =	simm.s32 $0x13800  }
0x13b: {  	[tilespmem:s22], [sflag:$0x3] =	stream.indirect_vreg.gather [hbm4b:s7+s14], $0x80, v3, vm0, $0xb8;
	[tilespmem:$0x1F000] =	vst v63  }
0x13c: {  	s25 =	simm.s32 $0x14000  }
0x13d: {  	[tilespmem:s25], [sflag:$0x3] =	stream.indirect_vreg.gather [hbm4b:s8+s14], $0x80, v3, vm0, $0xb8;
	[tilespmem:$0x1F000] =	vst v63  }
0x13e: {  	s22 =	simm.s32 $0x14800  }
0x13f: {  	[tilespmem:s22], [sflag:$0x3] =	stream.indirect_vreg.gather [hbm4b:s9+s14], $0x80, v3, vm0, $0xb8;
	[tilespmem:$0x1F000] =	vst v63  }
0x140: {  	v3 =	vld [tilespmem:s6+$0x10];
	_ =	sdelay $0x4  }
0x141: {  	v4 =	vshll.u32 v3, $0x3  }
0x142: {  	v3 =	vand.u32 $0x7, v3;
	v4 =	vand.u32 $0xFFFFFFC0, v4  }
0x143: {  	v3 =	vor.u32 v3, v4  }
0x144: {  	v4 =	vperm.xlane v3, v0;
	_ =	sdelay $0x1  }
0x145: {  	v4 =	vadd.s32 v1, v4;
	_ =	sdelay $0x3  }
0x146: {  	s25 =	simm.s32 $0x15000  }
0x147: {  	[tilespmem:s25], [sflag:$0x3] =	stream.indirect_vreg.gather [hbm4b:s2+s14], $0x80, v4, vm0, $0xb8;
	[tilespmem:$0x1F000] =	vst v63  }
0x148: {  	s17 =	simm.s32 $0x15800;
	v3 =	vperm.xlane v3, v2  }
0x149: {  	[tilespmem:s17], [sflag:$0x3] =	stream.indirect_vreg.gather [hbm4b:s7+s14], $0x80, v4, vm0, $0xb8;
	[tilespmem:$0x1F000] =	vst v63  }
0x14a: {  	s22 =	simm.s32 $0x16000;
	v3 =	vadd.s32 v1, v3  }
0x14b: {  	[tilespmem:s22], [sflag:$0x3] =	stream.indirect_vreg.gather [hbm4b:s8+s14], $0x80, v4, vm0, $0xb8;
	[tilespmem:$0x1F000] =	vst v63  }
0x14c: {  	s25 =	simm.s32 $0x16800  }
0x14d: {  	[tilespmem:s25], [sflag:$0x3] =	stream.indirect_vreg.gather [hbm4b:s9+s14], $0x80, v4, vm0, $0xb8;
	[tilespmem:$0x1F000] =	vst v63  }
0x14e: {  	s17 =	simm.s32 $0x17000  }
0x14f: {  	[tilespmem:s17], [sflag:$0x3] =	stream.indirect_vreg.gather [hbm4b:s2+s14], $0x80, v3, vm0, $0xb8;
	[tilespmem:$0x1F000] =	vst v63  }
0x150: {  	s22 =	simm.s32 $0x17800  }
0x151: {  	[tilespmem:s22], [sflag:$0x3] =	stream.indirect_vreg.gather [hbm4b:s7+s14], $0x80, v3, vm0, $0xb8;
	[tilespmem:$0x1F000] =	vst v63  }
0x152: {  	s25 =	simm.s32 $0x18000  }
0x153: {  	[tilespmem:s25], [sflag:$0x3] =	stream.indirect_vreg.gather [hbm4b:s8+s14], $0x80, v3, vm0, $0xb8;
	[tilespmem:$0x1F000] =	vst v63  }
0x154: {  	s17 =	simm.s32 $0x18800;
	s22 =	sshll.u32 s0, $0xA  }
0x155: {  	[tilespmem:s17], [sflag:$0x3] =	stream.indirect_vreg.gather [hbm4b:s9+s14], $0x80, v3, vm0, $0xb8;
	[tilespmem:$0x1F000] =	vst v63  }
0x156: {  	s6 =	sadd.s32 s22, s10;
	s25 =	simm.s32 $0x1D000  }
0x157: {  	[tilespmem:s25], [sflag:$0x6] =	stream.linear.gather [hbm4b:s6+s14], $0x2000, $0x38;
	[tilespmem:$0x1F000] =	vst v63  }
0x158: {  	_ =	swait.ge [sflag:s15], $0x8000  }
0x159: {  	[sflag:s15] =	ssyncset.done $0x0  }
0x15a: {  	[sflag:s15] =	ssyncadd.s32 $0xFFFF8000  }
0x15b: {  	_ =	swait.ge [sflag:s16], $0x2000  }
0x15c: {  	s22 =	sand.u32 $0x70, s14;
	s14 =	sand.u32 $0x1C00, s14;
	[sflag:s16] =	ssyncset.done $0x0  }
0x15d: {  	s14 =	sor.u32 s22, s14;
	[sflag:s16] =	ssyncadd.s32 $0xFFFFE000  }
0x15e: {  	v3 =	vld [tilespmem:s14+$0x1B380]  }
0x15f: {  	v4 =	vld [tilespmem:s14+$0xF380]  }
0x160: {  	v5 =	vld [tilespmem:s14+$0x1B000]  }
0x161: {  	v6 =	vld [tilespmem:s14+$0x9000]  }
0x162: {  	v7 =	vld [tilespmem:s14+$0xB000]  }
0x163: {  	v8 =	vld [tilespmem:s14+$0xD000]  }
0x164: {  	v9 =	vld [tilespmem:s14+$0xF000]  }
0x165: {  	v10 =	vld [tilespmem:s14+$0x1B080];
	v4 =	vadd.f32 v4, v3  }
0x166: {  	v11 =	vld [tilespmem:s14+$0x9080];
	v6 =	vadd.f32 v6, v5  }
0x167: {  	v7 =	vadd.f32 v7, v5;
	[tilespmem:s14+$0xF380] =	vst v4;
	v4 =	vld [tilespmem:s14+$0xB080]  }
0x168: {  	v8 =	vadd.f32 v8, v5;
	[tilespmem:s14+$0x9000] =	vst v6;
	v6 =	vld [tilespmem:s14+$0xD080]  }
0x169: {  	v5 =	vadd.f32 v9, v5;
	[tilespmem:s14+$0xB000] =	vst v7;
	v7 =	vld [tilespmem:s14+$0xF080]  }
0x16a: {  	v9 =	vld [tilespmem:s14+$0x9100];
	[tilespmem:s14+$0xD000] =	vst v8  }
0x16b: {  	v8 =	vld [tilespmem:s14+$0x1B100];
	[tilespmem:s14+$0xF000] =	vst v5;
	v5 =	vadd.f32 v11, v10  }
0x16c: {  	v11 =	vld [tilespmem:s14+$0xB100];
	v4 =	vadd.f32 v4, v10  }
0x16d: {  	[tilespmem:s14+$0x9080] =	vst v5;
	v5 =	vld [tilespmem:s14+$0xD100];
	v6 =	vadd.f32 v6, v10  }
0x16e: {  	v7 =	vadd.f32 v7, v10;
	[tilespmem:s14+$0xB080] =	vst v4;
	v4 =	vld [tilespmem:s14+$0xF100]  }
0x16f: {  	[tilespmem:s14+$0xD080] =	vst v6;
	v6 =	vld [tilespmem:s14+$0x1B180]  }
0x170: {  	[tilespmem:s14+$0xF080] =	vst v7;
	v7 =	vadd.f32 v9, v8;
	v9 =	vld [tilespmem:s14+$0x9180]  }
0x171: {  	v10 =	vld [tilespmem:s14+$0xB180];
	v11 =	vadd.f32 v11, v8  }
0x172: {  	v5 =	vadd.f32 v5, v8;
	[tilespmem:s14+$0x9100] =	vst v7;
	v7 =	vld [tilespmem:s14+$0xD180]  }
0x173: {  	[tilespmem:s14+$0xB100] =	vst v11;
	v11 =	vld [tilespmem:s14+$0xF180];
	v4 =	vadd.f32 v4, v8  }
0x174: {  	[tilespmem:s14+$0xD100] =	vst v5;
	v5 =	vld [tilespmem:s14+$0x1B200]  }
0x175: {  	v8 =	vld [tilespmem:s14+$0x9200];
	[tilespmem:s14+$0xF100] =	vst v4;
	v4 =	vadd.f32 v9, v6  }
0x176: {  	v10 =	vadd.f32 v10, v6;
	v9 =	vld [tilespmem:s14+$0xB200]  }
0x177: {  	v7 =	vadd.f32 v7, v6;
	[tilespmem:s14+$0x9180] =	vst v4;
	v4 =	vld [tilespmem:s14+$0xD200]  }
0x178: {  	[tilespmem:s14+$0xB180] =	vst v10;
	v10 =	vld [tilespmem:s14+$0xF200];
	v6 =	vadd.f32 v11, v6  }
0x179: {  	[tilespmem:s14+$0xD180] =	vst v7;
	v7 =	vld [tilespmem:s14+$0x1B280]  }
0x17a: {  	[tilespmem:s14+$0xF180] =	vst v6;
	v6 =	vadd.f32 v8, v5;
	v8 =	vld [tilespmem:s14+$0x9280]  }
0x17b: {  	v11 =	vld [tilespmem:s14+$0xB280];
	v9 =	vadd.f32 v9, v5  }
0x17c: {  	[tilespmem:s14+$0x9200] =	vst v6;
	v6 =	vld [tilespmem:s14+$0xD280];
	v4 =	vadd.f32 v4, v5  }
0x17d: {  	[tilespmem:s14+$0xB200] =	vst v9;
	v9 =	vld [tilespmem:s14+$0xF280];
	v5 =	vadd.f32 v10, v5  }
0x17e: {  	v10 =	vld [tilespmem:s14+$0x9300];
	[tilespmem:s14+$0xD200] =	vst v4  }
0x17f: {  	v4 =	vld [tilespmem:s14+$0x1B300];
	[tilespmem:s14+$0xF200] =	vst v5;
	v5 =	vadd.f32 v8, v7  }
0x180: {  	v63 =	vld [tilespmem:s14+$0xB300]  }
0x181: {  	v8 =	vld [tilespmem:s14+$0xD300];
	[tilespmem:s14+$0x9280] =	vst v5;
	v5 =	vadd.f32 v6, v7  }
0x182: {  	v11 =	vadd.f32 v11, v7;
	v6 =	vld [tilespmem:s14+$0xF300];
	v7 =	vadd.f32 v9, v7  }
0x183: {  	s25 =	simm.s32 $0x10;
	s6 =	simm.s32 $0x80;
	[tilespmem:s14+$0xD280] =	vst v5;
	v5 =	vld [tilespmem:s14+$0x9380]  }
0x184: {  	s17 =	sand.u32 $0x70, s25;
	s22 =	sand.u32 $0x1C00, s6;
	[tilespmem:s14+$0xF280] =	vst v7;
	v7 =	vld [tilespmem:s14+$0xB380];
	v10 =	vadd.f32 v10, v4  }
0x185: {  	s25 =	simm.s32 $0x20;
	s17 =	sor.u32 s17, s22;
	[tilespmem:s14+$0xB280] =	vst v11;
	v9 =	vld [tilespmem:s14+$0xD380];
	v11 =	vadd.f32 v63, v4  }
.LBB2_5:
0x186: {  	p0 =	sne.s32 s25, $0x3F0;
	v12 =	vld [tilespmem:s17+$0x1B380];
	[tilespmem:s14+$0x9300] =	vst v10;
	v8 =	vadd.f32 v8, v4  }
0x187: {  	v10 =	vld [tilespmem:s17+$0xF380];
	[tilespmem:s14+$0xB300] =	vst v11;
	v4 =	vadd.f32 v6, v4  }
0x188: {  	v6 =	vld [tilespmem:s17+$0x1B000];
	[tilespmem:s14+$0xD300] =	vst v8;
	v5 =	vadd.f32 v5, v3  }
0x189: {  	v8 =	vld [tilespmem:s17+$0x9000];
	[tilespmem:s14+$0xF300] =	vst v4;
	v4 =	vadd.f32 v7, v3  }
0x18a: {  	v7 =	vld [tilespmem:s17+$0xB000];
	[tilespmem:s14+$0x9380] =	vst v5;
	v5 =	vadd.f32 v9, v3  }
0x18b: {  	v9 =	vld [tilespmem:s17+$0xD000];
	[tilespmem:s14+$0xB380] =	vst v4;
	v3 =	vmov v12  }
0x18c: {  	v4 =	vld [tilespmem:s17+$0xF000];
	v10 =	vadd.f32 v10, v3;
	[tilespmem:s14+$0xD380] =	vst v5;
	s14 =	smov.u32 s17  }
0x18d: {  	v5 =	vld [tilespmem:s14+$0x1B080]  }
0x18e: {  	v8 =	vadd.f32 v8, v6;
	v11 =	vld [tilespmem:s14+$0x9080];
	[tilespmem:s14+$0xF380] =	vst v10  }
0x18f: {  	v7 =	vadd.f32 v7, v6;
	v10 =	vld [tilespmem:s14+$0xB080]  }
0x190: {  	[tilespmem:s14+$0x9000] =	vst v8;
	v8 =	vadd.f32 v9, v6;
	v9 =	vld [tilespmem:s14+$0xD080]  }
0x191: {  	[tilespmem:s14+$0xB000] =	vst v7;
	v4 =	vadd.f32 v4, v6;
	v6 =	vld [tilespmem:s14+$0xF080]  }
0x192: {  	[tilespmem:s14+$0xD000] =	vst v8;
	v7 =	vld [tilespmem:s14+$0x1B100]  }
0x193: {  	[tilespmem:s14+$0xF000] =	vst v4;
	v4 =	vadd.f32 v11, v5;
	v8 =	vld [tilespmem:s14+$0x9100]  }
0x194: {  	v10 =	vadd.f32 v10, v5;
	v11 =	vld [tilespmem:s14+$0xB100]  }
0x195: {  	[tilespmem:s14+$0x9080] =	vst v4;
	v4 =	vadd.f32 v9, v5;
	v9 =	vld [tilespmem:s14+$0xD100]  }
0x196: {  	[tilespmem:s14+$0xB080] =	vst v10;
	v5 =	vadd.f32 v6, v5;
	v6 =	vld [tilespmem:s14+$0xF100]  }
0x197: {  	[tilespmem:s14+$0xD080] =	vst v4;
	v4 =	vld [tilespmem:s14+$0x1B180]  }
0x198: {  	[tilespmem:s14+$0xF080] =	vst v5;
	v5 =	vadd.f32 v8, v7;
	v8 =	vld [tilespmem:s14+$0x9180]  }
0x199: {  	v10 =	vadd.f32 v11, v7;
	v11 =	vld [tilespmem:s14+$0xB180]  }
0x19a: {  	[tilespmem:s14+$0x9100] =	vst v5;
	v5 =	vadd.f32 v9, v7;
	v9 =	vld [tilespmem:s14+$0xD180]  }
0x19b: {  	[tilespmem:s14+$0xB100] =	vst v10;
	v6 =	vadd.f32 v6, v7;
	v7 =	vld [tilespmem:s14+$0xF180]  }
0x19c: {  	[tilespmem:s14+$0xD100] =	vst v5;
	v5 =	vld [tilespmem:s14+$0x1B200]  }
0x19d: {  	[tilespmem:s14+$0xF100] =	vst v6;
	v6 =	vadd.f32 v8, v4;
	v8 =	vld [tilespmem:s14+$0x9200]  }
0x19e: {  	v10 =	vadd.f32 v11, v4;
	v11 =	vld [tilespmem:s14+$0xB200]  }
0x19f: {  	[tilespmem:s14+$0x9180] =	vst v6;
	v6 =	vadd.f32 v9, v4;
	v9 =	vld [tilespmem:s14+$0xD200]  }
0x1a0: {  	[tilespmem:s14+$0xB180] =	vst v10;
	v4 =	vadd.f32 v7, v4;
	v7 =	vld [tilespmem:s14+$0xF200]  }
0x1a1: {  	[tilespmem:s14+$0xD180] =	vst v6;
	v6 =	vld [tilespmem:s14+$0x1B280]  }
0x1a2: {  	[tilespmem:s14+$0xF180] =	vst v4;
	v4 =	vadd.f32 v8, v5;
	v8 =	vld [tilespmem:s14+$0x9280]  }
0x1a3: {  	v10 =	vadd.f32 v11, v5;
	v11 =	vld [tilespmem:s14+$0xB280]  }
0x1a4: {  	[tilespmem:s14+$0x9200] =	vst v4;
	v4 =	vadd.f32 v9, v5;
	v9 =	vld [tilespmem:s14+$0xD280]  }
0x1a5: {  	[tilespmem:s14+$0xB200] =	vst v10;
	v5 =	vadd.f32 v7, v5;
	v7 =	vld [tilespmem:s14+$0xF280]  }
0x1a6: {  	[tilespmem:s14+$0xD200] =	vst v4;
	v4 =	vld [tilespmem:s14+$0x1B300]  }
0x1a7: {  	[tilespmem:s14+$0xF200] =	vst v5;
	v5 =	vadd.f32 v8, v6;
	v10 =	vld [tilespmem:s14+$0x9300]  }
0x1a8: {  	v11 =	vadd.f32 v11, v6;
	v12 =	vld [tilespmem:s14+$0xB300]  }
.Ltmp1:
0x1a9: {  	[tilespmem:s14+$0x9280] =	vst v5;
	v5 =	vadd.f32 v9, v6;
	v8 =	vld [tilespmem:s14+$0xD300];
	(pc) =	sbr.rel @p0 .LBB2_5-.Ltmp1, $4  }
0x1aa: {  	[tilespmem:s14+$0xB280] =	vst v11;
	v7 =	vadd.f32 v7, v6;
	v6 =	vld [tilespmem:s14+$0xF300]  }
0x1ab: {  	s6 =	sadd.s32 $0x80, s6;
	[tilespmem:s14+$0xD280] =	vst v5;
	v5 =	vld [tilespmem:s14+$0x9380]  }
0x1ac: {  	s22 =	sand.u32 $0x1C00, s6;
	s17 =	sand.u32 $0x70, s25;
	[tilespmem:s14+$0xF280] =	vst v7;
	v10 =	vadd.f32 v10, v4;
	v7 =	vld [tilespmem:s14+$0xB380]  }
0x1ad: {  	s25 =	sadd.s32 $0x10, s25;
	s17 =	sor.u32 s17, s22;
	v11 =	vadd.f32 v12, v4;
	v9 =	vld [tilespmem:s14+$0xD380]  }
0x1ae: {  	v12 =	vld [tilespmem:s17+$0x1B380]  }
0x1af: {  	v13 =	vld [tilespmem:s17+$0xF380]  }
0x1b0: {  	v14 =	vld [tilespmem:s17+$0x1B000]  }
0x1b1: {  	v15 =	vld [tilespmem:s17+$0x9000]  }
0x1b2: {  	v16 =	vld [tilespmem:s17+$0xB000]  }
0x1b3: {  	v17 =	vld [tilespmem:s17+$0xD000]  }
0x1b4: {  	v18 =	vld [tilespmem:s17+$0xF000]  }
0x1b5: {  	v19 =	vld [tilespmem:s17+$0x1B080]  }
0x1b6: {  	v20 =	vld [tilespmem:s17+$0x9080];
	[tilespmem:s14+$0x9300] =	vst v10;
	v8 =	vadd.f32 v8, v4  }
0x1b7: {  	v37 =	vld [tilespmem:s17+$0x1B100];
	[tilespmem:s14+$0xB300] =	vst v11;
	v4 =	vadd.f32 v6, v4  }
0x1b8: {  	v39 =	vld [tilespmem:s17+$0x9100];
	[tilespmem:s14+$0xD300] =	vst v8;
	v5 =	vadd.f32 v5, v3  }
0x1b9: {  	v40 =	vld [tilespmem:s17+$0xB100];
	[tilespmem:s14+$0xF300] =	vst v4;
	v7 =	vadd.f32 v7, v3  }
0x1ba: {  	v43 =	vld [tilespmem:s17+$0x1B180];
	[tilespmem:s14+$0x9380] =	vst v5;
	v3 =	vadd.f32 v9, v3  }
0x1bb: {  	v45 =	vld [tilespmem:s17+$0x9180];
	v13 =	vadd.f32 v13, v12;
	[tilespmem:s14+$0xB380] =	vst v7  }
0x1bc: {  	v49 =	vld [tilespmem:s17+$0x1B200];
	v15 =	vadd.f32 v15, v14;
	[tilespmem:s14+$0xD380] =	vst v3  }
0x1bd: {  	v51 =	vld [tilespmem:s17+$0x9200];
	v16 =	vadd.f32 v16, v14;
	[tilespmem:s17+$0xF380] =	vst v13  }
0x1be: {  	v52 =	vld [tilespmem:s17+$0xB200];
	v17 =	vadd.f32 v17, v14;
	[tilespmem:s17+$0x9000] =	vst v15  }
0x1bf: {  	v55 =	vld [tilespmem:s17+$0x1B280];
	v14 =	vadd.f32 v18, v14;
	[tilespmem:s17+$0xB000] =	vst v16  }
0x1c0: {  	v57 =	vld [tilespmem:s17+$0x9280];
	v38 =	vadd.f32 v20, v19;
	[tilespmem:s17+$0xD000] =	vst v17  }
0x1c1: {  	v59 =	vld [tilespmem:s17+$0xD280];
	v44 =	vadd.f32 v39, v37;
	[tilespmem:s17+$0xF000] =	vst v14  }
0x1c2: {  	v61 =	vld [tilespmem:s17+$0x1B300];
	v20 =	vadd.f32 v40, v37;
	[tilespmem:s17+$0x9080] =	vst v38  }
0x1c3: {  	v62 =	vld [tilespmem:s17+$0x9300];
	v50 =	vadd.f32 v45, v43;
	[tilespmem:s17+$0x9100] =	vst v44  }
0x1c4: {  	v11 =	vld [tilespmem:s17+$0xB300];
	v56 =	vadd.f32 v51, v49;
	[tilespmem:s17+$0xB100] =	vst v20  }
0x1c5: {  	v6 =	vld [tilespmem:s17+$0xD300];
	v18 =	vadd.f32 v52, v49;
	[tilespmem:s17+$0x9180] =	vst v50  }
0x1c6: {  	v34 =	vld [tilespmem:s17+$0xB080];
	v10 =	vadd.f32 v57, v55;
	[tilespmem:s17+$0x9200] =	vst v56  }
0x1c7: {  	v35 =	vld [tilespmem:s17+$0xD080];
	v8 =	vadd.f32 v59, v55;
	[tilespmem:s17+$0xB200] =	vst v18  }
0x1c8: {  	v36 =	vld [tilespmem:s17+$0xF080];
	v7 =	vadd.f32 v62, v61;
	[tilespmem:s17+$0x9280] =	vst v10  }
0x1c9: {  	v41 =	vld [tilespmem:s17+$0xD100];
	v3 =	vadd.f32 v11, v61;
	[tilespmem:s17+$0xD280] =	vst v8  }
0x1ca: {  	v46 =	vld [tilespmem:s17+$0xB180];
	v6 =	vadd.f32 v6, v61;
	[tilespmem:s17+$0x9300] =	vst v7  }
0x1cb: {  	v58 =	vld [tilespmem:s17+$0xB280];
	v13 =	vadd.f32 v34, v19;
	[tilespmem:s17+$0xB300] =	vst v3  }
0x1cc: {  	v4 =	vld [tilespmem:s17+$0xF300];
	v15 =	vadd.f32 v35, v19;
	[tilespmem:s17+$0xD300] =	vst v6  }
0x1cd: {  	v42 =	vld [tilespmem:s17+$0xF100];
	v16 =	vadd.f32 v36, v19;
	[tilespmem:s17+$0xB080] =	vst v13  }
0x1ce: {  	v47 =	vld [tilespmem:s17+$0xD180];
	v14 =	vadd.f32 v41, v37;
	[tilespmem:s17+$0xD080] =	vst v15  }
0x1cf: {  	v48 =	vld [tilespmem:s17+$0xF180];
	v19 =	vadd.f32 v46, v43;
	[tilespmem:s17+$0xF080] =	vst v16  }
0x1d0: {  	v54 =	vld [tilespmem:s17+$0xF200];
	v10 =	vadd.f32 v58, v55;
	[tilespmem:s17+$0xD100] =	vst v14  }
0x1d1: {  	v60 =	vld [tilespmem:s17+$0xF280];
	v3 =	vadd.f32 v4, v61;
	[tilespmem:s17+$0xB180] =	vst v19  }
0x1d2: {  	v5 =	vld [tilespmem:s17+$0x9380];
	v13 =	vadd.f32 v42, v37;
	[tilespmem:s17+$0xB280] =	vst v10  }
0x1d3: {  	v53 =	vld [tilespmem:s17+$0xD200];
	v16 =	vadd.f32 v47, v43;
	[tilespmem:s17+$0xF300] =	vst v3  }
0x1d4: {  	v9 =	vld [tilespmem:s17+$0xD380];
	v15 =	vadd.f32 v48, v43;
	[tilespmem:s17+$0xF100] =	vst v13  }
0x1d5: {  	v8 =	vld [tilespmem:s17+$0xB380];
	v14 =	vadd.f32 v54, v49;
	[tilespmem:s17+$0xD180] =	vst v16  }
0x1d6: {  	v10 =	vadd.f32 v60, v55;
	[tilespmem:s17+$0xF180] =	vst v15  }
0x1d7: {  	v4 =	vadd.f32 v5, v12;
	[tilespmem:s17+$0xF200] =	vst v14  }
0x1d8: {  	v13 =	vadd.f32 v53, v49;
	[tilespmem:s17+$0xF280] =	vst v10  }
0x1d9: {  	s14 =	sshll.u32 s31, $0x3;
	[tilespmem:s17+$0x9380] =	vst v4;
	v4 =	vadd.f32 v9, v12  }
0x1da: {  	s6 =	sadd.s32 s5, s14;
	v3 =	vadd.f32 v8, v12;
	[tilespmem:s17+$0xD200] =	vst v13  }
0x1db: {  	s22 =	simm.s32 $0x9000;
	s25 =	sadd.s32 s11, s14;
	s6 =	sshll.u32 s6, $0x7;
	[tilespmem:s17+$0xD380] =	vst v4  }
0x1dc: {  	s31 =	sadd.s32 s3, s6;
	s6 =	simm.s32 $0x0;
	[tilespmem:s17+$0xB380] =	vst v3;
	s17 =	sshll.u32 s25, $0x7  }
0x1dd: {  	[hbm4b:s31+s6] =	stream.linear.scatter [tilespmem:s22], [sflag:$0x8], $0x2000, $0x38;
	[tilespmem:$0x1F000] =	vst v63  }
0x1de: {  	s25 =	sadd.s32 s12, s14;
	s17 =	sadd.s32 s3, s17;
	s31 =	simm.s32 $0xB000  }
0x1df: {  	[hbm4b:s17+s6] =	stream.linear.scatter [tilespmem:s31], [sflag:$0x8], $0x2000, $0x38;
	[tilespmem:$0x1F000] =	vst v63  }
0x1e0: {  	s14 =	sadd.s32 s13, s14;
	s17 =	sshll.u32 s25, $0x7  }
0x1e1: {  	s14 =	sshll.u32 s14, $0x7;
	s17 =	sadd.s32 s3, s17  }
0x1e2: {  	[hbm4b:s17+s6] =	stream.linear.scatter [tilespmem:s1], [sflag:$0x8], $0x2000, $0x38;
	[tilespmem:$0x1F000] =	vst v63  }
0x1e3: {  	s14 =	sadd.s32 s3, s14  }
0x1e4: {  	[hbm4b:s14+s6] =	stream.linear.scatter [tilespmem:s18], [sflag:$0x8], $0x2000, $0x38;
	[tilespmem:$0x1F000] =	vst v63  }
0x1e5: {  	_ =	swait.ge [sflag:s19], $0x2000  }
0x1e6: {  	[sflag:s19] =	ssyncset.done $0x0  }
0x1e7: {  	[sflag:s19] =	ssyncadd.s32 $0xFFFFE000  }
0x1e8: {  	_ =	swait.ge [sflag:s19], $0x2000  }
0x1e9: {  	[sflag:s19] =	ssyncset.done $0x0  }
0x1ea: {  	[sflag:s19] =	ssyncadd.s32 $0xFFFFE000  }
0x1eb: {  	_ =	swait.ge [sflag:s19], $0x2000  }
0x1ec: {  	[sflag:s19] =	ssyncset.done $0x0  }
0x1ed: {  	[sflag:s19] =	ssyncadd.s32 $0xFFFFE000  }
0x1ee: {  	s14 =	sadd.s32 $0x3, s29;
	_ =	swait.ge [sflag:s19], $0x2000  }
0x1ef: {  	s29 =	sshll.u32 s14, $0x7;
	[sflag:s19] =	ssyncset.done $0x0  }
0x1f0: {  	s17 =	sand.u32 $0x3FFFFF80, s29;
	[sflag:s19] =	ssyncadd.s32 $0xFFFFE000  }
0x1f1: {  	v3 =	vld [tilespmem:s17+$0x0];
	_ =	sdelay $0x4  }
0x1f2: {  	v4 =	vshll.u32 v3, $0x3  }
0x1f3: {  	v3 =	vand.u32 $0x7, v3;
	v4 =	vand.u32 $0xFFFFFFC0, v4  }
0x1f4: {  	v3 =	vor.u32 v3, v4  }
0x1f5: {  	v4 =	vperm.xlane v3, v0;
	_ =	sdelay $0x1  }
0x1f6: {  	v4 =	vadd.s32 v1, v4;
	_ =	sdelay $0x4  }
0x1f7: {  	[tilespmem:s30], [sflag:$0x1] =	stream.indirect_vreg.gather [hbm4b:s2+s6], $0x80, v4, vm0, $0xb8;
	[tilespmem:$0x1F000] =	vst v63  }
0x1f8: {  	s31 =	simm.s32 $0x1800;
	v3 =	vperm.xlane v3, v2  }
0x1f9: {  	[tilespmem:s31], [sflag:$0x1] =	stream.indirect_vreg.gather [hbm4b:s7+s6], $0x80, v4, vm0, $0xb8;
	[tilespmem:$0x1F000] =	vst v63  }
0x1fa: {  	s25 =	simm.s32 $0x2000;
	v3 =	vadd.s32 v1, v3  }
0x1fb: {  	[tilespmem:s25], [sflag:$0x1] =	stream.indirect_vreg.gather [hbm4b:s8+s6], $0x80, v4, vm0, $0xb8;
	[tilespmem:$0x1F000] =	vst v63  }
0x1fc: {  	s29 =	simm.s32 $0x2800  }
0x1fd: {  	[tilespmem:s29], [sflag:$0x1] =	stream.indirect_vreg.gather [hbm4b:s9+s6], $0x80, v4, vm0, $0xb8;
	[tilespmem:$0x1F000] =	vst v63  }
0x1fe: {  	_ = 	snop  }
0x1ff: {  	[tilespmem:s28], [sflag:$0x1] =	stream.indirect_vreg.gather [hbm4b:s2+s6], $0x80, v3, vm0, $0xb8;
	[tilespmem:$0x1F000] =	vst v63  }
0x200: {  	s31 =	simm.s32 $0x3800  }
0x201: {  	[tilespmem:s31], [sflag:$0x1] =	stream.indirect_vreg.gather [hbm4b:s7+s6], $0x80, v3, vm0, $0xb8;
	[tilespmem:$0x1F000] =	vst v63  }
0x202: {  	s25 =	simm.s32 $0x4000  }
0x203: {  	[tilespmem:s25], [sflag:$0x1] =	stream.indirect_vreg.gather [hbm4b:s8+s6], $0x80, v3, vm0, $0xb8;
	[tilespmem:$0x1F000] =	vst v63  }
0x204: {  	s28 =	simm.s32 $0x4800  }
0x205: {  	[tilespmem:s28], [sflag:$0x1] =	stream.indirect_vreg.gather [hbm4b:s9+s6], $0x80, v3, vm0, $0xb8;
	[tilespmem:$0x1F000] =	vst v63  }
0x206: {  	v3 =	vld [tilespmem:s17+$0x10];
	_ =	sdelay $0x4  }
0x207: {  	v4 =	vshll.u32 v3, $0x3  }
0x208: {  	v3 =	vand.u32 $0x7, v3;
	v4 =	vand.u32 $0xFFFFFFC0, v4  }
0x209: {  	v3 =	vor.u32 v3, v4  }
0x20a: {  	v4 =	vperm.xlane v3, v0;
	_ =	sdelay $0x1  }
0x20b: {  	v4 =	vadd.s32 v1, v4;
	_ =	sdelay $0x3  }
0x20c: {  	s29 =	simm.s32 $0x5000  }
0x20d: {  	[tilespmem:s29], [sflag:$0x1] =	stream.indirect_vreg.gather [hbm4b:s2+s6], $0x80, v4, vm0, $0xb8;
	[tilespmem:$0x1F000] =	vst v63  }
0x20e: {  	s31 =	simm.s32 $0x5800;
	v3 =	vperm.xlane v3, v2  }
0x20f: {  	[tilespmem:s31], [sflag:$0x1] =	stream.indirect_vreg.gather [hbm4b:s7+s6], $0x80, v4, vm0, $0xb8;
	[tilespmem:$0x1F000] =	vst v63  }
0x210: {  	s22 =	simm.s32 $0x6000;
	v3 =	vadd.s32 v1, v3  }
0x211: {  	[tilespmem:s22], [sflag:$0x1] =	stream.indirect_vreg.gather [hbm4b:s8+s6], $0x80, v4, vm0, $0xb8;
	[tilespmem:$0x1F000] =	vst v63  }
0x212: {  	s25 =	simm.s32 $0x6800  }
0x213: {  	[tilespmem:s25], [sflag:$0x1] =	stream.indirect_vreg.gather [hbm4b:s9+s6], $0x80, v4, vm0, $0xb8;
	[tilespmem:$0x1F000] =	vst v63  }
0x214: {  	s28 =	simm.s32 $0x7000  }
0x215: {  	[tilespmem:s28], [sflag:$0x1] =	stream.indirect_vreg.gather [hbm4b:s2+s6], $0x80, v3, vm0, $0xb8;
	[tilespmem:$0x1F000] =	vst v63  }
0x216: {  	s29 =	simm.s32 $0x7800  }
0x217: {  	[tilespmem:s29], [sflag:$0x1] =	stream.indirect_vreg.gather [hbm4b:s7+s6], $0x80, v3, vm0, $0xb8;
	[tilespmem:$0x1F000] =	vst v63  }
0x218: {  	s31 =	simm.s32 $0x8000  }
0x219: {  	[tilespmem:s31], [sflag:$0x1] =	stream.indirect_vreg.gather [hbm4b:s8+s6], $0x80, v3, vm0, $0xb8;
	[tilespmem:$0x1F000] =	vst v63  }
0x21a: {  	s14 =	sshll.u32 s14, $0xA;
	s22 =	simm.s32 $0x8800  }
0x21b: {  	[tilespmem:s22], [sflag:$0x1] =	stream.indirect_vreg.gather [hbm4b:s9+s6], $0x80, v3, vm0, $0xb8;
	[tilespmem:$0x1F000] =	vst v63  }
0x21c: {  	s14 =	sadd.s32 s14, s10;
	s25 =	simm.s32 $0x19000  }
0x21d: {  	[tilespmem:s25], [sflag:$0x4] =	stream.linear.gather [hbm4b:s14+s6], $0x2000, $0x38;
	[tilespmem:$0x1F000] =	vst v63  }
0x21e: {  	_ =	swait.ge [sflag:s20], $0x8000  }
0x21f: {  	[sflag:s20] =	ssyncset.done $0x0  }
0x220: {  	[sflag:s20] =	ssyncadd.s32 $0xFFFF8000  }
0x221: {  	_ =	swait.ge [sflag:s21], $0x2000  }
0x222: {  	s28 =	sand.u32 $0x70, s6;
	s6 =	sand.u32 $0x1C00, s6;
	[sflag:s21] =	ssyncset.done $0x0  }
0x223: {  	s14 =	sor.u32 s28, s6;
	[sflag:s21] =	ssyncadd.s32 $0xFFFFE000  }
0x224: {  	v3 =	vld [tilespmem:s14+$0x1D380]  }
0x225: {  	v4 =	vld [tilespmem:s14+$0x17380]  }
0x226: {  	v5 =	vld [tilespmem:s14+$0x1D000]  }
0x227: {  	v6 =	vld [tilespmem:s14+$0x11000]  }
0x228: {  	v7 =	vld [tilespmem:s14+$0x13000]  }
0x229: {  	v8 =	vld [tilespmem:s14+$0x15000]  }
0x22a: {  	v9 =	vld [tilespmem:s14+$0x17000]  }
0x22b: {  	v10 =	vld [tilespmem:s14+$0x1D080];
	v4 =	vadd.f32 v4, v3  }
0x22c: {  	v11 =	vld [tilespmem:s14+$0x11080];
	v6 =	vadd.f32 v6, v5  }
0x22d: {  	v7 =	vadd.f32 v7, v5;
	[tilespmem:s14+$0x17380] =	vst v4;
	v4 =	vld [tilespmem:s14+$0x13080]  }
0x22e: {  	v8 =	vadd.f32 v8, v5;
	[tilespmem:s14+$0x11000] =	vst v6;
	v6 =	vld [tilespmem:s14+$0x15080]  }
0x22f: {  	v5 =	vadd.f32 v9, v5;
	[tilespmem:s14+$0x13000] =	vst v7;
	v7 =	vld [tilespmem:s14+$0x17080]  }
0x230: {  	v9 =	vld [tilespmem:s14+$0x11100];
	[tilespmem:s14+$0x15000] =	vst v8  }
0x231: {  	v8 =	vld [tilespmem:s14+$0x1D100];
	[tilespmem:s14+$0x17000] =	vst v5;
	v5 =	vadd.f32 v11, v10  }
0x232: {  	v11 =	vld [tilespmem:s14+$0x13100];
	v4 =	vadd.f32 v4, v10  }
0x233: {  	[tilespmem:s14+$0x11080] =	vst v5;
	v5 =	vld [tilespmem:s14+$0x15100];
	v6 =	vadd.f32 v6, v10  }
0x234: {  	v7 =	vadd.f32 v7, v10;
	[tilespmem:s14+$0x13080] =	vst v4;
	v4 =	vld [tilespmem:s14+$0x17100]  }
0x235: {  	[tilespmem:s14+$0x15080] =	vst v6;
	v6 =	vld [tilespmem:s14+$0x1D180]  }
0x236: {  	[tilespmem:s14+$0x17080] =	vst v7;
	v7 =	vadd.f32 v9, v8;
	v9 =	vld [tilespmem:s14+$0x11180]  }
0x237: {  	v10 =	vld [tilespmem:s14+$0x13180];
	v11 =	vadd.f32 v11, v8  }
0x238: {  	v5 =	vadd.f32 v5, v8;
	[tilespmem:s14+$0x11100] =	vst v7;
	v7 =	vld [tilespmem:s14+$0x15180]  }
0x239: {  	[tilespmem:s14+$0x13100] =	vst v11;
	v11 =	vld [tilespmem:s14+$0x17180];
	v4 =	vadd.f32 v4, v8  }
0x23a: {  	[tilespmem:s14+$0x15100] =	vst v5;
	v5 =	vld [tilespmem:s14+$0x1D200]  }
0x23b: {  	v8 =	vld [tilespmem:s14+$0x11200];
	[tilespmem:s14+$0x17100] =	vst v4;
	v4 =	vadd.f32 v9, v6  }
0x23c: {  	v10 =	vadd.f32 v10, v6;
	v9 =	vld [tilespmem:s14+$0x13200]  }
0x23d: {  	v7 =	vadd.f32 v7, v6;
	[tilespmem:s14+$0x11180] =	vst v4;
	v4 =	vld [tilespmem:s14+$0x15200]  }
0x23e: {  	[tilespmem:s14+$0x13180] =	vst v10;
	v10 =	vld [tilespmem:s14+$0x17200];
	v6 =	vadd.f32 v11, v6  }
0x23f: {  	[tilespmem:s14+$0x15180] =	vst v7;
	v7 =	vld [tilespmem:s14+$0x1D280]  }
0x240: {  	[tilespmem:s14+$0x17180] =	vst v6;
	v6 =	vadd.f32 v8, v5;
	v8 =	vld [tilespmem:s14+$0x11280]  }
0x241: {  	v11 =	vld [tilespmem:s14+$0x13280];
	v9 =	vadd.f32 v9, v5  }
0x242: {  	[tilespmem:s14+$0x11200] =	vst v6;
	v6 =	vld [tilespmem:s14+$0x15280];
	v4 =	vadd.f32 v4, v5  }
0x243: {  	[tilespmem:s14+$0x13200] =	vst v9;
	v9 =	vld [tilespmem:s14+$0x17280];
	v5 =	vadd.f32 v10, v5  }
0x244: {  	v10 =	vld [tilespmem:s14+$0x11300];
	[tilespmem:s14+$0x15200] =	vst v4  }
0x245: {  	v4 =	vld [tilespmem:s14+$0x1D300];
	[tilespmem:s14+$0x17200] =	vst v5;
	v5 =	vadd.f32 v8, v7  }
0x246: {  	v63 =	vld [tilespmem:s14+$0x13300]  }
0x247: {  	v8 =	vld [tilespmem:s14+$0x15300];
	[tilespmem:s14+$0x11280] =	vst v5;
	v5 =	vadd.f32 v6, v7  }
0x248: {  	v11 =	vadd.f32 v11, v7;
	v6 =	vld [tilespmem:s14+$0x17300];
	v7 =	vadd.f32 v9, v7  }
0x249: {  	s29 =	simm.s32 $0x10;
	s6 =	simm.s32 $0x80;
	[tilespmem:s14+$0x15280] =	vst v5;
	v5 =	vld [tilespmem:s14+$0x11380]  }
0x24a: {  	s17 =	sand.u32 $0x70, s29;
	s31 =	sand.u32 $0x1C00, s6;
	[tilespmem:s14+$0x17280] =	vst v7;
	v7 =	vld [tilespmem:s14+$0x13380];
	v10 =	vadd.f32 v10, v4  }
0x24b: {  	s25 =	simm.s32 $0x20;
	s17 =	sor.u32 s17, s31;
	[tilespmem:s14+$0x13280] =	vst v11;
	v9 =	vld [tilespmem:s14+$0x15380];
	v11 =	vadd.f32 v63, v4  }
.LBB2_7:
0x24c: {  	p0 =	sne.s32 s25, $0x3F0;
	v12 =	vld [tilespmem:s17+$0x1D380];
	[tilespmem:s14+$0x11300] =	vst v10;
	v8 =	vadd.f32 v8, v4  }
0x24d: {  	v10 =	vld [tilespmem:s17+$0x17380];
	[tilespmem:s14+$0x13300] =	vst v11;
	v4 =	vadd.f32 v6, v4  }
0x24e: {  	v6 =	vld [tilespmem:s17+$0x1D000];
	[tilespmem:s14+$0x15300] =	vst v8;
	v5 =	vadd.f32 v5, v3  }
0x24f: {  	v8 =	vld [tilespmem:s17+$0x11000];
	[tilespmem:s14+$0x17300] =	vst v4;
	v4 =	vadd.f32 v7, v3  }
0x250: {  	v7 =	vld [tilespmem:s17+$0x13000];
	[tilespmem:s14+$0x11380] =	vst v5;
	v5 =	vadd.f32 v9, v3  }
0x251: {  	v9 =	vld [tilespmem:s17+$0x15000];
	[tilespmem:s14+$0x13380] =	vst v4;
	v3 =	vmov v12  }
0x252: {  	v4 =	vld [tilespmem:s17+$0x17000];
	v10 =	vadd.f32 v10, v3;
	[tilespmem:s14+$0x15380] =	vst v5;
	s14 =	smov.u32 s17  }
0x253: {  	v5 =	vld [tilespmem:s14+$0x1D080]  }
0x254: {  	v8 =	vadd.f32 v8, v6;
	v11 =	vld [tilespmem:s14+$0x11080];
	[tilespmem:s14+$0x17380] =	vst v10  }
0x255: {  	v7 =	vadd.f32 v7, v6;
	v10 =	vld [tilespmem:s14+$0x13080]  }
0x256: {  	[tilespmem:s14+$0x11000] =	vst v8;
	v8 =	vadd.f32 v9, v6;
	v9 =	vld [tilespmem:s14+$0x15080]  }
0x257: {  	[tilespmem:s14+$0x13000] =	vst v7;
	v4 =	vadd.f32 v4, v6;
	v6 =	vld [tilespmem:s14+$0x17080]  }
0x258: {  	[tilespmem:s14+$0x15000] =	vst v8;
	v7 =	vld [tilespmem:s14+$0x1D100]  }
0x259: {  	[tilespmem:s14+$0x17000] =	vst v4;
	v4 =	vadd.f32 v11, v5;
	v8 =	vld [tilespmem:s14+$0x11100]  }
0x25a: {  	v10 =	vadd.f32 v10, v5;
	v11 =	vld [tilespmem:s14+$0x13100]  }
0x25b: {  	[tilespmem:s14+$0x11080] =	vst v4;
	v4 =	vadd.f32 v9, v5;
	v9 =	vld [tilespmem:s14+$0x15100]  }
0x25c: {  	[tilespmem:s14+$0x13080] =	vst v10;
	v5 =	vadd.f32 v6, v5;
	v6 =	vld [tilespmem:s14+$0x17100]  }
0x25d: {  	[tilespmem:s14+$0x15080] =	vst v4;
	v4 =	vld [tilespmem:s14+$0x1D180]  }
0x25e: {  	[tilespmem:s14+$0x17080] =	vst v5;
	v5 =	vadd.f32 v8, v7;
	v8 =	vld [tilespmem:s14+$0x11180]  }
0x25f: {  	v10 =	vadd.f32 v11, v7;
	v11 =	vld [tilespmem:s14+$0x13180]  }
0x260: {  	[tilespmem:s14+$0x11100] =	vst v5;
	v5 =	vadd.f32 v9, v7;
	v9 =	vld [tilespmem:s14+$0x15180]  }
0x261: {  	[tilespmem:s14+$0x13100] =	vst v10;
	v6 =	vadd.f32 v6, v7;
	v7 =	vld [tilespmem:s14+$0x17180]  }
0x262: {  	[tilespmem:s14+$0x15100] =	vst v5;
	v5 =	vld [tilespmem:s14+$0x1D200]  }
0x263: {  	[tilespmem:s14+$0x17100] =	vst v6;
	v6 =	vadd.f32 v8, v4;
	v8 =	vld [tilespmem:s14+$0x11200]  }
0x264: {  	v10 =	vadd.f32 v11, v4;
	v11 =	vld [tilespmem:s14+$0x13200]  }
0x265: {  	[tilespmem:s14+$0x11180] =	vst v6;
	v6 =	vadd.f32 v9, v4;
	v9 =	vld [tilespmem:s14+$0x15200]  }
0x266: {  	[tilespmem:s14+$0x13180] =	vst v10;
	v4 =	vadd.f32 v7, v4;
	v7 =	vld [tilespmem:s14+$0x17200]  }
0x267: {  	[tilespmem:s14+$0x15180] =	vst v6;
	v6 =	vld [tilespmem:s14+$0x1D280]  }
0x268: {  	[tilespmem:s14+$0x17180] =	vst v4;
	v4 =	vadd.f32 v8, v5;
	v8 =	vld [tilespmem:s14+$0x11280]  }
0x269: {  	v10 =	vadd.f32 v11, v5;
	v11 =	vld [tilespmem:s14+$0x13280]  }
0x26a: {  	[tilespmem:s14+$0x11200] =	vst v4;
	v4 =	vadd.f32 v9, v5;
	v9 =	vld [tilespmem:s14+$0x15280]  }
0x26b: {  	[tilespmem:s14+$0x13200] =	vst v10;
	v5 =	vadd.f32 v7, v5;
	v7 =	vld [tilespmem:s14+$0x17280]  }
0x26c: {  	[tilespmem:s14+$0x15200] =	vst v4;
	v4 =	vld [tilespmem:s14+$0x1D300]  }
0x26d: {  	[tilespmem:s14+$0x17200] =	vst v5;
	v5 =	vadd.f32 v8, v6;
	v10 =	vld [tilespmem:s14+$0x11300]  }
0x26e: {  	v11 =	vadd.f32 v11, v6;
	v12 =	vld [tilespmem:s14+$0x13300]  }
.Ltmp2:
0x26f: {  	[tilespmem:s14+$0x11280] =	vst v5;
	v5 =	vadd.f32 v9, v6;
	v8 =	vld [tilespmem:s14+$0x15300];
	(pc) =	sbr.rel @p0 .LBB2_7-.Ltmp2, $4  }
0x270: {  	[tilespmem:s14+$0x13280] =	vst v11;
	v7 =	vadd.f32 v7, v6;
	v6 =	vld [tilespmem:s14+$0x17300]  }
0x271: {  	s6 =	sadd.s32 $0x80, s6;
	[tilespmem:s14+$0x15280] =	vst v5;
	v5 =	vld [tilespmem:s14+$0x11380]  }
0x272: {  	s22 =	sand.u32 $0x1C00, s6;
	s17 =	sand.u32 $0x70, s25;
	[tilespmem:s14+$0x17280] =	vst v7;
	v10 =	vadd.f32 v10, v4;
	v7 =	vld [tilespmem:s14+$0x13380]  }
0x273: {  	s25 =	sadd.s32 $0x10, s25;
	s17 =	sor.u32 s17, s22;
	v11 =	vadd.f32 v12, v4;
	v9 =	vld [tilespmem:s14+$0x15380]  }
0x274: {  	v12 =	vld [tilespmem:s17+$0x1D380]  }
0x275: {  	v13 =	vld [tilespmem:s17+$0x17380]  }
0x276: {  	v14 =	vld [tilespmem:s17+$0x1D000]  }
0x277: {  	v15 =	vld [tilespmem:s17+$0x11000]  }
0x278: {  	v16 =	vld [tilespmem:s17+$0x13000]  }
0x279: {  	v17 =	vld [tilespmem:s17+$0x15000]  }
0x27a: {  	v18 =	vld [tilespmem:s17+$0x17000]  }
0x27b: {  	v19 =	vld [tilespmem:s17+$0x1D080]  }
0x27c: {  	v20 =	vld [tilespmem:s17+$0x11080];
	[tilespmem:s14+$0x11300] =	vst v10;
	v8 =	vadd.f32 v8, v4  }
0x27d: {  	v24 =	vld [tilespmem:s17+$0x1D100];
	[tilespmem:s14+$0x13300] =	vst v11;
	v53 =	vadd.f32 v6, v4  }
0x27e: {  	v26 =	vld [tilespmem:s17+$0x11100];
	[tilespmem:s14+$0x15300] =	vst v8;
	v5 =	vadd.f32 v5, v3  }
0x27f: {  	v27 =	vld [tilespmem:s17+$0x13100];
	[tilespmem:s14+$0x17300] =	vst v53;
	v7 =	vadd.f32 v7, v3  }
0x280: {  	v30 =	vld [tilespmem:s17+$0x1D180];
	[tilespmem:s14+$0x11380] =	vst v5;
	v3 =	vadd.f32 v9, v3  }
0x281: {  	v32 =	vld [tilespmem:s17+$0x11180];
	v13 =	vadd.f32 v13, v12;
	[tilespmem:s14+$0x13380] =	vst v7  }
0x282: {  	v36 =	vld [tilespmem:s17+$0x1D200];
	v15 =	vadd.f32 v15, v14;
	[tilespmem:s14+$0x15380] =	vst v3  }
0x283: {  	v38 =	vld [tilespmem:s17+$0x11200];
	v16 =	vadd.f32 v16, v14;
	[tilespmem:s17+$0x17380] =	vst v13  }
0x284: {  	v39 =	vld [tilespmem:s17+$0x13200];
	v17 =	vadd.f32 v17, v14;
	[tilespmem:s17+$0x11000] =	vst v15  }
0x285: {  	v42 =	vld [tilespmem:s17+$0x1D280];
	v14 =	vadd.f32 v18, v14;
	[tilespmem:s17+$0x13000] =	vst v16  }
0x286: {  	v44 =	vld [tilespmem:s17+$0x11280];
	v25 =	vadd.f32 v20, v19;
	[tilespmem:s17+$0x15000] =	vst v17  }
0x287: {  	v45 =	vld [tilespmem:s17+$0x13280];
	v31 =	vadd.f32 v26, v24;
	[tilespmem:s17+$0x17000] =	vst v14  }
0x288: {  	v46 =	vld [tilespmem:s17+$0x15280];
	v20 =	vadd.f32 v27, v24;
	[tilespmem:s17+$0x11080] =	vst v25  }
0x289: {  	v47 =	vld [tilespmem:s17+$0x17280];
	v37 =	vadd.f32 v32, v30;
	[tilespmem:s17+$0x11100] =	vst v31  }
0x28a: {  	v48 =	vld [tilespmem:s17+$0x1D300];
	v43 =	vadd.f32 v38, v36;
	[tilespmem:s17+$0x13100] =	vst v20  }
0x28b: {  	v50 =	vld [tilespmem:s17+$0x11300];
	v18 =	vadd.f32 v39, v36;
	[tilespmem:s17+$0x11180] =	vst v37  }
0x28c: {  	v54 =	vld [tilespmem:s17+$0x15300];
	v49 =	vadd.f32 v44, v42;
	[tilespmem:s17+$0x11200] =	vst v43  }
0x28d: {  	v51 =	vld [tilespmem:s17+$0x13300];
	v52 =	vadd.f32 v45, v42;
	[tilespmem:s17+$0x13200] =	vst v18  }
0x28e: {  	v61 =	vld [tilespmem:s17+$0x13080];
	v55 =	vadd.f32 v46, v42;
	[tilespmem:s17+$0x11280] =	vst v49  }
0x28f: {  	v62 =	vld [tilespmem:s17+$0x15080];
	v57 =	vadd.f32 v47, v42;
	[tilespmem:s17+$0x13280] =	vst v52  }
0x290: {  	v63 =	vld [tilespmem:s17+$0x17080];
	v59 =	vadd.f32 v50, v48;
	[tilespmem:s17+$0x15280] =	vst v55  }
0x291: {  	v28 =	vld [tilespmem:s17+$0x15100];
	v6 =	vadd.f32 v54, v48;
	[tilespmem:s17+$0x17280] =	vst v57  }
0x292: {  	v33 =	vld [tilespmem:s17+$0x13180];
	v3 =	vadd.f32 v51, v48;
	[tilespmem:s17+$0x11300] =	vst v59  }
0x293: {  	v58 =	vld [tilespmem:s17+$0x11380];
	v13 =	vadd.f32 v61, v19;
	[tilespmem:s17+$0x15300] =	vst v6  }
0x294: {  	v56 =	vld [tilespmem:s17+$0x17300];
	v15 =	vadd.f32 v62, v19;
	[tilespmem:s17+$0x13300] =	vst v3  }
0x295: {  	v29 =	vld [tilespmem:s17+$0x17100];
	v16 =	vadd.f32 v63, v19;
	[tilespmem:s17+$0x13080] =	vst v13  }
0x296: {  	v34 =	vld [tilespmem:s17+$0x15180];
	v14 =	vadd.f32 v28, v24;
	[tilespmem:s17+$0x15080] =	vst v15  }
0x297: {  	v35 =	vld [tilespmem:s17+$0x17180];
	v19 =	vadd.f32 v33, v30;
	[tilespmem:s17+$0x17080] =	vst v16  }
0x298: {  	v41 =	vld [tilespmem:s17+$0x17200];
	v62 =	vadd.f32 v58, v12;
	[tilespmem:s17+$0x15100] =	vst v14  }
0x299: {  	v60 =	vld [tilespmem:s17+$0x13380];
	v3 =	vadd.f32 v56, v48;
	[tilespmem:s17+$0x13180] =	vst v19  }
0x29a: {  	v40 =	vld [tilespmem:s17+$0x15200];
	v13 =	vadd.f32 v29, v24;
	[tilespmem:s17+$0x11380] =	vst v62  }
0x29b: {  	v61 =	vld [tilespmem:s17+$0x15380];
	v16 =	vadd.f32 v34, v30;
	[tilespmem:s17+$0x17300] =	vst v3  }
0x29c: {  	v15 =	vadd.f32 v35, v30;
	[tilespmem:s17+$0x17100] =	vst v13  }
0x29d: {  	v14 =	vadd.f32 v41, v36;
	[tilespmem:s17+$0x15180] =	vst v16  }
0x29e: {  	v3 =	vadd.f32 v60, v12;
	[tilespmem:s17+$0x17180] =	vst v15  }
0x29f: {  	s0 =	sshll.u32 s0, $0x3;
	v13 =	vadd.f32 v40, v36;
	[tilespmem:s17+$0x17200] =	vst v14  }
0x2a0: {  	s6 =	sadd.s32 s5, s0;
	v63 =	vadd.f32 v61, v12;
	[tilespmem:s17+$0x13380] =	vst v3  }
0x2a1: {  	s6 =	sshll.u32 s6, $0x7;
	[tilespmem:s17+$0x15200] =	vst v13  }
0x2a2: {  	s22 =	sadd.s32 s11, s0;
	s6 =	sadd.s32 s3, s6;
	[tilespmem:s17+$0x15380] =	vst v63;
	s17 =	simm.s32 $0x11000  }
0x2a3: {  	[hbm4b:s6+s4] =	stream.linear.scatter [tilespmem:s17], [sflag:$0x9], $0x2000, $0x38;
	[tilespmem:$0x1F000] =	vst v63  }
0x2a4: {  	s25 =	simm.s32 $0x13000;
	s23 =	sadd.s32 $0x1, s23;
	s6 =	sshll.u32 s22, $0x7  }
0x2a5: {  	s28 =	sadd.s32 s12, s0;
	p0 =	sne.s32 s23, $0xA;
	s6 =	sadd.s32 s3, s6  }
0x2a6: {  	[hbm4b:s6+s4] =	stream.linear.scatter [tilespmem:s25], [sflag:$0x9], $0x2000, $0x38;
	[tilespmem:$0x1F000] =	vst v63  }
.Ltmp3:
0x2a7: {  	s0 =	sadd.s32 s13, s0;
	s6 =	sshll.u32 s28, $0x7;
	(pc) =	sbr.rel @p0 .LBB2_2-.Ltmp3, $4  }
0x2a8: {  	s29 =	simm.s32 $0x15000;
	s0 =	sshll.u32 s0, $0x7;
	s6 =	sadd.s32 s3, s6  }
0x2a9: {  	[hbm4b:s6+s4] =	stream.linear.scatter [tilespmem:s29], [sflag:$0x9], $0x2000, $0x38;
	[tilespmem:$0x1F000] =	vst v63  }
0x2aa: {  	s31 =	simm.s32 $0x17000;
	s0 =	sadd.s32 s3, s0  }
0x2ab: {  	[hbm4b:s0+s4] =	stream.linear.scatter [tilespmem:s31], [sflag:$0x9], $0x2000, $0x38;
	[tilespmem:$0x1F000] =	vst v63  }
0x2ac: {  	s29 =	simm.s32 $0x8  }
0x2ad: {  	_ =	swait.ge [sflag:s29], $0x2000  }
0x2ae: {  	[sflag:s29] =	ssyncset.done $0x0  }
0x2af: {  	[sflag:s29] =	ssyncadd.s32 $0xFFFFE000  }
0x2b0: {  	_ =	swait.ge [sflag:s29], $0x2000  }
0x2b1: {  	[sflag:s29] =	ssyncset.done $0x0  }
0x2b2: {  	[sflag:s29] =	ssyncadd.s32 $0xFFFFE000  }
0x2b3: {  	_ =	swait.ge [sflag:s29], $0x2000  }
0x2b4: {  	[sflag:s29] =	ssyncset.done $0x0  }
0x2b5: {  	[sflag:s29] =	ssyncadd.s32 $0xFFFFE000  }
0x2b6: {  	_ =	swait.ge [sflag:s29], $0x2000  }
0x2b7: {  	[sflag:s29] =	ssyncset.done $0x0  }
0x2b8: {  	[sflag:s29] =	ssyncadd.s32 $0xFFFFE000  }
0x2b9: {  	v3 =	vld [tilespmem:$0xF80];
	_ =	sdelay $0x4  }
0x2ba: {  	v4 =	vshll.u32 v3, $0x3  }
0x2bb: {  	v3 =	vand.u32 $0x7, v3;
	v4 =	vand.u32 $0xFFFFFFC0, v4  }
0x2bc: {  	v3 =	vor.u32 v3, v4  }
0x2bd: {  	v4 =	vperm.xlane v3, v0;
	_ =	sdelay $0x1  }
0x2be: {  	v4 =	vadd.s32 v1, v4;
	_ =	sdelay $0x3  }
0x2bf: {  	s6 =	simm.s32 $0x0;
	s0 =	simm.s32 $0x9000  }
0x2c0: {  	[tilespmem:s0], [sflag:$0x2] =	stream.indirect_vreg.gather [hbm4b:s2+s6], $0x80, v4, vm0, $0xb8;
	[tilespmem:$0x1F000] =	vst v63  }
0x2c1: {  	s25 =	simm.s32 $0x9800;
	v3 =	vperm.xlane v3, v2  }
0x2c2: {  	[tilespmem:s25], [sflag:$0x2] =	stream.indirect_vreg.gather [hbm4b:s7+s6], $0x80, v4, vm0, $0xb8;
	[tilespmem:$0x1F000] =	vst v63  }
0x2c3: {  	s28 =	simm.s32 $0xA000;
	v3 =	vadd.s32 v1, v3  }
0x2c4: {  	[tilespmem:s28], [sflag:$0x2] =	stream.indirect_vreg.gather [hbm4b:s8+s6], $0x80, v4, vm0, $0xb8;
	[tilespmem:$0x1F000] =	vst v63  }
0x2c5: {  	s31 =	simm.s32 $0xA800  }
0x2c6: {  	[tilespmem:s31], [sflag:$0x2] =	stream.indirect_vreg.gather [hbm4b:s9+s6], $0x80, v4, vm0, $0xb8;
	[tilespmem:$0x1F000] =	vst v63  }
0x2c7: {  	s14 =	simm.s32 $0xB000  }
0x2c8: {  	[tilespmem:s14], [sflag:$0x2] =	stream.indirect_vreg.gather [hbm4b:s2+s6], $0x80, v3, vm0, $0xb8;
	[tilespmem:$0x1F000] =	vst v63  }
0x2c9: {  	s17 =	simm.s32 $0xB800  }
0x2ca: {  	[tilespmem:s17], [sflag:$0x2] =	stream.indirect_vreg.gather [hbm4b:s7+s6], $0x80, v3, vm0, $0xb8;
	[tilespmem:$0x1F000] =	vst v63  }
0x2cb: {  	s22 =	simm.s32 $0xC000  }
0x2cc: {  	[tilespmem:s22], [sflag:$0x2] =	stream.indirect_vreg.gather [hbm4b:s8+s6], $0x80, v3, vm0, $0xb8;
	[tilespmem:$0x1F000] =	vst v63  }
0x2cd: {  	s23 =	simm.s32 $0xC800  }
0x2ce: {  	[tilespmem:s23], [sflag:$0x2] =	stream.indirect_vreg.gather [hbm4b:s9+s6], $0x80, v3, vm0, $0xb8;
	[tilespmem:$0x1F000] =	vst v63  }
0x2cf: {  	v3 =	vld [tilespmem:$0xF90];
	_ =	sdelay $0x4  }
0x2d0: {  	v4 =	vshll.u32 v3, $0x3  }
0x2d1: {  	v3 =	vand.u32 $0x7, v3;
	v4 =	vand.u32 $0xFFFFFFC0, v4  }
0x2d2: {  	v3 =	vor.u32 v3, v4  }
0x2d3: {  	v4 =	vperm.xlane v3, v0;
	_ =	sdelay $0x1  }
0x2d4: {  	v4 =	vadd.s32 v1, v4;
	_ =	sdelay $0x4  }
0x2d5: {  	[tilespmem:s1], [sflag:$0x2] =	stream.indirect_vreg.gather [hbm4b:s2+s6], $0x80, v4, vm0, $0xb8;
	[tilespmem:$0x1F000] =	vst v63  }
0x2d6: {  	s25 =	simm.s32 $0xD800;
	v3 =	vperm.xlane v3, v2  }
0x2d7: {  	[tilespmem:s25], [sflag:$0x2] =	stream.indirect_vreg.gather [hbm4b:s7+s6], $0x80, v4, vm0, $0xb8;
	[tilespmem:$0x1F000] =	vst v63  }
0x2d8: {  	s28 =	simm.s32 $0xE000;
	v3 =	vadd.s32 v1, v3  }
0x2d9: {  	[tilespmem:s28], [sflag:$0x2] =	stream.indirect_vreg.gather [hbm4b:s8+s6], $0x80, v4, vm0, $0xb8;
	[tilespmem:$0x1F000] =	vst v63  }
0x2da: {  	s31 =	simm.s32 $0xE800  }
0x2db: {  	[tilespmem:s31], [sflag:$0x2] =	stream.indirect_vreg.gather [hbm4b:s9+s6], $0x80, v4, vm0, $0xb8;
	[tilespmem:$0x1F000] =	vst v63  }
0x2dc: {  	_ = 	snop  }
0x2dd: {  	[tilespmem:s18], [sflag:$0x2] =	stream.indirect_vreg.gather [hbm4b:s2+s6], $0x80, v3, vm0, $0xb8;
	[tilespmem:$0x1F000] =	vst v63  }
0x2de: {  	s14 =	simm.s32 $0xF800  }
0x2df: {  	[tilespmem:s14], [sflag:$0x2] =	stream.indirect_vreg.gather [hbm4b:s7+s6], $0x80, v3, vm0, $0xb8;
	[tilespmem:$0x1F000] =	vst v63  }
0x2e0: {  	s17 =	simm.s32 $0x10000  }
0x2e1: {  	[tilespmem:s17], [sflag:$0x2] =	stream.indirect_vreg.gather [hbm4b:s8+s6], $0x80, v3, vm0, $0xb8;
	[tilespmem:$0x1F000] =	vst v63  }
0x2e2: {  	s22 =	simm.s32 $0x10800  }
0x2e3: {  	[tilespmem:s22], [sflag:$0x2] =	stream.indirect_vreg.gather [hbm4b:s9+s6], $0x80, v3, vm0, $0xb8;
	[tilespmem:$0x1F000] =	vst v63  }
0x2e4: {  	s23 =	rddreg [dreg:$0x6];
	s14 =	simm.s32 $0x1B000  }
0x2e5: {  	[tilespmem:s14], [sflag:$0x5] =	stream.linear.gather [hbm4b:s23+s6], $0x2000, $0x38;
	[tilespmem:$0x1F000] =	vst v63  }
0x2e6: {  	_ =	swait.ge [sflag:s24], $0x8000  }
0x2e7: {  	[sflag:s24] =	ssyncset.done $0x0  }
0x2e8: {  	[sflag:s24] =	ssyncadd.s32 $0xFFFF8000  }
0x2e9: {  	_ =	swait.ge [sflag:s26], $0x2000  }
0x2ea: {  	s25 =	sand.u32 $0x70, s6;
	s28 =	sand.u32 $0x1C00, s6;
	[sflag:s26] =	ssyncset.done $0x0  }
0x2eb: {  	s0 =	sor.u32 s25, s28;
	[sflag:s26] =	ssyncadd.s32 $0xFFFFE000  }
0x2ec: {  	v3 =	vld [tilespmem:s0+$0x19000]  }
0x2ed: {  	v4 =	vld [tilespmem:s0+$0x1000]  }
0x2ee: {  	v5 =	vld [tilespmem:s0+$0x3000]  }
0x2ef: {  	v6 =	vld [tilespmem:s0+$0x5000]  }
0x2f0: {  	v7 =	vld [tilespmem:s0+$0x7000]  }
0x2f1: {  	v8 =	vld [tilespmem:s0+$0x19080]  }
0x2f2: {  	v9 =	vld [tilespmem:s0+$0x1080]  }
0x2f3: {  	v10 =	vld [tilespmem:s0+$0x3080]  }
0x2f4: {  	v11 =	vld [tilespmem:s0+$0x5080]  }
0x2f5: {  	v12 =	vld [tilespmem:s0+$0x7080]  }
0x2f6: {  	s25 =	simm.s32 $0x80;
	s23 =	simm.s32 $0x10;
	v13 =	vld [tilespmem:s0+$0x19100]  }
0x2f7: {  	s17 =	sand.u32 $0x1C00, s25;
	s31 =	sand.u32 $0x70, s23;
	v14 =	vld [tilespmem:s0+$0x1100]  }
0x2f8: {  	s14 =	sor.u32 s31, s17;
	v15 =	vld [tilespmem:s0+$0x3100]  }
0x2f9: {  	v16 =	vld [tilespmem:s14+$0x5000]  }
0x2fa: {  	v17 =	vld [tilespmem:s14+$0x7000]  }
0x2fb: {  	v18 =	vld [tilespmem:s14+$0x19080]  }
0x2fc: {  	v19 =	vld [tilespmem:s14+$0x1080]  }
0x2fd: {  	v20 =	vld [tilespmem:s14+$0x3080]  }
0x2fe: {  	v21 =	vld [tilespmem:s14+$0x5080]  }
0x2ff: {  	v22 =	vld [tilespmem:s14+$0x7080];
	v4 =	vadd.f32 v4, v3  }
0x300: {  	v23 =	vld [tilespmem:s14+$0x19100];
	v5 =	vadd.f32 v5, v3;
	v6 =	vadd.f32 v6, v3  }
0x301: {  	v3 =	vadd.f32 v7, v3;
	v7 =	vadd.f32 v9, v8;
	v9 =	vld [tilespmem:s0+$0x3180];
	[tilespmem:s0+$0x1000] =	vst v4  }
0x302: {  	v4 =	vld [tilespmem:s0+$0x5100];
	[tilespmem:s0+$0x3000] =	vst v5  }
0x303: {  	v5 =	vld [tilespmem:s0+$0x7100];
	[tilespmem:s0+$0x5000] =	vst v6  }
0x304: {  	v11 =	vadd.f32 v11, v8;
	v6 =	vld [tilespmem:s0+$0x19180];
	[tilespmem:s0+$0x7000] =	vst v3  }
0x305: {  	v3 =	vld [tilespmem:s0+$0x1180];
	[tilespmem:s0+$0x1080] =	vst v7;
	v7 =	vadd.f32 v10, v8  }
0x306: {  	v10 =	vld [tilespmem:s0+$0x5180];
	v8 =	vadd.f32 v12, v8;
	[tilespmem:s0+$0x5080] =	vst v11  }
0x307: {  	v11 =	vld [tilespmem:s0+$0x19200];
	v12 =	vadd.f32 v14, v13;
	[tilespmem:s0+$0x3080] =	vst v7  }
0x308: {  	v14 =	vadd.f32 v15, v13;
	v7 =	vld [tilespmem:s0+$0x7180];
	[tilespmem:s0+$0x7080] =	vst v8  }
0x309: {  	v8 =	vld [tilespmem:s0+$0x1200];
	[tilespmem:s0+$0x1100] =	vst v12;
	v4 =	vadd.f32 v4, v13  }
0x30a: {  	v12 =	vld [tilespmem:s0+$0x3200];
	[tilespmem:s0+$0x3100] =	vst v14;
	v5 =	vadd.f32 v5, v13  }
0x30b: {  	v14 =	vld [tilespmem:s0+$0x5200];
	v10 =	vadd.f32 v10, v6;
	[tilespmem:s0+$0x5100] =	vst v4  }
0x30c: {  	v3 =	vadd.f32 v3, v6;
	v13 =	vld [tilespmem:s14+$0x1000];
	[tilespmem:s0+$0x7100] =	vst v5  }
0x30d: {  	v9 =	vadd.f32 v9, v6;
	[tilespmem:s0+$0x5180] =	vst v10;
	v10 =	vld [tilespmem:s14+$0x19000]  }
0x30e: {  	v15 =	vld [tilespmem:s14+$0x3000];
	[tilespmem:s0+$0x1180] =	vst v3;
	v6 =	vadd.f32 v7, v6  }
0x30f: {  	v4 =	vld [tilespmem:s0+$0x7200];
	[tilespmem:s0+$0x3180] =	vst v9;
	v8 =	vadd.f32 v8, v11  }
0x310: {  	v5 =	vld [tilespmem:s0+$0x19280];
	v12 =	vadd.f32 v12, v11;
	[tilespmem:s0+$0x7180] =	vst v6  }
0x311: {  	v3 =	vld [tilespmem:s0+$0x1280];
	v14 =	vadd.f32 v14, v11;
	[tilespmem:s0+$0x1200] =	vst v8  }
0x312: {  	v7 =	vld [tilespmem:s0+$0x5280];
	[tilespmem:s0+$0x3200] =	vst v12;
	v13 =	vadd.f32 v13, v10  }
0x313: {  	v9 =	vld [tilespmem:s0+$0x3280];
	[tilespmem:s0+$0x5200] =	vst v14;
	v15 =	vadd.f32 v15, v10  }
0x314: {  	v6 =	vld [tilespmem:s0+$0x7280];
	v4 =	vadd.f32 v4, v11;
	[tilespmem:s14+$0x1000] =	vst v13  }
0x315: {  	v24 =	vld [tilespmem:s14+$0x1100];
	v16 =	vadd.f32 v16, v10;
	v10 =	vadd.f32 v17, v10;
	[tilespmem:s14+$0x3000] =	vst v15  }
0x316: {  	v3 =	vadd.f32 v3, v5;
	v13 =	vld [tilespmem:s0+$0x19300];
	[tilespmem:s0+$0x7200] =	vst v4  }
0x317: {  	v7 =	vadd.f32 v7, v5;
	v15 =	vld [tilespmem:s0+$0x1300];
	[tilespmem:s14+$0x7000] =	vst v10  }
0x318: {  	v14 =	vld [tilespmem:s0+$0x3300];
	[tilespmem:s0+$0x1280] =	vst v3;
	v3 =	vadd.f32 v9, v5  }
0x319: {  	v8 =	vld [tilespmem:s14+$0x3100];
	v5 =	vadd.f32 v6, v5;
	[tilespmem:s0+$0x5280] =	vst v7  }
0x31a: {  	v4 =	vld [tilespmem:s0+$0x5300];
	[tilespmem:s0+$0x3280] =	vst v3;
	v3 =	vadd.f32 v21, v18  }
0x31b: {  	v9 =	vld [tilespmem:s0+$0x7300];
	v7 =	vadd.f32 v22, v18;
	[tilespmem:s0+$0x7280] =	vst v5  }
0x31c: {  	v59 =	vld [tilespmem:s14+$0x19180];
	[tilespmem:s14+$0x5080] =	vst v3;
	v3 =	vadd.f32 v15, v13  }
0x31d: {  	v12 =	vld [tilespmem:s14+$0x5100];
	[tilespmem:s14+$0x7080] =	vst v7;
	v7 =	vadd.f32 v14, v13  }
0x31e: {  	v62 =	vld [tilespmem:s14+$0x3180];
	[tilespmem:s0+$0x1300] =	vst v3;
	v3 =	vadd.f32 v8, v23  }
0x31f: {  	v10 =	vld [tilespmem:s14+$0x1180];
	v4 =	vadd.f32 v4, v13;
	[tilespmem:s0+$0x3300] =	vst v7  }
0x320: {  	v63 =	vld [tilespmem:s14+$0x5180];
	[tilespmem:s14+$0x3100] =	vst v3;
	v3 =	vadd.f32 v9, v13  }
0x321: {  	s6 =	sor.u32 s6, s6;
	v11 =	vld [tilespmem:s14+$0x7100];
	[tilespmem:s0+$0x5300] =	vst v4  }
0x322: {  	s6 =	sor.u32 $0x380, s6;
	v6 =	vld [tilespmem:s14+$0x7180];
	v7 =	vadd.f32 v12, v23;
	[tilespmem:s0+$0x7300] =	vst v3  }
0x323: {  	v5 =	vadd.f32 v24, v23;
	v3 =	vld [tilespmem:s6+$0x19000]  }
0x324: {  	v60 =	vadd.f32 v19, v18;
	[tilespmem:s14+$0x5100] =	vst v7;
	v7 =	vadd.f32 v10, v59;
	v10 =	vld [tilespmem:s6+$0x1000]  }
0x325: {  	v61 =	vadd.f32 v20, v18;
	[tilespmem:s14+$0x1100] =	vst v5;
	v5 =	vld [tilespmem:s14+$0x3200]  }
0x326: {  	[tilespmem:s14+$0x1080] =	vst v60;
	v15 =	vld [tilespmem:s14+$0x19200]  }
0x327: {  	[tilespmem:s14+$0x3080] =	vst v61;
	v14 =	vld [tilespmem:s14+$0x1200];
	v6 =	vadd.f32 v6, v59  }
0x328: {  	[tilespmem:s14+$0x5000] =	vst v16;
	v8 =	vld [tilespmem:s14+$0x5200];
	v4 =	vadd.f32 v11, v23  }
0x329: {  	v12 =	vld [tilespmem:s14+$0x1280];
	[tilespmem:s14+$0x7180] =	vst v6;
	v10 =	vadd.f32 v10, v3  }
0x32a: {  	v11 =	vadd.f32 v62, v59;
	v6 =	vld [tilespmem:s14+$0x7280];
	[tilespmem:s14+$0x7100] =	vst v4  }
0x32b: {  	v9 =	vld [tilespmem:s14+$0x7200];
	[tilespmem:s6+$0x1000] =	vst v10  }
0x32c: {  	[tilespmem:s14+$0x3180] =	vst v11;
	v13 =	vadd.f32 v14, v15;
	v10 =	vld [tilespmem:s0+$0x7380]  }
0x32d: {  	v4 =	vld [tilespmem:s14+$0x19280];
	[tilespmem:s14+$0x1180] =	vst v7;
	v7 =	vadd.f32 v63, v59  }
0x32e: {  	v11 =	vld [tilespmem:s14+$0x3280];
	v14 =	vadd.f32 v5, v15;
	[tilespmem:s14+$0x1200] =	vst v13  }
0x32f: {  	v13 =	vadd.f32 v8, v15;
	[tilespmem:s14+$0x5180] =	vst v7;
	v7 =	vld [tilespmem:s14+$0x5280]  }
0x330: {  	v5 =	vld [tilespmem:s14+$0x19300];
	[tilespmem:s14+$0x3200] =	vst v14;
	v14 =	vadd.f32 v9, v15  }
0x331: {  	v8 =	vld [tilespmem:s14+$0x1300];
	[tilespmem:s14+$0x5200] =	vst v13;
	v10 =	vadd.f32 v10, v3  }
0x332: {  	v9 =	vld [tilespmem:s14+$0x3300];
	v12 =	vadd.f32 v12, v4;
	[tilespmem:s14+$0x7200] =	vst v14  }
0x333: {  	s17 =	simm.s32 $0x20;
	v11 =	vadd.f32 v11, v4;
	s6 =	simm.s32 $0x80;
	[tilespmem:s0+$0x7380] =	vst v10;
	v10 =	vld [tilespmem:s14+$0x5300]  }
.LBB2_10:
0x334: {  	p0 =	sne.s32 s17, $0x3F0;
	[tilespmem:s14+$0x1280] =	vst v12;
	v7 =	vadd.f32 v7, v4;
	v12 =	vld [tilespmem:s14+$0x7300];
	s25 =	sadd.s32 $0x80, s25  }
0x335: {  	s22 =	sand.u32 $0x70, s17;
	v4 =	vadd.f32 v6, v4;
	s28 =	sand.u32 $0x1C00, s25;
	[tilespmem:s14+$0x3280] =	vst v11;
	v6 =	vld [tilespmem:s0+$0x3380]  }
0x336: {  	s22 =	sor.u32 s22, s28;
	[tilespmem:s14+$0x5280] =	vst v7;
	v7 =	vadd.f32 v8, v5;
	v8 =	vld [tilespmem:s0+$0x5380]  }
0x337: {  	v11 =	vld [tilespmem:s22+$0x19000];
	[tilespmem:s14+$0x7280] =	vst v4;
	v4 =	vadd.f32 v9, v5  }
0x338: {  	v9 =	vld [tilespmem:s22+$0x1000];
	[tilespmem:s14+$0x1300] =	vst v7;
	v7 =	vadd.f32 v10, v5  }
0x339: {  	v10 =	vld [tilespmem:s22+$0x3000];
	[tilespmem:s14+$0x3300] =	vst v4;
	v4 =	vadd.f32 v12, v5  }
0x33a: {  	s28 =	sor.u32 s6, s23;
	s6 =	smov.u32 s25;
	s23 =	smov.u32 s17;
	v5 =	vld [tilespmem:s22+$0x5000];
	[tilespmem:s14+$0x5300] =	vst v7;
	v6 =	vadd.f32 v6, v3  }
0x33b: {  	s28 =	sor.u32 $0x380, s28;
	v7 =	vld [tilespmem:s22+$0x7000];
	[tilespmem:s14+$0x7300] =	vst v4;
	v4 =	vadd.f32 v8, v3  }
0x33c: {  	v3 =	vld [tilespmem:s28+$0x19000];
	[tilespmem:s0+$0x3380] =	vst v6  }
0x33d: {  	v6 =	vld [tilespmem:s28+$0x1000];
	[tilespmem:s0+$0x5380] =	vst v4;
	s0 =	smov.u32 s14;
	s14 =	smov.u32 s22  }
0x33e: {  	v4 =	vld [tilespmem:s14+$0x19080]  }
0x33f: {  	v8 =	vld [tilespmem:s14+$0x1080]  }
0x340: {  	v12 =	vld [tilespmem:s14+$0x3080]  }
0x341: {  	v13 =	vld [tilespmem:s14+$0x5080]  }
0x342: {  	v14 =	vld [tilespmem:s14+$0x7080];
	v6 =	vadd.f32 v6, v3  }
0x343: {  	v15 =	vld [tilespmem:s14+$0x19100]  }
0x344: {  	v16 =	vld [tilespmem:s14+$0x1100];
	[tilespmem:s28+$0x1000] =	vst v6  }
0x345: {  	v6 =	vadd.f32 v9, v11;
	v9 =	vld [tilespmem:s0+$0x7380]  }
0x346: {  	v10 =	vadd.f32 v10, v11;
	v17 =	vld [tilespmem:s14+$0x3100]  }
0x347: {  	v5 =	vadd.f32 v5, v11;
	[tilespmem:s14+$0x1000] =	vst v6;
	v6 =	vld [tilespmem:s14+$0x5100]  }
0x348: {  	v7 =	vadd.f32 v7, v11;
	[tilespmem:s14+$0x3000] =	vst v10;
	v10 =	vld [tilespmem:s14+$0x7100]  }
0x349: {  	[tilespmem:s14+$0x5000] =	vst v5;
	v5 =	vadd.f32 v8, v4;
	v8 =	vld [tilespmem:s14+$0x19180]  }
0x34a: {  	[tilespmem:s14+$0x7000] =	vst v7;
	v7 =	vld [tilespmem:s14+$0x1180];
	v9 =	vadd.f32 v9, v3  }
0x34b: {  	[tilespmem:s14+$0x1080] =	vst v5;
	v5 =	vadd.f32 v12, v4;
	v11 =	vld [tilespmem:s14+$0x3180]  }
0x34c: {  	v12 =	vadd.f32 v13, v4;
	v13 =	vld [tilespmem:s14+$0x5180];
	[tilespmem:s0+$0x7380] =	vst v9  }
0x34d: {  	v4 =	vadd.f32 v14, v4;
	[tilespmem:s14+$0x3080] =	vst v5;
	v5 =	vld [tilespmem:s14+$0x7180]  }
0x34e: {  	v9 =	vadd.f32 v16, v15;
	[tilespmem:s14+$0x5080] =	vst v12;
	v12 =	vld [tilespmem:s14+$0x19200]  }
0x34f: {  	[tilespmem:s14+$0x7080] =	vst v4;
	v4 =	vadd.f32 v17, v15;
	v14 =	vld [tilespmem:s14+$0x1200]  }
0x350: {  	v6 =	vadd.f32 v6, v15;
	[tilespmem:s14+$0x1100] =	vst v9;
	v9 =	vld [tilespmem:s14+$0x3200]  }
0x351: {  	[tilespmem:s14+$0x3100] =	vst v4;
	v4 =	vadd.f32 v10, v15;
	v10 =	vld [tilespmem:s14+$0x5200]  }
0x352: {  	[tilespmem:s14+$0x5100] =	vst v6;
	v6 =	vadd.f32 v7, v8;
	v15 =	vld [tilespmem:s14+$0x7200]  }
0x353: {  	v7 =	vadd.f32 v11, v8;
	[tilespmem:s14+$0x7100] =	vst v4;
	v4 =	vld [tilespmem:s14+$0x19280]  }
0x354: {  	[tilespmem:s14+$0x1180] =	vst v6;
	v6 =	vadd.f32 v13, v8;
	v11 =	vld [tilespmem:s14+$0x1280]  }
0x355: {  	v5 =	vadd.f32 v5, v8;
	[tilespmem:s14+$0x3180] =	vst v7;
	v13 =	vld [tilespmem:s14+$0x3280]  }
0x356: {  	v8 =	vadd.f32 v14, v12;
	[tilespmem:s14+$0x5180] =	vst v6;
	v7 =	vld [tilespmem:s14+$0x5280]  }
.Ltmp4:
0x357: {  	v9 =	vadd.f32 v9, v12;
	[tilespmem:s14+$0x7180] =	vst v5;
	v6 =	vld [tilespmem:s14+$0x7280];
	(pc) =	sbr.rel @p0 .LBB2_10-.Ltmp4, $4  }
0x358: {  	v10 =	vadd.f32 v10, v12;
	[tilespmem:s14+$0x1200] =	vst v8;
	v5 =	vld [tilespmem:s14+$0x19300]  }
0x359: {  	v14 =	vadd.f32 v15, v12;
	[tilespmem:s14+$0x3200] =	vst v9;
	v8 =	vld [tilespmem:s14+$0x1300]  }
0x35a: {  	v12 =	vadd.f32 v11, v4;
	[tilespmem:s14+$0x5200] =	vst v10;
	v9 =	vld [tilespmem:s14+$0x3300]  }
0x35b: {  	s17 =	sadd.s32 $0x10, s17;
	v11 =	vadd.f32 v13, v4;
	[tilespmem:s14+$0x7200] =	vst v14;
	v10 =	vld [tilespmem:s14+$0x5300]  }
0x35c: {  	[tilespmem:s14+$0x1280] =	vst v12;
	v7 =	vadd.f32 v7, v4;
	v62 =	vld [tilespmem:s14+$0x7300]  }
0x35d: {  	v4 =	vadd.f32 v6, v4;
	[tilespmem:s14+$0x3280] =	vst v11  }
0x35e: {  	[tilespmem:s14+$0x5280] =	vst v7;
	v6 =	vadd.f32 v8, v5  }
0x35f: {  	[tilespmem:s14+$0x7280] =	vst v4;
	v4 =	vadd.f32 v9, v5  }
0x360: {  	[tilespmem:s14+$0x1300] =	vst v6;
	v6 =	vadd.f32 v10, v5  }
0x361: {  	[tilespmem:s14+$0x3300] =	vst v4;
	v4 =	vadd.f32 v62, v5  }
0x362: {  	s6 =	sor.u32 s6, s23;
	[tilespmem:s14+$0x5300] =	vst v6  }
0x363: {  	s6 =	sor.u32 $0x380, s6;
	[tilespmem:s14+$0x7300] =	vst v4  }
0x364: {  	v4 =	vld [tilespmem:s6+$0x19000]  }
0x365: {  	v5 =	vld [tilespmem:s6+$0x1000];
	_ =	sdelay $0x4  }
0x366: {  	v5 =	vadd.f32 v5, v4;
	_ =	sdelay $0x1  }
0x367: {  	[tilespmem:s6+$0x1000] =	vst v5  }
0x368: {  	v5 =	vld [tilespmem:s14+$0x7380];
	_ =	sdelay $0x2  }
0x369: {  	v7 =	vld [tilespmem:s0+$0x5380]  }
0x36a: {  	v6 =	vld [tilespmem:s0+$0x3380]  }
0x36b: {  	v5 =	vadd.f32 v5, v4  }
0x36c: {  	v8 =	vld [tilespmem:s14+$0x5380]  }
0x36d: {  	[tilespmem:s14+$0x7380] =	vst v5;
	v5 =	vld [tilespmem:s14+$0x3380];
	_ =	sdelay $0x1  }
0x36e: {  	v6 =	vadd.f32 v6, v3;
	v3 =	vadd.f32 v7, v3;
	_ =	sdelay $0x1  }
0x36f: {  	[tilespmem:s0+$0x5380] =	vst v3;
	v3 =	vadd.f32 v8, v4  }
0x370: {  	[tilespmem:s0+$0x3380] =	vst v6;
	v5 =	vadd.f32 v5, v4  }
0x371: {  	[tilespmem:s14+$0x5380] =	vst v3  }
0x372: {  	[tilespmem:s14+$0x3380] =	vst v5  }
0x373: {  	s0 =	simm.s32 $0x0;
	s6 =	rddreg [dreg:$0x9]  }
0x374: {  	[hbm4b:s6+s0] =	stream.linear.scatter [tilespmem:s30], [sflag:$0x7], $0x2000, $0x38;
	[tilespmem:$0x1F000] =	vst v63  }
0x375: {  	s23 =	simm.s32 $0x3000;
	s25 =	rddreg [dreg:$0x7]  }
0x376: {  	[hbm4b:s25+s0] =	stream.linear.scatter [tilespmem:s23], [sflag:$0x7], $0x2000, $0x38;
	[tilespmem:$0x1F000] =	vst v63  }
0x377: {  	s31 =	simm.s32 $0x5000;
	s28 =	rddreg [dreg:$0x8]  }
0x378: {  	[hbm4b:s28+s0] =	stream.linear.scatter [tilespmem:s31], [sflag:$0x7], $0x2000, $0x38;
	[tilespmem:$0x1F000] =	vst v63  }
0x379: {  	s22 =	simm.s32 $0x7000;
	s17 =	rddreg [dreg:$0xa];
	s25 =	simm.s32 $0x9  }
0x37a: {  	[hbm4b:s17+s0] =	stream.linear.scatter [tilespmem:s22], [sflag:$0x7], $0x2000, $0x38;
	[tilespmem:$0x1F000] =	vst v63  }
0x37b: {  	_ =	swait.ge [sflag:s25], $0x2000  }
0x37c: {  	[sflag:s25] =	ssyncset.done $0x0  }
0x37d: {  	[sflag:s25] =	ssyncadd.s32 $0xFFFFE000  }
0x37e: {  	_ =	swait.ge [sflag:s25], $0x2000  }
0x37f: {  	[sflag:s25] =	ssyncset.done $0x0  }
0x380: {  	[sflag:s25] =	ssyncadd.s32 $0xFFFFE000  }
0x381: {  	_ =	swait.ge [sflag:s25], $0x2000  }
0x382: {  	[sflag:s25] =	ssyncset.done $0x0  }
0x383: {  	[sflag:s25] =	ssyncadd.s32 $0xFFFFE000  }
0x384: {  	_ =	swait.ge [sflag:s25], $0x2000  }
0x385: {  	[sflag:s25] =	ssyncset.done $0x0  }
0x386: {  	[sflag:s25] =	ssyncadd.s32 $0xFFFFE000  }
0x387: {  	_ =	swait.ge [sflag:s15], $0x8000  }
0x388: {  	[sflag:s15] =	ssyncset.done $0x0  }
0x389: {  	[sflag:s15] =	ssyncadd.s32 $0xFFFF8000  }
0x38a: {  	_ =	swait.ge [sflag:s16], $0x2000  }
0x38b: {  	s28 =	sand.u32 $0x70, s0;
	s0 =	sand.u32 $0x1C00, s0;
	[sflag:s16] =	ssyncset.done $0x0  }
0x38c: {  	s0 =	sor.u32 s28, s0;
	[sflag:s16] =	ssyncadd.s32 $0xFFFFE000  }
0x38d: {  	v3 =	vld [tilespmem:s0+$0x1B380]  }
0x38e: {  	v4 =	vld [tilespmem:s0+$0xF380]  }
0x38f: {  	v5 =	vld [tilespmem:s0+$0x1B000]  }
0x390: {  	v6 =	vld [tilespmem:s0+$0x9000]  }
0x391: {  	v7 =	vld [tilespmem:s0+$0xB000]  }
0x392: {  	v8 =	vld [tilespmem:s0+$0xD000]  }
0x393: {  	v9 =	vld [tilespmem:s0+$0xF000]  }
0x394: {  	v10 =	vld [tilespmem:s0+$0x1B080];
	v4 =	vadd.f32 v4, v3  }
0x395: {  	v11 =	vld [tilespmem:s0+$0x9080];
	v6 =	vadd.f32 v6, v5  }
0x396: {  	v7 =	vadd.f32 v7, v5;
	[tilespmem:s0+$0xF380] =	vst v4;
	v4 =	vld [tilespmem:s0+$0xB080]  }
0x397: {  	v8 =	vadd.f32 v8, v5;
	[tilespmem:s0+$0x9000] =	vst v6;
	v6 =	vld [tilespmem:s0+$0xD080]  }
0x398: {  	v5 =	vadd.f32 v9, v5;
	[tilespmem:s0+$0xB000] =	vst v7;
	v7 =	vld [tilespmem:s0+$0xF080]  }
0x399: {  	v9 =	vld [tilespmem:s0+$0x9100];
	[tilespmem:s0+$0xD000] =	vst v8  }
0x39a: {  	v8 =	vld [tilespmem:s0+$0x1B100];
	[tilespmem:s0+$0xF000] =	vst v5;
	v5 =	vadd.f32 v11, v10  }
0x39b: {  	v11 =	vld [tilespmem:s0+$0xB100];
	v4 =	vadd.f32 v4, v10  }
0x39c: {  	[tilespmem:s0+$0x9080] =	vst v5;
	v5 =	vld [tilespmem:s0+$0xD100];
	v6 =	vadd.f32 v6, v10  }
0x39d: {  	v7 =	vadd.f32 v7, v10;
	[tilespmem:s0+$0xB080] =	vst v4;
	v4 =	vld [tilespmem:s0+$0xF100]  }
0x39e: {  	[tilespmem:s0+$0xD080] =	vst v6;
	v6 =	vld [tilespmem:s0+$0x1B180]  }
0x39f: {  	[tilespmem:s0+$0xF080] =	vst v7;
	v7 =	vadd.f32 v9, v8;
	v9 =	vld [tilespmem:s0+$0x9180]  }
0x3a0: {  	v10 =	vld [tilespmem:s0+$0xB180];
	v11 =	vadd.f32 v11, v8  }
0x3a1: {  	v5 =	vadd.f32 v5, v8;
	[tilespmem:s0+$0x9100] =	vst v7;
	v7 =	vld [tilespmem:s0+$0xD180]  }
0x3a2: {  	[tilespmem:s0+$0xB100] =	vst v11;
	v11 =	vld [tilespmem:s0+$0xF180];
	v4 =	vadd.f32 v4, v8  }
0x3a3: {  	[tilespmem:s0+$0xD100] =	vst v5;
	v5 =	vld [tilespmem:s0+$0x1B200]  }
0x3a4: {  	v8 =	vld [tilespmem:s0+$0x9200];
	[tilespmem:s0+$0xF100] =	vst v4;
	v4 =	vadd.f32 v9, v6  }
0x3a5: {  	v10 =	vadd.f32 v10, v6;
	v9 =	vld [tilespmem:s0+$0xB200]  }
0x3a6: {  	v7 =	vadd.f32 v7, v6;
	[tilespmem:s0+$0x9180] =	vst v4;
	v4 =	vld [tilespmem:s0+$0xD200]  }
0x3a7: {  	[tilespmem:s0+$0xB180] =	vst v10;
	v10 =	vld [tilespmem:s0+$0xF200];
	v6 =	vadd.f32 v11, v6  }
0x3a8: {  	[tilespmem:s0+$0xD180] =	vst v7;
	v7 =	vld [tilespmem:s0+$0x1B280]  }
0x3a9: {  	[tilespmem:s0+$0xF180] =	vst v6;
	v6 =	vadd.f32 v8, v5;
	v8 =	vld [tilespmem:s0+$0x9280]  }
0x3aa: {  	v11 =	vld [tilespmem:s0+$0xB280];
	v9 =	vadd.f32 v9, v5  }
0x3ab: {  	[tilespmem:s0+$0x9200] =	vst v6;
	v6 =	vld [tilespmem:s0+$0xD280];
	v4 =	vadd.f32 v4, v5  }
0x3ac: {  	[tilespmem:s0+$0xB200] =	vst v9;
	v9 =	vld [tilespmem:s0+$0xF280];
	v5 =	vadd.f32 v10, v5  }
0x3ad: {  	v10 =	vld [tilespmem:s0+$0x9300];
	[tilespmem:s0+$0xD200] =	vst v4  }
0x3ae: {  	v4 =	vld [tilespmem:s0+$0x1B300];
	[tilespmem:s0+$0xF200] =	vst v5;
	v5 =	vadd.f32 v8, v7  }
0x3af: {  	v63 =	vld [tilespmem:s0+$0xB300]  }
0x3b0: {  	v8 =	vld [tilespmem:s0+$0xD300];
	[tilespmem:s0+$0x9280] =	vst v5;
	v5 =	vadd.f32 v6, v7  }
0x3b1: {  	v11 =	vadd.f32 v11, v7;
	v6 =	vld [tilespmem:s0+$0xF300];
	v7 =	vadd.f32 v9, v7  }
0x3b2: {  	s6 =	simm.s32 $0x80;
	s31 =	simm.s32 $0x10;
	[tilespmem:s0+$0xD280] =	vst v5;
	v5 =	vld [tilespmem:s0+$0x9380]  }
0x3b3: {  	s14 =	sand.u32 $0x70, s31;
	s17 =	sand.u32 $0x1C00, s6;
	[tilespmem:s0+$0xF280] =	vst v7;
	v7 =	vld [tilespmem:s0+$0xB380];
	v10 =	vadd.f32 v10, v4  }
0x3b4: {  	s17 =	sor.u32 s14, s17;
	s14 =	simm.s32 $0x20;
	[tilespmem:s0+$0xB280] =	vst v11;
	v9 =	vld [tilespmem:s0+$0xD380];
	v11 =	vadd.f32 v63, v4  }
.LBB2_12:
0x3b5: {  	p0 =	sne.s32 s14, $0x3F0;
	v12 =	vld [tilespmem:s17+$0x1B380];
	[tilespmem:s0+$0x9300] =	vst v10;
	v8 =	vadd.f32 v8, v4  }
0x3b6: {  	v10 =	vld [tilespmem:s17+$0xF380];
	[tilespmem:s0+$0xB300] =	vst v11;
	v4 =	vadd.f32 v6, v4  }
0x3b7: {  	v6 =	vld [tilespmem:s17+$0x1B000];
	[tilespmem:s0+$0xD300] =	vst v8;
	v5 =	vadd.f32 v5, v3  }
0x3b8: {  	v8 =	vld [tilespmem:s17+$0x9000];
	[tilespmem:s0+$0xF300] =	vst v4;
	v4 =	vadd.f32 v7, v3  }
0x3b9: {  	v7 =	vld [tilespmem:s17+$0xB000];
	[tilespmem:s0+$0x9380] =	vst v5;
	v5 =	vadd.f32 v9, v3  }
0x3ba: {  	v9 =	vld [tilespmem:s17+$0xD000];
	[tilespmem:s0+$0xB380] =	vst v4;
	v3 =	vmov v12  }
0x3bb: {  	v4 =	vld [tilespmem:s17+$0xF000];
	v10 =	vadd.f32 v10, v3;
	[tilespmem:s0+$0xD380] =	vst v5;
	s0 =	smov.u32 s17  }
0x3bc: {  	v5 =	vld [tilespmem:s0+$0x1B080]  }
0x3bd: {  	v8 =	vadd.f32 v8, v6;
	v11 =	vld [tilespmem:s0+$0x9080];
	[tilespmem:s0+$0xF380] =	vst v10  }
0x3be: {  	v7 =	vadd.f32 v7, v6;
	v10 =	vld [tilespmem:s0+$0xB080]  }
0x3bf: {  	[tilespmem:s0+$0x9000] =	vst v8;
	v8 =	vadd.f32 v9, v6;
	v9 =	vld [tilespmem:s0+$0xD080]  }
0x3c0: {  	[tilespmem:s0+$0xB000] =	vst v7;
	v4 =	vadd.f32 v4, v6;
	v6 =	vld [tilespmem:s0+$0xF080]  }
0x3c1: {  	[tilespmem:s0+$0xD000] =	vst v8;
	v7 =	vld [tilespmem:s0+$0x1B100]  }
0x3c2: {  	[tilespmem:s0+$0xF000] =	vst v4;
	v4 =	vadd.f32 v11, v5;
	v8 =	vld [tilespmem:s0+$0x9100]  }
0x3c3: {  	v10 =	vadd.f32 v10, v5;
	v11 =	vld [tilespmem:s0+$0xB100]  }
0x3c4: {  	[tilespmem:s0+$0x9080] =	vst v4;
	v4 =	vadd.f32 v9, v5;
	v9 =	vld [tilespmem:s0+$0xD100]  }
0x3c5: {  	[tilespmem:s0+$0xB080] =	vst v10;
	v5 =	vadd.f32 v6, v5;
	v6 =	vld [tilespmem:s0+$0xF100]  }
0x3c6: {  	[tilespmem:s0+$0xD080] =	vst v4;
	v4 =	vld [tilespmem:s0+$0x1B180]  }
0x3c7: {  	[tilespmem:s0+$0xF080] =	vst v5;
	v5 =	vadd.f32 v8, v7;
	v8 =	vld [tilespmem:s0+$0x9180]  }
0x3c8: {  	v10 =	vadd.f32 v11, v7;
	v11 =	vld [tilespmem:s0+$0xB180]  }
0x3c9: {  	[tilespmem:s0+$0x9100] =	vst v5;
	v5 =	vadd.f32 v9, v7;
	v9 =	vld [tilespmem:s0+$0xD180]  }
0x3ca: {  	[tilespmem:s0+$0xB100] =	vst v10;
	v6 =	vadd.f32 v6, v7;
	v7 =	vld [tilespmem:s0+$0xF180]  }
0x3cb: {  	[tilespmem:s0+$0xD100] =	vst v5;
	v5 =	vld [tilespmem:s0+$0x1B200]  }
0x3cc: {  	[tilespmem:s0+$0xF100] =	vst v6;
	v6 =	vadd.f32 v8, v4;
	v8 =	vld [tilespmem:s0+$0x9200]  }
0x3cd: {  	v10 =	vadd.f32 v11, v4;
	v11 =	vld [tilespmem:s0+$0xB200]  }
0x3ce: {  	[tilespmem:s0+$0x9180] =	vst v6;
	v6 =	vadd.f32 v9, v4;
	v9 =	vld [tilespmem:s0+$0xD200]  }
0x3cf: {  	[tilespmem:s0+$0xB180] =	vst v10;
	v4 =	vadd.f32 v7, v4;
	v7 =	vld [tilespmem:s0+$0xF200]  }
0x3d0: {  	[tilespmem:s0+$0xD180] =	vst v6;
	v6 =	vld [tilespmem:s0+$0x1B280]  }
0x3d1: {  	[tilespmem:s0+$0xF180] =	vst v4;
	v4 =	vadd.f32 v8, v5;
	v8 =	vld [tilespmem:s0+$0x9280]  }
0x3d2: {  	v10 =	vadd.f32 v11, v5;
	v11 =	vld [tilespmem:s0+$0xB280]  }
0x3d3: {  	[tilespmem:s0+$0x9200] =	vst v4;
	v4 =	vadd.f32 v9, v5;
	v9 =	vld [tilespmem:s0+$0xD280]  }
0x3d4: {  	[tilespmem:s0+$0xB200] =	vst v10;
	v5 =	vadd.f32 v7, v5;
	v7 =	vld [tilespmem:s0+$0xF280]  }
0x3d5: {  	[tilespmem:s0+$0xD200] =	vst v4;
	v4 =	vld [tilespmem:s0+$0x1B300]  }
0x3d6: {  	[tilespmem:s0+$0xF200] =	vst v5;
	v5 =	vadd.f32 v8, v6;
	v10 =	vld [tilespmem:s0+$0x9300]  }
0x3d7: {  	v11 =	vadd.f32 v11, v6;
	v12 =	vld [tilespmem:s0+$0xB300]  }
.Ltmp5:
0x3d8: {  	[tilespmem:s0+$0x9280] =	vst v5;
	v5 =	vadd.f32 v9, v6;
	v8 =	vld [tilespmem:s0+$0xD300];
	(pc) =	sbr.rel @p0 .LBB2_12-.Ltmp5, $4  }
0x3d9: {  	[tilespmem:s0+$0xB280] =	vst v11;
	v7 =	vadd.f32 v7, v6;
	v6 =	vld [tilespmem:s0+$0xF300]  }
0x3da: {  	s6 =	sadd.s32 $0x80, s6;
	[tilespmem:s0+$0xD280] =	vst v5;
	v5 =	vld [tilespmem:s0+$0x9380]  }
0x3db: {  	s22 =	sand.u32 $0x1C00, s6;
	s17 =	sand.u32 $0x70, s14;
	[tilespmem:s0+$0xF280] =	vst v7;
	v10 =	vadd.f32 v10, v4;
	v7 =	vld [tilespmem:s0+$0xB380]  }
0x3dc: {  	s14 =	sadd.s32 $0x10, s14;
	s17 =	sor.u32 s17, s22;
	v11 =	vadd.f32 v12, v4;
	v9 =	vld [tilespmem:s0+$0xD380]  }
0x3dd: {  	v12 =	vld [tilespmem:s17+$0x1B380]  }
0x3de: {  	v13 =	vld [tilespmem:s17+$0xF380]  }
0x3df: {  	v14 =	vld [tilespmem:s17+$0x1B000]  }
0x3e0: {  	v15 =	vld [tilespmem:s17+$0x9000]  }
0x3e1: {  	v16 =	vld [tilespmem:s17+$0xB000]  }
0x3e2: {  	v17 =	vld [tilespmem:s17+$0xD000]  }
0x3e3: {  	v18 =	vld [tilespmem:s17+$0xF000]  }
0x3e4: {  	v19 =	vld [tilespmem:s17+$0x1B080]  }
0x3e5: {  	v20 =	vld [tilespmem:s17+$0x9080];
	[tilespmem:s0+$0x9300] =	vst v10;
	v8 =	vadd.f32 v8, v4  }
0x3e6: {  	v24 =	vld [tilespmem:s17+$0x1B100];
	[tilespmem:s0+$0xB300] =	vst v11;
	v53 =	vadd.f32 v6, v4  }
0x3e7: {  	v26 =	vld [tilespmem:s17+$0x9100];
	[tilespmem:s0+$0xD300] =	vst v8;
	v5 =	vadd.f32 v5, v3  }
0x3e8: {  	v27 =	vld [tilespmem:s17+$0xB100];
	[tilespmem:s0+$0xF300] =	vst v53;
	v7 =	vadd.f32 v7, v3  }
0x3e9: {  	v30 =	vld [tilespmem:s17+$0x1B180];
	[tilespmem:s0+$0x9380] =	vst v5;
	v3 =	vadd.f32 v9, v3  }
0x3ea: {  	v32 =	vld [tilespmem:s17+$0x9180];
	v13 =	vadd.f32 v13, v12;
	[tilespmem:s0+$0xB380] =	vst v7  }
0x3eb: {  	v36 =	vld [tilespmem:s17+$0x1B200];
	v15 =	vadd.f32 v15, v14;
	[tilespmem:s0+$0xD380] =	vst v3  }
0x3ec: {  	v38 =	vld [tilespmem:s17+$0x9200];
	v16 =	vadd.f32 v16, v14;
	[tilespmem:s17+$0xF380] =	vst v13  }
0x3ed: {  	v39 =	vld [tilespmem:s17+$0xB200];
	v17 =	vadd.f32 v17, v14;
	[tilespmem:s17+$0x9000] =	vst v15  }
0x3ee: {  	v42 =	vld [tilespmem:s17+$0x1B280];
	v14 =	vadd.f32 v18, v14;
	[tilespmem:s17+$0xB000] =	vst v16  }
0x3ef: {  	v44 =	vld [tilespmem:s17+$0x9280];
	v25 =	vadd.f32 v20, v19;
	[tilespmem:s17+$0xD000] =	vst v17  }
0x3f0: {  	v45 =	vld [tilespmem:s17+$0xB280];
	v31 =	vadd.f32 v26, v24;
	[tilespmem:s17+$0xF000] =	vst v14  }
0x3f1: {  	v46 =	vld [tilespmem:s17+$0xD280];
	v20 =	vadd.f32 v27, v24;
	[tilespmem:s17+$0x9080] =	vst v25  }
0x3f2: {  	v47 =	vld [tilespmem:s17+$0xF280];
	v37 =	vadd.f32 v32, v30;
	[tilespmem:s17+$0x9100] =	vst v31  }
0x3f3: {  	v48 =	vld [tilespmem:s17+$0x1B300];
	v43 =	vadd.f32 v38, v36;
	[tilespmem:s17+$0xB100] =	vst v20  }
0x3f4: {  	v50 =	vld [tilespmem:s17+$0x9300];
	v18 =	vadd.f32 v39, v36;
	[tilespmem:s17+$0x9180] =	vst v37  }
0x3f5: {  	v54 =	vld [tilespmem:s17+$0xD300];
	v49 =	vadd.f32 v44, v42;
	[tilespmem:s17+$0x9200] =	vst v43  }
0x3f6: {  	v51 =	vld [tilespmem:s17+$0xB300];
	v52 =	vadd.f32 v45, v42;
	[tilespmem:s17+$0xB200] =	vst v18  }
0x3f7: {  	v61 =	vld [tilespmem:s17+$0xB080];
	v55 =	vadd.f32 v46, v42;
	[tilespmem:s17+$0x9280] =	vst v49  }
0x3f8: {  	v62 =	vld [tilespmem:s17+$0xD080];
	v57 =	vadd.f32 v47, v42;
	[tilespmem:s17+$0xB280] =	vst v52  }
0x3f9: {  	v63 =	vld [tilespmem:s17+$0xF080];
	v59 =	vadd.f32 v50, v48;
	[tilespmem:s17+$0xD280] =	vst v55  }
0x3fa: {  	v28 =	vld [tilespmem:s17+$0xD100];
	v6 =	vadd.f32 v54, v48;
	[tilespmem:s17+$0xF280] =	vst v57  }
0x3fb: {  	v33 =	vld [tilespmem:s17+$0xB180];
	v3 =	vadd.f32 v51, v48;
	[tilespmem:s17+$0x9300] =	vst v59  }
0x3fc: {  	v58 =	vld [tilespmem:s17+$0x9380];
	v13 =	vadd.f32 v61, v19;
	[tilespmem:s17+$0xD300] =	vst v6  }
0x3fd: {  	v56 =	vld [tilespmem:s17+$0xF300];
	v15 =	vadd.f32 v62, v19;
	[tilespmem:s17+$0xB300] =	vst v3  }
0x3fe: {  	v29 =	vld [tilespmem:s17+$0xF100];
	v16 =	vadd.f32 v63, v19;
	[tilespmem:s17+$0xB080] =	vst v13  }
0x3ff: {  	v34 =	vld [tilespmem:s17+$0xD180];
	v14 =	vadd.f32 v28, v24;
	[tilespmem:s17+$0xD080] =	vst v15  }
0x400: {  	v35 =	vld [tilespmem:s17+$0xF180];
	v19 =	vadd.f32 v33, v30;
	[tilespmem:s17+$0xF080] =	vst v16  }
0x401: {  	v41 =	vld [tilespmem:s17+$0xF200];
	v62 =	vadd.f32 v58, v12;
	[tilespmem:s17+$0xD100] =	vst v14  }
0x402: {  	v60 =	vld [tilespmem:s17+$0xB380];
	v3 =	vadd.f32 v56, v48;
	[tilespmem:s17+$0xB180] =	vst v19  }
0x403: {  	v40 =	vld [tilespmem:s17+$0xD200];
	v13 =	vadd.f32 v29, v24;
	[tilespmem:s17+$0x9380] =	vst v62  }
0x404: {  	v61 =	vld [tilespmem:s17+$0xD380];
	v16 =	vadd.f32 v34, v30;
	[tilespmem:s17+$0xF300] =	vst v3  }
0x405: {  	v15 =	vadd.f32 v35, v30;
	[tilespmem:s17+$0xF100] =	vst v13  }
0x406: {  	v14 =	vadd.f32 v41, v36;
	[tilespmem:s17+$0xD180] =	vst v16  }
0x407: {  	v3 =	vadd.f32 v60, v12;
	[tilespmem:s17+$0xF180] =	vst v15  }
0x408: {  	v13 =	vadd.f32 v40, v36;
	[tilespmem:s17+$0xF200] =	vst v14  }
0x409: {  	v63 =	vadd.f32 v61, v12;
	[tilespmem:s17+$0xB380] =	vst v3  }
0x40a: {  	[tilespmem:s17+$0xD200] =	vst v13  }
0x40b: {  	[tilespmem:s17+$0xD380] =	vst v63  }
0x40c: {  	s6 =	simm.s32 $0x9000;
	s0 =	rddreg [dreg:$0xc]  }
0x40d: {  	[hbm4b:s0+s4] =	stream.linear.scatter [tilespmem:s6], [sflag:$0x8], $0x2000, $0x38;
	[tilespmem:$0x1F000] =	vst v63  }
0x40e: {  	s17 =	simm.s32 $0xB000;
	s14 =	rddreg [dreg:$0xb]  }
0x40f: {  	[hbm4b:s14+s4] =	stream.linear.scatter [tilespmem:s17], [sflag:$0x8], $0x2000, $0x38;
	[tilespmem:$0x1F000] =	vst v63  }
0x410: {  	s22 =	rddreg [dreg:$0xd]  }
0x411: {  	[hbm4b:s22+s4] =	stream.linear.scatter [tilespmem:s1], [sflag:$0x8], $0x2000, $0x38;
	[tilespmem:$0x1F000] =	vst v63  }
0x412: {  	s25 =	rddreg [dreg:$0xe]  }
0x413: {  	[hbm4b:s25+s4] =	stream.linear.scatter [tilespmem:s18], [sflag:$0x8], $0x2000, $0x38;
	[tilespmem:$0x1F000] =	vst v63  }
0x414: {  	_ =	swait.ge [sflag:s19], $0x2000  }
0x415: {  	[sflag:s19] =	ssyncset.done $0x0  }
0x416: {  	[sflag:s19] =	ssyncadd.s32 $0xFFFFE000  }
0x417: {  	_ =	swait.ge [sflag:s19], $0x2000  }
0x418: {  	[sflag:s19] =	ssyncset.done $0x0  }
0x419: {  	[sflag:s19] =	ssyncadd.s32 $0xFFFFE000  }
0x41a: {  	_ =	swait.ge [sflag:s19], $0x2000  }
0x41b: {  	[sflag:s19] =	ssyncset.done $0x0  }
0x41c: {  	[sflag:s19] =	ssyncadd.s32 $0xFFFFE000  }
0x41d: {  	_ =	swait.ge [sflag:s19], $0x2000  }
0x41e: {  	[sflag:s19] =	ssyncset.done $0x0  }
0x41f: {  	[sflag:s19] =	ssyncadd.s32 $0xFFFFE000  }
0x420: {  	_ =	swait.ge [sflag:s29], $0x2000  }
0x421: {  	[sflag:s29] =	ssyncset.done $0x0  }
0x422: {  	[sflag:s29] =	ssyncadd.s32 $0xFFFFE000  }
0x423: {  	_ =	swait.ge [sflag:s29], $0x2000  }
0x424: {  	[sflag:s29] =	ssyncset.done $0x0  }
0x425: {  	[sflag:s29] =	ssyncadd.s32 $0xFFFFE000  }
0x426: {  	_ =	swait.ge [sflag:s29], $0x2000  }
0x427: {  	[sflag:s29] =	ssyncset.done $0x0  }
0x428: {  	[sflag:s29] =	ssyncadd.s32 $0xFFFFE000  }
0x429: {  	_ =	swait.ge [sflag:s29], $0x2000  }
0x42a: {  	s28 =	rddreg [dreg:$0x10]  }
0x42b: {  	s31 =	rddreg [dreg:$0xf];
	s6 =	sadd.s32 $0x1, s28  }
0x42c: {  	p0 =	sne.s32 s6, s31  }
.Ltmp6:
0x42d: {  	_ = 	snop;
	(pc) =	sbr.rel @p0 .LBB2_1-.Ltmp6, $3  }
0x42e: {  	_ =	sdelay $0x1  }
0x42f: {  	[sflag:s29] =	ssyncset.done $0x0  }
0x430: {  	[sflag:s29] =	ssyncadd.s32 $0xFFFFE000  }
0x431: {  	_ =	sfence.sel $0x180000  }
0x432: {  	[bflag:$0x0] =	sbarrier.arrive $0xFFFF  }
0x433: {  	_ =	strace $0x90000047  }
0x434: {  	s0 =	stileid.u32;
	[bflag:$0x2] =	sbarrier.arrive $0xFFFF  }
0x435: {  	p0 =	sne.s32 s0, $0x0;
	s0 =	rddreg [dreg:$0x4]  }
0x436: {  	s0 =	sadd.s32 @!p0 $0x100000, s0  }
0x437: {  	[sflag:s0] =	ssyncadd.tile.s32 @!p0 $0x1;
	_ =	shalt  }
.Lfunc_end2:
_tile_overlayer_lowered:
.L_overlay_start_2:
0x438: {  	(tag) =	ssettag $0x2  }
0x439: {  	s0 =	rddreg [dreg:$0x0];
	s2 =	stileid.u32  }
0x43a: {  	s1 =	rddreg [dreg:$0x1];
	p0 =	sne.s32 s2, $0x0  }
0x43b: {  	s3 =	rddreg [dreg:$0x2];
	[bflag:$0x3] =	sbarrier.arrive $0xFFFF;
	s2 =	simm.s32 @!p0 $0x1C0A  }
0x43c: {  	[timem:s3], [sflag:s2] =	dma.local @!p0 [hbm:s0], s1  }
0x43d: {  	s0 =	simm.s32 @!p0 $0xA  }
0x43e: {  	_ =	swait.ge @!p0 [sflag:s0], s1  }
0x43f: {  	s1 =	ssub.s32 @!p0 $0x0, s1;
	[sflag:s0] =	ssyncset.done @!p0 $0x0  }
0x440: {  	[sflag:s0] =	ssyncadd.s32 @!p0 s1  }
0x441: {  	[bflag:$0x3] =	sbarrier.arrive $0xFFFF  }
0x442: {  	_ =	shalt  }

</sc_bundles>
